<compile_context>
chip_gen: v7x
topology: tpu7x:2x2x1
jax: 0.10.2.dev20260603
libtpu: 0.0.44.dev20260713+nightly
codegen_flags: <defaults>
</compile_context>

<pallas_src>
import functools

import jax
import jax.numpy as jnp
from jax import lax
from jax.experimental import pallas as pl
from jax.experimental.pallas import tpu as pltpu
from jax.experimental.pallas import tpu_sc as plsc

T, N, E, D, H = 6, 10000, 160000, 128, 128
NP = 10240
BN = 2048
NB = NP // BN
H4 = 4 * H
NROWS = 2 * (T - 1)
NTILES = 32
EC = E // NTILES
COLS = NP // 16


def _sigmoid(x):
    return 0.5 * jnp.tanh(0.5 * x) + 0.5


ACTS = (_sigmoid, _sigmoid, jnp.tanh, _sigmoid)


def _recurrence_body(xr, xs, hn_ref, hr_ref, *rest):
    gw = [rest[10 * g:10 * g + 10] for g in range(4)]
    outw, outb, out_ref = rest[40], rest[41], rest[42]
    hs, cs, hrec, crec, acc, u = rest[43:]

    t = pl.program_id(0)
    rb = pl.program_id(1)
    row0 = rb * BN
    inv_e = 1.0 / E

    @pl.when(rb == 0)
    def _rec_update():
        h_old = jnp.where(t == 0, 0.0, hrec[...])
        c_old = jnp.where(t == 0, 0.0, crec[...])
        m = jnp.where(t == 0, 0.0, acc[...]) * inv_e
        gates = []
        for g in range(4):
            ws, wr, dr, cl, al, bl, bs, br, lbr, lbs = gw[g]
            pre = (xr[0] @ wr[...] + m @ al[...] + h_old @ bl[...]
                   + br[...] + lbs[...])
            gates.append(ACTS[g](pre))
            u[g:g + 1, :] = h_old @ cl[...]
        c_new = gates[1] * c_old + gates[0] * gates[2]
        h_new = gates[3] * jnp.tanh(c_new)
        hrec[...] = h_new
        crec[...] = c_new
        acc[...] = jnp.zeros_like(acc)

        @pl.when(t == T - 2)
        def _emit():
            out_ref[...] = h_new @ outw[...] + outb[...]

    xb16 = xs[0].astype(jnp.bfloat16)
    hb16 = jnp.where(t == 0, 0.0, hs[pl.ds(row0, BN), :]).astype(jnp.bfloat16)
    cb = jnp.where(t == 0, 0.0, cs[pl.ds(row0, BN), :])
    maskf = (hr_ref[0, 0, :] > 0.0).astype(jnp.float32)[:, None]
    gates = []
    for g in range(4):
        ws, wr, dr, cl, al, bl, bs, br, lbr, lbs = gw[g]
        pre = (jnp.dot(xb16, ws[...], preferred_element_type=jnp.float32)
               + jnp.dot(hb16, dr[...], preferred_element_type=jnp.float32)
               + (bs[...] + lbr[...]) + maskf * u[g:g + 1, :])
        gates.append(ACTS[g](pre))
    c_new = gates[1] * cb + gates[0] * gates[2]
    h_new = gates[3] * jnp.tanh(c_new)

    @pl.when(rb == NB - 1)
    def _mask_tail():
        valid = (row0 + lax.broadcasted_iota(jnp.int32, (BN, 1), 0)) < N
        hv = jnp.where(valid, h_new, 0.0)
        cv = jnp.where(valid, c_new, 0.0)
        hs[pl.ds(row0, BN), :] = hv.astype(jnp.bfloat16)
        cs[pl.ds(row0, BN), :] = cv
        acc[...] += hn_ref[0, 0, :][None, :] @ hv

    @pl.when(rb < NB - 1)
    def _store_full():
        hs[pl.ds(row0, BN), :] = h_new.astype(jnp.bfloat16)
        cs[pl.ds(row0, BN), :] = c_new
        acc[...] += hn_ref[0, 0, :][None, :] @ h_new


def _run_recurrence(xr, xs, hist, weight_args):
    steps = T - 1
    grid = (steps, NB)

    def const_spec(a):
        return pl.BlockSpec(a.shape, lambda t, rb: (0,) * a.ndim)

    out = pl.pallas_call(
        _recurrence_body,
        grid=grid,
        in_specs=[
            pl.BlockSpec((1, 1, D), lambda t, rb: (t, 0, 0)),
            pl.BlockSpec((1, BN, D), lambda t, rb: (t, rb, 0)),
            pl.BlockSpec((1, 1, BN),
                         lambda t, rb: (jnp.minimum(t + 1, steps - 1), 0, rb)),
            pl.BlockSpec((1, 1, BN), lambda t, rb: (steps + t, 0, rb)),
        ] + [const_spec(a) for a in weight_args],
        out_specs=pl.BlockSpec((1, 2), lambda t, rb: (0, 0)),
        out_shape=jax.ShapeDtypeStruct((1, 2), jnp.float32),
        scratch_shapes=[
            pltpu.VMEM((NP, H), jnp.bfloat16),
            pltpu.VMEM((NP, H), jnp.float32),
            pltpu.VMEM((1, H), jnp.float32),
            pltpu.VMEM((1, H), jnp.float32),
            pltpu.VMEM((1, H), jnp.float32),
            pltpu.VMEM((8, H), jnp.float32),
        ],
    )(xr, xs, hist, hist, *weight_args)
    return out


def _hist_body(src_hbm, rs_hbm, hist_hbm, idxv, lh, sem0, sem1, semo):
    c = lax.axis_index("c")
    s = lax.axis_index("s")
    wid = c * 16 + s
    ones = jnp.ones((16,), jnp.float32)
    lanes = lax.broadcasted_iota(jnp.int32, (16,), 0)
    sems = (sem0, sem1)

    for zr in range(NROWS):
        def zero_body(i, carry, zr=zr):
            for k in range(8):
                lh[zr, i, pl.ds(k * 16, 16)] = jnp.zeros((16,), jnp.float32)
            return carry
        lax.fori_loop(0, NP // 128, zero_body, 0)

    def start_fetch(r):
        ref = src_hbm if r < T - 1 else rs_hbm
        row = r if r < T - 1 else r - (T - 1)
        return pltpu.async_copy(ref.at[pl.ds(row * E + wid * EC, EC)],
                                idxv.at[r % 2, pl.ds(0, EC)], sems[r % 2])

    n_full = EC // 16
    n_unroll = n_full // 4
    tail = EC - n_full * 16

    dma = start_fetch(0)
    outs = []
    for r in range(NROWS):
        dma.wait()
        if r + 1 < NROWS:
            dma = start_fetch(r + 1)
        buf = r % 2
        rbase = jnp.full((16,), r, jnp.int32)

        def scat_body(i, carry):
            for k in range(4):
                v = idxv[buf, pl.ds((i * 4 + k) * 16, 16)]
                plsc.addupdate_scatter(lh, [rbase, v >> 7, v & 127], ones)
            return carry
        lax.fori_loop(0, n_unroll, scat_body, 0)
        if tail:
            valid = lanes < tail
            v = idxv[buf, pl.ds(n_full * 16, 16)]
            v = jnp.where(valid, v, 0)
            plsc.addupdate_scatter(lh, [rbase, v >> 7, v & 127],
                                   jnp.where(valid, 1.0, 0.0))

        outs.append(pltpu.async_copy(lh.at[r], hist_hbm.at[r, wid], semo))

    for o in outs:
        o.wait()


def _histograms(edge_src_sr, edge_dst_rs):
    mesh = plsc.VectorSubcoreMesh(core_axis_name="c", subcore_axis_name="s")
    hist = pl.kernel(
        _hist_body,
        out_type=jax.ShapeDtypeStruct((NROWS, NTILES, NP // 128, 128),
                                      jnp.float32),
        mesh=mesh,
        compiler_params=pltpu.CompilerParams(needs_layout_passes=False,
                                             use_tc_tiling_on_sc=False),
        scratch_types=[
            pltpu.VMEM((2, EC + 16), jnp.int32),
            pltpu.VMEM((NROWS, NP // 128, 128), jnp.float32),
            pltpu.SemaphoreType.DMA,
            pltpu.SemaphoreType.DMA,
            pltpu.SemaphoreType.DMA,
        ],
    )(edge_src_sr[:T - 1].reshape(-1), edge_dst_rs[:T - 1].reshape(-1))
    return jnp.sum(hist, axis=1).reshape(NROWS, 1, NP)


def kernel(x_receiver, x_satellite, y, edge_src_sr, edge_dst_sr,
           edge_src_rs, edge_dst_rs, params):
    steps = T - 1
    p = params
    weight_args = []
    for g in ("i", "f", "c", "o"):
        weight_args += [
            p["W"][g]["satellite"].astype(jnp.bfloat16),
            p["W"][g]["receiver"],
            p["conv"][g]["rs"]["lin_r_w"].astype(jnp.bfloat16),
            p["conv"][g]["rs"]["lin_l_w"],
            p["conv"][g]["sr"]["lin_l_w"],
            p["conv"][g]["sr"]["lin_r_w"],
            p["b"][g]["satellite"],
            p["b"][g]["receiver"],
            p["conv"][g]["rs"]["lin_l_b"][None, :],
            p["conv"][g]["sr"]["lin_l_b"][None, :],
        ]
    weight_args += [p["out_w"], p["out_b"][None, :]]

    hist = _histograms(edge_src_sr, edge_dst_rs)

    pred = _run_recurrence(x_receiver, x_satellite, hist, weight_args)
    return (pred, y)

# --- scband reference (transcript-rebuilt; emitter-appended) ---
"""Pipeline reference for scband-full-model-55542517071921 (READ-ONLY COPY).

The authoritative reference and input builder live on the scoring server;
editing this copy changes nothing except your own understanding.
"""

import jax, jax.numpy as jnp
import numpy as np

T, N, E, D, H = 6, 10000, 160000, 128, 128
GATES = ["i", "f", "c", "o"]


def _sage(h_src, h_dst, src, dst, p, num_dst):
    # PyG SAGEConv (mean aggr): lin_l(mean_j h_src[j]) + lin_r(h_dst)
    msgs = jnp.take(h_src, src, axis=0)
    s = jax.ops.segment_sum(msgs, dst, num_segments=num_dst)
    cnt = jax.ops.segment_sum(jnp.ones((src.shape[0],), h_src.dtype), dst, num_segments=num_dst)
    mean = jnp.where(cnt[:, None] > 0, s / jnp.maximum(cnt, 1.0)[:, None], 0.0)
    return mean @ p["lin_l_w"] + p["lin_l_b"] + h_dst @ p["lin_r_w"]


def _make_params():
    key = jax.random.key(42)
    ks = iter(jax.random.split(key, 64))

    def nrm(shape, scale=0.05):
        return jax.random.normal(next(ks), shape, dtype=jnp.float32) * scale

    params = {"W": {}, "b": {}, "conv": {}}
    for g in GATES:
        params["W"][g] = {"receiver": nrm((D, H)), "satellite": nrm((D, H))}
        params["b"][g] = {"receiver": nrm((1, H)), "satellite": nrm((1, H))}
        params["conv"][g] = {
            et: {"lin_l_w": nrm((H, H)), "lin_l_b": nrm((H,)), "lin_r_w": nrm((H, H))}
            for et in ("sr", "rs")
        }
    params["out_w"] = nrm((H, 2))
    params["out_b"] = nrm((2,))
    return params


def setup_inputs(seed: int = 0):
    key = jax.random.key(seed)
    k1, k2, k3, k4, k5 = jax.random.split(key, 5)
    return {
        "x_receiver": jax.random.normal(k1, (T, 1, D), dtype=jnp.float32),
        "x_satellite": jax.random.normal(k2, (T, N, D), dtype=jnp.float32),
        "y": jax.random.normal(k3, (1, 2), dtype=jnp.float32),
        "edge_src_sr": jax.random.randint(k4, (T, E), 0, N, dtype=jnp.int32),
        "edge_dst_sr": jnp.zeros((T, E), dtype=jnp.int32),
        "edge_src_rs": jnp.zeros((T, E), dtype=jnp.int32),
        "edge_dst_rs": jax.random.randint(k5, (T, E), 0, N, dtype=jnp.int32),
        "params": _make_params(),
    }


def _forward(x_receiver, x_satellite, edge_src_sr, edge_dst_sr, edge_src_rs, edge_dst_rs, params):
    h_rec = jnp.zeros((1, H), jnp.float32)
    c_rec = jnp.zeros((1, H), jnp.float32)
    h_sat = jnp.zeros((N, H), jnp.float32)
    c_sat = jnp.zeros((N, H), jnp.float32)
    for t in range(T - 1):
        x_r = x_receiver[t]
        x_s = x_satellite[t]
        es_sr = edge_src_sr[t]
        ed_sr = edge_dst_sr[t]
        es_rs = edge_src_rs[t]
        ed_rs = edge_dst_rs[t]

        def gate(g, act, h_rec=h_rec, h_sat=h_sat):
            conv_rec = _sage(h_sat, h_rec, es_sr, ed_sr, params["conv"][g]["sr"], 1)
            conv_sat = _sage(h_rec, h_sat, es_rs, ed_rs, params["conv"][g]["rs"], N)
            g_rec = act(x_r @ params["W"][g]["receiver"] + conv_rec + params["b"][g]["receiver"])
            g_sat = act(x_s @ params["W"][g]["satellite"] + conv_sat + params["b"][g]["satellite"])
            return g_rec, g_sat

        i_rec, i_sat = gate("i", jax.nn.sigmoid)
        f_rec, f_sat = gate("f", jax.nn.sigmoid)
        g_rec, g_sat = gate("c", jnp.tanh)
        c_rec = f_rec * c_rec + i_rec * g_rec
        c_sat = f_sat * c_sat + i_sat * g_sat
        o_rec, o_sat = gate("o", jax.nn.sigmoid)
        h_rec = o_rec * jnp.tanh(c_rec)
        h_sat = o_sat * jnp.tanh(c_sat)
    # dropout is identity in eval mode
    return h_rec @ params["out_w"] + params["out_b"]


def reference(x_receiver, x_satellite, y, edge_src_sr, edge_dst_sr, edge_src_rs, edge_dst_rs, params):
    pred = _forward(x_receiver, x_satellite, edge_src_sr, edge_dst_sr, edge_src_rs, edge_dst_rs, params)
    return (pred, y)

if __name__ == "__main__":
    import jax
    _d = setup_inputs()
    print(jax.jit(kernel)(*tuple(_d.values())))

</pallas_src>

<mosaic_0001>
#map = affine_map<(d0, d1) -> (0)>
#map1 = affine_map<(d0, d1) -> (0, 0, 0, 0)>
module attributes {stable_mosaic.version = 14 : i64} {
  func.func @_hist_body(%arg0: i32, %arg1: i32, %arg2: memref<800000xi32, #tpu.memory_space<hbm>>, %arg3: memref<800000xi32, #tpu.memory_space<hbm>>, %arg4: memref<10x32x80x128xf32, #tpu.memory_space<hbm>>, %arg5: memref<2x5016xi32, #tpu.memory_space<vmem>>, %arg6: memref<10x80x128xf32, #tpu.memory_space<vmem>>, %arg7: memref<!tpu.dma_semaphore, #tpu.memory_space<semaphore_mem>>, %arg8: memref<!tpu.dma_semaphore, #tpu.memory_space<semaphore_mem>>, %arg9: memref<!tpu.dma_semaphore, #tpu.memory_space<semaphore_mem>>) attributes {dimension_semantics = [#tpu.dimension_semantics<core_parallel>, #tpu.dimension_semantics<subcore_parallel>], iteration_bounds = array<i64: 2, 16>, scalar_prefetch = 0 : i64, scratch_operands = 5 : i64, tpu.core_type = #tpu.core_type<sc_vector_subcore>, window_params = [{transform_indices = #map}, {transform_indices = #map}, {transform_indices = #map1}]} {
    %mul3A = arith.constant 16 : i32
    %mul3A_0 = arith.muli %arg0, %mul3A : i32
    %add3A = arith.addi %mul3A_0, %arg1 : i32
    %broadcast_in_dim3A = arith.constant 1.000000e+00 : f32
    %broadcast_in_dim3A_1 = vector.broadcast %broadcast_in_dim3A : f32 to vector<16xf32>
    %iota3A = tpu.iota {dimensions = array<i32: 0>} : vector<16xi32>
    %scan3A = arith.constant 0 : i32
    %scan3A_2 = arith.constant 0 : i32
    %scan3A_3 = arith.constant 80 : i32
    %scan3A_4 = arith.addi %scan3A_2, %scan3A_3 : i32
    %scan3A_5 = arith.constant 1 : i32
    scf.for %scan3A_923 = %scan3A_2 to %scan3A_4 step %scan3A_5  : i32 {
      %broadcast_in_dim3A_924 = arith.constant 0.000000e+00 : f32
      %broadcast_in_dim3A_925 = vector.broadcast %broadcast_in_dim3A_924 : f32 to vector<16xf32>
      %swap3A = arith.constant 0 : i32
      %swap3A_926 = arith.index_cast %swap3A : i32 to index
      %swap3A_927 = arith.index_cast %scan3A_923 : i32 to index
      %swap3A_928 = arith.constant 0 : index
      %swap3A_929 = tpu.vector_load %arg6[%swap3A_926, %swap3A_927, %swap3A_928] {strides = array<i32>} : memref<10x80x128xf32, #tpu.memory_space<vmem>>, vector<16xf32>,
      tpu.vector_store %arg6[%swap3A_926, %swap3A_927, %swap3A_928], %broadcast_in_dim3A_925 {strides = array<i32>} : memref<10x80x128xf32, #tpu.memory_space<vmem>>, vector<16xf32>,
      %broadcast_in_dim3A_930 = arith.constant 0.000000e+00 : f32
      %broadcast_in_dim3A_931 = vector.broadcast %broadcast_in_dim3A_930 : f32 to vector<16xf32>
      %swap3A_932 = arith.constant 0 : i32
      %swap3A_933 = arith.index_cast %swap3A_932 : i32 to index
      %swap3A_934 = arith.index_cast %scan3A_923 : i32 to index
      %swap3A_935 = arith.constant 16 : index
      %swap3A_936 = tpu.vector_load %arg6[%swap3A_933, %swap3A_934, %swap3A_935] {strides = array<i32>} : memref<10x80x128xf32, #tpu.memory_space<vmem>>, vector<16xf32>,
      tpu.vector_store %arg6[%swap3A_933, %swap3A_934, %swap3A_935], %broadcast_in_dim3A_931 {strides = array<i32>} : memref<10x80x128xf32, #tpu.memory_space<vmem>>, vector<16xf32>,
      %broadcast_in_dim3A_937 = arith.constant 0.000000e+00 : f32
      %broadcast_in_dim3A_938 = vector.broadcast %broadcast_in_dim3A_937 : f32 to vector<16xf32>
      %swap3A_939 = arith.constant 0 : i32
      %swap3A_940 = arith.index_cast %swap3A_939 : i32 to index
      %swap3A_941 = arith.index_cast %scan3A_923 : i32 to index
      %swap3A_942 = arith.constant 32 : index
      %swap3A_943 = tpu.vector_load %arg6[%swap3A_940, %swap3A_941, %swap3A_942] {strides = array<i32>} : memref<10x80x128xf32, #tpu.memory_space<vmem>>, vector<16xf32>,
      tpu.vector_store %arg6[%swap3A_940, %swap3A_941, %swap3A_942], %broadcast_in_dim3A_938 {strides = array<i32>} : memref<10x80x128xf32, #tpu.memory_space<vmem>>, vector<16xf32>,
      %broadcast_in_dim3A_944 = arith.constant 0.000000e+00 : f32
      %broadcast_in_dim3A_945 = vector.broadcast %broadcast_in_dim3A_944 : f32 to vector<16xf32>
      %swap3A_946 = arith.constant 0 : i32
      %swap3A_947 = arith.index_cast %swap3A_946 : i32 to index
      %swap3A_948 = arith.index_cast %scan3A_923 : i32 to index
      %swap3A_949 = arith.constant 48 : index
      %swap3A_950 = tpu.vector_load %arg6[%swap3A_947, %swap3A_948, %swap3A_949] {strides = array<i32>} : memref<10x80x128xf32, #tpu.memory_space<vmem>>, vector<16xf32>,
      tpu.vector_store %arg6[%swap3A_947, %swap3A_948, %swap3A_949], %broadcast_in_dim3A_945 {strides = array<i32>} : memref<10x80x128xf32, #tpu.memory_space<vmem>>, vector<16xf32>,
      %broadcast_in_dim3A_951 = arith.constant 0.000000e+00 : f32
      %broadcast_in_dim3A_952 = vector.broadcast %broadcast_in_dim3A_951 : f32 to vector<16xf32>
      %swap3A_953 = arith.constant 0 : i32
      %swap3A_954 = arith.index_cast %swap3A_953 : i32 to index
      %swap3A_955 = arith.index_cast %scan3A_923 : i32 to index
      %swap3A_956 = arith.constant 64 : index
      %swap3A_957 = tpu.vector_load %arg6[%swap3A_954, %swap3A_955, %swap3A_956] {strides = array<i32>} : memref<10x80x128xf32, #tpu.memory_space<vmem>>, vector<16xf32>,
      tpu.vector_store %arg6[%swap3A_954, %swap3A_955, %swap3A_956], %broadcast_in_dim3A_952 {strides = array<i32>} : memref<10x80x128xf32, #tpu.memory_space<vmem>>, vector<16xf32>,
      %broadcast_in_dim3A_958 = arith.constant 0.000000e+00 : f32
      %broadcast_in_dim3A_959 = vector.broadcast %broadcast_in_dim3A_958 : f32 to vector<16xf32>
      %swap3A_960 = arith.constant 0 : i32
      %swap3A_961 = arith.index_cast %swap3A_960 : i32 to index
      %swap3A_962 = arith.index_cast %scan3A_923 : i32 to index
      %swap3A_963 = arith.constant 80 : index
      %swap3A_964 = tpu.vector_load %arg6[%swap3A_961, %swap3A_962, %swap3A_963] {strides = array<i32>} : memref<10x80x128xf32, #tpu.memory_space<vmem>>, vector<16xf32>,
      tpu.vector_store %arg6[%swap3A_961, %swap3A_962, %swap3A_963], %broadcast_in_dim3A_959 {strides = array<i32>} : memref<10x80x128xf32, #tpu.memory_space<vmem>>, vector<16xf32>,
      %broadcast_in_dim3A_965 = arith.constant 0.000000e+00 : f32
      %broadcast_in_dim3A_966 = vector.broadcast %broadcast_in_dim3A_965 : f32 to vector<16xf32>
      %swap3A_967 = arith.constant 0 : i32
      %swap3A_968 = arith.index_cast %swap3A_967 : i32 to index
      %swap3A_969 = arith.index_cast %scan3A_923 : i32 to index
      %swap3A_970 = arith.constant 96 : index
      %swap3A_971 = tpu.vector_load %arg6[%swap3A_968, %swap3A_969, %swap3A_970] {strides = array<i32>} : memref<10x80x128xf32, #tpu.memory_space<vmem>>, vector<16xf32>,
      tpu.vector_store %arg6[%swap3A_968, %swap3A_969, %swap3A_970], %broadcast_in_dim3A_966 {strides = array<i32>} : memref<10x80x128xf32, #tpu.memory_space<vmem>>, vector<16xf32>,
      %broadcast_in_dim3A_972 = arith.constant 0.000000e+00 : f32
      %broadcast_in_dim3A_973 = vector.broadcast %broadcast_in_dim3A_972 : f32 to vector<16xf32>
      %swap3A_974 = arith.constant 0 : i32
      %swap3A_975 = arith.index_cast %swap3A_974 : i32 to index
      %swap3A_976 = arith.index_cast %scan3A_923 : i32 to index
      %swap3A_977 = arith.constant 112 : index
      %swap3A_978 = tpu.vector_load %arg6[%swap3A_975, %swap3A_976, %swap3A_977] {strides = array<i32>} : memref<10x80x128xf32, #tpu.memory_space<vmem>>, vector<16xf32>,
      tpu.vector_store %arg6[%swap3A_975, %swap3A_976, %swap3A_977], %broadcast_in_dim3A_973 {strides = array<i32>} : memref<10x80x128xf32, #tpu.memory_space<vmem>>, vector<16xf32>,
    }
    %scan3A_6 = arith.constant 80 : i32
    %scan3A_7 = arith.constant 0 : i32
    %scan3A_8 = arith.constant 0 : i32
    %scan3A_9 = arith.constant 80 : i32
    %scan3A_10 = arith.addi %scan3A_8, %scan3A_9 : i32
    %scan3A_11 = arith.constant 1 : i32
    scf.for %scan3A_923 = %scan3A_8 to %scan3A_10 step %scan3A_11  : i32 {
      %broadcast_in_dim3A_924 = arith.constant 0.000000e+00 : f32
      %broadcast_in_dim3A_925 = vector.broadcast %broadcast_in_dim3A_924 : f32 to vector<16xf32>
      %swap3A = arith.constant 1 : i32
      %swap3A_926 = arith.index_cast %swap3A : i32 to index
      %swap3A_927 = arith.index_cast %scan3A_923 : i32 to index
      %swap3A_928 = arith.constant 0 : index
      %swap3A_929 = tpu.vector_load %arg6[%swap3A_926, %swap3A_927, %swap3A_928] {strides = array<i32>} : memref<10x80x128xf32, #tpu.memory_space<vmem>>, vector<16xf32>,
      tpu.vector_store %arg6[%swap3A_926, %swap3A_927, %swap3A_928], %broadcast_in_dim3A_925 {strides = array<i32>} : memref<10x80x128xf32, #tpu.memory_space<vmem>>, vector<16xf32>,
      %broadcast_in_dim3A_930 = arith.constant 0.000000e+00 : f32
      %broadcast_in_dim3A_931 = vector.broadcast %broadcast_in_dim3A_930 : f32 to vector<16xf32>
      %swap3A_932 = arith.constant 1 : i32
      %swap3A_933 = arith.index_cast %swap3A_932 : i32 to index
      %swap3A_934 = arith.index_cast %scan3A_923 : i32 to index
      %swap3A_935 = arith.constant 16 : index
      %swap3A_936 = tpu.vector_load %arg6[%swap3A_933, %swap3A_934, %swap3A_935] {strides = array<i32>} : memref<10x80x128xf32, #tpu.memory_space<vmem>>, vector<16xf32>,
      tpu.vector_store %arg6[%swap3A_933, %swap3A_934, %swap3A_935], %broadcast_in_dim3A_931 {strides = array<i32>} : memref<10x80x128xf32, #tpu.memory_space<vmem>>, vector<16xf32>,
      %broadcast_in_dim3A_937 = arith.constant 0.000000e+00 : f32
      %broadcast_in_dim3A_938 = vector.broadcast %broadcast_in_dim3A_937 : f32 to vector<16xf32>
      %swap3A_939 = arith.constant 1 : i32
      %swap3A_940 = arith.index_cast %swap3A_939 : i32 to index
      %swap3A_941 = arith.index_cast %scan3A_923 : i32 to index
      %swap3A_942 = arith.constant 32 : index
      %swap3A_943 = tpu.vector_load %arg6[%swap3A_940, %swap3A_941, %swap3A_942] {strides = array<i32>} : memref<10x80x128xf32, #tpu.memory_space<vmem>>, vector<16xf32>,
      tpu.vector_store %arg6[%swap3A_940, %swap3A_941, %swap3A_942], %broadcast_in_dim3A_938 {strides = array<i32>} : memref<10x80x128xf32, #tpu.memory_space<vmem>>, vector<16xf32>,
      %broadcast_in_dim3A_944 = arith.constant 0.000000e+00 : f32
      %broadcast_in_dim3A_945 = vector.broadcast %broadcast_in_dim3A_944 : f32 to vector<16xf32>
      %swap3A_946 = arith.constant 1 : i32
      %swap3A_947 = arith.index_cast %swap3A_946 : i32 to index
      %swap3A_948 = arith.index_cast %scan3A_923 : i32 to index
      %swap3A_949 = arith.constant 48 : index
      %swap3A_950 = tpu.vector_load %arg6[%swap3A_947, %swap3A_948, %swap3A_949] {strides = array<i32>} : memref<10x80x128xf32, #tpu.memory_space<vmem>>, vector<16xf32>,
      tpu.vector_store %arg6[%swap3A_947, %swap3A_948, %swap3A_949], %broadcast_in_dim3A_945 {strides = array<i32>} : memref<10x80x128xf32, #tpu.memory_space<vmem>>, vector<16xf32>,
      %broadcast_in_dim3A_951 = arith.constant 0.000000e+00 : f32
      %broadcast_in_dim3A_952 = vector.broadcast %broadcast_in_dim3A_951 : f32 to vector<16xf32>
      %swap3A_953 = arith.constant 1 : i32
      %swap3A_954 = arith.index_cast %swap3A_953 : i32 to index
      %swap3A_955 = arith.index_cast %scan3A_923 : i32 to index
      %swap3A_956 = arith.constant 64 : index
      %swap3A_957 = tpu.vector_load %arg6[%swap3A_954, %swap3A_955, %swap3A_956] {strides = array<i32>} : memref<10x80x128xf32, #tpu.memory_space<vmem>>, vector<16xf32>,
      tpu.vector_store %arg6[%swap3A_954, %swap3A_955, %swap3A_956], %broadcast_in_dim3A_952 {strides = array<i32>} : memref<10x80x128xf32, #tpu.memory_space<vmem>>, vector<16xf32>,
      %broadcast_in_dim3A_958 = arith.constant 0.000000e+00 : f32
      %broadcast_in_dim3A_959 = vector.broadcast %broadcast_in_dim3A_958 : f32 to vector<16xf32>
      %swap3A_960 = arith.constant 1 : i32
      %swap3A_961 = arith.index_cast %swap3A_960 : i32 to index
      %swap3A_962 = arith.index_cast %scan3A_923 : i32 to index
      %swap3A_963 = arith.constant 80 : index
      %swap3A_964 = tpu.vector_load %arg6[%swap3A_961, %swap3A_962, %swap3A_963] {strides = array<i32>} : memref<10x80x128xf32, #tpu.memory_space<vmem>>, vector<16xf32>,
      tpu.vector_store %arg6[%swap3A_961, %swap3A_962, %swap3A_963], %broadcast_in_dim3A_959 {strides = array<i32>} : memref<10x80x128xf32, #tpu.memory_space<vmem>>, vector<16xf32>,
      %broadcast_in_dim3A_965 = arith.constant 0.000000e+00 : f32
      %broadcast_in_dim3A_966 = vector.broadcast %broadcast_in_dim3A_965 : f32 to vector<16xf32>
      %swap3A_967 = arith.constant 1 : i32
      %swap3A_968 = arith.index_cast %swap3A_967 : i32 to index
      %swap3A_969 = arith.index_cast %scan3A_923 : i32 to index
      %swap3A_970 = arith.constant 96 : index
      %swap3A_971 = tpu.vector_load %arg6[%swap3A_968, %swap3A_969, %swap3A_970] {strides = array<i32>} : memref<10x80x128xf32, #tpu.memory_space<vmem>>, vector<16xf32>,
      tpu.vector_store %arg6[%swap3A_968, %swap3A_969, %swap3A_970], %broadcast_in_dim3A_966 {strides = array<i32>} : memref<10x80x128xf32, #tpu.memory_space<vmem>>, vector<16xf32>,
      %broadcast_in_dim3A_972 = arith.constant 0.000000e+00 : f32
      %broadcast_in_dim3A_973 = vector.broadcast %broadcast_in_dim3A_972 : f32 to vector<16xf32>
      %swap3A_974 = arith.constant 1 : i32
      %swap3A_975 = arith.index_cast %swap3A_974 : i32 to index
      %swap3A_976 = arith.index_cast %scan3A_923 : i32 to index
      %swap3A_977 = arith.constant 112 : index
      %swap3A_978 = tpu.vector_load %arg6[%swap3A_975, %swap3A_976, %swap3A_977] {strides = array<i32>} : memref<10x80x128xf32, #tpu.memory_space<vmem>>, vector<16xf32>,
      tpu.vector_store %arg6[%swap3A_975, %swap3A_976, %swap3A_977], %broadcast_in_dim3A_973 {strides = array<i32>} : memref<10x80x128xf32, #tpu.memory_space<vmem>>, vector<16xf32>,
    }
    %scan3A_12 = arith.constant 80 : i32
    %scan3A_13 = arith.constant 0 : i32
    %scan3A_14 = arith.constant 0 : i32
    %scan3A_15 = arith.constant 80 : i32
    %scan3A_16 = arith.addi %scan3A_14, %scan3A_15 : i32
    %scan3A_17 = arith.constant 1 : i32
    scf.for %scan3A_923 = %scan3A_14 to %scan3A_16 step %scan3A_17  : i32 {
      %broadcast_in_dim3A_924 = arith.constant 0.000000e+00 : f32
      %broadcast_in_dim3A_925 = vector.broadcast %broadcast_in_dim3A_924 : f32 to vector<16xf32>
      %swap3A = arith.constant 2 : i32
      %swap3A_926 = arith.index_cast %swap3A : i32 to index
      %swap3A_927 = arith.index_cast %scan3A_923 : i32 to index
      %swap3A_928 = arith.constant 0 : index
      %swap3A_929 = tpu.vector_load %arg6[%swap3A_926, %swap3A_927, %swap3A_928] {strides = array<i32>} : memref<10x80x128xf32, #tpu.memory_space<vmem>>, vector<16xf32>,
      tpu.vector_store %arg6[%swap3A_926, %swap3A_927, %swap3A_928], %broadcast_in_dim3A_925 {strides = array<i32>} : memref<10x80x128xf32, #tpu.memory_space<vmem>>, vector<16xf32>,
      %broadcast_in_dim3A_930 = arith.constant 0.000000e+00 : f32
      %broadcast_in_dim3A_931 = vector.broadcast %broadcast_in_dim3A_930 : f32 to vector<16xf32>
      %swap3A_932 = arith.constant 2 : i32
      %swap3A_933 = arith.index_cast %swap3A_932 : i32 to index
      %swap3A_934 = arith.index_cast %scan3A_923 : i32 to index
      %swap3A_935 = arith.constant 16 : index
      %swap3A_936 = tpu.vector_load %arg6[%swap3A_933, %swap3A_934, %swap3A_935] {strides = array<i32>} : memref<10x80x128xf32, #tpu.memory_space<vmem>>, vector<16xf32>,
      tpu.vector_store %arg6[%swap3A_933, %swap3A_934, %swap3A_935], %broadcast_in_dim3A_931 {strides = array<i32>} : memref<10x80x128xf32, #tpu.memory_space<vmem>>, vector<16xf32>,
      %broadcast_in_dim3A_937 = arith.constant 0.000000e+00 : f32
      %broadcast_in_dim3A_938 = vector.broadcast %broadcast_in_dim3A_937 : f32 to vector<16xf32>
      %swap3A_939 = arith.constant 2 : i32
      %swap3A_940 = arith.index_cast %swap3A_939 : i32 to index
      %swap3A_941 = arith.index_cast %scan3A_923 : i32 to index
      %swap3A_942 = arith.constant 32 : index
      %swap3A_943 = tpu.vector_load %arg6[%swap3A_940, %swap3A_941, %swap3A_942] {strides = array<i32>} : memref<10x80x128xf32, #tpu.memory_space<vmem>>, vector<16xf32>,
      tpu.vector_store %arg6[%swap3A_940, %swap3A_941, %swap3A_942], %broadcast_in_dim3A_938 {strides = array<i32>} : memref<10x80x128xf32, #tpu.memory_space<vmem>>, vector<16xf32>,
      %broadcast_in_dim3A_944 = arith.constant 0.000000e+00 : f32
      %broadcast_in_dim3A_945 = vector.broadcast %broadcast_in_dim3A_944 : f32 to vector<16xf32>
      %swap3A_946 = arith.constant 2 : i32
      %swap3A_947 = arith.index_cast %swap3A_946 : i32 to index
      %swap3A_948 = arith.index_cast %scan3A_923 : i32 to index
      %swap3A_949 = arith.constant 48 : index
      %swap3A_950 = tpu.vector_load %arg6[%swap3A_947, %swap3A_948, %swap3A_949] {strides = array<i32>} : memref<10x80x128xf32, #tpu.memory_space<vmem>>, vector<16xf32>,
      tpu.vector_store %arg6[%swap3A_947, %swap3A_948, %swap3A_949], %broadcast_in_dim3A_945 {strides = array<i32>} : memref<10x80x128xf32, #tpu.memory_space<vmem>>, vector<16xf32>,
      %broadcast_in_dim3A_951 = arith.constant 0.000000e+00 : f32
      %broadcast_in_dim3A_952 = vector.broadcast %broadcast_in_dim3A_951 : f32 to vector<16xf32>
      %swap3A_953 = arith.constant 2 : i32
      %swap3A_954 = arith.index_cast %swap3A_953 : i32 to index
      %swap3A_955 = arith.index_cast %scan3A_923 : i32 to index
      %swap3A_956 = arith.constant 64 : index
      %swap3A_957 = tpu.vector_load %arg6[%swap3A_954, %swap3A_955, %swap3A_956] {strides = array<i32>} : memref<10x80x128xf32, #tpu.memory_space<vmem>>, vector<16xf32>,
      tpu.vector_store %arg6[%swap3A_954, %swap3A_955, %swap3A_956], %broadcast_in_dim3A_952 {strides = array<i32>} : memref<10x80x128xf32, #tpu.memory_space<vmem>>, vector<16xf32>,
      %broadcast_in_dim3A_958 = arith.constant 0.000000e+00 : f32
      %broadcast_in_dim3A_959 = vector.broadcast %broadcast_in_dim3A_958 : f32 to vector<16xf32>
      %swap3A_960 = arith.constant 2 : i32
      %swap3A_961 = arith.index_cast %swap3A_960 : i32 to index
      %swap3A_962 = arith.index_cast %scan3A_923 : i32 to index
      %swap3A_963 = arith.constant 80 : index
      %swap3A_964 = tpu.vector_load %arg6[%swap3A_961, %swap3A_962, %swap3A_963] {strides = array<i32>} : memref<10x80x128xf32, #tpu.memory_space<vmem>>, vector<16xf32>,
      tpu.vector_store %arg6[%swap3A_961, %swap3A_962, %swap3A_963], %broadcast_in_dim3A_959 {strides = array<i32>} : memref<10x80x128xf32, #tpu.memory_space<vmem>>, vector<16xf32>,
      %broadcast_in_dim3A_965 = arith.constant 0.000000e+00 : f32
      %broadcast_in_dim3A_966 = vector.broadcast %broadcast_in_dim3A_965 : f32 to vector<16xf32>
      %swap3A_967 = arith.constant 2 : i32
      %swap3A_968 = arith.index_cast %swap3A_967 : i32 to index
      %swap3A_969 = arith.index_cast %scan3A_923 : i32 to index
      %swap3A_970 = arith.constant 96 : index
      %swap3A_971 = tpu.vector_load %arg6[%swap3A_968, %swap3A_969, %swap3A_970] {strides = array<i32>} : memref<10x80x128xf32, #tpu.memory_space<vmem>>, vector<16xf32>,
      tpu.vector_store %arg6[%swap3A_968, %swap3A_969, %swap3A_970], %broadcast_in_dim3A_966 {strides = array<i32>} : memref<10x80x128xf32, #tpu.memory_space<vmem>>, vector<16xf32>,
      %broadcast_in_dim3A_972 = arith.constant 0.000000e+00 : f32
      %broadcast_in_dim3A_973 = vector.broadcast %broadcast_in_dim3A_972 : f32 to vector<16xf32>
      %swap3A_974 = arith.constant 2 : i32
      %swap3A_975 = arith.index_cast %swap3A_974 : i32 to index
      %swap3A_976 = arith.index_cast %scan3A_923 : i32 to index
      %swap3A_977 = arith.constant 112 : index
      %swap3A_978 = tpu.vector_load %arg6[%swap3A_975, %swap3A_976, %swap3A_977] {strides = array<i32>} : memref<10x80x128xf32, #tpu.memory_space<vmem>>, vector<16xf32>,
      tpu.vector_store %arg6[%swap3A_975, %swap3A_976, %swap3A_977], %broadcast_in_dim3A_973 {strides = array<i32>} : memref<10x80x128xf32, #tpu.memory_space<vmem>>, vector<16xf32>,
    }
    %scan3A_18 = arith.constant 80 : i32
    %scan3A_19 = arith.constant 0 : i32
    %scan3A_20 = arith.constant 0 : i32
    %scan3A_21 = arith.constant 80 : i32
    %scan3A_22 = arith.addi %scan3A_20, %scan3A_21 : i32
    %scan3A_23 = arith.constant 1 : i32
    scf.for %scan3A_923 = %scan3A_20 to %scan3A_22 step %scan3A_23  : i32 {
      %broadcast_in_dim3A_924 = arith.constant 0.000000e+00 : f32
      %broadcast_in_dim3A_925 = vector.broadcast %broadcast_in_dim3A_924 : f32 to vector<16xf32>
      %swap3A = arith.constant 3 : i32
      %swap3A_926 = arith.index_cast %swap3A : i32 to index
      %swap3A_927 = arith.index_cast %scan3A_923 : i32 to index
      %swap3A_928 = arith.constant 0 : index
      %swap3A_929 = tpu.vector_load %arg6[%swap3A_926, %swap3A_927, %swap3A_928] {strides = array<i32>} : memref<10x80x128xf32, #tpu.memory_space<vmem>>, vector<16xf32>,
      tpu.vector_store %arg6[%swap3A_926, %swap3A_927, %swap3A_928], %broadcast_in_dim3A_925 {strides = array<i32>} : memref<10x80x128xf32, #tpu.memory_space<vmem>>, vector<16xf32>,
      %broadcast_in_dim3A_930 = arith.constant 0.000000e+00 : f32
      %broadcast_in_dim3A_931 = vector.broadcast %broadcast_in_dim3A_930 : f32 to vector<16xf32>
      %swap3A_932 = arith.constant 3 : i32
      %swap3A_933 = arith.index_cast %swap3A_932 : i32 to index
      %swap3A_934 = arith.index_cast %scan3A_923 : i32 to index
      %swap3A_935 = arith.constant 16 : index
      %swap3A_936 = tpu.vector_load %arg6[%swap3A_933, %swap3A_934, %swap3A_935] {strides = array<i32>} : memref<10x80x128xf32, #tpu.memory_space<vmem>>, vector<16xf32>,
      tpu.vector_store %arg6[%swap3A_933, %swap3A_934, %swap3A_935], %broadcast_in_dim3A_931 {strides = array<i32>} : memref<10x80x128xf32, #tpu.memory_space<vmem>>, vector<16xf32>,
      %broadcast_in_dim3A_937 = arith.constant 0.000000e+00 : f32
      %broadcast_in_dim3A_938 = vector.broadcast %broadcast_in_dim3A_937 : f32 to vector<16xf32>
      %swap3A_939 = arith.constant 3 : i32
      %swap3A_940 = arith.index_cast %swap3A_939 : i32 to index
      %swap3A_941 = arith.index_cast %scan3A_923 : i32 to index
      %swap3A_942 = arith.constant 32 : index
      %swap3A_943 = tpu.vector_load %arg6[%swap3A_940, %swap3A_941, %swap3A_942] {strides = array<i32>} : memref<10x80x128xf32, #tpu.memory_space<vmem>>, vector<16xf32>,
      tpu.vector_store %arg6[%swap3A_940, %swap3A_941, %swap3A_942], %broadcast_in_dim3A_938 {strides = array<i32>} : memref<10x80x128xf32, #tpu.memory_space<vmem>>, vector<16xf32>,
      %broadcast_in_dim3A_944 = arith.constant 0.000000e+00 : f32
      %broadcast_in_dim3A_945 = vector.broadcast %broadcast_in_dim3A_944 : f32 to vector<16xf32>
      %swap3A_946 = arith.constant 3 : i32
      %swap3A_947 = arith.index_cast %swap3A_946 : i32 to index
      %swap3A_948 = arith.index_cast %scan3A_923 : i32 to index
      %swap3A_949 = arith.constant 48 : index
      %swap3A_950 = tpu.vector_load %arg6[%swap3A_947, %swap3A_948, %swap3A_949] {strides = array<i32>} : memref<10x80x128xf32, #tpu.memory_space<vmem>>, vector<16xf32>,
      tpu.vector_store %arg6[%swap3A_947, %swap3A_948, %swap3A_949], %broadcast_in_dim3A_945 {strides = array<i32>} : memref<10x80x128xf32, #tpu.memory_space<vmem>>, vector<16xf32>,
      %broadcast_in_dim3A_951 = arith.constant 0.000000e+00 : f32
      %broadcast_in_dim3A_952 = vector.broadcast %broadcast_in_dim3A_951 : f32 to vector<16xf32>
      %swap3A_953 = arith.constant 3 : i32
      %swap3A_954 = arith.index_cast %swap3A_953 : i32 to index
      %swap3A_955 = arith.index_cast %scan3A_923 : i32 to index
      %swap3A_956 = arith.constant 64 : index
      %swap3A_957 = tpu.vector_load %arg6[%swap3A_954, %swap3A_955, %swap3A_956] {strides = array<i32>} : memref<10x80x128xf32, #tpu.memory_space<vmem>>, vector<16xf32>,
      tpu.vector_store %arg6[%swap3A_954, %swap3A_955, %swap3A_956], %broadcast_in_dim3A_952 {strides = array<i32>} : memref<10x80x128xf32, #tpu.memory_space<vmem>>, vector<16xf32>,
      %broadcast_in_dim3A_958 = arith.constant 0.000000e+00 : f32
      %broadcast_in_dim3A_959 = vector.broadcast %broadcast_in_dim3A_958 : f32 to vector<16xf32>
      %swap3A_960 = arith.constant 3 : i32
      %swap3A_961 = arith.index_cast %swap3A_960 : i32 to index
      %swap3A_962 = arith.index_cast %scan3A_923 : i32 to index
      %swap3A_963 = arith.constant 80 : index
      %swap3A_964 = tpu.vector_load %arg6[%swap3A_961, %swap3A_962, %swap3A_963] {strides = array<i32>} : memref<10x80x128xf32, #tpu.memory_space<vmem>>, vector<16xf32>,
      tpu.vector_store %arg6[%swap3A_961, %swap3A_962, %swap3A_963], %broadcast_in_dim3A_959 {strides = array<i32>} : memref<10x80x128xf32, #tpu.memory_space<vmem>>, vector<16xf32>,
      %broadcast_in_dim3A_965 = arith.constant 0.000000e+00 : f32
      %broadcast_in_dim3A_966 = vector.broadcast %broadcast_in_dim3A_965 : f32 to vector<16xf32>
      %swap3A_967 = arith.constant 3 : i32
      %swap3A_968 = arith.index_cast %swap3A_967 : i32 to index
      %swap3A_969 = arith.index_cast %scan3A_923 : i32 to index
      %swap3A_970 = arith.constant 96 : index
      %swap3A_971 = tpu.vector_load %arg6[%swap3A_968, %swap3A_969, %swap3A_970] {strides = array<i32>} : memref<10x80x128xf32, #tpu.memory_space<vmem>>, vector<16xf32>,
      tpu.vector_store %arg6[%swap3A_968, %swap3A_969, %swap3A_970], %broadcast_in_dim3A_966 {strides = array<i32>} : memref<10x80x128xf32, #tpu.memory_space<vmem>>, vector<16xf32>,
      %broadcast_in_dim3A_972 = arith.constant 0.000000e+00 : f32
      %broadcast_in_dim3A_973 = vector.broadcast %broadcast_in_dim3A_972 : f32 to vector<16xf32>
      %swap3A_974 = arith.constant 3 : i32
      %swap3A_975 = arith.index_cast %swap3A_974 : i32 to index
      %swap3A_976 = arith.index_cast %scan3A_923 : i32 to index
      %swap3A_977 = arith.constant 112 : index
      %swap3A_978 = tpu.vector_load %arg6[%swap3A_975, %swap3A_976, %swap3A_977] {strides = array<i32>} : memref<10x80x128xf32, #tpu.memory_space<vmem>>, vector<16xf32>,
      tpu.vector_store %arg6[%swap3A_975, %swap3A_976, %swap3A_977], %broadcast_in_dim3A_973 {strides = array<i32>} : memref<10x80x128xf32, #tpu.memory_space<vmem>>, vector<16xf32>,
    }
    %scan3A_24 = arith.constant 80 : i32
    %scan3A_25 = arith.constant 0 : i32
    %scan3A_26 = arith.constant 0 : i32
    %scan3A_27 = arith.constant 80 : i32
    %scan3A_28 = arith.addi %scan3A_26, %scan3A_27 : i32
    %scan3A_29 = arith.constant 1 : i32
    scf.for %scan3A_923 = %scan3A_26 to %scan3A_28 step %scan3A_29  : i32 {
      %broadcast_in_dim3A_924 = arith.constant 0.000000e+00 : f32
      %broadcast_in_dim3A_925 = vector.broadcast %broadcast_in_dim3A_924 : f32 to vector<16xf32>
      %swap3A = arith.constant 4 : i32
      %swap3A_926 = arith.index_cast %swap3A : i32 to index
      %swap3A_927 = arith.index_cast %scan3A_923 : i32 to index
      %swap3A_928 = arith.constant 0 : index
      %swap3A_929 = tpu.vector_load %arg6[%swap3A_926, %swap3A_927, %swap3A_928] {strides = array<i32>} : memref<10x80x128xf32, #tpu.memory_space<vmem>>, vector<16xf32>,
      tpu.vector_store %arg6[%swap3A_926, %swap3A_927, %swap3A_928], %broadcast_in_dim3A_925 {strides = array<i32>} : memref<10x80x128xf32, #tpu.memory_space<vmem>>, vector<16xf32>,
      %broadcast_in_dim3A_930 = arith.constant 0.000000e+00 : f32
      %broadcast_in_dim3A_931 = vector.broadcast %broadcast_in_dim3A_930 : f32 to vector<16xf32>
      %swap3A_932 = arith.constant 4 : i32
      %swap3A_933 = arith.index_cast %swap3A_932 : i32 to index
      %swap3A_934 = arith.index_cast %scan3A_923 : i32 to index
      %swap3A_935 = arith.constant 16 : index
      %swap3A_936 = tpu.vector_load %arg6[%swap3A_933, %swap3A_934, %swap3A_935] {strides = array<i32>} : memref<10x80x128xf32, #tpu.memory_space<vmem>>, vector<16xf32>,
      tpu.vector_store %arg6[%swap3A_933, %swap3A_934, %swap3A_935], %broadcast_in_dim3A_931 {strides = array<i32>} : memref<10x80x128xf32, #tpu.memory_space<vmem>>, vector<16xf32>,
      %broadcast_in_dim3A_937 = arith.constant 0.000000e+00 : f32
      %broadcast_in_dim3A_938 = vector.broadcast %broadcast_in_dim3A_937 : f32 to vector<16xf32>
      %swap3A_939 = arith.constant 4 : i32
      %swap3A_940 = arith.index_cast %swap3A_939 : i32 to index
      %swap3A_941 = arith.index_cast %scan3A_923 : i32 to index
      %swap3A_942 = arith.constant 32 : index
      %swap3A_943 = tpu.vector_load %arg6[%swap3A_940, %swap3A_941, %swap3A_942] {strides = array<i32>} : memref<10x80x128xf32, #tpu.memory_space<vmem>>, vector<16xf32>,
      tpu.vector_store %arg6[%swap3A_940, %swap3A_941, %swap3A_942], %broadcast_in_dim3A_938 {strides = array<i32>} : memref<10x80x128xf32, #tpu.memory_space<vmem>>, vector<16xf32>,
      %broadcast_in_dim3A_944 = arith.constant 0.000000e+00 : f32
      %broadcast_in_dim3A_945 = vector.broadcast %broadcast_in_dim3A_944 : f32 to vector<16xf32>
      %swap3A_946 = arith.constant 4 : i32
      %swap3A_947 = arith.index_cast %swap3A_946 : i32 to index
      %swap3A_948 = arith.index_cast %scan3A_923 : i32 to index
      %swap3A_949 = arith.constant 48 : index
      %swap3A_950 = tpu.vector_load %arg6[%swap3A_947, %swap3A_948, %swap3A_949] {strides = array<i32>} : memref<10x80x128xf32, #tpu.memory_space<vmem>>, vector<16xf32>,
      tpu.vector_store %arg6[%swap3A_947, %swap3A_948, %swap3A_949], %broadcast_in_dim3A_945 {strides = array<i32>} : memref<10x80x128xf32, #tpu.memory_space<vmem>>, vector<16xf32>,
      %broadcast_in_dim3A_951 = arith.constant 0.000000e+00 : f32
      %broadcast_in_dim3A_952 = vector.broadcast %broadcast_in_dim3A_951 : f32 to vector<16xf32>
      %swap3A_953 = arith.constant 4 : i32
      %swap3A_954 = arith.index_cast %swap3A_953 : i32 to index
      %swap3A_955 = arith.index_cast %scan3A_923 : i32 to index
      %swap3A_956 = arith.constant 64 : index
      %swap3A_957 = tpu.vector_load %arg6[%swap3A_954, %swap3A_955, %swap3A_956] {strides = array<i32>} : memref<10x80x128xf32, #tpu.memory_space<vmem>>, vector<16xf32>,
      tpu.vector_store %arg6[%swap3A_954, %swap3A_955, %swap3A_956], %broadcast_in_dim3A_952 {strides = array<i32>} : memref<10x80x128xf32, #tpu.memory_space<vmem>>, vector<16xf32>,
      %broadcast_in_dim3A_958 = arith.constant 0.000000e+00 : f32
      %broadcast_in_dim3A_959 = vector.broadcast %broadcast_in_dim3A_958 : f32 to vector<16xf32>
      %swap3A_960 = arith.constant 4 : i32
      %swap3A_961 = arith.index_cast %swap3A_960 : i32 to index
      %swap3A_962 = arith.index_cast %scan3A_923 : i32 to index
      %swap3A_963 = arith.constant 80 : index
      %swap3A_964 = tpu.vector_load %arg6[%swap3A_961, %swap3A_962, %swap3A_963] {strides = array<i32>} : memref<10x80x128xf32, #tpu.memory_space<vmem>>, vector<16xf32>,
      tpu.vector_store %arg6[%swap3A_961, %swap3A_962, %swap3A_963], %broadcast_in_dim3A_959 {strides = array<i32>} : memref<10x80x128xf32, #tpu.memory_space<vmem>>, vector<16xf32>,
      %broadcast_in_dim3A_965 = arith.constant 0.000000e+00 : f32
      %broadcast_in_dim3A_966 = vector.broadcast %broadcast_in_dim3A_965 : f32 to vector<16xf32>
      %swap3A_967 = arith.constant 4 : i32
      %swap3A_968 = arith.index_cast %swap3A_967 : i32 to index
      %swap3A_969 = arith.index_cast %scan3A_923 : i32 to index
      %swap3A_970 = arith.constant 96 : index
      %swap3A_971 = tpu.vector_load %arg6[%swap3A_968, %swap3A_969, %swap3A_970] {strides = array<i32>} : memref<10x80x128xf32, #tpu.memory_space<vmem>>, vector<16xf32>,
      tpu.vector_store %arg6[%swap3A_968, %swap3A_969, %swap3A_970], %broadcast_in_dim3A_966 {strides = array<i32>} : memref<10x80x128xf32, #tpu.memory_space<vmem>>, vector<16xf32>,
      %broadcast_in_dim3A_972 = arith.constant 0.000000e+00 : f32
      %broadcast_in_dim3A_973 = vector.broadcast %broadcast_in_dim3A_972 : f32 to vector<16xf32>
      %swap3A_974 = arith.constant 4 : i32
      %swap3A_975 = arith.index_cast %swap3A_974 : i32 to index
      %swap3A_976 = arith.index_cast %scan3A_923 : i32 to index
      %swap3A_977 = arith.constant 112 : index
      %swap3A_978 = tpu.vector_load %arg6[%swap3A_975, %swap3A_976, %swap3A_977] {strides = array<i32>} : memref<10x80x128xf32, #tpu.memory_space<vmem>>, vector<16xf32>,
      tpu.vector_store %arg6[%swap3A_975, %swap3A_976, %swap3A_977], %broadcast_in_dim3A_973 {strides = array<i32>} : memref<10x80x128xf32, #tpu.memory_space<vmem>>, vector<16xf32>,
    }
    %scan3A_30 = arith.constant 80 : i32
    %scan3A_31 = arith.constant 0 : i32
    %scan3A_32 = arith.constant 0 : i32
    %scan3A_33 = arith.constant 80 : i32
    %scan3A_34 = arith.addi %scan3A_32, %scan3A_33 : i32
    %scan3A_35 = arith.constant 1 : i32
    scf.for %scan3A_923 = %scan3A_32 to %scan3A_34 step %scan3A_35  : i32 {
      %broadcast_in_dim3A_924 = arith.constant 0.000000e+00 : f32
      %broadcast_in_dim3A_925 = vector.broadcast %broadcast_in_dim3A_924 : f32 to vector<16xf32>
      %swap3A = arith.constant 5 : i32
      %swap3A_926 = arith.index_cast %swap3A : i32 to index
      %swap3A_927 = arith.index_cast %scan3A_923 : i32 to index
      %swap3A_928 = arith.constant 0 : index
      %swap3A_929 = tpu.vector_load %arg6[%swap3A_926, %swap3A_927, %swap3A_928] {strides = array<i32>} : memref<10x80x128xf32, #tpu.memory_space<vmem>>, vector<16xf32>,
      tpu.vector_store %arg6[%swap3A_926, %swap3A_927, %swap3A_928], %broadcast_in_dim3A_925 {strides = array<i32>} : memref<10x80x128xf32, #tpu.memory_space<vmem>>, vector<16xf32>,
      %broadcast_in_dim3A_930 = arith.constant 0.000000e+00 : f32
      %broadcast_in_dim3A_931 = vector.broadcast %broadcast_in_dim3A_930 : f32 to vector<16xf32>
      %swap3A_932 = arith.constant 5 : i32
      %swap3A_933 = arith.index_cast %swap3A_932 : i32 to index
      %swap3A_934 = arith.index_cast %scan3A_923 : i32 to index
      %swap3A_935 = arith.constant 16 : index
      %swap3A_936 = tpu.vector_load %arg6[%swap3A_933, %swap3A_934, %swap3A_935] {strides = array<i32>} : memref<10x80x128xf32, #tpu.memory_space<vmem>>, vector<16xf32>,
      tpu.vector_store %arg6[%swap3A_933, %swap3A_934, %swap3A_935], %broadcast_in_dim3A_931 {strides = array<i32>} : memref<10x80x128xf32, #tpu.memory_space<vmem>>, vector<16xf32>,
      %broadcast_in_dim3A_937 = arith.constant 0.000000e+00 : f32
      %broadcast_in_dim3A_938 = vector.broadcast %broadcast_in_dim3A_937 : f32 to vector<16xf32>
      %swap3A_939 = arith.constant 5 : i32
      %swap3A_940 = arith.index_cast %swap3A_939 : i32 to index
      %swap3A_941 = arith.index_cast %scan3A_923 : i32 to index
      %swap3A_942 = arith.constant 32 : index
      %swap3A_943 = tpu.vector_load %arg6[%swap3A_940, %swap3A_941, %swap3A_942] {strides = array<i32>} : memref<10x80x128xf32, #tpu.memory_space<vmem>>, vector<16xf32>,
      tpu.vector_store %arg6[%swap3A_940, %swap3A_941, %swap3A_942], %broadcast_in_dim3A_938 {strides = array<i32>} : memref<10x80x128xf32, #tpu.memory_space<vmem>>, vector<16xf32>,
      %broadcast_in_dim3A_944 = arith.constant 0.000000e+00 : f32
      %broadcast_in_dim3A_945 = vector.broadcast %broadcast_in_dim3A_944 : f32 to vector<16xf32>
      %swap3A_946 = arith.constant 5 : i32
      %swap3A_947 = arith.index_cast %swap3A_946 : i32 to index
      %swap3A_948 = arith.index_cast %scan3A_923 : i32 to index
      %swap3A_949 = arith.constant 48 : index
      %swap3A_950 = tpu.vector_load %arg6[%swap3A_947, %swap3A_948, %swap3A_949] {strides = array<i32>} : memref<10x80x128xf32, #tpu.memory_space<vmem>>, vector<16xf32>,
      tpu.vector_store %arg6[%swap3A_947, %swap3A_948, %swap3A_949], %broadcast_in_dim3A_945 {strides = array<i32>} : memref<10x80x128xf32, #tpu.memory_space<vmem>>, vector<16xf32>,
      %broadcast_in_dim3A_951 = arith.constant 0.000000e+00 : f32
      %broadcast_in_dim3A_952 = vector.broadcast %broadcast_in_dim3A_951 : f32 to vector<16xf32>
      %swap3A_953 = arith.constant 5 : i32
      %swap3A_954 = arith.index_cast %swap3A_953 : i32 to index
      %swap3A_955 = arith.index_cast %scan3A_923 : i32 to index
      %swap3A_956 = arith.constant 64 : index
      %swap3A_957 = tpu.vector_load %arg6[%swap3A_954, %swap3A_955, %swap3A_956] {strides = array<i32>} : memref<10x80x128xf32, #tpu.memory_space<vmem>>, vector<16xf32>,
      tpu.vector_store %arg6[%swap3A_954, %swap3A_955, %swap3A_956], %broadcast_in_dim3A_952 {strides = array<i32>} : memref<10x80x128xf32, #tpu.memory_space<vmem>>, vector<16xf32>,
      %broadcast_in_dim3A_958 = arith.constant 0.000000e+00 : f32
      %broadcast_in_dim3A_959 = vector.broadcast %broadcast_in_dim3A_958 : f32 to vector<16xf32>
      %swap3A_960 = arith.constant 5 : i32
      %swap3A_961 = arith.index_cast %swap3A_960 : i32 to index
      %swap3A_962 = arith.index_cast %scan3A_923 : i32 to index
      %swap3A_963 = arith.constant 80 : index
      %swap3A_964 = tpu.vector_load %arg6[%swap3A_961, %swap3A_962, %swap3A_963] {strides = array<i32>} : memref<10x80x128xf32, #tpu.memory_space<vmem>>, vector<16xf32>,
      tpu.vector_store %arg6[%swap3A_961, %swap3A_962, %swap3A_963], %broadcast_in_dim3A_959 {strides = array<i32>} : memref<10x80x128xf32, #tpu.memory_space<vmem>>, vector<16xf32>,
      %broadcast_in_dim3A_965 = arith.constant 0.000000e+00 : f32
      %broadcast_in_dim3A_966 = vector.broadcast %broadcast_in_dim3A_965 : f32 to vector<16xf32>
      %swap3A_967 = arith.constant 5 : i32
      %swap3A_968 = arith.index_cast %swap3A_967 : i32 to index
      %swap3A_969 = arith.index_cast %scan3A_923 : i32 to index
      %swap3A_970 = arith.constant 96 : index
      %swap3A_971 = tpu.vector_load %arg6[%swap3A_968, %swap3A_969, %swap3A_970] {strides = array<i32>} : memref<10x80x128xf32, #tpu.memory_space<vmem>>, vector<16xf32>,
      tpu.vector_store %arg6[%swap3A_968, %swap3A_969, %swap3A_970], %broadcast_in_dim3A_966 {strides = array<i32>} : memref<10x80x128xf32, #tpu.memory_space<vmem>>, vector<16xf32>,
      %broadcast_in_dim3A_972 = arith.constant 0.000000e+00 : f32
      %broadcast_in_dim3A_973 = vector.broadcast %broadcast_in_dim3A_972 : f32 to vector<16xf32>
      %swap3A_974 = arith.constant 5 : i32
      %swap3A_975 = arith.index_cast %swap3A_974 : i32 to index
      %swap3A_976 = arith.index_cast %scan3A_923 : i32 to index
      %swap3A_977 = arith.constant 112 : index
      %swap3A_978 = tpu.vector_load %arg6[%swap3A_975, %swap3A_976, %swap3A_977] {strides = array<i32>} : memref<10x80x128xf32, #tpu.memory_space<vmem>>, vector<16xf32>,
      tpu.vector_store %arg6[%swap3A_975, %swap3A_976, %swap3A_977], %broadcast_in_dim3A_973 {strides = array<i32>} : memref<10x80x128xf32, #tpu.memory_space<vmem>>, vector<16xf32>,
    }
    %scan3A_36 = arith.constant 80 : i32
    %scan3A_37 = arith.constant 0 : i32
    %scan3A_38 = arith.constant 0 : i32
    %scan3A_39 = arith.constant 80 : i32
    %scan3A_40 = arith.addi %scan3A_38, %scan3A_39 : i32
    %scan3A_41 = arith.constant 1 : i32
    scf.for %scan3A_923 = %scan3A_38 to %scan3A_40 step %scan3A_41  : i32 {
      %broadcast_in_dim3A_924 = arith.constant 0.000000e+00 : f32
      %broadcast_in_dim3A_925 = vector.broadcast %broadcast_in_dim3A_924 : f32 to vector<16xf32>
      %swap3A = arith.constant 6 : i32
      %swap3A_926 = arith.index_cast %swap3A : i32 to index
      %swap3A_927 = arith.index_cast %scan3A_923 : i32 to index
      %swap3A_928 = arith.constant 0 : index
      %swap3A_929 = tpu.vector_load %arg6[%swap3A_926, %swap3A_927, %swap3A_928] {strides = array<i32>} : memref<10x80x128xf32, #tpu.memory_space<vmem>>, vector<16xf32>,
      tpu.vector_store %arg6[%swap3A_926, %swap3A_927, %swap3A_928], %broadcast_in_dim3A_925 {strides = array<i32>} : memref<10x80x128xf32, #tpu.memory_space<vmem>>, vector<16xf32>,
      %broadcast_in_dim3A_930 = arith.constant 0.000000e+00 : f32
      %broadcast_in_dim3A_931 = vector.broadcast %broadcast_in_dim3A_930 : f32 to vector<16xf32>
      %swap3A_932 = arith.constant 6 : i32
      %swap3A_933 = arith.index_cast %swap3A_932 : i32 to index
      %swap3A_934 = arith.index_cast %scan3A_923 : i32 to index
      %swap3A_935 = arith.constant 16 : index
      %swap3A_936 = tpu.vector_load %arg6[%swap3A_933, %swap3A_934, %swap3A_935] {strides = array<i32>} : memref<10x80x128xf32, #tpu.memory_space<vmem>>, vector<16xf32>,
      tpu.vector_store %arg6[%swap3A_933, %swap3A_934, %swap3A_935], %broadcast_in_dim3A_931 {strides = array<i32>} : memref<10x80x128xf32, #tpu.memory_space<vmem>>, vector<16xf32>,
      %broadcast_in_dim3A_937 = arith.constant 0.000000e+00 : f32
      %broadcast_in_dim3A_938 = vector.broadcast %broadcast_in_dim3A_937 : f32 to vector<16xf32>
      %swap3A_939 = arith.constant 6 : i32
      %swap3A_940 = arith.index_cast %swap3A_939 : i32 to index
      %swap3A_941 = arith.index_cast %scan3A_923 : i32 to index
      %swap3A_942 = arith.constant 32 : index
      %swap3A_943 = tpu.vector_load %arg6[%swap3A_940, %swap3A_941, %swap3A_942] {strides = array<i32>} : memref<10x80x128xf32, #tpu.memory_space<vmem>>, vector<16xf32>,
      tpu.vector_store %arg6[%swap3A_940, %swap3A_941, %swap3A_942], %broadcast_in_dim3A_938 {strides = array<i32>} : memref<10x80x128xf32, #tpu.memory_space<vmem>>, vector<16xf32>,
      %broadcast_in_dim3A_944 = arith.constant 0.000000e+00 : f32
      %broadcast_in_dim3A_945 = vector.broadcast %broadcast_in_dim3A_944 : f32 to vector<16xf32>
      %swap3A_946 = arith.constant 6 : i32
      %swap3A_947 = arith.index_cast %swap3A_946 : i32 to index
      %swap3A_948 = arith.index_cast %scan3A_923 : i32 to index
      %swap3A_949 = arith.constant 48 : index
      %swap3A_950 = tpu.vector_load %arg6[%swap3A_947, %swap3A_948, %swap3A_949] {strides = array<i32>} : memref<10x80x128xf32, #tpu.memory_space<vmem>>, vector<16xf32>,
      tpu.vector_store %arg6[%swap3A_947, %swap3A_948, %swap3A_949], %broadcast_in_dim3A_945 {strides = array<i32>} : memref<10x80x128xf32, #tpu.memory_space<vmem>>, vector<16xf32>,
      %broadcast_in_dim3A_951 = arith.constant 0.000000e+00 : f32
      %broadcast_in_dim3A_952 = vector.broadcast %broadcast_in_dim3A_951 : f32 to vector<16xf32>
      %swap3A_953 = arith.constant 6 : i32
      %swap3A_954 = arith.index_cast %swap3A_953 : i32 to index
      %swap3A_955 = arith.index_cast %scan3A_923 : i32 to index
      %swap3A_956 = arith.constant 64 : index
      %swap3A_957 = tpu.vector_load %arg6[%swap3A_954, %swap3A_955, %swap3A_956] {strides = array<i32>} : memref<10x80x128xf32, #tpu.memory_space<vmem>>, vector<16xf32>,
      tpu.vector_store %arg6[%swap3A_954, %swap3A_955, %swap3A_956], %broadcast_in_dim3A_952 {strides = array<i32>} : memref<10x80x128xf32, #tpu.memory_space<vmem>>, vector<16xf32>,
      %broadcast_in_dim3A_958 = arith.constant 0.000000e+00 : f32
      %broadcast_in_dim3A_959 = vector.broadcast %broadcast_in_dim3A_958 : f32 to vector<16xf32>
      %swap3A_960 = arith.constant 6 : i32
      %swap3A_961 = arith.index_cast %swap3A_960 : i32 to index
      %swap3A_962 = arith.index_cast %scan3A_923 : i32 to index
      %swap3A_963 = arith.constant 80 : index
      %swap3A_964 = tpu.vector_load %arg6[%swap3A_961, %swap3A_962, %swap3A_963] {strides = array<i32>} : memref<10x80x128xf32, #tpu.memory_space<vmem>>, vector<16xf32>,
      tpu.vector_store %arg6[%swap3A_961, %swap3A_962, %swap3A_963], %broadcast_in_dim3A_959 {strides = array<i32>} : memref<10x80x128xf32, #tpu.memory_space<vmem>>, vector<16xf32>,
      %broadcast_in_dim3A_965 = arith.constant 0.000000e+00 : f32
      %broadcast_in_dim3A_966 = vector.broadcast %broadcast_in_dim3A_965 : f32 to vector<16xf32>
      %swap3A_967 = arith.constant 6 : i32
      %swap3A_968 = arith.index_cast %swap3A_967 : i32 to index
      %swap3A_969 = arith.index_cast %scan3A_923 : i32 to index
      %swap3A_970 = arith.constant 96 : index
      %swap3A_971 = tpu.vector_load %arg6[%swap3A_968, %swap3A_969, %swap3A_970] {strides = array<i32>} : memref<10x80x128xf32, #tpu.memory_space<vmem>>, vector<16xf32>,
      tpu.vector_store %arg6[%swap3A_968, %swap3A_969, %swap3A_970], %broadcast_in_dim3A_966 {strides = array<i32>} : memref<10x80x128xf32, #tpu.memory_space<vmem>>, vector<16xf32>,
      %broadcast_in_dim3A_972 = arith.constant 0.000000e+00 : f32
      %broadcast_in_dim3A_973 = vector.broadcast %broadcast_in_dim3A_972 : f32 to vector<16xf32>
      %swap3A_974 = arith.constant 6 : i32
      %swap3A_975 = arith.index_cast %swap3A_974 : i32 to index
      %swap3A_976 = arith.index_cast %scan3A_923 : i32 to index
      %swap3A_977 = arith.constant 112 : index
      %swap3A_978 = tpu.vector_load %arg6[%swap3A_975, %swap3A_976, %swap3A_977] {strides = array<i32>} : memref<10x80x128xf32, #tpu.memory_space<vmem>>, vector<16xf32>,
      tpu.vector_store %arg6[%swap3A_975, %swap3A_976, %swap3A_977], %broadcast_in_dim3A_973 {strides = array<i32>} : memref<10x80x128xf32, #tpu.memory_space<vmem>>, vector<16xf32>,
    }
    %scan3A_42 = arith.constant 80 : i32
    %scan3A_43 = arith.constant 0 : i32
    %scan3A_44 = arith.constant 0 : i32
    %scan3A_45 = arith.constant 80 : i32
    %scan3A_46 = arith.addi %scan3A_44, %scan3A_45 : i32
    %scan3A_47 = arith.constant 1 : i32
    scf.for %scan3A_923 = %scan3A_44 to %scan3A_46 step %scan3A_47  : i32 {
      %broadcast_in_dim3A_924 = arith.constant 0.000000e+00 : f32
      %broadcast_in_dim3A_925 = vector.broadcast %broadcast_in_dim3A_924 : f32 to vector<16xf32>
      %swap3A = arith.constant 7 : i32
      %swap3A_926 = arith.index_cast %swap3A : i32 to index
      %swap3A_927 = arith.index_cast %scan3A_923 : i32 to index
      %swap3A_928 = arith.constant 0 : index
      %swap3A_929 = tpu.vector_load %arg6[%swap3A_926, %swap3A_927, %swap3A_928] {strides = array<i32>} : memref<10x80x128xf32, #tpu.memory_space<vmem>>, vector<16xf32>,
      tpu.vector_store %arg6[%swap3A_926, %swap3A_927, %swap3A_928], %broadcast_in_dim3A_925 {strides = array<i32>} : memref<10x80x128xf32, #tpu.memory_space<vmem>>, vector<16xf32>,
      %broadcast_in_dim3A_930 = arith.constant 0.000000e+00 : f32
      %broadcast_in_dim3A_931 = vector.broadcast %broadcast_in_dim3A_930 : f32 to vector<16xf32>
      %swap3A_932 = arith.constant 7 : i32
      %swap3A_933 = arith.index_cast %swap3A_932 : i32 to index
      %swap3A_934 = arith.index_cast %scan3A_923 : i32 to index
      %swap3A_935 = arith.constant 16 : index
      %swap3A_936 = tpu.vector_load %arg6[%swap3A_933, %swap3A_934, %swap3A_935] {strides = array<i32>} : memref<10x80x128xf32, #tpu.memory_space<vmem>>, vector<16xf32>,
      tpu.vector_store %arg6[%swap3A_933, %swap3A_934, %swap3A_935], %broadcast_in_dim3A_931 {strides = array<i32>} : memref<10x80x128xf32, #tpu.memory_space<vmem>>, vector<16xf32>,
      %broadcast_in_dim3A_937 = arith.constant 0.000000e+00 : f32
      %broadcast_in_dim3A_938 = vector.broadcast %broadcast_in_dim3A_937 : f32 to vector<16xf32>
      %swap3A_939 = arith.constant 7 : i32
      %swap3A_940 = arith.index_cast %swap3A_939 : i32 to index
      %swap3A_941 = arith.index_cast %scan3A_923 : i32 to index
      %swap3A_942 = arith.constant 32 : index
      %swap3A_943 = tpu.vector_load %arg6[%swap3A_940, %swap3A_941, %swap3A_942] {strides = array<i32>} : memref<10x80x128xf32, #tpu.memory_space<vmem>>, vector<16xf32>,
      tpu.vector_store %arg6[%swap3A_940, %swap3A_941, %swap3A_942], %broadcast_in_dim3A_938 {strides = array<i32>} : memref<10x80x128xf32, #tpu.memory_space<vmem>>, vector<16xf32>,
      %broadcast_in_dim3A_944 = arith.constant 0.000000e+00 : f32
      %broadcast_in_dim3A_945 = vector.broadcast %broadcast_in_dim3A_944 : f32 to vector<16xf32>
      %swap3A_946 = arith.constant 7 : i32
      %swap3A_947 = arith.index_cast %swap3A_946 : i32 to index
      %swap3A_948 = arith.index_cast %scan3A_923 : i32 to index
      %swap3A_949 = arith.constant 48 : index
      %swap3A_950 = tpu.vector_load %arg6[%swap3A_947, %swap3A_948, %swap3A_949] {strides = array<i32>} : memref<10x80x128xf32, #tpu.memory_space<vmem>>, vector<16xf32>,
      tpu.vector_store %arg6[%swap3A_947, %swap3A_948, %swap3A_949], %broadcast_in_dim3A_945 {strides = array<i32>} : memref<10x80x128xf32, #tpu.memory_space<vmem>>, vector<16xf32>,
      %broadcast_in_dim3A_951 = arith.constant 0.000000e+00 : f32
      %broadcast_in_dim3A_952 = vector.broadcast %broadcast_in_dim3A_951 : f32 to vector<16xf32>
      %swap3A_953 = arith.constant 7 : i32
      %swap3A_954 = arith.index_cast %swap3A_953 : i32 to index
      %swap3A_955 = arith.index_cast %scan3A_923 : i32 to index
      %swap3A_956 = arith.constant 64 : index
      %swap3A_957 = tpu.vector_load %arg6[%swap3A_954, %swap3A_955, %swap3A_956] {strides = array<i32>} : memref<10x80x128xf32, #tpu.memory_space<vmem>>, vector<16xf32>,
      tpu.vector_store %arg6[%swap3A_954, %swap3A_955, %swap3A_956], %broadcast_in_dim3A_952 {strides = array<i32>} : memref<10x80x128xf32, #tpu.memory_space<vmem>>, vector<16xf32>,
      %broadcast_in_dim3A_958 = arith.constant 0.000000e+00 : f32
      %broadcast_in_dim3A_959 = vector.broadcast %broadcast_in_dim3A_958 : f32 to vector<16xf32>
      %swap3A_960 = arith.constant 7 : i32
      %swap3A_961 = arith.index_cast %swap3A_960 : i32 to index
      %swap3A_962 = arith.index_cast %scan3A_923 : i32 to index
      %swap3A_963 = arith.constant 80 : index
      %swap3A_964 = tpu.vector_load %arg6[%swap3A_961, %swap3A_962, %swap3A_963] {strides = array<i32>} : memref<10x80x128xf32, #tpu.memory_space<vmem>>, vector<16xf32>,
      tpu.vector_store %arg6[%swap3A_961, %swap3A_962, %swap3A_963], %broadcast_in_dim3A_959 {strides = array<i32>} : memref<10x80x128xf32, #tpu.memory_space<vmem>>, vector<16xf32>,
      %broadcast_in_dim3A_965 = arith.constant 0.000000e+00 : f32
      %broadcast_in_dim3A_966 = vector.broadcast %broadcast_in_dim3A_965 : f32 to vector<16xf32>
      %swap3A_967 = arith.constant 7 : i32
      %swap3A_968 = arith.index_cast %swap3A_967 : i32 to index
      %swap3A_969 = arith.index_cast %scan3A_923 : i32 to index
      %swap3A_970 = arith.constant 96 : index
      %swap3A_971 = tpu.vector_load %arg6[%swap3A_968, %swap3A_969, %swap3A_970] {strides = array<i32>} : memref<10x80x128xf32, #tpu.memory_space<vmem>>, vector<16xf32>,
      tpu.vector_store %arg6[%swap3A_968, %swap3A_969, %swap3A_970], %broadcast_in_dim3A_966 {strides = array<i32>} : memref<10x80x128xf32, #tpu.memory_space<vmem>>, vector<16xf32>,
      %broadcast_in_dim3A_972 = arith.constant 0.000000e+00 : f32
      %broadcast_in_dim3A_973 = vector.broadcast %broadcast_in_dim3A_972 : f32 to vector<16xf32>
      %swap3A_974 = arith.constant 7 : i32
      %swap3A_975 = arith.index_cast %swap3A_974 : i32 to index
      %swap3A_976 = arith.index_cast %scan3A_923 : i32 to index
      %swap3A_977 = arith.constant 112 : index
      %swap3A_978 = tpu.vector_load %arg6[%swap3A_975, %swap3A_976, %swap3A_977] {strides = array<i32>} : memref<10x80x128xf32, #tpu.memory_space<vmem>>, vector<16xf32>,
      tpu.vector_store %arg6[%swap3A_975, %swap3A_976, %swap3A_977], %broadcast_in_dim3A_973 {strides = array<i32>} : memref<10x80x128xf32, #tpu.memory_space<vmem>>, vector<16xf32>,
    }
    %scan3A_48 = arith.constant 80 : i32
    %scan3A_49 = arith.constant 0 : i32
    %scan3A_50 = arith.constant 0 : i32
    %scan3A_51 = arith.constant 80 : i32
    %scan3A_52 = arith.addi %scan3A_50, %scan3A_51 : i32
    %scan3A_53 = arith.constant 1 : i32
    scf.for %scan3A_923 = %scan3A_50 to %scan3A_52 step %scan3A_53  : i32 {
      %broadcast_in_dim3A_924 = arith.constant 0.000000e+00 : f32
      %broadcast_in_dim3A_925 = vector.broadcast %broadcast_in_dim3A_924 : f32 to vector<16xf32>
      %swap3A = arith.constant 8 : i32
      %swap3A_926 = arith.index_cast %swap3A : i32 to index
      %swap3A_927 = arith.index_cast %scan3A_923 : i32 to index
      %swap3A_928 = arith.constant 0 : index
      %swap3A_929 = tpu.vector_load %arg6[%swap3A_926, %swap3A_927, %swap3A_928] {strides = array<i32>} : memref<10x80x128xf32, #tpu.memory_space<vmem>>, vector<16xf32>,
      tpu.vector_store %arg6[%swap3A_926, %swap3A_927, %swap3A_928], %broadcast_in_dim3A_925 {strides = array<i32>} : memref<10x80x128xf32, #tpu.memory_space<vmem>>, vector<16xf32>,
      %broadcast_in_dim3A_930 = arith.constant 0.000000e+00 : f32
      %broadcast_in_dim3A_931 = vector.broadcast %broadcast_in_dim3A_930 : f32 to vector<16xf32>
      %swap3A_932 = arith.constant 8 : i32
      %swap3A_933 = arith.index_cast %swap3A_932 : i32 to index
      %swap3A_934 = arith.index_cast %scan3A_923 : i32 to index
      %swap3A_935 = arith.constant 16 : index
      %swap3A_936 = tpu.vector_load %arg6[%swap3A_933, %swap3A_934, %swap3A_935] {strides = array<i32>} : memref<10x80x128xf32, #tpu.memory_space<vmem>>, vector<16xf32>,
      tpu.vector_store %arg6[%swap3A_933, %swap3A_934, %swap3A_935], %broadcast_in_dim3A_931 {strides = array<i32>} : memref<10x80x128xf32, #tpu.memory_space<vmem>>, vector<16xf32>,
      %broadcast_in_dim3A_937 = arith.constant 0.000000e+00 : f32
      %broadcast_in_dim3A_938 = vector.broadcast %broadcast_in_dim3A_937 : f32 to vector<16xf32>
      %swap3A_939 = arith.constant 8 : i32
      %swap3A_940 = arith.index_cast %swap3A_939 : i32 to index
      %swap3A_941 = arith.index_cast %scan3A_923 : i32 to index
      %swap3A_942 = arith.constant 32 : index
      %swap3A_943 = tpu.vector_load %arg6[%swap3A_940, %swap3A_941, %swap3A_942] {strides = array<i32>} : memref<10x80x128xf32, #tpu.memory_space<vmem>>, vector<16xf32>,
      tpu.vector_store %arg6[%swap3A_940, %swap3A_941, %swap3A_942], %broadcast_in_dim3A_938 {strides = array<i32>} : memref<10x80x128xf32, #tpu.memory_space<vmem>>, vector<16xf32>,
      %broadcast_in_dim3A_944 = arith.constant 0.000000e+00 : f32
      %broadcast_in_dim3A_945 = vector.broadcast %broadcast_in_dim3A_944 : f32 to vector<16xf32>
      %swap3A_946 = arith.constant 8 : i32
      %swap3A_947 = arith.index_cast %swap3A_946 : i32 to index
      %swap3A_948 = arith.index_cast %scan3A_923 : i32 to index
      %swap3A_949 = arith.constant 48 : index
      %swap3A_950 = tpu.vector_load %arg6[%swap3A_947, %swap3A_948, %swap3A_949] {strides = array<i32>} : memref<10x80x128xf32, #tpu.memory_space<vmem>>, vector<16xf32>,
      tpu.vector_store %arg6[%swap3A_947, %swap3A_948, %swap3A_949], %broadcast_in_dim3A_945 {strides = array<i32>} : memref<10x80x128xf32, #tpu.memory_space<vmem>>, vector<16xf32>,
      %broadcast_in_dim3A_951 = arith.constant 0.000000e+00 : f32
      %broadcast_in_dim3A_952 = vector.broadcast %broadcast_in_dim3A_951 : f32 to vector<16xf32>
      %swap3A_953 = arith.constant 8 : i32
      %swap3A_954 = arith.index_cast %swap3A_953 : i32 to index
      %swap3A_955 = arith.index_cast %scan3A_923 : i32 to index
      %swap3A_956 = arith.constant 64 : index
      %swap3A_957 = tpu.vector_load %arg6[%swap3A_954, %swap3A_955, %swap3A_956] {strides = array<i32>} : memref<10x80x128xf32, #tpu.memory_space<vmem>>, vector<16xf32>,
      tpu.vector_store %arg6[%swap3A_954, %swap3A_955, %swap3A_956], %broadcast_in_dim3A_952 {strides = array<i32>} : memref<10x80x128xf32, #tpu.memory_space<vmem>>, vector<16xf32>,
      %broadcast_in_dim3A_958 = arith.constant 0.000000e+00 : f32
      %broadcast_in_dim3A_959 = vector.broadcast %broadcast_in_dim3A_958 : f32 to vector<16xf32>
      %swap3A_960 = arith.constant 8 : i32
      %swap3A_961 = arith.index_cast %swap3A_960 : i32 to index
      %swap3A_962 = arith.index_cast %scan3A_923 : i32 to index
      %swap3A_963 = arith.constant 80 : index
      %swap3A_964 = tpu.vector_load %arg6[%swap3A_961, %swap3A_962, %swap3A_963] {strides = array<i32>} : memref<10x80x128xf32, #tpu.memory_space<vmem>>, vector<16xf32>,
      tpu.vector_store %arg6[%swap3A_961, %swap3A_962, %swap3A_963], %broadcast_in_dim3A_959 {strides = array<i32>} : memref<10x80x128xf32, #tpu.memory_space<vmem>>, vector<16xf32>,
      %broadcast_in_dim3A_965 = arith.constant 0.000000e+00 : f32
      %broadcast_in_dim3A_966 = vector.broadcast %broadcast_in_dim3A_965 : f32 to vector<16xf32>
      %swap3A_967 = arith.constant 8 : i32
      %swap3A_968 = arith.index_cast %swap3A_967 : i32 to index
      %swap3A_969 = arith.index_cast %scan3A_923 : i32 to index
      %swap3A_970 = arith.constant 96 : index
      %swap3A_971 = tpu.vector_load %arg6[%swap3A_968, %swap3A_969, %swap3A_970] {strides = array<i32>} : memref<10x80x128xf32, #tpu.memory_space<vmem>>, vector<16xf32>,
      tpu.vector_store %arg6[%swap3A_968, %swap3A_969, %swap3A_970], %broadcast_in_dim3A_966 {strides = array<i32>} : memref<10x80x128xf32, #tpu.memory_space<vmem>>, vector<16xf32>,
      %broadcast_in_dim3A_972 = arith.constant 0.000000e+00 : f32
      %broadcast_in_dim3A_973 = vector.broadcast %broadcast_in_dim3A_972 : f32 to vector<16xf32>
      %swap3A_974 = arith.constant 8 : i32
      %swap3A_975 = arith.index_cast %swap3A_974 : i32 to index
      %swap3A_976 = arith.index_cast %scan3A_923 : i32 to index
      %swap3A_977 = arith.constant 112 : index
      %swap3A_978 = tpu.vector_load %arg6[%swap3A_975, %swap3A_976, %swap3A_977] {strides = array<i32>} : memref<10x80x128xf32, #tpu.memory_space<vmem>>, vector<16xf32>,
      tpu.vector_store %arg6[%swap3A_975, %swap3A_976, %swap3A_977], %broadcast_in_dim3A_973 {strides = array<i32>} : memref<10x80x128xf32, #tpu.memory_space<vmem>>, vector<16xf32>,
    }
    %scan3A_54 = arith.constant 80 : i32
    %scan3A_55 = arith.constant 0 : i32
    %scan3A_56 = arith.constant 0 : i32
    %scan3A_57 = arith.constant 80 : i32
    %scan3A_58 = arith.addi %scan3A_56, %scan3A_57 : i32
    %scan3A_59 = arith.constant 1 : i32
    scf.for %scan3A_923 = %scan3A_56 to %scan3A_58 step %scan3A_59  : i32 {
      %broadcast_in_dim3A_924 = arith.constant 0.000000e+00 : f32
      %broadcast_in_dim3A_925 = vector.broadcast %broadcast_in_dim3A_924 : f32 to vector<16xf32>
      %swap3A = arith.constant 9 : i32
      %swap3A_926 = arith.index_cast %swap3A : i32 to index
      %swap3A_927 = arith.index_cast %scan3A_923 : i32 to index
      %swap3A_928 = arith.constant 0 : index
      %swap3A_929 = tpu.vector_load %arg6[%swap3A_926, %swap3A_927, %swap3A_928] {strides = array<i32>} : memref<10x80x128xf32, #tpu.memory_space<vmem>>, vector<16xf32>,
      tpu.vector_store %arg6[%swap3A_926, %swap3A_927, %swap3A_928], %broadcast_in_dim3A_925 {strides = array<i32>} : memref<10x80x128xf32, #tpu.memory_space<vmem>>, vector<16xf32>,
      %broadcast_in_dim3A_930 = arith.constant 0.000000e+00 : f32
      %broadcast_in_dim3A_931 = vector.broadcast %broadcast_in_dim3A_930 : f32 to vector<16xf32>
      %swap3A_932 = arith.constant 9 : i32
      %swap3A_933 = arith.index_cast %swap3A_932 : i32 to index
      %swap3A_934 = arith.index_cast %scan3A_923 : i32 to index
      %swap3A_935 = arith.constant 16 : index
      %swap3A_936 = tpu.vector_load %arg6[%swap3A_933, %swap3A_934, %swap3A_935] {strides = array<i32>} : memref<10x80x128xf32, #tpu.memory_space<vmem>>, vector<16xf32>,
      tpu.vector_store %arg6[%swap3A_933, %swap3A_934, %swap3A_935], %broadcast_in_dim3A_931 {strides = array<i32>} : memref<10x80x128xf32, #tpu.memory_space<vmem>>, vector<16xf32>,
      %broadcast_in_dim3A_937 = arith.constant 0.000000e+00 : f32
      %broadcast_in_dim3A_938 = vector.broadcast %broadcast_in_dim3A_937 : f32 to vector<16xf32>
      %swap3A_939 = arith.constant 9 : i32
      %swap3A_940 = arith.index_cast %swap3A_939 : i32 to index
      %swap3A_941 = arith.index_cast %scan3A_923 : i32 to index
      %swap3A_942 = arith.constant 32 : index
      %swap3A_943 = tpu.vector_load %arg6[%swap3A_940, %swap3A_941, %swap3A_942] {strides = array<i32>} : memref<10x80x128xf32, #tpu.memory_space<vmem>>, vector<16xf32>,
      tpu.vector_store %arg6[%swap3A_940, %swap3A_941, %swap3A_942], %broadcast_in_dim3A_938 {strides = array<i32>} : memref<10x80x128xf32, #tpu.memory_space<vmem>>, vector<16xf32>,
      %broadcast_in_dim3A_944 = arith.constant 0.000000e+00 : f32
      %broadcast_in_dim3A_945 = vector.broadcast %broadcast_in_dim3A_944 : f32 to vector<16xf32>
      %swap3A_946 = arith.constant 9 : i32
      %swap3A_947 = arith.index_cast %swap3A_946 : i32 to index
      %swap3A_948 = arith.index_cast %scan3A_923 : i32 to index
      %swap3A_949 = arith.constant 48 : index
      %swap3A_950 = tpu.vector_load %arg6[%swap3A_947, %swap3A_948, %swap3A_949] {strides = array<i32>} : memref<10x80x128xf32, #tpu.memory_space<vmem>>, vector<16xf32>,
      tpu.vector_store %arg6[%swap3A_947, %swap3A_948, %swap3A_949], %broadcast_in_dim3A_945 {strides = array<i32>} : memref<10x80x128xf32, #tpu.memory_space<vmem>>, vector<16xf32>,
      %broadcast_in_dim3A_951 = arith.constant 0.000000e+00 : f32
      %broadcast_in_dim3A_952 = vector.broadcast %broadcast_in_dim3A_951 : f32 to vector<16xf32>
      %swap3A_953 = arith.constant 9 : i32
      %swap3A_954 = arith.index_cast %swap3A_953 : i32 to index
      %swap3A_955 = arith.index_cast %scan3A_923 : i32 to index
      %swap3A_956 = arith.constant 64 : index
      %swap3A_957 = tpu.vector_load %arg6[%swap3A_954, %swap3A_955, %swap3A_956] {strides = array<i32>} : memref<10x80x128xf32, #tpu.memory_space<vmem>>, vector<16xf32>,
      tpu.vector_store %arg6[%swap3A_954, %swap3A_955, %swap3A_956], %broadcast_in_dim3A_952 {strides = array<i32>} : memref<10x80x128xf32, #tpu.memory_space<vmem>>, vector<16xf32>,
      %broadcast_in_dim3A_958 = arith.constant 0.000000e+00 : f32
      %broadcast_in_dim3A_959 = vector.broadcast %broadcast_in_dim3A_958 : f32 to vector<16xf32>
      %swap3A_960 = arith.constant 9 : i32
      %swap3A_961 = arith.index_cast %swap3A_960 : i32 to index
      %swap3A_962 = arith.index_cast %scan3A_923 : i32 to index
      %swap3A_963 = arith.constant 80 : index
      %swap3A_964 = tpu.vector_load %arg6[%swap3A_961, %swap3A_962, %swap3A_963] {strides = array<i32>} : memref<10x80x128xf32, #tpu.memory_space<vmem>>, vector<16xf32>,
      tpu.vector_store %arg6[%swap3A_961, %swap3A_962, %swap3A_963], %broadcast_in_dim3A_959 {strides = array<i32>} : memref<10x80x128xf32, #tpu.memory_space<vmem>>, vector<16xf32>,
      %broadcast_in_dim3A_965 = arith.constant 0.000000e+00 : f32
      %broadcast_in_dim3A_966 = vector.broadcast %broadcast_in_dim3A_965 : f32 to vector<16xf32>
      %swap3A_967 = arith.constant 9 : i32
      %swap3A_968 = arith.index_cast %swap3A_967 : i32 to index
      %swap3A_969 = arith.index_cast %scan3A_923 : i32 to index
      %swap3A_970 = arith.constant 96 : index
      %swap3A_971 = tpu.vector_load %arg6[%swap3A_968, %swap3A_969, %swap3A_970] {strides = array<i32>} : memref<10x80x128xf32, #tpu.memory_space<vmem>>, vector<16xf32>,
      tpu.vector_store %arg6[%swap3A_968, %swap3A_969, %swap3A_970], %broadcast_in_dim3A_966 {strides = array<i32>} : memref<10x80x128xf32, #tpu.memory_space<vmem>>, vector<16xf32>,
      %broadcast_in_dim3A_972 = arith.constant 0.000000e+00 : f32
      %broadcast_in_dim3A_973 = vector.broadcast %broadcast_in_dim3A_972 : f32 to vector<16xf32>
      %swap3A_974 = arith.constant 9 : i32
      %swap3A_975 = arith.index_cast %swap3A_974 : i32 to index
      %swap3A_976 = arith.index_cast %scan3A_923 : i32 to index
      %swap3A_977 = arith.constant 112 : index
      %swap3A_978 = tpu.vector_load %arg6[%swap3A_975, %swap3A_976, %swap3A_977] {strides = array<i32>} : memref<10x80x128xf32, #tpu.memory_space<vmem>>, vector<16xf32>,
      tpu.vector_store %arg6[%swap3A_975, %swap3A_976, %swap3A_977], %broadcast_in_dim3A_973 {strides = array<i32>} : memref<10x80x128xf32, #tpu.memory_space<vmem>>, vector<16xf32>,
    }
    %scan3A_60 = arith.constant 80 : i32
    %mul3A_61 = arith.constant 5000 : i32
    %mul3A_62 = arith.muli %add3A, %mul3A_61 : i32
    %add3A_63 = arith.constant 0 : i32
    %add3A_64 = arith.addi %add3A_63, %mul3A_62 : i32
    %dma_start3A = arith.constant 0 : i32
    %dma_start3A_65 = arith.constant 0 : i32
    %dma_start3A_66 = tpu.memref_slice %arg5[%dma_start3A, %dma_start3A_65] : memref<2x5016xi32, #tpu.memory_space<vmem>> -> memref<1x5000xi32, #tpu.memory_space<vmem>>
    %dma_start3A_67 = tpu.memref_squeeze %dma_start3A_66 : memref<1x5000xi32, #tpu.memory_space<vmem>> -> memref<5000xi32, #tpu.memory_space<vmem>>
    %dma_start3A_68 = tpu.memref_slice %arg2[%add3A_64] : memref<800000xi32, #tpu.memory_space<hbm>> -> memref<5000xi32, #tpu.memory_space<hbm>>
    %dma_start3A_69 = arith.constant 0 : i32
    %dma_start3A_70 = tpu.memref_slice %arg5[%dma_start3A, %dma_start3A_69] : memref<2x5016xi32, #tpu.memory_space<vmem>> -> memref<1x5000xi32, #tpu.memory_space<vmem>>
    %dma_start3A_71 = tpu.memref_squeeze %dma_start3A_70 : memref<1x5000xi32, #tpu.memory_space<vmem>> -> memref<5000xi32, #tpu.memory_space<vmem>>
    %dma_start3A_72 = tpu.memref_slice %arg2[%add3A_64] : memref<800000xi32, #tpu.memory_space<hbm>> -> memref<5000xi32, #tpu.memory_space<hbm>>
    tpu.enqueue_dma source(%dma_start3A_72 : memref<5000xi32, #tpu.memory_space<hbm>>) target(%dma_start3A_71 : memref<5000xi32, #tpu.memory_space<vmem>>) target_semaphore(%arg7 : memref<!tpu.dma_semaphore, #tpu.memory_space<semaphore_mem>>)
    %dma_wait3A = arith.constant 0 : i32
    %dma_wait3A_73 = arith.constant 0 : i32
    %dma_wait3A_74 = tpu.memref_slice %arg5[%dma_wait3A, %dma_wait3A_73] : memref<2x5016xi32, #tpu.memory_space<vmem>> -> memref<1x5000xi32, #tpu.memory_space<vmem>>
    %dma_wait3A_75 = tpu.memref_squeeze %dma_wait3A_74 : memref<1x5000xi32, #tpu.memory_space<vmem>> -> memref<5000xi32, #tpu.memory_space<vmem>>
    %dma_wait3A_76 = tpu.memref_slice %arg2[%add3A_64] : memref<800000xi32, #tpu.memory_space<hbm>> -> memref<5000xi32, #tpu.memory_space<hbm>>
    %dma_wait3A_77 = arith.constant 0 : i32
    %dma_wait3A_78 = tpu.memref_slice %arg5[%dma_wait3A, %dma_wait3A_77] : memref<2x5016xi32, #tpu.memory_space<vmem>> -> memref<1x5000xi32, #tpu.memory_space<vmem>>
    %dma_wait3A_79 = tpu.memref_squeeze %dma_wait3A_78 : memref<1x5000xi32, #tpu.memory_space<vmem>> -> memref<5000xi32, #tpu.memory_space<vmem>>
    %dma_wait3A_80 = tpu.memref_slice %arg2[%add3A_64] : memref<800000xi32, #tpu.memory_space<hbm>> -> memref<5000xi32, #tpu.memory_space<hbm>>
    tpu.wait_dma2 semaphore(%arg7 : memref<!tpu.dma_semaphore, #tpu.memory_space<semaphore_mem>>) src(%dma_wait3A_80 : memref<5000xi32, #tpu.memory_space<hbm>>) dst(%dma_wait3A_79 : memref<5000xi32, #tpu.memory_space<vmem>>)
    %mul3A_81 = arith.constant 5000 : i32
    %mul3A_82 = arith.muli %add3A, %mul3A_81 : i32
    %add3A_83 = arith.constant 160000 : i32
    %add3A_84 = arith.addi %add3A_83, %mul3A_82 : i32
    %dma_start3A_85 = arith.constant 1 : i32
    %dma_start3A_86 = arith.constant 0 : i32
    %dma_start3A_87 = tpu.memref_slice %arg5[%dma_start3A_85, %dma_start3A_86] : memref<2x5016xi32, #tpu.memory_space<vmem>> -> memref<1x5000xi32, #tpu.memory_space<vmem>>
    %dma_start3A_88 = tpu.memref_squeeze %dma_start3A_87 : memref<1x5000xi32, #tpu.memory_space<vmem>> -> memref<5000xi32, #tpu.memory_space<vmem>>
    %dma_start3A_89 = tpu.memref_slice %arg2[%add3A_84] : memref<800000xi32, #tpu.memory_space<hbm>> -> memref<5000xi32, #tpu.memory_space<hbm>>
    %dma_start3A_90 = arith.constant 0 : i32
    %dma_start3A_91 = tpu.memref_slice %arg5[%dma_start3A_85, %dma_start3A_90] : memref<2x5016xi32, #tpu.memory_space<vmem>> -> memref<1x5000xi32, #tpu.memory_space<vmem>>
    %dma_start3A_92 = tpu.memref_squeeze %dma_start3A_91 : memref<1x5000xi32, #tpu.memory_space<vmem>> -> memref<5000xi32, #tpu.memory_space<vmem>>
    %dma_start3A_93 = tpu.memref_slice %arg2[%add3A_84] : memref<800000xi32, #tpu.memory_space<hbm>> -> memref<5000xi32, #tpu.memory_space<hbm>>
    tpu.enqueue_dma source(%dma_start3A_93 : memref<5000xi32, #tpu.memory_space<hbm>>) target(%dma_start3A_92 : memref<5000xi32, #tpu.memory_space<vmem>>) target_semaphore(%arg8 : memref<!tpu.dma_semaphore, #tpu.memory_space<semaphore_mem>>)
    %broadcast_in_dim3A_94 = arith.constant 0 : i32
    %broadcast_in_dim3A_95 = vector.broadcast %broadcast_in_dim3A_94 : i32 to vector<16xi32>
    %scan3A_96 = arith.constant 0 : i32
    %scan3A_97 = arith.constant 0 : i32
    %scan3A_98 = arith.constant 78 : i32
    %scan3A_99 = arith.addi %scan3A_97, %scan3A_98 : i32
    %scan3A_100 = arith.constant 1 : i32
    scf.for %scan3A_923 = %scan3A_97 to %scan3A_99 step %scan3A_100  : i32 {
      %mul3A_924 = arith.constant 4 : i32
      %mul3A_925 = arith.muli %scan3A_923, %mul3A_924 : i32
      %add3A_926 = arith.constant 0 : i32
      %add3A_927 = arith.addi %mul3A_925, %add3A_926 : i32
      %mul3A_928 = arith.constant 16 : i32
      %mul3A_929 = arith.muli %add3A_927, %mul3A_928 : i32
      %get3A_930 = arith.constant 0 : i32
      %get3A_931 = arith.index_cast %get3A_930 : i32 to index
      %get3A_932 = arith.index_cast %mul3A_929 : i32 to index
      %get3A_933 = tpu.vector_load %arg5[%get3A_931, %get3A_932] {strides = array<i32>} : memref<2x5016xi32, #tpu.memory_space<vmem>>, vector<16xi32>,
      %shift_right_arithmetic3A_934 = arith.constant 7 : i32
      %shift_right_arithmetic3A_935 = vector.broadcast %shift_right_arithmetic3A_934 : i32 to vector<16xi32>
      %shift_right_arithmetic3A_936 = arith.shrsi %get3A_933, %shift_right_arithmetic3A_935 : vector<16xi32>
      %and3A_937 = arith.constant 127 : i32
      %and3A_938 = vector.broadcast %and3A_937 : i32 to vector<16xi32>
      %and3A_939 = arith.andi %get3A_933, %and3A_938 : vector<16xi32>
      tpu.vector_store_idx %arg6[%broadcast_in_dim3A_95, %shift_right_arithmetic3A_936, %and3A_939], %broadcast_in_dim3A_1 {add = true} : memref<10x80x128xf32, #tpu.memory_space<vmem>>[vector<16xi32>, vector<16xi32>, vector<16xi32>], vector<16xf32>,
      %mul3A_940 = arith.constant 4 : i32
      %mul3A_941 = arith.muli %scan3A_923, %mul3A_940 : i32
      %add3A_942 = arith.constant 1 : i32
      %add3A_943 = arith.addi %mul3A_941, %add3A_942 : i32
      %mul3A_944 = arith.constant 16 : i32
      %mul3A_945 = arith.muli %add3A_943, %mul3A_944 : i32
      %get3A_946 = arith.constant 0 : i32
      %get3A_947 = arith.index_cast %get3A_946 : i32 to index
      %get3A_948 = arith.index_cast %mul3A_945 : i32 to index
      %get3A_949 = tpu.vector_load %arg5[%get3A_947, %get3A_948] {strides = array<i32>} : memref<2x5016xi32, #tpu.memory_space<vmem>>, vector<16xi32>,
      %shift_right_arithmetic3A_950 = arith.constant 7 : i32
      %shift_right_arithmetic3A_951 = vector.broadcast %shift_right_arithmetic3A_950 : i32 to vector<16xi32>
      %shift_right_arithmetic3A_952 = arith.shrsi %get3A_949, %shift_right_arithmetic3A_951 : vector<16xi32>
      %and3A_953 = arith.constant 127 : i32
      %and3A_954 = vector.broadcast %and3A_953 : i32 to vector<16xi32>
      %and3A_955 = arith.andi %get3A_949, %and3A_954 : vector<16xi32>
      tpu.vector_store_idx %arg6[%broadcast_in_dim3A_95, %shift_right_arithmetic3A_952, %and3A_955], %broadcast_in_dim3A_1 {add = true} : memref<10x80x128xf32, #tpu.memory_space<vmem>>[vector<16xi32>, vector<16xi32>, vector<16xi32>], vector<16xf32>,
      %mul3A_956 = arith.constant 4 : i32
      %mul3A_957 = arith.muli %scan3A_923, %mul3A_956 : i32
      %add3A_958 = arith.constant 2 : i32
      %add3A_959 = arith.addi %mul3A_957, %add3A_958 : i32
      %mul3A_960 = arith.constant 16 : i32
      %mul3A_961 = arith.muli %add3A_959, %mul3A_960 : i32
      %get3A_962 = arith.constant 0 : i32
      %get3A_963 = arith.index_cast %get3A_962 : i32 to index
      %get3A_964 = arith.index_cast %mul3A_961 : i32 to index
      %get3A_965 = tpu.vector_load %arg5[%get3A_963, %get3A_964] {strides = array<i32>} : memref<2x5016xi32, #tpu.memory_space<vmem>>, vector<16xi32>,
      %shift_right_arithmetic3A_966 = arith.constant 7 : i32
      %shift_right_arithmetic3A_967 = vector.broadcast %shift_right_arithmetic3A_966 : i32 to vector<16xi32>
      %shift_right_arithmetic3A_968 = arith.shrsi %get3A_965, %shift_right_arithmetic3A_967 : vector<16xi32>
      %and3A_969 = arith.constant 127 : i32
      %and3A_970 = vector.broadcast %and3A_969 : i32 to vector<16xi32>
      %and3A_971 = arith.andi %get3A_965, %and3A_970 : vector<16xi32>
      tpu.vector_store_idx %arg6[%broadcast_in_dim3A_95, %shift_right_arithmetic3A_968, %and3A_971], %broadcast_in_dim3A_1 {add = true} : memref<10x80x128xf32, #tpu.memory_space<vmem>>[vector<16xi32>, vector<16xi32>, vector<16xi32>], vector<16xf32>,
      %mul3A_972 = arith.constant 4 : i32
      %mul3A_973 = arith.muli %scan3A_923, %mul3A_972 : i32
      %add3A_974 = arith.constant 3 : i32
      %add3A_975 = arith.addi %mul3A_973, %add3A_974 : i32
      %mul3A_976 = arith.constant 16 : i32
      %mul3A_977 = arith.muli %add3A_975, %mul3A_976 : i32
      %get3A_978 = arith.constant 0 : i32
      %get3A_979 = arith.index_cast %get3A_978 : i32 to index
      %get3A_980 = arith.index_cast %mul3A_977 : i32 to index
      %get3A_981 = tpu.vector_load %arg5[%get3A_979, %get3A_980] {strides = array<i32>} : memref<2x5016xi32, #tpu.memory_space<vmem>>, vector<16xi32>,
      %shift_right_arithmetic3A_982 = arith.constant 7 : i32
      %shift_right_arithmetic3A_983 = vector.broadcast %shift_right_arithmetic3A_982 : i32 to vector<16xi32>
      %shift_right_arithmetic3A_984 = arith.shrsi %get3A_981, %shift_right_arithmetic3A_983 : vector<16xi32>
      %and3A_985 = arith.constant 127 : i32
      %and3A_986 = vector.broadcast %and3A_985 : i32 to vector<16xi32>
      %and3A_987 = arith.andi %get3A_981, %and3A_986 : vector<16xi32>
      tpu.vector_store_idx %arg6[%broadcast_in_dim3A_95, %shift_right_arithmetic3A_984, %and3A_987], %broadcast_in_dim3A_1 {add = true} : memref<10x80x128xf32, #tpu.memory_space<vmem>>[vector<16xi32>, vector<16xi32>, vector<16xi32>], vector<16xf32>,
    }
    %scan3A_101 = arith.constant 78 : i32
    %lt3A = arith.constant 8 : i32
    %lt3A_102 = vector.broadcast %lt3A : i32 to vector<16xi32>
    %lt3A_103 = arith.cmpi slt, %iota3A, %lt3A_102 : vector<16xi32>
    %get3A = arith.constant 0 : i32
    %get3A_104 = arith.index_cast %get3A : i32 to index
    %get3A_105 = arith.constant 4992 : index
    %get3A_106 = tpu.vector_load %arg5[%get3A_104, %get3A_105] {strides = array<i32>} : memref<2x5016xi32, #tpu.memory_space<vmem>>, vector<16xi32>,
    %jit3A = arith.constant 0 : i32
    %broadcast_in_dim3A_107 = vector.broadcast %jit3A : i32 to vector<16xi32>
    %select_n3A = arith.select %lt3A_103, %get3A_106, %broadcast_in_dim3A_107 : vector<16xi1>, vector<16xi32>
    %shift_right_arithmetic3A = arith.constant 7 : i32
    %shift_right_arithmetic3A_108 = vector.broadcast %shift_right_arithmetic3A : i32 to vector<16xi32>
    %shift_right_arithmetic3A_109 = arith.shrsi %select_n3A, %shift_right_arithmetic3A_108 : vector<16xi32>
    %and3A = arith.constant 127 : i32
    %and3A_110 = vector.broadcast %and3A : i32 to vector<16xi32>
    %and3A_111 = arith.andi %select_n3A, %and3A_110 : vector<16xi32>
    %jit3A_112 = arith.constant 1.000000e+00 : f32
    %jit3A_113 = arith.constant 0.000000e+00 : f32
    %broadcast_in_dim3A_114 = vector.broadcast %jit3A_112 : f32 to vector<16xf32>
    %broadcast_in_dim3A_115 = vector.broadcast %jit3A_113 : f32 to vector<16xf32>
    %select_n3A_116 = arith.select %lt3A_103, %broadcast_in_dim3A_114, %broadcast_in_dim3A_115 : vector<16xi1>, vector<16xf32>
    tpu.vector_store_idx %arg6[%broadcast_in_dim3A_95, %shift_right_arithmetic3A_109, %and3A_111], %select_n3A_116 {add = true} : memref<10x80x128xf32, #tpu.memory_space<vmem>>[vector<16xi32>, vector<16xi32>, vector<16xi32>], vector<16xf32>,
    %dma_start3A_117 = arith.constant 0 : i32
    %dma_start3A_118 = arith.constant 0 : i32
    %dma_start3A_119 = arith.constant 0 : i32
    %dma_start3A_120 = arith.constant 0 : i32
    %dma_start3A_121 = tpu.memref_slice %arg6[%dma_start3A_117, %dma_start3A_119, %dma_start3A_120] : memref<10x80x128xf32, #tpu.memory_space<vmem>> -> memref<1x80x128xf32, #tpu.memory_space<vmem>>
    %dma_start3A_122 = tpu.memref_squeeze %dma_start3A_121 : memref<1x80x128xf32, #tpu.memory_space<vmem>> -> memref<80x128xf32, #tpu.memory_space<vmem>>
    %dma_start3A_123 = arith.constant 0 : i32
    %dma_start3A_124 = arith.constant 0 : i32
    %dma_start3A_125 = tpu.memref_slice %arg4[%dma_start3A_118, %add3A, %dma_start3A_123, %dma_start3A_124] : memref<10x32x80x128xf32, #tpu.memory_space<hbm>> -> memref<1x1x80x128xf32, #tpu.memory_space<hbm>>
    %dma_start3A_126 = tpu.memref_squeeze %dma_start3A_125 : memref<1x1x80x128xf32, #tpu.memory_space<hbm>> -> memref<80x128xf32, #tpu.memory_space<hbm>>
    %dma_start3A_127 = arith.constant 0 : i32
    %dma_start3A_128 = arith.constant 0 : i32
    %dma_start3A_129 = tpu.memref_slice %arg4[%dma_start3A_118, %add3A, %dma_start3A_127, %dma_start3A_128] : memref<10x32x80x128xf32, #tpu.memory_space<hbm>> -> memref<1x1x80x128xf32, #tpu.memory_space<hbm>>
    %dma_start3A_130 = tpu.memref_squeeze %dma_start3A_129 : memref<1x1x80x128xf32, #tpu.memory_space<hbm>> -> memref<80x128xf32, #tpu.memory_space<hbm>>
    %dma_start3A_131 = arith.constant 0 : i32
    %dma_start3A_132 = arith.constant 0 : i32
    %dma_start3A_133 = tpu.memref_slice %arg6[%dma_start3A_117, %dma_start3A_131, %dma_start3A_132] : memref<10x80x128xf32, #tpu.memory_space<vmem>> -> memref<1x80x128xf32, #tpu.memory_space<vmem>>
    %dma_start3A_134 = tpu.memref_squeeze %dma_start3A_133 : memref<1x80x128xf32, #tpu.memory_space<vmem>> -> memref<80x128xf32, #tpu.memory_space<vmem>>
    tpu.enqueue_dma source(%dma_start3A_134 : memref<80x128xf32, #tpu.memory_space<vmem>>) target(%dma_start3A_130 : memref<80x128xf32, #tpu.memory_space<hbm>>) target_semaphore(%arg9 : memref<!tpu.dma_semaphore, #tpu.memory_space<semaphore_mem>>)
    %dma_wait3A_135 = arith.constant 1 : i32
    %dma_wait3A_136 = arith.constant 0 : i32
    %dma_wait3A_137 = tpu.memref_slice %arg5[%dma_wait3A_135, %dma_wait3A_136] : memref<2x5016xi32, #tpu.memory_space<vmem>> -> memref<1x5000xi32, #tpu.memory_space<vmem>>
    %dma_wait3A_138 = tpu.memref_squeeze %dma_wait3A_137 : memref<1x5000xi32, #tpu.memory_space<vmem>> -> memref<5000xi32, #tpu.memory_space<vmem>>
    %dma_wait3A_139 = tpu.memref_slice %arg2[%add3A_84] : memref<800000xi32, #tpu.memory_space<hbm>> -> memref<5000xi32, #tpu.memory_space<hbm>>
    %dma_wait3A_140 = arith.constant 0 : i32
    %dma_wait3A_141 = tpu.memref_slice %arg5[%dma_wait3A_135, %dma_wait3A_140] : memref<2x5016xi32, #tpu.memory_space<vmem>> -> memref<1x5000xi32, #tpu.memory_space<vmem>>
    %dma_wait3A_142 = tpu.memref_squeeze %dma_wait3A_141 : memref<1x5000xi32, #tpu.memory_space<vmem>> -> memref<5000xi32, #tpu.memory_space<vmem>>
    %dma_wait3A_143 = tpu.memref_slice %arg2[%add3A_84] : memref<800000xi32, #tpu.memory_space<hbm>> -> memref<5000xi32, #tpu.memory_space<hbm>>
    tpu.wait_dma2 semaphore(%arg8 : memref<!tpu.dma_semaphore, #tpu.memory_space<semaphore_mem>>) src(%dma_wait3A_143 : memref<5000xi32, #tpu.memory_space<hbm>>) dst(%dma_wait3A_142 : memref<5000xi32, #tpu.memory_space<vmem>>)
    %mul3A_144 = arith.constant 5000 : i32
    %mul3A_145 = arith.muli %add3A, %mul3A_144 : i32
    %add3A_146 = arith.constant 320000 : i32
    %add3A_147 = arith.addi %add3A_146, %mul3A_145 : i32
    %dma_start3A_148 = arith.constant 0 : i32
    %dma_start3A_149 = arith.constant 0 : i32
    %dma_start3A_150 = tpu.memref_slice %arg5[%dma_start3A_148, %dma_start3A_149] : memref<2x5016xi32, #tpu.memory_space<vmem>> -> memref<1x5000xi32, #tpu.memory_space<vmem>>
    %dma_start3A_151 = tpu.memref_squeeze %dma_start3A_150 : memref<1x5000xi32, #tpu.memory_space<vmem>> -> memref<5000xi32, #tpu.memory_space<vmem>>
    %dma_start3A_152 = tpu.memref_slice %arg2[%add3A_147] : memref<800000xi32, #tpu.memory_space<hbm>> -> memref<5000xi32, #tpu.memory_space<hbm>>
    %dma_start3A_153 = arith.constant 0 : i32
    %dma_start3A_154 = tpu.memref_slice %arg5[%dma_start3A_148, %dma_start3A_153] : memref<2x5016xi32, #tpu.memory_space<vmem>> -> memref<1x5000xi32, #tpu.memory_space<vmem>>
    %dma_start3A_155 = tpu.memref_squeeze %dma_start3A_154 : memref<1x5000xi32, #tpu.memory_space<vmem>> -> memref<5000xi32, #tpu.memory_space<vmem>>
    %dma_start3A_156 = tpu.memref_slice %arg2[%add3A_147] : memref<800000xi32, #tpu.memory_space<hbm>> -> memref<5000xi32, #tpu.memory_space<hbm>>
    tpu.enqueue_dma source(%dma_start3A_156 : memref<5000xi32, #tpu.memory_space<hbm>>) target(%dma_start3A_155 : memref<5000xi32, #tpu.memory_space<vmem>>) target_semaphore(%arg7 : memref<!tpu.dma_semaphore, #tpu.memory_space<semaphore_mem>>)
    %broadcast_in_dim3A_157 = arith.constant 1 : i32
    %broadcast_in_dim3A_158 = vector.broadcast %broadcast_in_dim3A_157 : i32 to vector<16xi32>
    %scan3A_159 = arith.constant 0 : i32
    %scan3A_160 = arith.constant 0 : i32
    %scan3A_161 = arith.constant 78 : i32
    %scan3A_162 = arith.addi %scan3A_160, %scan3A_161 : i32
    %scan3A_163 = arith.constant 1 : i32
    scf.for %scan3A_923 = %scan3A_160 to %scan3A_162 step %scan3A_163  : i32 {
      %mul3A_924 = arith.constant 4 : i32
      %mul3A_925 = arith.muli %scan3A_923, %mul3A_924 : i32
      %add3A_926 = arith.constant 0 : i32
      %add3A_927 = arith.addi %mul3A_925, %add3A_926 : i32
      %mul3A_928 = arith.constant 16 : i32
      %mul3A_929 = arith.muli %add3A_927, %mul3A_928 : i32
      %get3A_930 = arith.constant 1 : i32
      %get3A_931 = arith.index_cast %get3A_930 : i32 to index
      %get3A_932 = arith.index_cast %mul3A_929 : i32 to index
      %get3A_933 = tpu.vector_load %arg5[%get3A_931, %get3A_932] {strides = array<i32>} : memref<2x5016xi32, #tpu.memory_space<vmem>>, vector<16xi32>,
      %shift_right_arithmetic3A_934 = arith.constant 7 : i32
      %shift_right_arithmetic3A_935 = vector.broadcast %shift_right_arithmetic3A_934 : i32 to vector<16xi32>
      %shift_right_arithmetic3A_936 = arith.shrsi %get3A_933, %shift_right_arithmetic3A_935 : vector<16xi32>
      %and3A_937 = arith.constant 127 : i32
      %and3A_938 = vector.broadcast %and3A_937 : i32 to vector<16xi32>
      %and3A_939 = arith.andi %get3A_933, %and3A_938 : vector<16xi32>
      tpu.vector_store_idx %arg6[%broadcast_in_dim3A_158, %shift_right_arithmetic3A_936, %and3A_939], %broadcast_in_dim3A_1 {add = true} : memref<10x80x128xf32, #tpu.memory_space<vmem>>[vector<16xi32>, vector<16xi32>, vector<16xi32>], vector<16xf32>,
      %mul3A_940 = arith.constant 4 : i32
      %mul3A_941 = arith.muli %scan3A_923, %mul3A_940 : i32
      %add3A_942 = arith.constant 1 : i32
      %add3A_943 = arith.addi %mul3A_941, %add3A_942 : i32
      %mul3A_944 = arith.constant 16 : i32
      %mul3A_945 = arith.muli %add3A_943, %mul3A_944 : i32
      %get3A_946 = arith.constant 1 : i32
      %get3A_947 = arith.index_cast %get3A_946 : i32 to index
      %get3A_948 = arith.index_cast %mul3A_945 : i32 to index
      %get3A_949 = tpu.vector_load %arg5[%get3A_947, %get3A_948] {strides = array<i32>} : memref<2x5016xi32, #tpu.memory_space<vmem>>, vector<16xi32>,
      %shift_right_arithmetic3A_950 = arith.constant 7 : i32
      %shift_right_arithmetic3A_951 = vector.broadcast %shift_right_arithmetic3A_950 : i32 to vector<16xi32>
      %shift_right_arithmetic3A_952 = arith.shrsi %get3A_949, %shift_right_arithmetic3A_951 : vector<16xi32>
      %and3A_953 = arith.constant 127 : i32
      %and3A_954 = vector.broadcast %and3A_953 : i32 to vector<16xi32>
      %and3A_955 = arith.andi %get3A_949, %and3A_954 : vector<16xi32>
      tpu.vector_store_idx %arg6[%broadcast_in_dim3A_158, %shift_right_arithmetic3A_952, %and3A_955], %broadcast_in_dim3A_1 {add = true} : memref<10x80x128xf32, #tpu.memory_space<vmem>>[vector<16xi32>, vector<16xi32>, vector<16xi32>], vector<16xf32>,
      %mul3A_956 = arith.constant 4 : i32
      %mul3A_957 = arith.muli %scan3A_923, %mul3A_956 : i32
      %add3A_958 = arith.constant 2 : i32
      %add3A_959 = arith.addi %mul3A_957, %add3A_958 : i32
      %mul3A_960 = arith.constant 16 : i32
      %mul3A_961 = arith.muli %add3A_959, %mul3A_960 : i32
      %get3A_962 = arith.constant 1 : i32
      %get3A_963 = arith.index_cast %get3A_962 : i32 to index
      %get3A_964 = arith.index_cast %mul3A_961 : i32 to index
      %get3A_965 = tpu.vector_load %arg5[%get3A_963, %get3A_964] {strides = array<i32>} : memref<2x5016xi32, #tpu.memory_space<vmem>>, vector<16xi32>,
      %shift_right_arithmetic3A_966 = arith.constant 7 : i32
      %shift_right_arithmetic3A_967 = vector.broadcast %shift_right_arithmetic3A_966 : i32 to vector<16xi32>
      %shift_right_arithmetic3A_968 = arith.shrsi %get3A_965, %shift_right_arithmetic3A_967 : vector<16xi32>
      %and3A_969 = arith.constant 127 : i32
      %and3A_970 = vector.broadcast %and3A_969 : i32 to vector<16xi32>
      %and3A_971 = arith.andi %get3A_965, %and3A_970 : vector<16xi32>
      tpu.vector_store_idx %arg6[%broadcast_in_dim3A_158, %shift_right_arithmetic3A_968, %and3A_971], %broadcast_in_dim3A_1 {add = true} : memref<10x80x128xf32, #tpu.memory_space<vmem>>[vector<16xi32>, vector<16xi32>, vector<16xi32>], vector<16xf32>,
      %mul3A_972 = arith.constant 4 : i32
      %mul3A_973 = arith.muli %scan3A_923, %mul3A_972 : i32
      %add3A_974 = arith.constant 3 : i32
      %add3A_975 = arith.addi %mul3A_973, %add3A_974 : i32
      %mul3A_976 = arith.constant 16 : i32
      %mul3A_977 = arith.muli %add3A_975, %mul3A_976 : i32
      %get3A_978 = arith.constant 1 : i32
      %get3A_979 = arith.index_cast %get3A_978 : i32 to index
      %get3A_980 = arith.index_cast %mul3A_977 : i32 to index
      %get3A_981 = tpu.vector_load %arg5[%get3A_979, %get3A_980] {strides = array<i32>} : memref<2x5016xi32, #tpu.memory_space<vmem>>, vector<16xi32>,
      %shift_right_arithmetic3A_982 = arith.constant 7 : i32
      %shift_right_arithmetic3A_983 = vector.broadcast %shift_right_arithmetic3A_982 : i32 to vector<16xi32>
      %shift_right_arithmetic3A_984 = arith.shrsi %get3A_981, %shift_right_arithmetic3A_983 : vector<16xi32>
      %and3A_985 = arith.constant 127 : i32
      %and3A_986 = vector.broadcast %and3A_985 : i32 to vector<16xi32>
      %and3A_987 = arith.andi %get3A_981, %and3A_986 : vector<16xi32>
      tpu.vector_store_idx %arg6[%broadcast_in_dim3A_158, %shift_right_arithmetic3A_984, %and3A_987], %broadcast_in_dim3A_1 {add = true} : memref<10x80x128xf32, #tpu.memory_space<vmem>>[vector<16xi32>, vector<16xi32>, vector<16xi32>], vector<16xf32>,
    }
    %scan3A_164 = arith.constant 78 : i32
    %lt3A_165 = arith.constant 8 : i32
    %lt3A_166 = vector.broadcast %lt3A_165 : i32 to vector<16xi32>
    %lt3A_167 = arith.cmpi slt, %iota3A, %lt3A_166 : vector<16xi32>
    %get3A_168 = arith.constant 1 : i32
    %get3A_169 = arith.index_cast %get3A_168 : i32 to index
    %get3A_170 = arith.constant 4992 : index
    %get3A_171 = tpu.vector_load %arg5[%get3A_169, %get3A_170] {strides = array<i32>} : memref<2x5016xi32, #tpu.memory_space<vmem>>, vector<16xi32>,
    %jit3A_172 = arith.constant 0 : i32
    %broadcast_in_dim3A_173 = vector.broadcast %jit3A_172 : i32 to vector<16xi32>
    %select_n3A_174 = arith.select %lt3A_167, %get3A_171, %broadcast_in_dim3A_173 : vector<16xi1>, vector<16xi32>
    %shift_right_arithmetic3A_175 = arith.constant 7 : i32
    %shift_right_arithmetic3A_176 = vector.broadcast %shift_right_arithmetic3A_175 : i32 to vector<16xi32>
    %shift_right_arithmetic3A_177 = arith.shrsi %select_n3A_174, %shift_right_arithmetic3A_176 : vector<16xi32>
    %and3A_178 = arith.constant 127 : i32
    %and3A_179 = vector.broadcast %and3A_178 : i32 to vector<16xi32>
    %and3A_180 = arith.andi %select_n3A_174, %and3A_179 : vector<16xi32>
    %jit3A_181 = arith.constant 1.000000e+00 : f32
    %jit3A_182 = arith.constant 0.000000e+00 : f32
    %broadcast_in_dim3A_183 = vector.broadcast %jit3A_181 : f32 to vector<16xf32>
    %broadcast_in_dim3A_184 = vector.broadcast %jit3A_182 : f32 to vector<16xf32>
    %select_n3A_185 = arith.select %lt3A_167, %broadcast_in_dim3A_183, %broadcast_in_dim3A_184 : vector<16xi1>, vector<16xf32>
    tpu.vector_store_idx %arg6[%broadcast_in_dim3A_158, %shift_right_arithmetic3A_177, %and3A_180], %select_n3A_185 {add = true} : memref<10x80x128xf32, #tpu.memory_space<vmem>>[vector<16xi32>, vector<16xi32>, vector<16xi32>], vector<16xf32>,
    %dma_start3A_186 = arith.constant 1 : i32
    %dma_start3A_187 = arith.constant 1 : i32
    %dma_start3A_188 = arith.constant 0 : i32
    %dma_start3A_189 = arith.constant 0 : i32
    %dma_start3A_190 = tpu.memref_slice %arg6[%dma_start3A_186, %dma_start3A_188, %dma_start3A_189] : memref<10x80x128xf32, #tpu.memory_space<vmem>> -> memref<1x80x128xf32, #tpu.memory_space<vmem>>
    %dma_start3A_191 = tpu.memref_squeeze %dma_start3A_190 : memref<1x80x128xf32, #tpu.memory_space<vmem>> -> memref<80x128xf32, #tpu.memory_space<vmem>>
    %dma_start3A_192 = arith.constant 0 : i32
    %dma_start3A_193 = arith.constant 0 : i32
    %dma_start3A_194 = tpu.memref_slice %arg4[%dma_start3A_187, %add3A, %dma_start3A_192, %dma_start3A_193] : memref<10x32x80x128xf32, #tpu.memory_space<hbm>> -> memref<1x1x80x128xf32, #tpu.memory_space<hbm>>
    %dma_start3A_195 = tpu.memref_squeeze %dma_start3A_194 : memref<1x1x80x128xf32, #tpu.memory_space<hbm>> -> memref<80x128xf32, #tpu.memory_space<hbm>>
    %dma_start3A_196 = arith.constant 0 : i32
    %dma_start3A_197 = arith.constant 0 : i32
    %dma_start3A_198 = tpu.memref_slice %arg4[%dma_start3A_187, %add3A, %dma_start3A_196, %dma_start3A_197] : memref<10x32x80x128xf32, #tpu.memory_space<hbm>> -> memref<1x1x80x128xf32, #tpu.memory_space<hbm>>
    %dma_start3A_199 = tpu.memref_squeeze %dma_start3A_198 : memref<1x1x80x128xf32, #tpu.memory_space<hbm>> -> memref<80x128xf32, #tpu.memory_space<hbm>>
    %dma_start3A_200 = arith.constant 0 : i32
    %dma_start3A_201 = arith.constant 0 : i32
    %dma_start3A_202 = tpu.memref_slice %arg6[%dma_start3A_186, %dma_start3A_200, %dma_start3A_201] : memref<10x80x128xf32, #tpu.memory_space<vmem>> -> memref<1x80x128xf32, #tpu.memory_space<vmem>>
    %dma_start3A_203 = tpu.memref_squeeze %dma_start3A_202 : memref<1x80x128xf32, #tpu.memory_space<vmem>> -> memref<80x128xf32, #tpu.memory_space<vmem>>
    tpu.enqueue_dma source(%dma_start3A_203 : memref<80x128xf32, #tpu.memory_space<vmem>>) target(%dma_start3A_199 : memref<80x128xf32, #tpu.memory_space<hbm>>) target_semaphore(%arg9 : memref<!tpu.dma_semaphore, #tpu.memory_space<semaphore_mem>>)
    %dma_wait3A_204 = arith.constant 0 : i32
    %dma_wait3A_205 = arith.constant 0 : i32
    %dma_wait3A_206 = tpu.memref_slice %arg5[%dma_wait3A_204, %dma_wait3A_205] : memref<2x5016xi32, #tpu.memory_space<vmem>> -> memref<1x5000xi32, #tpu.memory_space<vmem>>
    %dma_wait3A_207 = tpu.memref_squeeze %dma_wait3A_206 : memref<1x5000xi32, #tpu.memory_space<vmem>> -> memref<5000xi32, #tpu.memory_space<vmem>>
    %dma_wait3A_208 = tpu.memref_slice %arg2[%add3A_147] : memref<800000xi32, #tpu.memory_space<hbm>> -> memref<5000xi32, #tpu.memory_space<hbm>>
    %dma_wait3A_209 = arith.constant 0 : i32
    %dma_wait3A_210 = tpu.memref_slice %arg5[%dma_wait3A_204, %dma_wait3A_209] : memref<2x5016xi32, #tpu.memory_space<vmem>> -> memref<1x5000xi32, #tpu.memory_space<vmem>>
    %dma_wait3A_211 = tpu.memref_squeeze %dma_wait3A_210 : memref<1x5000xi32, #tpu.memory_space<vmem>> -> memref<5000xi32, #tpu.memory_space<vmem>>
    %dma_wait3A_212 = tpu.memref_slice %arg2[%add3A_147] : memref<800000xi32, #tpu.memory_space<hbm>> -> memref<5000xi32, #tpu.memory_space<hbm>>
    tpu.wait_dma2 semaphore(%arg7 : memref<!tpu.dma_semaphore, #tpu.memory_space<semaphore_mem>>) src(%dma_wait3A_212 : memref<5000xi32, #tpu.memory_space<hbm>>) dst(%dma_wait3A_211 : memref<5000xi32, #tpu.memory_space<vmem>>)
    %mul3A_213 = arith.constant 5000 : i32
    %mul3A_214 = arith.muli %add3A, %mul3A_213 : i32
    %add3A_215 = arith.constant 480000 : i32
    %add3A_216 = arith.addi %add3A_215, %mul3A_214 : i32
    %dma_start3A_217 = arith.constant 1 : i32
    %dma_start3A_218 = arith.constant 0 : i32
    %dma_start3A_219 = tpu.memref_slice %arg5[%dma_start3A_217, %dma_start3A_218] : memref<2x5016xi32, #tpu.memory_space<vmem>> -> memref<1x5000xi32, #tpu.memory_space<vmem>>
    %dma_start3A_220 = tpu.memref_squeeze %dma_start3A_219 : memref<1x5000xi32, #tpu.memory_space<vmem>> -> memref<5000xi32, #tpu.memory_space<vmem>>
    %dma_start3A_221 = tpu.memref_slice %arg2[%add3A_216] : memref<800000xi32, #tpu.memory_space<hbm>> -> memref<5000xi32, #tpu.memory_space<hbm>>
    %dma_start3A_222 = arith.constant 0 : i32
    %dma_start3A_223 = tpu.memref_slice %arg5[%dma_start3A_217, %dma_start3A_222] : memref<2x5016xi32, #tpu.memory_space<vmem>> -> memref<1x5000xi32, #tpu.memory_space<vmem>>
    %dma_start3A_224 = tpu.memref_squeeze %dma_start3A_223 : memref<1x5000xi32, #tpu.memory_space<vmem>> -> memref<5000xi32, #tpu.memory_space<vmem>>
    %dma_start3A_225 = tpu.memref_slice %arg2[%add3A_216] : memref<800000xi32, #tpu.memory_space<hbm>> -> memref<5000xi32, #tpu.memory_space<hbm>>
    tpu.enqueue_dma source(%dma_start3A_225 : memref<5000xi32, #tpu.memory_space<hbm>>) target(%dma_start3A_224 : memref<5000xi32, #tpu.memory_space<vmem>>) target_semaphore(%arg8 : memref<!tpu.dma_semaphore, #tpu.memory_space<semaphore_mem>>)
    %broadcast_in_dim3A_226 = arith.constant 2 : i32
    %broadcast_in_dim3A_227 = vector.broadcast %broadcast_in_dim3A_226 : i32 to vector<16xi32>
    %scan3A_228 = arith.constant 0 : i32
    %scan3A_229 = arith.constant 0 : i32
    %scan3A_230 = arith.constant 78 : i32
    %scan3A_231 = arith.addi %scan3A_229, %scan3A_230 : i32
    %scan3A_232 = arith.constant 1 : i32
    scf.for %scan3A_923 = %scan3A_229 to %scan3A_231 step %scan3A_232  : i32 {
      %mul3A_924 = arith.constant 4 : i32
      %mul3A_925 = arith.muli %scan3A_923, %mul3A_924 : i32
      %add3A_926 = arith.constant 0 : i32
      %add3A_927 = arith.addi %mul3A_925, %add3A_926 : i32
      %mul3A_928 = arith.constant 16 : i32
      %mul3A_929 = arith.muli %add3A_927, %mul3A_928 : i32
      %get3A_930 = arith.constant 0 : i32
      %get3A_931 = arith.index_cast %get3A_930 : i32 to index
      %get3A_932 = arith.index_cast %mul3A_929 : i32 to index
      %get3A_933 = tpu.vector_load %arg5[%get3A_931, %get3A_932] {strides = array<i32>} : memref<2x5016xi32, #tpu.memory_space<vmem>>, vector<16xi32>,
      %shift_right_arithmetic3A_934 = arith.constant 7 : i32
      %shift_right_arithmetic3A_935 = vector.broadcast %shift_right_arithmetic3A_934 : i32 to vector<16xi32>
      %shift_right_arithmetic3A_936 = arith.shrsi %get3A_933, %shift_right_arithmetic3A_935 : vector<16xi32>
      %and3A_937 = arith.constant 127 : i32
      %and3A_938 = vector.broadcast %and3A_937 : i32 to vector<16xi32>
      %and3A_939 = arith.andi %get3A_933, %and3A_938 : vector<16xi32>
      tpu.vector_store_idx %arg6[%broadcast_in_dim3A_227, %shift_right_arithmetic3A_936, %and3A_939], %broadcast_in_dim3A_1 {add = true} : memref<10x80x128xf32, #tpu.memory_space<vmem>>[vector<16xi32>, vector<16xi32>, vector<16xi32>], vector<16xf32>,
      %mul3A_940 = arith.constant 4 : i32
      %mul3A_941 = arith.muli %scan3A_923, %mul3A_940 : i32
      %add3A_942 = arith.constant 1 : i32
      %add3A_943 = arith.addi %mul3A_941, %add3A_942 : i32
      %mul3A_944 = arith.constant 16 : i32
      %mul3A_945 = arith.muli %add3A_943, %mul3A_944 : i32
      %get3A_946 = arith.constant 0 : i32
      %get3A_947 = arith.index_cast %get3A_946 : i32 to index
      %get3A_948 = arith.index_cast %mul3A_945 : i32 to index
      %get3A_949 = tpu.vector_load %arg5[%get3A_947, %get3A_948] {strides = array<i32>} : memref<2x5016xi32, #tpu.memory_space<vmem>>, vector<16xi32>,
      %shift_right_arithmetic3A_950 = arith.constant 7 : i32
      %shift_right_arithmetic3A_951 = vector.broadcast %shift_right_arithmetic3A_950 : i32 to vector<16xi32>
      %shift_right_arithmetic3A_952 = arith.shrsi %get3A_949, %shift_right_arithmetic3A_951 : vector<16xi32>
      %and3A_953 = arith.constant 127 : i32
      %and3A_954 = vector.broadcast %and3A_953 : i32 to vector<16xi32>
      %and3A_955 = arith.andi %get3A_949, %and3A_954 : vector<16xi32>
      tpu.vector_store_idx %arg6[%broadcast_in_dim3A_227, %shift_right_arithmetic3A_952, %and3A_955], %broadcast_in_dim3A_1 {add = true} : memref<10x80x128xf32, #tpu.memory_space<vmem>>[vector<16xi32>, vector<16xi32>, vector<16xi32>], vector<16xf32>,
      %mul3A_956 = arith.constant 4 : i32
      %mul3A_957 = arith.muli %scan3A_923, %mul3A_956 : i32
      %add3A_958 = arith.constant 2 : i32
      %add3A_959 = arith.addi %mul3A_957, %add3A_958 : i32
      %mul3A_960 = arith.constant 16 : i32
      %mul3A_961 = arith.muli %add3A_959, %mul3A_960 : i32
      %get3A_962 = arith.constant 0 : i32
      %get3A_963 = arith.index_cast %get3A_962 : i32 to index
      %get3A_964 = arith.index_cast %mul3A_961 : i32 to index
      %get3A_965 = tpu.vector_load %arg5[%get3A_963, %get3A_964] {strides = array<i32>} : memref<2x5016xi32, #tpu.memory_space<vmem>>, vector<16xi32>,
      %shift_right_arithmetic3A_966 = arith.constant 7 : i32
      %shift_right_arithmetic3A_967 = vector.broadcast %shift_right_arithmetic3A_966 : i32 to vector<16xi32>
      %shift_right_arithmetic3A_968 = arith.shrsi %get3A_965, %shift_right_arithmetic3A_967 : vector<16xi32>
      %and3A_969 = arith.constant 127 : i32
      %and3A_970 = vector.broadcast %and3A_969 : i32 to vector<16xi32>
      %and3A_971 = arith.andi %get3A_965, %and3A_970 : vector<16xi32>
      tpu.vector_store_idx %arg6[%broadcast_in_dim3A_227, %shift_right_arithmetic3A_968, %and3A_971], %broadcast_in_dim3A_1 {add = true} : memref<10x80x128xf32, #tpu.memory_space<vmem>>[vector<16xi32>, vector<16xi32>, vector<16xi32>], vector<16xf32>,
      %mul3A_972 = arith.constant 4 : i32
      %mul3A_973 = arith.muli %scan3A_923, %mul3A_972 : i32
      %add3A_974 = arith.constant 3 : i32
      %add3A_975 = arith.addi %mul3A_973, %add3A_974 : i32
      %mul3A_976 = arith.constant 16 : i32
      %mul3A_977 = arith.muli %add3A_975, %mul3A_976 : i32
      %get3A_978 = arith.constant 0 : i32
      %get3A_979 = arith.index_cast %get3A_978 : i32 to index
      %get3A_980 = arith.index_cast %mul3A_977 : i32 to index
      %get3A_981 = tpu.vector_load %arg5[%get3A_979, %get3A_980] {strides = array<i32>} : memref<2x5016xi32, #tpu.memory_space<vmem>>, vector<16xi32>,
      %shift_right_arithmetic3A_982 = arith.constant 7 : i32
      %shift_right_arithmetic3A_983 = vector.broadcast %shift_right_arithmetic3A_982 : i32 to vector<16xi32>
      %shift_right_arithmetic3A_984 = arith.shrsi %get3A_981, %shift_right_arithmetic3A_983 : vector<16xi32>
      %and3A_985 = arith.constant 127 : i32
      %and3A_986 = vector.broadcast %and3A_985 : i32 to vector<16xi32>
      %and3A_987 = arith.andi %get3A_981, %and3A_986 : vector<16xi32>
      tpu.vector_store_idx %arg6[%broadcast_in_dim3A_227, %shift_right_arithmetic3A_984, %and3A_987], %broadcast_in_dim3A_1 {add = true} : memref<10x80x128xf32, #tpu.memory_space<vmem>>[vector<16xi32>, vector<16xi32>, vector<16xi32>], vector<16xf32>,
    }
    %scan3A_233 = arith.constant 78 : i32
    %lt3A_234 = arith.constant 8 : i32
    %lt3A_235 = vector.broadcast %lt3A_234 : i32 to vector<16xi32>
    %lt3A_236 = arith.cmpi slt, %iota3A, %lt3A_235 : vector<16xi32>
    %get3A_237 = arith.constant 0 : i32
    %get3A_238 = arith.index_cast %get3A_237 : i32 to index
    %get3A_239 = arith.constant 4992 : index
    %get3A_240 = tpu.vector_load %arg5[%get3A_238, %get3A_239] {strides = array<i32>} : memref<2x5016xi32, #tpu.memory_space<vmem>>, vector<16xi32>,
    %jit3A_241 = arith.constant 0 : i32
    %broadcast_in_dim3A_242 = vector.broadcast %jit3A_241 : i32 to vector<16xi32>
    %select_n3A_243 = arith.select %lt3A_236, %get3A_240, %broadcast_in_dim3A_242 : vector<16xi1>, vector<16xi32>
    %shift_right_arithmetic3A_244 = arith.constant 7 : i32
    %shift_right_arithmetic3A_245 = vector.broadcast %shift_right_arithmetic3A_244 : i32 to vector<16xi32>
    %shift_right_arithmetic3A_246 = arith.shrsi %select_n3A_243, %shift_right_arithmetic3A_245 : vector<16xi32>
    %and3A_247 = arith.constant 127 : i32
    %and3A_248 = vector.broadcast %and3A_247 : i32 to vector<16xi32>
    %and3A_249 = arith.andi %select_n3A_243, %and3A_248 : vector<16xi32>
    %jit3A_250 = arith.constant 1.000000e+00 : f32
    %jit3A_251 = arith.constant 0.000000e+00 : f32
    %broadcast_in_dim3A_252 = vector.broadcast %jit3A_250 : f32 to vector<16xf32>
    %broadcast_in_dim3A_253 = vector.broadcast %jit3A_251 : f32 to vector<16xf32>
    %select_n3A_254 = arith.select %lt3A_236, %broadcast_in_dim3A_252, %broadcast_in_dim3A_253 : vector<16xi1>, vector<16xf32>
    tpu.vector_store_idx %arg6[%broadcast_in_dim3A_227, %shift_right_arithmetic3A_246, %and3A_249], %select_n3A_254 {add = true} : memref<10x80x128xf32, #tpu.memory_space<vmem>>[vector<16xi32>, vector<16xi32>, vector<16xi32>], vector<16xf32>,
    %dma_start3A_255 = arith.constant 2 : i32
    %dma_start3A_256 = arith.constant 2 : i32
    %dma_start3A_257 = arith.constant 0 : i32
    %dma_start3A_258 = arith.constant 0 : i32
    %dma_start3A_259 = tpu.memref_slice %arg6[%dma_start3A_255, %dma_start3A_257, %dma_start3A_258] : memref<10x80x128xf32, #tpu.memory_space<vmem>> -> memref<1x80x128xf32, #tpu.memory_space<vmem>>
    %dma_start3A_260 = tpu.memref_squeeze %dma_start3A_259 : memref<1x80x128xf32, #tpu.memory_space<vmem>> -> memref<80x128xf32, #tpu.memory_space<vmem>>
    %dma_start3A_261 = arith.constant 0 : i32
    %dma_start3A_262 = arith.constant 0 : i32
    %dma_start3A_263 = tpu.memref_slice %arg4[%dma_start3A_256, %add3A, %dma_start3A_261, %dma_start3A_262] : memref<10x32x80x128xf32, #tpu.memory_space<hbm>> -> memref<1x1x80x128xf32, #tpu.memory_space<hbm>>
    %dma_start3A_264 = tpu.memref_squeeze %dma_start3A_263 : memref<1x1x80x128xf32, #tpu.memory_space<hbm>> -> memref<80x128xf32, #tpu.memory_space<hbm>>
    %dma_start3A_265 = arith.constant 0 : i32
    %dma_start3A_266 = arith.constant 0 : i32
    %dma_start3A_267 = tpu.memref_slice %arg4[%dma_start3A_256, %add3A, %dma_start3A_265, %dma_start3A_266] : memref<10x32x80x128xf32, #tpu.memory_space<hbm>> -> memref<1x1x80x128xf32, #tpu.memory_space<hbm>>
    %dma_start3A_268 = tpu.memref_squeeze %dma_start3A_267 : memref<1x1x80x128xf32, #tpu.memory_space<hbm>> -> memref<80x128xf32, #tpu.memory_space<hbm>>
    %dma_start3A_269 = arith.constant 0 : i32
    %dma_start3A_270 = arith.constant 0 : i32
    %dma_start3A_271 = tpu.memref_slice %arg6[%dma_start3A_255, %dma_start3A_269, %dma_start3A_270] : memref<10x80x128xf32, #tpu.memory_space<vmem>> -> memref<1x80x128xf32, #tpu.memory_space<vmem>>
    %dma_start3A_272 = tpu.memref_squeeze %dma_start3A_271 : memref<1x80x128xf32, #tpu.memory_space<vmem>> -> memref<80x128xf32, #tpu.memory_space<vmem>>
    tpu.enqueue_dma source(%dma_start3A_272 : memref<80x128xf32, #tpu.memory_space<vmem>>) target(%dma_start3A_268 : memref<80x128xf32, #tpu.memory_space<hbm>>) target_semaphore(%arg9 : memref<!tpu.dma_semaphore, #tpu.memory_space<semaphore_mem>>)
    %dma_wait3A_273 = arith.constant 1 : i32
    %dma_wait3A_274 = arith.constant 0 : i32
    %dma_wait3A_275 = tpu.memref_slice %arg5[%dma_wait3A_273, %dma_wait3A_274] : memref<2x5016xi32, #tpu.memory_space<vmem>> -> memref<1x5000xi32, #tpu.memory_space<vmem>>
    %dma_wait3A_276 = tpu.memref_squeeze %dma_wait3A_275 : memref<1x5000xi32, #tpu.memory_space<vmem>> -> memref<5000xi32, #tpu.memory_space<vmem>>
    %dma_wait3A_277 = tpu.memref_slice %arg2[%add3A_216] : memref<800000xi32, #tpu.memory_space<hbm>> -> memref<5000xi32, #tpu.memory_space<hbm>>
    %dma_wait3A_278 = arith.constant 0 : i32
    %dma_wait3A_279 = tpu.memref_slice %arg5[%dma_wait3A_273, %dma_wait3A_278] : memref<2x5016xi32, #tpu.memory_space<vmem>> -> memref<1x5000xi32, #tpu.memory_space<vmem>>
    %dma_wait3A_280 = tpu.memref_squeeze %dma_wait3A_279 : memref<1x5000xi32, #tpu.memory_space<vmem>> -> memref<5000xi32, #tpu.memory_space<vmem>>
    %dma_wait3A_281 = tpu.memref_slice %arg2[%add3A_216] : memref<800000xi32, #tpu.memory_space<hbm>> -> memref<5000xi32, #tpu.memory_space<hbm>>
    tpu.wait_dma2 semaphore(%arg8 : memref<!tpu.dma_semaphore, #tpu.memory_space<semaphore_mem>>) src(%dma_wait3A_281 : memref<5000xi32, #tpu.memory_space<hbm>>) dst(%dma_wait3A_280 : memref<5000xi32, #tpu.memory_space<vmem>>)
    %mul3A_282 = arith.constant 5000 : i32
    %mul3A_283 = arith.muli %add3A, %mul3A_282 : i32
    %add3A_284 = arith.constant 640000 : i32
    %add3A_285 = arith.addi %add3A_284, %mul3A_283 : i32
    %dma_start3A_286 = arith.constant 0 : i32
    %dma_start3A_287 = arith.constant 0 : i32
    %dma_start3A_288 = tpu.memref_slice %arg5[%dma_start3A_286, %dma_start3A_287] : memref<2x5016xi32, #tpu.memory_space<vmem>> -> memref<1x5000xi32, #tpu.memory_space<vmem>>
    %dma_start3A_289 = tpu.memref_squeeze %dma_start3A_288 : memref<1x5000xi32, #tpu.memory_space<vmem>> -> memref<5000xi32, #tpu.memory_space<vmem>>
    %dma_start3A_290 = tpu.memref_slice %arg2[%add3A_285] : memref<800000xi32, #tpu.memory_space<hbm>> -> memref<5000xi32, #tpu.memory_space<hbm>>
    %dma_start3A_291 = arith.constant 0 : i32
    %dma_start3A_292 = tpu.memref_slice %arg5[%dma_start3A_286, %dma_start3A_291] : memref<2x5016xi32, #tpu.memory_space<vmem>> -> memref<1x5000xi32, #tpu.memory_space<vmem>>
    %dma_start3A_293 = tpu.memref_squeeze %dma_start3A_292 : memref<1x5000xi32, #tpu.memory_space<vmem>> -> memref<5000xi32, #tpu.memory_space<vmem>>
    %dma_start3A_294 = tpu.memref_slice %arg2[%add3A_285] : memref<800000xi32, #tpu.memory_space<hbm>> -> memref<5000xi32, #tpu.memory_space<hbm>>
    tpu.enqueue_dma source(%dma_start3A_294 : memref<5000xi32, #tpu.memory_space<hbm>>) target(%dma_start3A_293 : memref<5000xi32, #tpu.memory_space<vmem>>) target_semaphore(%arg7 : memref<!tpu.dma_semaphore, #tpu.memory_space<semaphore_mem>>)
    %broadcast_in_dim3A_295 = arith.constant 3 : i32
    %broadcast_in_dim3A_296 = vector.broadcast %broadcast_in_dim3A_295 : i32 to vector<16xi32>
    %scan3A_297 = arith.constant 0 : i32
    %scan3A_298 = arith.constant 0 : i32
    %scan3A_299 = arith.constant 78 : i32
    %scan3A_300 = arith.addi %scan3A_298, %scan3A_299 : i32
    %scan3A_301 = arith.constant 1 : i32
    scf.for %scan3A_923 = %scan3A_298 to %scan3A_300 step %scan3A_301  : i32 {
      %mul3A_924 = arith.constant 4 : i32
      %mul3A_925 = arith.muli %scan3A_923, %mul3A_924 : i32
      %add3A_926 = arith.constant 0 : i32
      %add3A_927 = arith.addi %mul3A_925, %add3A_926 : i32
      %mul3A_928 = arith.constant 16 : i32
      %mul3A_929 = arith.muli %add3A_927, %mul3A_928 : i32
      %get3A_930 = arith.constant 1 : i32
      %get3A_931 = arith.index_cast %get3A_930 : i32 to index
      %get3A_932 = arith.index_cast %mul3A_929 : i32 to index
      %get3A_933 = tpu.vector_load %arg5[%get3A_931, %get3A_932] {strides = array<i32>} : memref<2x5016xi32, #tpu.memory_space<vmem>>, vector<16xi32>,
      %shift_right_arithmetic3A_934 = arith.constant 7 : i32
      %shift_right_arithmetic3A_935 = vector.broadcast %shift_right_arithmetic3A_934 : i32 to vector<16xi32>
      %shift_right_arithmetic3A_936 = arith.shrsi %get3A_933, %shift_right_arithmetic3A_935 : vector<16xi32>
      %and3A_937 = arith.constant 127 : i32
      %and3A_938 = vector.broadcast %and3A_937 : i32 to vector<16xi32>
      %and3A_939 = arith.andi %get3A_933, %and3A_938 : vector<16xi32>
      tpu.vector_store_idx %arg6[%broadcast_in_dim3A_296, %shift_right_arithmetic3A_936, %and3A_939], %broadcast_in_dim3A_1 {add = true} : memref<10x80x128xf32, #tpu.memory_space<vmem>>[vector<16xi32>, vector<16xi32>, vector<16xi32>], vector<16xf32>,
      %mul3A_940 = arith.constant 4 : i32
      %mul3A_941 = arith.muli %scan3A_923, %mul3A_940 : i32
      %add3A_942 = arith.constant 1 : i32
      %add3A_943 = arith.addi %mul3A_941, %add3A_942 : i32
      %mul3A_944 = arith.constant 16 : i32
      %mul3A_945 = arith.muli %add3A_943, %mul3A_944 : i32
      %get3A_946 = arith.constant 1 : i32
      %get3A_947 = arith.index_cast %get3A_946 : i32 to index
      %get3A_948 = arith.index_cast %mul3A_945 : i32 to index
      %get3A_949 = tpu.vector_load %arg5[%get3A_947, %get3A_948] {strides = array<i32>} : memref<2x5016xi32, #tpu.memory_space<vmem>>, vector<16xi32>,
      %shift_right_arithmetic3A_950 = arith.constant 7 : i32
      %shift_right_arithmetic3A_951 = vector.broadcast %shift_right_arithmetic3A_950 : i32 to vector<16xi32>
      %shift_right_arithmetic3A_952 = arith.shrsi %get3A_949, %shift_right_arithmetic3A_951 : vector<16xi32>
      %and3A_953 = arith.constant 127 : i32
      %and3A_954 = vector.broadcast %and3A_953 : i32 to vector<16xi32>
      %and3A_955 = arith.andi %get3A_949, %and3A_954 : vector<16xi32>
      tpu.vector_store_idx %arg6[%broadcast_in_dim3A_296, %shift_right_arithmetic3A_952, %and3A_955], %broadcast_in_dim3A_1 {add = true} : memref<10x80x128xf32, #tpu.memory_space<vmem>>[vector<16xi32>, vector<16xi32>, vector<16xi32>], vector<16xf32>,
      %mul3A_956 = arith.constant 4 : i32
      %mul3A_957 = arith.muli %scan3A_923, %mul3A_956 : i32
      %add3A_958 = arith.constant 2 : i32
      %add3A_959 = arith.addi %mul3A_957, %add3A_958 : i32
      %mul3A_960 = arith.constant 16 : i32
      %mul3A_961 = arith.muli %add3A_959, %mul3A_960 : i32
      %get3A_962 = arith.constant 1 : i32
      %get3A_963 = arith.index_cast %get3A_962 : i32 to index
      %get3A_964 = arith.index_cast %mul3A_961 : i32 to index
      %get3A_965 = tpu.vector_load %arg5[%get3A_963, %get3A_964] {strides = array<i32>} : memref<2x5016xi32, #tpu.memory_space<vmem>>, vector<16xi32>,
      %shift_right_arithmetic3A_966 = arith.constant 7 : i32
      %shift_right_arithmetic3A_967 = vector.broadcast %shift_right_arithmetic3A_966 : i32 to vector<16xi32>
      %shift_right_arithmetic3A_968 = arith.shrsi %get3A_965, %shift_right_arithmetic3A_967 : vector<16xi32>
      %and3A_969 = arith.constant 127 : i32
      %and3A_970 = vector.broadcast %and3A_969 : i32 to vector<16xi32>
      %and3A_971 = arith.andi %get3A_965, %and3A_970 : vector<16xi32>
      tpu.vector_store_idx %arg6[%broadcast_in_dim3A_296, %shift_right_arithmetic3A_968, %and3A_971], %broadcast_in_dim3A_1 {add = true} : memref<10x80x128xf32, #tpu.memory_space<vmem>>[vector<16xi32>, vector<16xi32>, vector<16xi32>], vector<16xf32>,
      %mul3A_972 = arith.constant 4 : i32
      %mul3A_973 = arith.muli %scan3A_923, %mul3A_972 : i32
      %add3A_974 = arith.constant 3 : i32
      %add3A_975 = arith.addi %mul3A_973, %add3A_974 : i32
      %mul3A_976 = arith.constant 16 : i32
      %mul3A_977 = arith.muli %add3A_975, %mul3A_976 : i32
      %get3A_978 = arith.constant 1 : i32
      %get3A_979 = arith.index_cast %get3A_978 : i32 to index
      %get3A_980 = arith.index_cast %mul3A_977 : i32 to index
      %get3A_981 = tpu.vector_load %arg5[%get3A_979, %get3A_980] {strides = array<i32>} : memref<2x5016xi32, #tpu.memory_space<vmem>>, vector<16xi32>,
      %shift_right_arithmetic3A_982 = arith.constant 7 : i32
      %shift_right_arithmetic3A_983 = vector.broadcast %shift_right_arithmetic3A_982 : i32 to vector<16xi32>
      %shift_right_arithmetic3A_984 = arith.shrsi %get3A_981, %shift_right_arithmetic3A_983 : vector<16xi32>
      %and3A_985 = arith.constant 127 : i32
      %and3A_986 = vector.broadcast %and3A_985 : i32 to vector<16xi32>
      %and3A_987 = arith.andi %get3A_981, %and3A_986 : vector<16xi32>
      tpu.vector_store_idx %arg6[%broadcast_in_dim3A_296, %shift_right_arithmetic3A_984, %and3A_987], %broadcast_in_dim3A_1 {add = true} : memref<10x80x128xf32, #tpu.memory_space<vmem>>[vector<16xi32>, vector<16xi32>, vector<16xi32>], vector<16xf32>,
    }
    %scan3A_302 = arith.constant 78 : i32
    %lt3A_303 = arith.constant 8 : i32
    %lt3A_304 = vector.broadcast %lt3A_303 : i32 to vector<16xi32>
    %lt3A_305 = arith.cmpi slt, %iota3A, %lt3A_304 : vector<16xi32>
    %get3A_306 = arith.constant 1 : i32
    %get3A_307 = arith.index_cast %get3A_306 : i32 to index
    %get3A_308 = arith.constant 4992 : index
    %get3A_309 = tpu.vector_load %arg5[%get3A_307, %get3A_308] {strides = array<i32>} : memref<2x5016xi32, #tpu.memory_space<vmem>>, vector<16xi32>,
    %jit3A_310 = arith.constant 0 : i32
    %broadcast_in_dim3A_311 = vector.broadcast %jit3A_310 : i32 to vector<16xi32>
    %select_n3A_312 = arith.select %lt3A_305, %get3A_309, %broadcast_in_dim3A_311 : vector<16xi1>, vector<16xi32>
    %shift_right_arithmetic3A_313 = arith.constant 7 : i32
    %shift_right_arithmetic3A_314 = vector.broadcast %shift_right_arithmetic3A_313 : i32 to vector<16xi32>
    %shift_right_arithmetic3A_315 = arith.shrsi %select_n3A_312, %shift_right_arithmetic3A_314 : vector<16xi32>
    %and3A_316 = arith.constant 127 : i32
    %and3A_317 = vector.broadcast %and3A_316 : i32 to vector<16xi32>
    %and3A_318 = arith.andi %select_n3A_312, %and3A_317 : vector<16xi32>
    %jit3A_319 = arith.constant 1.000000e+00 : f32
    %jit3A_320 = arith.constant 0.000000e+00 : f32
    %broadcast_in_dim3A_321 = vector.broadcast %jit3A_319 : f32 to vector<16xf32>
    %broadcast_in_dim3A_322 = vector.broadcast %jit3A_320 : f32 to vector<16xf32>
    %select_n3A_323 = arith.select %lt3A_305, %broadcast_in_dim3A_321, %broadcast_in_dim3A_322 : vector<16xi1>, vector<16xf32>
    tpu.vector_store_idx %arg6[%broadcast_in_dim3A_296, %shift_right_arithmetic3A_315, %and3A_318], %select_n3A_323 {add = true} : memref<10x80x128xf32, #tpu.memory_space<vmem>>[vector<16xi32>, vector<16xi32>, vector<16xi32>], vector<16xf32>,
    %dma_start3A_324 = arith.constant 3 : i32
    %dma_start3A_325 = arith.constant 3 : i32
    %dma_start3A_326 = arith.constant 0 : i32
    %dma_start3A_327 = arith.constant 0 : i32
    %dma_start3A_328 = tpu.memref_slice %arg6[%dma_start3A_324, %dma_start3A_326, %dma_start3A_327] : memref<10x80x128xf32, #tpu.memory_space<vmem>> -> memref<1x80x128xf32, #tpu.memory_space<vmem>>
    %dma_start3A_329 = tpu.memref_squeeze %dma_start3A_328 : memref<1x80x128xf32, #tpu.memory_space<vmem>> -> memref<80x128xf32, #tpu.memory_space<vmem>>
    %dma_start3A_330 = arith.constant 0 : i32
    %dma_start3A_331 = arith.constant 0 : i32
    %dma_start3A_332 = tpu.memref_slice %arg4[%dma_start3A_325, %add3A, %dma_start3A_330, %dma_start3A_331] : memref<10x32x80x128xf32, #tpu.memory_space<hbm>> -> memref<1x1x80x128xf32, #tpu.memory_space<hbm>>
    %dma_start3A_333 = tpu.memref_squeeze %dma_start3A_332 : memref<1x1x80x128xf32, #tpu.memory_space<hbm>> -> memref<80x128xf32, #tpu.memory_space<hbm>>
    %dma_start3A_334 = arith.constant 0 : i32
    %dma_start3A_335 = arith.constant 0 : i32
    %dma_start3A_336 = tpu.memref_slice %arg4[%dma_start3A_325, %add3A, %dma_start3A_334, %dma_start3A_335] : memref<10x32x80x128xf32, #tpu.memory_space<hbm>> -> memref<1x1x80x128xf32, #tpu.memory_space<hbm>>
    %dma_start3A_337 = tpu.memref_squeeze %dma_start3A_336 : memref<1x1x80x128xf32, #tpu.memory_space<hbm>> -> memref<80x128xf32, #tpu.memory_space<hbm>>
    %dma_start3A_338 = arith.constant 0 : i32
    %dma_start3A_339 = arith.constant 0 : i32
    %dma_start3A_340 = tpu.memref_slice %arg6[%dma_start3A_324, %dma_start3A_338, %dma_start3A_339] : memref<10x80x128xf32, #tpu.memory_space<vmem>> -> memref<1x80x128xf32, #tpu.memory_space<vmem>>
    %dma_start3A_341 = tpu.memref_squeeze %dma_start3A_340 : memref<1x80x128xf32, #tpu.memory_space<vmem>> -> memref<80x128xf32, #tpu.memory_space<vmem>>
    tpu.enqueue_dma source(%dma_start3A_341 : memref<80x128xf32, #tpu.memory_space<vmem>>) target(%dma_start3A_337 : memref<80x128xf32, #tpu.memory_space<hbm>>) target_semaphore(%arg9 : memref<!tpu.dma_semaphore, #tpu.memory_space<semaphore_mem>>)
    %dma_wait3A_342 = arith.constant 0 : i32
    %dma_wait3A_343 = arith.constant 0 : i32
    %dma_wait3A_344 = tpu.memref_slice %arg5[%dma_wait3A_342, %dma_wait3A_343] : memref<2x5016xi32, #tpu.memory_space<vmem>> -> memref<1x5000xi32, #tpu.memory_space<vmem>>
    %dma_wait3A_345 = tpu.memref_squeeze %dma_wait3A_344 : memref<1x5000xi32, #tpu.memory_space<vmem>> -> memref<5000xi32, #tpu.memory_space<vmem>>
    %dma_wait3A_346 = tpu.memref_slice %arg2[%add3A_285] : memref<800000xi32, #tpu.memory_space<hbm>> -> memref<5000xi32, #tpu.memory_space<hbm>>
    %dma_wait3A_347 = arith.constant 0 : i32
    %dma_wait3A_348 = tpu.memref_slice %arg5[%dma_wait3A_342, %dma_wait3A_347] : memref<2x5016xi32, #tpu.memory_space<vmem>> -> memref<1x5000xi32, #tpu.memory_space<vmem>>
    %dma_wait3A_349 = tpu.memref_squeeze %dma_wait3A_348 : memref<1x5000xi32, #tpu.memory_space<vmem>> -> memref<5000xi32, #tpu.memory_space<vmem>>
    %dma_wait3A_350 = tpu.memref_slice %arg2[%add3A_285] : memref<800000xi32, #tpu.memory_space<hbm>> -> memref<5000xi32, #tpu.memory_space<hbm>>
    tpu.wait_dma2 semaphore(%arg7 : memref<!tpu.dma_semaphore, #tpu.memory_space<semaphore_mem>>) src(%dma_wait3A_350 : memref<5000xi32, #tpu.memory_space<hbm>>) dst(%dma_wait3A_349 : memref<5000xi32, #tpu.memory_space<vmem>>)
    %mul3A_351 = arith.constant 5000 : i32
    %mul3A_352 = arith.muli %add3A, %mul3A_351 : i32
    %add3A_353 = arith.constant 0 : i32
    %add3A_354 = arith.addi %add3A_353, %mul3A_352 : i32
    %dma_start3A_355 = arith.constant 1 : i32
    %dma_start3A_356 = arith.constant 0 : i32
    %dma_start3A_357 = tpu.memref_slice %arg5[%dma_start3A_355, %dma_start3A_356] : memref<2x5016xi32, #tpu.memory_space<vmem>> -> memref<1x5000xi32, #tpu.memory_space<vmem>>
    %dma_start3A_358 = tpu.memref_squeeze %dma_start3A_357 : memref<1x5000xi32, #tpu.memory_space<vmem>> -> memref<5000xi32, #tpu.memory_space<vmem>>
    %dma_start3A_359 = tpu.memref_slice %arg3[%add3A_354] : memref<800000xi32, #tpu.memory_space<hbm>> -> memref<5000xi32, #tpu.memory_space<hbm>>
    %dma_start3A_360 = arith.constant 0 : i32
    %dma_start3A_361 = tpu.memref_slice %arg5[%dma_start3A_355, %dma_start3A_360] : memref<2x5016xi32, #tpu.memory_space<vmem>> -> memref<1x5000xi32, #tpu.memory_space<vmem>>
    %dma_start3A_362 = tpu.memref_squeeze %dma_start3A_361 : memref<1x5000xi32, #tpu.memory_space<vmem>> -> memref<5000xi32, #tpu.memory_space<vmem>>
    %dma_start3A_363 = tpu.memref_slice %arg3[%add3A_354] : memref<800000xi32, #tpu.memory_space<hbm>> -> memref<5000xi32, #tpu.memory_space<hbm>>
    tpu.enqueue_dma source(%dma_start3A_363 : memref<5000xi32, #tpu.memory_space<hbm>>) target(%dma_start3A_362 : memref<5000xi32, #tpu.memory_space<vmem>>) target_semaphore(%arg8 : memref<!tpu.dma_semaphore, #tpu.memory_space<semaphore_mem>>)
    %broadcast_in_dim3A_364 = arith.constant 4 : i32
    %broadcast_in_dim3A_365 = vector.broadcast %broadcast_in_dim3A_364 : i32 to vector<16xi32>
    %scan3A_366 = arith.constant 0 : i32
    %scan3A_367 = arith.constant 0 : i32
    %scan3A_368 = arith.constant 78 : i32
    %scan3A_369 = arith.addi %scan3A_367, %scan3A_368 : i32
    %scan3A_370 = arith.constant 1 : i32
    scf.for %scan3A_923 = %scan3A_367 to %scan3A_369 step %scan3A_370  : i32 {
      %mul3A_924 = arith.constant 4 : i32
      %mul3A_925 = arith.muli %scan3A_923, %mul3A_924 : i32
      %add3A_926 = arith.constant 0 : i32
      %add3A_927 = arith.addi %mul3A_925, %add3A_926 : i32
      %mul3A_928 = arith.constant 16 : i32
      %mul3A_929 = arith.muli %add3A_927, %mul3A_928 : i32
      %get3A_930 = arith.constant 0 : i32
      %get3A_931 = arith.index_cast %get3A_930 : i32 to index
      %get3A_932 = arith.index_cast %mul3A_929 : i32 to index
      %get3A_933 = tpu.vector_load %arg5[%get3A_931, %get3A_932] {strides = array<i32>} : memref<2x5016xi32, #tpu.memory_space<vmem>>, vector<16xi32>,
      %shift_right_arithmetic3A_934 = arith.constant 7 : i32
      %shift_right_arithmetic3A_935 = vector.broadcast %shift_right_arithmetic3A_934 : i32 to vector<16xi32>
      %shift_right_arithmetic3A_936 = arith.shrsi %get3A_933, %shift_right_arithmetic3A_935 : vector<16xi32>
      %and3A_937 = arith.constant 127 : i32
      %and3A_938 = vector.broadcast %and3A_937 : i32 to vector<16xi32>
      %and3A_939 = arith.andi %get3A_933, %and3A_938 : vector<16xi32>
      tpu.vector_store_idx %arg6[%broadcast_in_dim3A_365, %shift_right_arithmetic3A_936, %and3A_939], %broadcast_in_dim3A_1 {add = true} : memref<10x80x128xf32, #tpu.memory_space<vmem>>[vector<16xi32>, vector<16xi32>, vector<16xi32>], vector<16xf32>,
      %mul3A_940 = arith.constant 4 : i32
      %mul3A_941 = arith.muli %scan3A_923, %mul3A_940 : i32
      %add3A_942 = arith.constant 1 : i32
      %add3A_943 = arith.addi %mul3A_941, %add3A_942 : i32
      %mul3A_944 = arith.constant 16 : i32
      %mul3A_945 = arith.muli %add3A_943, %mul3A_944 : i32
      %get3A_946 = arith.constant 0 : i32
      %get3A_947 = arith.index_cast %get3A_946 : i32 to index
      %get3A_948 = arith.index_cast %mul3A_945 : i32 to index
      %get3A_949 = tpu.vector_load %arg5[%get3A_947, %get3A_948] {strides = array<i32>} : memref<2x5016xi32, #tpu.memory_space<vmem>>, vector<16xi32>,
      %shift_right_arithmetic3A_950 = arith.constant 7 : i32
      %shift_right_arithmetic3A_951 = vector.broadcast %shift_right_arithmetic3A_950 : i32 to vector<16xi32>
      %shift_right_arithmetic3A_952 = arith.shrsi %get3A_949, %shift_right_arithmetic3A_951 : vector<16xi32>
      %and3A_953 = arith.constant 127 : i32
      %and3A_954 = vector.broadcast %and3A_953 : i32 to vector<16xi32>
      %and3A_955 = arith.andi %get3A_949, %and3A_954 : vector<16xi32>
      tpu.vector_store_idx %arg6[%broadcast_in_dim3A_365, %shift_right_arithmetic3A_952, %and3A_955], %broadcast_in_dim3A_1 {add = true} : memref<10x80x128xf32, #tpu.memory_space<vmem>>[vector<16xi32>, vector<16xi32>, vector<16xi32>], vector<16xf32>,
      %mul3A_956 = arith.constant 4 : i32
      %mul3A_957 = arith.muli %scan3A_923, %mul3A_956 : i32
      %add3A_958 = arith.constant 2 : i32
      %add3A_959 = arith.addi %mul3A_957, %add3A_958 : i32
      %mul3A_960 = arith.constant 16 : i32
      %mul3A_961 = arith.muli %add3A_959, %mul3A_960 : i32
      %get3A_962 = arith.constant 0 : i32
      %get3A_963 = arith.index_cast %get3A_962 : i32 to index
      %get3A_964 = arith.index_cast %mul3A_961 : i32 to index
      %get3A_965 = tpu.vector_load %arg5[%get3A_963, %get3A_964] {strides = array<i32>} : memref<2x5016xi32, #tpu.memory_space<vmem>>, vector<16xi32>,
      %shift_right_arithmetic3A_966 = arith.constant 7 : i32
      %shift_right_arithmetic3A_967 = vector.broadcast %shift_right_arithmetic3A_966 : i32 to vector<16xi32>
      %shift_right_arithmetic3A_968 = arith.shrsi %get3A_965, %shift_right_arithmetic3A_967 : vector<16xi32>
      %and3A_969 = arith.constant 127 : i32
      %and3A_970 = vector.broadcast %and3A_969 : i32 to vector<16xi32>
      %and3A_971 = arith.andi %get3A_965, %and3A_970 : vector<16xi32>
      tpu.vector_store_idx %arg6[%broadcast_in_dim3A_365, %shift_right_arithmetic3A_968, %and3A_971], %broadcast_in_dim3A_1 {add = true} : memref<10x80x128xf32, #tpu.memory_space<vmem>>[vector<16xi32>, vector<16xi32>, vector<16xi32>], vector<16xf32>,
      %mul3A_972 = arith.constant 4 : i32
      %mul3A_973 = arith.muli %scan3A_923, %mul3A_972 : i32
      %add3A_974 = arith.constant 3 : i32
      %add3A_975 = arith.addi %mul3A_973, %add3A_974 : i32
      %mul3A_976 = arith.constant 16 : i32
      %mul3A_977 = arith.muli %add3A_975, %mul3A_976 : i32
      %get3A_978 = arith.constant 0 : i32
      %get3A_979 = arith.index_cast %get3A_978 : i32 to index
      %get3A_980 = arith.index_cast %mul3A_977 : i32 to index
      %get3A_981 = tpu.vector_load %arg5[%get3A_979, %get3A_980] {strides = array<i32>} : memref<2x5016xi32, #tpu.memory_space<vmem>>, vector<16xi32>,
      %shift_right_arithmetic3A_982 = arith.constant 7 : i32
      %shift_right_arithmetic3A_983 = vector.broadcast %shift_right_arithmetic3A_982 : i32 to vector<16xi32>
      %shift_right_arithmetic3A_984 = arith.shrsi %get3A_981, %shift_right_arithmetic3A_983 : vector<16xi32>
      %and3A_985 = arith.constant 127 : i32
      %and3A_986 = vector.broadcast %and3A_985 : i32 to vector<16xi32>
      %and3A_987 = arith.andi %get3A_981, %and3A_986 : vector<16xi32>
      tpu.vector_store_idx %arg6[%broadcast_in_dim3A_365, %shift_right_arithmetic3A_984, %and3A_987], %broadcast_in_dim3A_1 {add = true} : memref<10x80x128xf32, #tpu.memory_space<vmem>>[vector<16xi32>, vector<16xi32>, vector<16xi32>], vector<16xf32>,
    }
    %scan3A_371 = arith.constant 78 : i32
    %lt3A_372 = arith.constant 8 : i32
    %lt3A_373 = vector.broadcast %lt3A_372 : i32 to vector<16xi32>
    %lt3A_374 = arith.cmpi slt, %iota3A, %lt3A_373 : vector<16xi32>
    %get3A_375 = arith.constant 0 : i32
    %get3A_376 = arith.index_cast %get3A_375 : i32 to index
    %get3A_377 = arith.constant 4992 : index
    %get3A_378 = tpu.vector_load %arg5[%get3A_376, %get3A_377] {strides = array<i32>} : memref<2x5016xi32, #tpu.memory_space<vmem>>, vector<16xi32>,
    %jit3A_379 = arith.constant 0 : i32
    %broadcast_in_dim3A_380 = vector.broadcast %jit3A_379 : i32 to vector<16xi32>
    %select_n3A_381 = arith.select %lt3A_374, %get3A_378, %broadcast_in_dim3A_380 : vector<16xi1>, vector<16xi32>
    %shift_right_arithmetic3A_382 = arith.constant 7 : i32
    %shift_right_arithmetic3A_383 = vector.broadcast %shift_right_arithmetic3A_382 : i32 to vector<16xi32>
    %shift_right_arithmetic3A_384 = arith.shrsi %select_n3A_381, %shift_right_arithmetic3A_383 : vector<16xi32>
    %and3A_385 = arith.constant 127 : i32
    %and3A_386 = vector.broadcast %and3A_385 : i32 to vector<16xi32>
    %and3A_387 = arith.andi %select_n3A_381, %and3A_386 : vector<16xi32>
    %jit3A_388 = arith.constant 1.000000e+00 : f32
    %jit3A_389 = arith.constant 0.000000e+00 : f32
    %broadcast_in_dim3A_390 = vector.broadcast %jit3A_388 : f32 to vector<16xf32>
    %broadcast_in_dim3A_391 = vector.broadcast %jit3A_389 : f32 to vector<16xf32>
    %select_n3A_392 = arith.select %lt3A_374, %broadcast_in_dim3A_390, %broadcast_in_dim3A_391 : vector<16xi1>, vector<16xf32>
    tpu.vector_store_idx %arg6[%broadcast_in_dim3A_365, %shift_right_arithmetic3A_384, %and3A_387], %select_n3A_392 {add = true} : memref<10x80x128xf32, #tpu.memory_space<vmem>>[vector<16xi32>, vector<16xi32>, vector<16xi32>], vector<16xf32>,
    %dma_start3A_393 = arith.constant 4 : i32
    %dma_start3A_394 = arith.constant 4 : i32
    %dma_start3A_395 = arith.constant 0 : i32
    %dma_start3A_396 = arith.constant 0 : i32
    %dma_start3A_397 = tpu.memref_slice %arg6[%dma_start3A_393, %dma_start3A_395, %dma_start3A_396] : memref<10x80x128xf32, #tpu.memory_space<vmem>> -> memref<1x80x128xf32, #tpu.memory_space<vmem>>
    %dma_start3A_398 = tpu.memref_squeeze %dma_start3A_397 : memref<1x80x128xf32, #tpu.memory_space<vmem>> -> memref<80x128xf32, #tpu.memory_space<vmem>>
    %dma_start3A_399 = arith.constant 0 : i32
    %dma_start3A_400 = arith.constant 0 : i32
    %dma_start3A_401 = tpu.memref_slice %arg4[%dma_start3A_394, %add3A, %dma_start3A_399, %dma_start3A_400] : memref<10x32x80x128xf32, #tpu.memory_space<hbm>> -> memref<1x1x80x128xf32, #tpu.memory_space<hbm>>
    %dma_start3A_402 = tpu.memref_squeeze %dma_start3A_401 : memref<1x1x80x128xf32, #tpu.memory_space<hbm>> -> memref<80x128xf32, #tpu.memory_space<hbm>>
    %dma_start3A_403 = arith.constant 0 : i32
    %dma_start3A_404 = arith.constant 0 : i32
    %dma_start3A_405 = tpu.memref_slice %arg4[%dma_start3A_394, %add3A, %dma_start3A_403, %dma_start3A_404] : memref<10x32x80x128xf32, #tpu.memory_space<hbm>> -> memref<1x1x80x128xf32, #tpu.memory_space<hbm>>
    %dma_start3A_406 = tpu.memref_squeeze %dma_start3A_405 : memref<1x1x80x128xf32, #tpu.memory_space<hbm>> -> memref<80x128xf32, #tpu.memory_space<hbm>>
    %dma_start3A_407 = arith.constant 0 : i32
    %dma_start3A_408 = arith.constant 0 : i32
    %dma_start3A_409 = tpu.memref_slice %arg6[%dma_start3A_393, %dma_start3A_407, %dma_start3A_408] : memref<10x80x128xf32, #tpu.memory_space<vmem>> -> memref<1x80x128xf32, #tpu.memory_space<vmem>>
    %dma_start3A_410 = tpu.memref_squeeze %dma_start3A_409 : memref<1x80x128xf32, #tpu.memory_space<vmem>> -> memref<80x128xf32, #tpu.memory_space<vmem>>
    tpu.enqueue_dma source(%dma_start3A_410 : memref<80x128xf32, #tpu.memory_space<vmem>>) target(%dma_start3A_406 : memref<80x128xf32, #tpu.memory_space<hbm>>) target_semaphore(%arg9 : memref<!tpu.dma_semaphore, #tpu.memory_space<semaphore_mem>>)
    %dma_wait3A_411 = arith.constant 1 : i32
    %dma_wait3A_412 = arith.constant 0 : i32
    %dma_wait3A_413 = tpu.memref_slice %arg5[%dma_wait3A_411, %dma_wait3A_412] : memref<2x5016xi32, #tpu.memory_space<vmem>> -> memref<1x5000xi32, #tpu.memory_space<vmem>>
    %dma_wait3A_414 = tpu.memref_squeeze %dma_wait3A_413 : memref<1x5000xi32, #tpu.memory_space<vmem>> -> memref<5000xi32, #tpu.memory_space<vmem>>
    %dma_wait3A_415 = tpu.memref_slice %arg3[%add3A_354] : memref<800000xi32, #tpu.memory_space<hbm>> -> memref<5000xi32, #tpu.memory_space<hbm>>
    %dma_wait3A_416 = arith.constant 0 : i32
    %dma_wait3A_417 = tpu.memref_slice %arg5[%dma_wait3A_411, %dma_wait3A_416] : memref<2x5016xi32, #tpu.memory_space<vmem>> -> memref<1x5000xi32, #tpu.memory_space<vmem>>
    %dma_wait3A_418 = tpu.memref_squeeze %dma_wait3A_417 : memref<1x5000xi32, #tpu.memory_space<vmem>> -> memref<5000xi32, #tpu.memory_space<vmem>>
    %dma_wait3A_419 = tpu.memref_slice %arg3[%add3A_354] : memref<800000xi32, #tpu.memory_space<hbm>> -> memref<5000xi32, #tpu.memory_space<hbm>>
    tpu.wait_dma2 semaphore(%arg8 : memref<!tpu.dma_semaphore, #tpu.memory_space<semaphore_mem>>) src(%dma_wait3A_419 : memref<5000xi32, #tpu.memory_space<hbm>>) dst(%dma_wait3A_418 : memref<5000xi32, #tpu.memory_space<vmem>>)
    %mul3A_420 = arith.constant 5000 : i32
    %mul3A_421 = arith.muli %add3A, %mul3A_420 : i32
    %add3A_422 = arith.constant 160000 : i32
    %add3A_423 = arith.addi %add3A_422, %mul3A_421 : i32
    %dma_start3A_424 = arith.constant 0 : i32
    %dma_start3A_425 = arith.constant 0 : i32
    %dma_start3A_426 = tpu.memref_slice %arg5[%dma_start3A_424, %dma_start3A_425] : memref<2x5016xi32, #tpu.memory_space<vmem>> -> memref<1x5000xi32, #tpu.memory_space<vmem>>
    %dma_start3A_427 = tpu.memref_squeeze %dma_start3A_426 : memref<1x5000xi32, #tpu.memory_space<vmem>> -> memref<5000xi32, #tpu.memory_space<vmem>>
    %dma_start3A_428 = tpu.memref_slice %arg3[%add3A_423] : memref<800000xi32, #tpu.memory_space<hbm>> -> memref<5000xi32, #tpu.memory_space<hbm>>
    %dma_start3A_429 = arith.constant 0 : i32
    %dma_start3A_430 = tpu.memref_slice %arg5[%dma_start3A_424, %dma_start3A_429] : memref<2x5016xi32, #tpu.memory_space<vmem>> -> memref<1x5000xi32, #tpu.memory_space<vmem>>
    %dma_start3A_431 = tpu.memref_squeeze %dma_start3A_430 : memref<1x5000xi32, #tpu.memory_space<vmem>> -> memref<5000xi32, #tpu.memory_space<vmem>>
    %dma_start3A_432 = tpu.memref_slice %arg3[%add3A_423] : memref<800000xi32, #tpu.memory_space<hbm>> -> memref<5000xi32, #tpu.memory_space<hbm>>
    tpu.enqueue_dma source(%dma_start3A_432 : memref<5000xi32, #tpu.memory_space<hbm>>) target(%dma_start3A_431 : memref<5000xi32, #tpu.memory_space<vmem>>) target_semaphore(%arg7 : memref<!tpu.dma_semaphore, #tpu.memory_space<semaphore_mem>>)
    %broadcast_in_dim3A_433 = arith.constant 5 : i32
    %broadcast_in_dim3A_434 = vector.broadcast %broadcast_in_dim3A_433 : i32 to vector<16xi32>
    %scan3A_435 = arith.constant 0 : i32
    %scan3A_436 = arith.constant 0 : i32
    %scan3A_437 = arith.constant 78 : i32
    %scan3A_438 = arith.addi %scan3A_436, %scan3A_437 : i32
    %scan3A_439 = arith.constant 1 : i32
    scf.for %scan3A_923 = %scan3A_436 to %scan3A_438 step %scan3A_439  : i32 {
      %mul3A_924 = arith.constant 4 : i32
      %mul3A_925 = arith.muli %scan3A_923, %mul3A_924 : i32
      %add3A_926 = arith.constant 0 : i32
      %add3A_927 = arith.addi %mul3A_925, %add3A_926 : i32
      %mul3A_928 = arith.constant 16 : i32
      %mul3A_929 = arith.muli %add3A_927, %mul3A_928 : i32
      %get3A_930 = arith.constant 1 : i32
      %get3A_931 = arith.index_cast %get3A_930 : i32 to index
      %get3A_932 = arith.index_cast %mul3A_929 : i32 to index
      %get3A_933 = tpu.vector_load %arg5[%get3A_931, %get3A_932] {strides = array<i32>} : memref<2x5016xi32, #tpu.memory_space<vmem>>, vector<16xi32>,
      %shift_right_arithmetic3A_934 = arith.constant 7 : i32
      %shift_right_arithmetic3A_935 = vector.broadcast %shift_right_arithmetic3A_934 : i32 to vector<16xi32>
      %shift_right_arithmetic3A_936 = arith.shrsi %get3A_933, %shift_right_arithmetic3A_935 : vector<16xi32>
      %and3A_937 = arith.constant 127 : i32
      %and3A_938 = vector.broadcast %and3A_937 : i32 to vector<16xi32>
      %and3A_939 = arith.andi %get3A_933, %and3A_938 : vector<16xi32>
      tpu.vector_store_idx %arg6[%broadcast_in_dim3A_434, %shift_right_arithmetic3A_936, %and3A_939], %broadcast_in_dim3A_1 {add = true} : memref<10x80x128xf32, #tpu.memory_space<vmem>>[vector<16xi32>, vector<16xi32>, vector<16xi32>], vector<16xf32>,
      %mul3A_940 = arith.constant 4 : i32
      %mul3A_941 = arith.muli %scan3A_923, %mul3A_940 : i32
      %add3A_942 = arith.constant 1 : i32
      %add3A_943 = arith.addi %mul3A_941, %add3A_942 : i32
      %mul3A_944 = arith.constant 16 : i32
      %mul3A_945 = arith.muli %add3A_943, %mul3A_944 : i32
      %get3A_946 = arith.constant 1 : i32
      %get3A_947 = arith.index_cast %get3A_946 : i32 to index
      %get3A_948 = arith.index_cast %mul3A_945 : i32 to index
      %get3A_949 = tpu.vector_load %arg5[%get3A_947, %get3A_948] {strides = array<i32>} : memref<2x5016xi32, #tpu.memory_space<vmem>>, vector<16xi32>,
      %shift_right_arithmetic3A_950 = arith.constant 7 : i32
      %shift_right_arithmetic3A_951 = vector.broadcast %shift_right_arithmetic3A_950 : i32 to vector<16xi32>
      %shift_right_arithmetic3A_952 = arith.shrsi %get3A_949, %shift_right_arithmetic3A_951 : vector<16xi32>
      %and3A_953 = arith.constant 127 : i32
      %and3A_954 = vector.broadcast %and3A_953 : i32 to vector<16xi32>
      %and3A_955 = arith.andi %get3A_949, %and3A_954 : vector<16xi32>
      tpu.vector_store_idx %arg6[%broadcast_in_dim3A_434, %shift_right_arithmetic3A_952, %and3A_955], %broadcast_in_dim3A_1 {add = true} : memref<10x80x128xf32, #tpu.memory_space<vmem>>[vector<16xi32>, vector<16xi32>, vector<16xi32>], vector<16xf32>,
      %mul3A_956 = arith.constant 4 : i32
      %mul3A_957 = arith.muli %scan3A_923, %mul3A_956 : i32
      %add3A_958 = arith.constant 2 : i32
      %add3A_959 = arith.addi %mul3A_957, %add3A_958 : i32
      %mul3A_960 = arith.constant 16 : i32
      %mul3A_961 = arith.muli %add3A_959, %mul3A_960 : i32
      %get3A_962 = arith.constant 1 : i32
      %get3A_963 = arith.index_cast %get3A_962 : i32 to index
      %get3A_964 = arith.index_cast %mul3A_961 : i32 to index
      %get3A_965 = tpu.vector_load %arg5[%get3A_963, %get3A_964] {strides = array<i32>} : memref<2x5016xi32, #tpu.memory_space<vmem>>, vector<16xi32>,
      %shift_right_arithmetic3A_966 = arith.constant 7 : i32
      %shift_right_arithmetic3A_967 = vector.broadcast %shift_right_arithmetic3A_966 : i32 to vector<16xi32>
      %shift_right_arithmetic3A_968 = arith.shrsi %get3A_965, %shift_right_arithmetic3A_967 : vector<16xi32>
      %and3A_969 = arith.constant 127 : i32
      %and3A_970 = vector.broadcast %and3A_969 : i32 to vector<16xi32>
      %and3A_971 = arith.andi %get3A_965, %and3A_970 : vector<16xi32>
      tpu.vector_store_idx %arg6[%broadcast_in_dim3A_434, %shift_right_arithmetic3A_968, %and3A_971], %broadcast_in_dim3A_1 {add = true} : memref<10x80x128xf32, #tpu.memory_space<vmem>>[vector<16xi32>, vector<16xi32>, vector<16xi32>], vector<16xf32>,
      %mul3A_972 = arith.constant 4 : i32
      %mul3A_973 = arith.muli %scan3A_923, %mul3A_972 : i32
      %add3A_974 = arith.constant 3 : i32
      %add3A_975 = arith.addi %mul3A_973, %add3A_974 : i32
      %mul3A_976 = arith.constant 16 : i32
      %mul3A_977 = arith.muli %add3A_975, %mul3A_976 : i32
      %get3A_978 = arith.constant 1 : i32
      %get3A_979 = arith.index_cast %get3A_978 : i32 to index
      %get3A_980 = arith.index_cast %mul3A_977 : i32 to index
      %get3A_981 = tpu.vector_load %arg5[%get3A_979, %get3A_980] {strides = array<i32>} : memref<2x5016xi32, #tpu.memory_space<vmem>>, vector<16xi32>,
      %shift_right_arithmetic3A_982 = arith.constant 7 : i32
      %shift_right_arithmetic3A_983 = vector.broadcast %shift_right_arithmetic3A_982 : i32 to vector<16xi32>
      %shift_right_arithmetic3A_984 = arith.shrsi %get3A_981, %shift_right_arithmetic3A_983 : vector<16xi32>
      %and3A_985 = arith.constant 127 : i32
      %and3A_986 = vector.broadcast %and3A_985 : i32 to vector<16xi32>
      %and3A_987 = arith.andi %get3A_981, %and3A_986 : vector<16xi32>
      tpu.vector_store_idx %arg6[%broadcast_in_dim3A_434, %shift_right_arithmetic3A_984, %and3A_987], %broadcast_in_dim3A_1 {add = true} : memref<10x80x128xf32, #tpu.memory_space<vmem>>[vector<16xi32>, vector<16xi32>, vector<16xi32>], vector<16xf32>,
    }
    %scan3A_440 = arith.constant 78 : i32
    %lt3A_441 = arith.constant 8 : i32
    %lt3A_442 = vector.broadcast %lt3A_441 : i32 to vector<16xi32>
    %lt3A_443 = arith.cmpi slt, %iota3A, %lt3A_442 : vector<16xi32>
    %get3A_444 = arith.constant 1 : i32
    %get3A_445 = arith.index_cast %get3A_444 : i32 to index
    %get3A_446 = arith.constant 4992 : index
    %get3A_447 = tpu.vector_load %arg5[%get3A_445, %get3A_446] {strides = array<i32>} : memref<2x5016xi32, #tpu.memory_space<vmem>>, vector<16xi32>,
    %jit3A_448 = arith.constant 0 : i32
    %broadcast_in_dim3A_449 = vector.broadcast %jit3A_448 : i32 to vector<16xi32>
    %select_n3A_450 = arith.select %lt3A_443, %get3A_447, %broadcast_in_dim3A_449 : vector<16xi1>, vector<16xi32>
    %shift_right_arithmetic3A_451 = arith.constant 7 : i32
    %shift_right_arithmetic3A_452 = vector.broadcast %shift_right_arithmetic3A_451 : i32 to vector<16xi32>
    %shift_right_arithmetic3A_453 = arith.shrsi %select_n3A_450, %shift_right_arithmetic3A_452 : vector<16xi32>
    %and3A_454 = arith.constant 127 : i32
    %and3A_455 = vector.broadcast %and3A_454 : i32 to vector<16xi32>
    %and3A_456 = arith.andi %select_n3A_450, %and3A_455 : vector<16xi32>
    %jit3A_457 = arith.constant 1.000000e+00 : f32
    %jit3A_458 = arith.constant 0.000000e+00 : f32
    %broadcast_in_dim3A_459 = vector.broadcast %jit3A_457 : f32 to vector<16xf32>
    %broadcast_in_dim3A_460 = vector.broadcast %jit3A_458 : f32 to vector<16xf32>
    %select_n3A_461 = arith.select %lt3A_443, %broadcast_in_dim3A_459, %broadcast_in_dim3A_460 : vector<16xi1>, vector<16xf32>
    tpu.vector_store_idx %arg6[%broadcast_in_dim3A_434, %shift_right_arithmetic3A_453, %and3A_456], %select_n3A_461 {add = true} : memref<10x80x128xf32, #tpu.memory_space<vmem>>[vector<16xi32>, vector<16xi32>, vector<16xi32>], vector<16xf32>,
    %dma_start3A_462 = arith.constant 5 : i32
    %dma_start3A_463 = arith.constant 5 : i32
    %dma_start3A_464 = arith.constant 0 : i32
    %dma_start3A_465 = arith.constant 0 : i32
    %dma_start3A_466 = tpu.memref_slice %arg6[%dma_start3A_462, %dma_start3A_464, %dma_start3A_465] : memref<10x80x128xf32, #tpu.memory_space<vmem>> -> memref<1x80x128xf32, #tpu.memory_space<vmem>>
    %dma_start3A_467 = tpu.memref_squeeze %dma_start3A_466 : memref<1x80x128xf32, #tpu.memory_space<vmem>> -> memref<80x128xf32, #tpu.memory_space<vmem>>
    %dma_start3A_468 = arith.constant 0 : i32
    %dma_start3A_469 = arith.constant 0 : i32
    %dma_start3A_470 = tpu.memref_slice %arg4[%dma_start3A_463, %add3A, %dma_start3A_468, %dma_start3A_469] : memref<10x32x80x128xf32, #tpu.memory_space<hbm>> -> memref<1x1x80x128xf32, #tpu.memory_space<hbm>>
    %dma_start3A_471 = tpu.memref_squeeze %dma_start3A_470 : memref<1x1x80x128xf32, #tpu.memory_space<hbm>> -> memref<80x128xf32, #tpu.memory_space<hbm>>
    %dma_start3A_472 = arith.constant 0 : i32
    %dma_start3A_473 = arith.constant 0 : i32
    %dma_start3A_474 = tpu.memref_slice %arg4[%dma_start3A_463, %add3A, %dma_start3A_472, %dma_start3A_473] : memref<10x32x80x128xf32, #tpu.memory_space<hbm>> -> memref<1x1x80x128xf32, #tpu.memory_space<hbm>>
    %dma_start3A_475 = tpu.memref_squeeze %dma_start3A_474 : memref<1x1x80x128xf32, #tpu.memory_space<hbm>> -> memref<80x128xf32, #tpu.memory_space<hbm>>
    %dma_start3A_476 = arith.constant 0 : i32
    %dma_start3A_477 = arith.constant 0 : i32
    %dma_start3A_478 = tpu.memref_slice %arg6[%dma_start3A_462, %dma_start3A_476, %dma_start3A_477] : memref<10x80x128xf32, #tpu.memory_space<vmem>> -> memref<1x80x128xf32, #tpu.memory_space<vmem>>
    %dma_start3A_479 = tpu.memref_squeeze %dma_start3A_478 : memref<1x80x128xf32, #tpu.memory_space<vmem>> -> memref<80x128xf32, #tpu.memory_space<vmem>>
    tpu.enqueue_dma source(%dma_start3A_479 : memref<80x128xf32, #tpu.memory_space<vmem>>) target(%dma_start3A_475 : memref<80x128xf32, #tpu.memory_space<hbm>>) target_semaphore(%arg9 : memref<!tpu.dma_semaphore, #tpu.memory_space<semaphore_mem>>)
    %dma_wait3A_480 = arith.constant 0 : i32
    %dma_wait3A_481 = arith.constant 0 : i32
    %dma_wait3A_482 = tpu.memref_slice %arg5[%dma_wait3A_480, %dma_wait3A_481] : memref<2x5016xi32, #tpu.memory_space<vmem>> -> memref<1x5000xi32, #tpu.memory_space<vmem>>
    %dma_wait3A_483 = tpu.memref_squeeze %dma_wait3A_482 : memref<1x5000xi32, #tpu.memory_space<vmem>> -> memref<5000xi32, #tpu.memory_space<vmem>>
    %dma_wait3A_484 = tpu.memref_slice %arg3[%add3A_423] : memref<800000xi32, #tpu.memory_space<hbm>> -> memref<5000xi32, #tpu.memory_space<hbm>>
    %dma_wait3A_485 = arith.constant 0 : i32
    %dma_wait3A_486 = tpu.memref_slice %arg5[%dma_wait3A_480, %dma_wait3A_485] : memref<2x5016xi32, #tpu.memory_space<vmem>> -> memref<1x5000xi32, #tpu.memory_space<vmem>>
    %dma_wait3A_487 = tpu.memref_squeeze %dma_wait3A_486 : memref<1x5000xi32, #tpu.memory_space<vmem>> -> memref<5000xi32, #tpu.memory_space<vmem>>
    %dma_wait3A_488 = tpu.memref_slice %arg3[%add3A_423] : memref<800000xi32, #tpu.memory_space<hbm>> -> memref<5000xi32, #tpu.memory_space<hbm>>
    tpu.wait_dma2 semaphore(%arg7 : memref<!tpu.dma_semaphore, #tpu.memory_space<semaphore_mem>>) src(%dma_wait3A_488 : memref<5000xi32, #tpu.memory_space<hbm>>) dst(%dma_wait3A_487 : memref<5000xi32, #tpu.memory_space<vmem>>)
    %mul3A_489 = arith.constant 5000 : i32
    %mul3A_490 = arith.muli %add3A, %mul3A_489 : i32
    %add3A_491 = arith.constant 320000 : i32
    %add3A_492 = arith.addi %add3A_491, %mul3A_490 : i32
    %dma_start3A_493 = arith.constant 1 : i32
    %dma_start3A_494 = arith.constant 0 : i32
    %dma_start3A_495 = tpu.memref_slice %arg5[%dma_start3A_493, %dma_start3A_494] : memref<2x5016xi32, #tpu.memory_space<vmem>> -> memref<1x5000xi32, #tpu.memory_space<vmem>>
    %dma_start3A_496 = tpu.memref_squeeze %dma_start3A_495 : memref<1x5000xi32, #tpu.memory_space<vmem>> -> memref<5000xi32, #tpu.memory_space<vmem>>
    %dma_start3A_497 = tpu.memref_slice %arg3[%add3A_492] : memref<800000xi32, #tpu.memory_space<hbm>> -> memref<5000xi32, #tpu.memory_space<hbm>>
    %dma_start3A_498 = arith.constant 0 : i32
    %dma_start3A_499 = tpu.memref_slice %arg5[%dma_start3A_493, %dma_start3A_498] : memref<2x5016xi32, #tpu.memory_space<vmem>> -> memref<1x5000xi32, #tpu.memory_space<vmem>>
    %dma_start3A_500 = tpu.memref_squeeze %dma_start3A_499 : memref<1x5000xi32, #tpu.memory_space<vmem>> -> memref<5000xi32, #tpu.memory_space<vmem>>
    %dma_start3A_501 = tpu.memref_slice %arg3[%add3A_492] : memref<800000xi32, #tpu.memory_space<hbm>> -> memref<5000xi32, #tpu.memory_space<hbm>>
    tpu.enqueue_dma source(%dma_start3A_501 : memref<5000xi32, #tpu.memory_space<hbm>>) target(%dma_start3A_500 : memref<5000xi32, #tpu.memory_space<vmem>>) target_semaphore(%arg8 : memref<!tpu.dma_semaphore, #tpu.memory_space<semaphore_mem>>)
    %broadcast_in_dim3A_502 = arith.constant 6 : i32
    %broadcast_in_dim3A_503 = vector.broadcast %broadcast_in_dim3A_502 : i32 to vector<16xi32>
    %scan3A_504 = arith.constant 0 : i32
    %scan3A_505 = arith.constant 0 : i32
    %scan3A_506 = arith.constant 78 : i32
    %scan3A_507 = arith.addi %scan3A_505, %scan3A_506 : i32
    %scan3A_508 = arith.constant 1 : i32
    scf.for %scan3A_923 = %scan3A_505 to %scan3A_507 step %scan3A_508  : i32 {
      %mul3A_924 = arith.constant 4 : i32
      %mul3A_925 = arith.muli %scan3A_923, %mul3A_924 : i32
      %add3A_926 = arith.constant 0 : i32
      %add3A_927 = arith.addi %mul3A_925, %add3A_926 : i32
      %mul3A_928 = arith.constant 16 : i32
      %mul3A_929 = arith.muli %add3A_927, %mul3A_928 : i32
      %get3A_930 = arith.constant 0 : i32
      %get3A_931 = arith.index_cast %get3A_930 : i32 to index
      %get3A_932 = arith.index_cast %mul3A_929 : i32 to index
      %get3A_933 = tpu.vector_load %arg5[%get3A_931, %get3A_932] {strides = array<i32>} : memref<2x5016xi32, #tpu.memory_space<vmem>>, vector<16xi32>,
      %shift_right_arithmetic3A_934 = arith.constant 7 : i32
      %shift_right_arithmetic3A_935 = vector.broadcast %shift_right_arithmetic3A_934 : i32 to vector<16xi32>
      %shift_right_arithmetic3A_936 = arith.shrsi %get3A_933, %shift_right_arithmetic3A_935 : vector<16xi32>
      %and3A_937 = arith.constant 127 : i32
      %and3A_938 = vector.broadcast %and3A_937 : i32 to vector<16xi32>
      %and3A_939 = arith.andi %get3A_933, %and3A_938 : vector<16xi32>
      tpu.vector_store_idx %arg6[%broadcast_in_dim3A_503, %shift_right_arithmetic3A_936, %and3A_939], %broadcast_in_dim3A_1 {add = true} : memref<10x80x128xf32, #tpu.memory_space<vmem>>[vector<16xi32>, vector<16xi32>, vector<16xi32>], vector<16xf32>,
      %mul3A_940 = arith.constant 4 : i32
      %mul3A_941 = arith.muli %scan3A_923, %mul3A_940 : i32
      %add3A_942 = arith.constant 1 : i32
      %add3A_943 = arith.addi %mul3A_941, %add3A_942 : i32
      %mul3A_944 = arith.constant 16 : i32
      %mul3A_945 = arith.muli %add3A_943, %mul3A_944 : i32
      %get3A_946 = arith.constant 0 : i32
      %get3A_947 = arith.index_cast %get3A_946 : i32 to index
      %get3A_948 = arith.index_cast %mul3A_945 : i32 to index
      %get3A_949 = tpu.vector_load %arg5[%get3A_947, %get3A_948] {strides = array<i32>} : memref<2x5016xi32, #tpu.memory_space<vmem>>, vector<16xi32>,
      %shift_right_arithmetic3A_950 = arith.constant 7 : i32
      %shift_right_arithmetic3A_951 = vector.broadcast %shift_right_arithmetic3A_950 : i32 to vector<16xi32>
      %shift_right_arithmetic3A_952 = arith.shrsi %get3A_949, %shift_right_arithmetic3A_951 : vector<16xi32>
      %and3A_953 = arith.constant 127 : i32
      %and3A_954 = vector.broadcast %and3A_953 : i32 to vector<16xi32>
      %and3A_955 = arith.andi %get3A_949, %and3A_954 : vector<16xi32>
      tpu.vector_store_idx %arg6[%broadcast_in_dim3A_503, %shift_right_arithmetic3A_952, %and3A_955], %broadcast_in_dim3A_1 {add = true} : memref<10x80x128xf32, #tpu.memory_space<vmem>>[vector<16xi32>, vector<16xi32>, vector<16xi32>], vector<16xf32>,
      %mul3A_956 = arith.constant 4 : i32
      %mul3A_957 = arith.muli %scan3A_923, %mul3A_956 : i32
      %add3A_958 = arith.constant 2 : i32
      %add3A_959 = arith.addi %mul3A_957, %add3A_958 : i32
      %mul3A_960 = arith.constant 16 : i32
      %mul3A_961 = arith.muli %add3A_959, %mul3A_960 : i32
      %get3A_962 = arith.constant 0 : i32
      %get3A_963 = arith.index_cast %get3A_962 : i32 to index
      %get3A_964 = arith.index_cast %mul3A_961 : i32 to index
      %get3A_965 = tpu.vector_load %arg5[%get3A_963, %get3A_964] {strides = array<i32>} : memref<2x5016xi32, #tpu.memory_space<vmem>>, vector<16xi32>,
      %shift_right_arithmetic3A_966 = arith.constant 7 : i32
      %shift_right_arithmetic3A_967 = vector.broadcast %shift_right_arithmetic3A_966 : i32 to vector<16xi32>
      %shift_right_arithmetic3A_968 = arith.shrsi %get3A_965, %shift_right_arithmetic3A_967 : vector<16xi32>
      %and3A_969 = arith.constant 127 : i32
      %and3A_970 = vector.broadcast %and3A_969 : i32 to vector<16xi32>
      %and3A_971 = arith.andi %get3A_965, %and3A_970 : vector<16xi32>
      tpu.vector_store_idx %arg6[%broadcast_in_dim3A_503, %shift_right_arithmetic3A_968, %and3A_971], %broadcast_in_dim3A_1 {add = true} : memref<10x80x128xf32, #tpu.memory_space<vmem>>[vector<16xi32>, vector<16xi32>, vector<16xi32>], vector<16xf32>,
      %mul3A_972 = arith.constant 4 : i32
      %mul3A_973 = arith.muli %scan3A_923, %mul3A_972 : i32
      %add3A_974 = arith.constant 3 : i32
      %add3A_975 = arith.addi %mul3A_973, %add3A_974 : i32
      %mul3A_976 = arith.constant 16 : i32
      %mul3A_977 = arith.muli %add3A_975, %mul3A_976 : i32
      %get3A_978 = arith.constant 0 : i32
      %get3A_979 = arith.index_cast %get3A_978 : i32 to index
      %get3A_980 = arith.index_cast %mul3A_977 : i32 to index
      %get3A_981 = tpu.vector_load %arg5[%get3A_979, %get3A_980] {strides = array<i32>} : memref<2x5016xi32, #tpu.memory_space<vmem>>, vector<16xi32>,
      %shift_right_arithmetic3A_982 = arith.constant 7 : i32
      %shift_right_arithmetic3A_983 = vector.broadcast %shift_right_arithmetic3A_982 : i32 to vector<16xi32>
      %shift_right_arithmetic3A_984 = arith.shrsi %get3A_981, %shift_right_arithmetic3A_983 : vector<16xi32>
      %and3A_985 = arith.constant 127 : i32
      %and3A_986 = vector.broadcast %and3A_985 : i32 to vector<16xi32>
      %and3A_987 = arith.andi %get3A_981, %and3A_986 : vector<16xi32>
      tpu.vector_store_idx %arg6[%broadcast_in_dim3A_503, %shift_right_arithmetic3A_984, %and3A_987], %broadcast_in_dim3A_1 {add = true} : memref<10x80x128xf32, #tpu.memory_space<vmem>>[vector<16xi32>, vector<16xi32>, vector<16xi32>], vector<16xf32>,
    }
    %scan3A_509 = arith.constant 78 : i32
    %lt3A_510 = arith.constant 8 : i32
    %lt3A_511 = vector.broadcast %lt3A_510 : i32 to vector<16xi32>
    %lt3A_512 = arith.cmpi slt, %iota3A, %lt3A_511 : vector<16xi32>
    %get3A_513 = arith.constant 0 : i32
    %get3A_514 = arith.index_cast %get3A_513 : i32 to index
    %get3A_515 = arith.constant 4992 : index
    %get3A_516 = tpu.vector_load %arg5[%get3A_514, %get3A_515] {strides = array<i32>} : memref<2x5016xi32, #tpu.memory_space<vmem>>, vector<16xi32>,
    %jit3A_517 = arith.constant 0 : i32
    %broadcast_in_dim3A_518 = vector.broadcast %jit3A_517 : i32 to vector<16xi32>
    %select_n3A_519 = arith.select %lt3A_512, %get3A_516, %broadcast_in_dim3A_518 : vector<16xi1>, vector<16xi32>
    %shift_right_arithmetic3A_520 = arith.constant 7 : i32
    %shift_right_arithmetic3A_521 = vector.broadcast %shift_right_arithmetic3A_520 : i32 to vector<16xi32>
    %shift_right_arithmetic3A_522 = arith.shrsi %select_n3A_519, %shift_right_arithmetic3A_521 : vector<16xi32>
    %and3A_523 = arith.constant 127 : i32
    %and3A_524 = vector.broadcast %and3A_523 : i32 to vector<16xi32>
    %and3A_525 = arith.andi %select_n3A_519, %and3A_524 : vector<16xi32>
    %jit3A_526 = arith.constant 1.000000e+00 : f32
    %jit3A_527 = arith.constant 0.000000e+00 : f32
    %broadcast_in_dim3A_528 = vector.broadcast %jit3A_526 : f32 to vector<16xf32>
    %broadcast_in_dim3A_529 = vector.broadcast %jit3A_527 : f32 to vector<16xf32>
    %select_n3A_530 = arith.select %lt3A_512, %broadcast_in_dim3A_528, %broadcast_in_dim3A_529 : vector<16xi1>, vector<16xf32>
    tpu.vector_store_idx %arg6[%broadcast_in_dim3A_503, %shift_right_arithmetic3A_522, %and3A_525], %select_n3A_530 {add = true} : memref<10x80x128xf32, #tpu.memory_space<vmem>>[vector<16xi32>, vector<16xi32>, vector<16xi32>], vector<16xf32>,
    %dma_start3A_531 = arith.constant 6 : i32
    %dma_start3A_532 = arith.constant 6 : i32
    %dma_start3A_533 = arith.constant 0 : i32
    %dma_start3A_534 = arith.constant 0 : i32
    %dma_start3A_535 = tpu.memref_slice %arg6[%dma_start3A_531, %dma_start3A_533, %dma_start3A_534] : memref<10x80x128xf32, #tpu.memory_space<vmem>> -> memref<1x80x128xf32, #tpu.memory_space<vmem>>
    %dma_start3A_536 = tpu.memref_squeeze %dma_start3A_535 : memref<1x80x128xf32, #tpu.memory_space<vmem>> -> memref<80x128xf32, #tpu.memory_space<vmem>>
    %dma_start3A_537 = arith.constant 0 : i32
    %dma_start3A_538 = arith.constant 0 : i32
    %dma_start3A_539 = tpu.memref_slice %arg4[%dma_start3A_532, %add3A, %dma_start3A_537, %dma_start3A_538] : memref<10x32x80x128xf32, #tpu.memory_space<hbm>> -> memref<1x1x80x128xf32, #tpu.memory_space<hbm>>
    %dma_start3A_540 = tpu.memref_squeeze %dma_start3A_539 : memref<1x1x80x128xf32, #tpu.memory_space<hbm>> -> memref<80x128xf32, #tpu.memory_space<hbm>>
    %dma_start3A_541 = arith.constant 0 : i32
    %dma_start3A_542 = arith.constant 0 : i32
    %dma_start3A_543 = tpu.memref_slice %arg4[%dma_start3A_532, %add3A, %dma_start3A_541, %dma_start3A_542] : memref<10x32x80x128xf32, #tpu.memory_space<hbm>> -> memref<1x1x80x128xf32, #tpu.memory_space<hbm>>
    %dma_start3A_544 = tpu.memref_squeeze %dma_start3A_543 : memref<1x1x80x128xf32, #tpu.memory_space<hbm>> -> memref<80x128xf32, #tpu.memory_space<hbm>>
    %dma_start3A_545 = arith.constant 0 : i32
    %dma_start3A_546 = arith.constant 0 : i32
    %dma_start3A_547 = tpu.memref_slice %arg6[%dma_start3A_531, %dma_start3A_545, %dma_start3A_546] : memref<10x80x128xf32, #tpu.memory_space<vmem>> -> memref<1x80x128xf32, #tpu.memory_space<vmem>>
    %dma_start3A_548 = tpu.memref_squeeze %dma_start3A_547 : memref<1x80x128xf32, #tpu.memory_space<vmem>> -> memref<80x128xf32, #tpu.memory_space<vmem>>
    tpu.enqueue_dma source(%dma_start3A_548 : memref<80x128xf32, #tpu.memory_space<vmem>>) target(%dma_start3A_544 : memref<80x128xf32, #tpu.memory_space<hbm>>) target_semaphore(%arg9 : memref<!tpu.dma_semaphore, #tpu.memory_space<semaphore_mem>>)
    %dma_wait3A_549 = arith.constant 1 : i32
    %dma_wait3A_550 = arith.constant 0 : i32
    %dma_wait3A_551 = tpu.memref_slice %arg5[%dma_wait3A_549, %dma_wait3A_550] : memref<2x5016xi32, #tpu.memory_space<vmem>> -> memref<1x5000xi32, #tpu.memory_space<vmem>>
    %dma_wait3A_552 = tpu.memref_squeeze %dma_wait3A_551 : memref<1x5000xi32, #tpu.memory_space<vmem>> -> memref<5000xi32, #tpu.memory_space<vmem>>
    %dma_wait3A_553 = tpu.memref_slice %arg3[%add3A_492] : memref<800000xi32, #tpu.memory_space<hbm>> -> memref<5000xi32, #tpu.memory_space<hbm>>
    %dma_wait3A_554 = arith.constant 0 : i32
    %dma_wait3A_555 = tpu.memref_slice %arg5[%dma_wait3A_549, %dma_wait3A_554] : memref<2x5016xi32, #tpu.memory_space<vmem>> -> memref<1x5000xi32, #tpu.memory_space<vmem>>
    %dma_wait3A_556 = tpu.memref_squeeze %dma_wait3A_555 : memref<1x5000xi32, #tpu.memory_space<vmem>> -> memref<5000xi32, #tpu.memory_space<vmem>>
    %dma_wait3A_557 = tpu.memref_slice %arg3[%add3A_492] : memref<800000xi32, #tpu.memory_space<hbm>> -> memref<5000xi32, #tpu.memory_space<hbm>>
    tpu.wait_dma2 semaphore(%arg8 : memref<!tpu.dma_semaphore, #tpu.memory_space<semaphore_mem>>) src(%dma_wait3A_557 : memref<5000xi32, #tpu.memory_space<hbm>>) dst(%dma_wait3A_556 : memref<5000xi32, #tpu.memory_space<vmem>>)
    %mul3A_558 = arith.constant 5000 : i32
    %mul3A_559 = arith.muli %add3A, %mul3A_558 : i32
    %add3A_560 = arith.constant 480000 : i32
    %add3A_561 = arith.addi %add3A_560, %mul3A_559 : i32
    %dma_start3A_562 = arith.constant 0 : i32
    %dma_start3A_563 = arith.constant 0 : i32
    %dma_start3A_564 = tpu.memref_slice %arg5[%dma_start3A_562, %dma_start3A_563] : memref<2x5016xi32, #tpu.memory_space<vmem>> -> memref<1x5000xi32, #tpu.memory_space<vmem>>
    %dma_start3A_565 = tpu.memref_squeeze %dma_start3A_564 : memref<1x5000xi32, #tpu.memory_space<vmem>> -> memref<5000xi32, #tpu.memory_space<vmem>>
    %dma_start3A_566 = tpu.memref_slice %arg3[%add3A_561] : memref<800000xi32, #tpu.memory_space<hbm>> -> memref<5000xi32, #tpu.memory_space<hbm>>
    %dma_start3A_567 = arith.constant 0 : i32
    %dma_start3A_568 = tpu.memref_slice %arg5[%dma_start3A_562, %dma_start3A_567] : memref<2x5016xi32, #tpu.memory_space<vmem>> -> memref<1x5000xi32, #tpu.memory_space<vmem>>
    %dma_start3A_569 = tpu.memref_squeeze %dma_start3A_568 : memref<1x5000xi32, #tpu.memory_space<vmem>> -> memref<5000xi32, #tpu.memory_space<vmem>>
    %dma_start3A_570 = tpu.memref_slice %arg3[%add3A_561] : memref<800000xi32, #tpu.memory_space<hbm>> -> memref<5000xi32, #tpu.memory_space<hbm>>
    tpu.enqueue_dma source(%dma_start3A_570 : memref<5000xi32, #tpu.memory_space<hbm>>) target(%dma_start3A_569 : memref<5000xi32, #tpu.memory_space<vmem>>) target_semaphore(%arg7 : memref<!tpu.dma_semaphore, #tpu.memory_space<semaphore_mem>>)
    %broadcast_in_dim3A_571 = arith.constant 7 : i32
    %broadcast_in_dim3A_572 = vector.broadcast %broadcast_in_dim3A_571 : i32 to vector<16xi32>
    %scan3A_573 = arith.constant 0 : i32
    %scan3A_574 = arith.constant 0 : i32
    %scan3A_575 = arith.constant 78 : i32
    %scan3A_576 = arith.addi %scan3A_574, %scan3A_575 : i32
    %scan3A_577 = arith.constant 1 : i32
    scf.for %scan3A_923 = %scan3A_574 to %scan3A_576 step %scan3A_577  : i32 {
      %mul3A_924 = arith.constant 4 : i32
      %mul3A_925 = arith.muli %scan3A_923, %mul3A_924 : i32
      %add3A_926 = arith.constant 0 : i32
      %add3A_927 = arith.addi %mul3A_925, %add3A_926 : i32
      %mul3A_928 = arith.constant 16 : i32
      %mul3A_929 = arith.muli %add3A_927, %mul3A_928 : i32
      %get3A_930 = arith.constant 1 : i32
      %get3A_931 = arith.index_cast %get3A_930 : i32 to index
      %get3A_932 = arith.index_cast %mul3A_929 : i32 to index
      %get3A_933 = tpu.vector_load %arg5[%get3A_931, %get3A_932] {strides = array<i32>} : memref<2x5016xi32, #tpu.memory_space<vmem>>, vector<16xi32>,
      %shift_right_arithmetic3A_934 = arith.constant 7 : i32
      %shift_right_arithmetic3A_935 = vector.broadcast %shift_right_arithmetic3A_934 : i32 to vector<16xi32>
      %shift_right_arithmetic3A_936 = arith.shrsi %get3A_933, %shift_right_arithmetic3A_935 : vector<16xi32>
      %and3A_937 = arith.constant 127 : i32
      %and3A_938 = vector.broadcast %and3A_937 : i32 to vector<16xi32>
      %and3A_939 = arith.andi %get3A_933, %and3A_938 : vector<16xi32>
      tpu.vector_store_idx %arg6[%broadcast_in_dim3A_572, %shift_right_arithmetic3A_936, %and3A_939], %broadcast_in_dim3A_1 {add = true} : memref<10x80x128xf32, #tpu.memory_space<vmem>>[vector<16xi32>, vector<16xi32>, vector<16xi32>], vector<16xf32>,
      %mul3A_940 = arith.constant 4 : i32
      %mul3A_941 = arith.muli %scan3A_923, %mul3A_940 : i32
      %add3A_942 = arith.constant 1 : i32
      %add3A_943 = arith.addi %mul3A_941, %add3A_942 : i32
      %mul3A_944 = arith.constant 16 : i32
      %mul3A_945 = arith.muli %add3A_943, %mul3A_944 : i32
      %get3A_946 = arith.constant 1 : i32
      %get3A_947 = arith.index_cast %get3A_946 : i32 to index
      %get3A_948 = arith.index_cast %mul3A_945 : i32 to index
      %get3A_949 = tpu.vector_load %arg5[%get3A_947, %get3A_948] {strides = array<i32>} : memref<2x5016xi32, #tpu.memory_space<vmem>>, vector<16xi32>,
      %shift_right_arithmetic3A_950 = arith.constant 7 : i32
      %shift_right_arithmetic3A_951 = vector.broadcast %shift_right_arithmetic3A_950 : i32 to vector<16xi32>
      %shift_right_arithmetic3A_952 = arith.shrsi %get3A_949, %shift_right_arithmetic3A_951 : vector<16xi32>
      %and3A_953 = arith.constant 127 : i32
      %and3A_954 = vector.broadcast %and3A_953 : i32 to vector<16xi32>
      %and3A_955 = arith.andi %get3A_949, %and3A_954 : vector<16xi32>
      tpu.vector_store_idx %arg6[%broadcast_in_dim3A_572, %shift_right_arithmetic3A_952, %and3A_955], %broadcast_in_dim3A_1 {add = true} : memref<10x80x128xf32, #tpu.memory_space<vmem>>[vector<16xi32>, vector<16xi32>, vector<16xi32>], vector<16xf32>,
      %mul3A_956 = arith.constant 4 : i32
      %mul3A_957 = arith.muli %scan3A_923, %mul3A_956 : i32
      %add3A_958 = arith.constant 2 : i32
      %add3A_959 = arith.addi %mul3A_957, %add3A_958 : i32
      %mul3A_960 = arith.constant 16 : i32
      %mul3A_961 = arith.muli %add3A_959, %mul3A_960 : i32
      %get3A_962 = arith.constant 1 : i32
      %get3A_963 = arith.index_cast %get3A_962 : i32 to index
      %get3A_964 = arith.index_cast %mul3A_961 : i32 to index
      %get3A_965 = tpu.vector_load %arg5[%get3A_963, %get3A_964] {strides = array<i32>} : memref<2x5016xi32, #tpu.memory_space<vmem>>, vector<16xi32>,
      %shift_right_arithmetic3A_966 = arith.constant 7 : i32
      %shift_right_arithmetic3A_967 = vector.broadcast %shift_right_arithmetic3A_966 : i32 to vector<16xi32>
      %shift_right_arithmetic3A_968 = arith.shrsi %get3A_965, %shift_right_arithmetic3A_967 : vector<16xi32>
      %and3A_969 = arith.constant 127 : i32
      %and3A_970 = vector.broadcast %and3A_969 : i32 to vector<16xi32>
      %and3A_971 = arith.andi %get3A_965, %and3A_970 : vector<16xi32>
      tpu.vector_store_idx %arg6[%broadcast_in_dim3A_572, %shift_right_arithmetic3A_968, %and3A_971], %broadcast_in_dim3A_1 {add = true} : memref<10x80x128xf32, #tpu.memory_space<vmem>>[vector<16xi32>, vector<16xi32>, vector<16xi32>], vector<16xf32>,
      %mul3A_972 = arith.constant 4 : i32
      %mul3A_973 = arith.muli %scan3A_923, %mul3A_972 : i32
      %add3A_974 = arith.constant 3 : i32
      %add3A_975 = arith.addi %mul3A_973, %add3A_974 : i32
      %mul3A_976 = arith.constant 16 : i32
      %mul3A_977 = arith.muli %add3A_975, %mul3A_976 : i32
      %get3A_978 = arith.constant 1 : i32
      %get3A_979 = arith.index_cast %get3A_978 : i32 to index
      %get3A_980 = arith.index_cast %mul3A_977 : i32 to index
      %get3A_981 = tpu.vector_load %arg5[%get3A_979, %get3A_980] {strides = array<i32>} : memref<2x5016xi32, #tpu.memory_space<vmem>>, vector<16xi32>,
      %shift_right_arithmetic3A_982 = arith.constant 7 : i32
      %shift_right_arithmetic3A_983 = vector.broadcast %shift_right_arithmetic3A_982 : i32 to vector<16xi32>
      %shift_right_arithmetic3A_984 = arith.shrsi %get3A_981, %shift_right_arithmetic3A_983 : vector<16xi32>
      %and3A_985 = arith.constant 127 : i32
      %and3A_986 = vector.broadcast %and3A_985 : i32 to vector<16xi32>
      %and3A_987 = arith.andi %get3A_981, %and3A_986 : vector<16xi32>
      tpu.vector_store_idx %arg6[%broadcast_in_dim3A_572, %shift_right_arithmetic3A_984, %and3A_987], %broadcast_in_dim3A_1 {add = true} : memref<10x80x128xf32, #tpu.memory_space<vmem>>[vector<16xi32>, vector<16xi32>, vector<16xi32>], vector<16xf32>,
    }
    %scan3A_578 = arith.constant 78 : i32
    %lt3A_579 = arith.constant 8 : i32
    %lt3A_580 = vector.broadcast %lt3A_579 : i32 to vector<16xi32>
    %lt3A_581 = arith.cmpi slt, %iota3A, %lt3A_580 : vector<16xi32>
    %get3A_582 = arith.constant 1 : i32
    %get3A_583 = arith.index_cast %get3A_582 : i32 to index
    %get3A_584 = arith.constant 4992 : index
    %get3A_585 = tpu.vector_load %arg5[%get3A_583, %get3A_584] {strides = array<i32>} : memref<2x5016xi32, #tpu.memory_space<vmem>>, vector<16xi32>,
    %jit3A_586 = arith.constant 0 : i32
    %broadcast_in_dim3A_587 = vector.broadcast %jit3A_586 : i32 to vector<16xi32>
    %select_n3A_588 = arith.select %lt3A_581, %get3A_585, %broadcast_in_dim3A_587 : vector<16xi1>, vector<16xi32>
    %shift_right_arithmetic3A_589 = arith.constant 7 : i32
    %shift_right_arithmetic3A_590 = vector.broadcast %shift_right_arithmetic3A_589 : i32 to vector<16xi32>
    %shift_right_arithmetic3A_591 = arith.shrsi %select_n3A_588, %shift_right_arithmetic3A_590 : vector<16xi32>
    %and3A_592 = arith.constant 127 : i32
    %and3A_593 = vector.broadcast %and3A_592 : i32 to vector<16xi32>
    %and3A_594 = arith.andi %select_n3A_588, %and3A_593 : vector<16xi32>
    %jit3A_595 = arith.constant 1.000000e+00 : f32
    %jit3A_596 = arith.constant 0.000000e+00 : f32
    %broadcast_in_dim3A_597 = vector.broadcast %jit3A_595 : f32 to vector<16xf32>
    %broadcast_in_dim3A_598 = vector.broadcast %jit3A_596 : f32 to vector<16xf32>
    %select_n3A_599 = arith.select %lt3A_581, %broadcast_in_dim3A_597, %broadcast_in_dim3A_598 : vector<16xi1>, vector<16xf32>
    tpu.vector_store_idx %arg6[%broadcast_in_dim3A_572, %shift_right_arithmetic3A_591, %and3A_594], %select_n3A_599 {add = true} : memref<10x80x128xf32, #tpu.memory_space<vmem>>[vector<16xi32>, vector<16xi32>, vector<16xi32>], vector<16xf32>,
    %dma_start3A_600 = arith.constant 7 : i32
    %dma_start3A_601 = arith.constant 7 : i32
    %dma_start3A_602 = arith.constant 0 : i32
    %dma_start3A_603 = arith.constant 0 : i32
    %dma_start3A_604 = tpu.memref_slice %arg6[%dma_start3A_600, %dma_start3A_602, %dma_start3A_603] : memref<10x80x128xf32, #tpu.memory_space<vmem>> -> memref<1x80x128xf32, #tpu.memory_space<vmem>>
    %dma_start3A_605 = tpu.memref_squeeze %dma_start3A_604 : memref<1x80x128xf32, #tpu.memory_space<vmem>> -> memref<80x128xf32, #tpu.memory_space<vmem>>
    %dma_start3A_606 = arith.constant 0 : i32
    %dma_start3A_607 = arith.constant 0 : i32
    %dma_start3A_608 = tpu.memref_slice %arg4[%dma_start3A_601, %add3A, %dma_start3A_606, %dma_start3A_607] : memref<10x32x80x128xf32, #tpu.memory_space<hbm>> -> memref<1x1x80x128xf32, #tpu.memory_space<hbm>>
    %dma_start3A_609 = tpu.memref_squeeze %dma_start3A_608 : memref<1x1x80x128xf32, #tpu.memory_space<hbm>> -> memref<80x128xf32, #tpu.memory_space<hbm>>
    %dma_start3A_610 = arith.constant 0 : i32
    %dma_start3A_611 = arith.constant 0 : i32
    %dma_start3A_612 = tpu.memref_slice %arg4[%dma_start3A_601, %add3A, %dma_start3A_610, %dma_start3A_611] : memref<10x32x80x128xf32, #tpu.memory_space<hbm>> -> memref<1x1x80x128xf32, #tpu.memory_space<hbm>>
    %dma_start3A_613 = tpu.memref_squeeze %dma_start3A_612 : memref<1x1x80x128xf32, #tpu.memory_space<hbm>> -> memref<80x128xf32, #tpu.memory_space<hbm>>
    %dma_start3A_614 = arith.constant 0 : i32
    %dma_start3A_615 = arith.constant 0 : i32
    %dma_start3A_616 = tpu.memref_slice %arg6[%dma_start3A_600, %dma_start3A_614, %dma_start3A_615] : memref<10x80x128xf32, #tpu.memory_space<vmem>> -> memref<1x80x128xf32, #tpu.memory_space<vmem>>
    %dma_start3A_617 = tpu.memref_squeeze %dma_start3A_616 : memref<1x80x128xf32, #tpu.memory_space<vmem>> -> memref<80x128xf32, #tpu.memory_space<vmem>>
    tpu.enqueue_dma source(%dma_start3A_617 : memref<80x128xf32, #tpu.memory_space<vmem>>) target(%dma_start3A_613 : memref<80x128xf32, #tpu.memory_space<hbm>>) target_semaphore(%arg9 : memref<!tpu.dma_semaphore, #tpu.memory_space<semaphore_mem>>)
    %dma_wait3A_618 = arith.constant 0 : i32
    %dma_wait3A_619 = arith.constant 0 : i32
    %dma_wait3A_620 = tpu.memref_slice %arg5[%dma_wait3A_618, %dma_wait3A_619] : memref<2x5016xi32, #tpu.memory_space<vmem>> -> memref<1x5000xi32, #tpu.memory_space<vmem>>
    %dma_wait3A_621 = tpu.memref_squeeze %dma_wait3A_620 : memref<1x5000xi32, #tpu.memory_space<vmem>> -> memref<5000xi32, #tpu.memory_space<vmem>>
    %dma_wait3A_622 = tpu.memref_slice %arg3[%add3A_561] : memref<800000xi32, #tpu.memory_space<hbm>> -> memref<5000xi32, #tpu.memory_space<hbm>>
    %dma_wait3A_623 = arith.constant 0 : i32
    %dma_wait3A_624 = tpu.memref_slice %arg5[%dma_wait3A_618, %dma_wait3A_623] : memref<2x5016xi32, #tpu.memory_space<vmem>> -> memref<1x5000xi32, #tpu.memory_space<vmem>>
    %dma_wait3A_625 = tpu.memref_squeeze %dma_wait3A_624 : memref<1x5000xi32, #tpu.memory_space<vmem>> -> memref<5000xi32, #tpu.memory_space<vmem>>
    %dma_wait3A_626 = tpu.memref_slice %arg3[%add3A_561] : memref<800000xi32, #tpu.memory_space<hbm>> -> memref<5000xi32, #tpu.memory_space<hbm>>
    tpu.wait_dma2 semaphore(%arg7 : memref<!tpu.dma_semaphore, #tpu.memory_space<semaphore_mem>>) src(%dma_wait3A_626 : memref<5000xi32, #tpu.memory_space<hbm>>) dst(%dma_wait3A_625 : memref<5000xi32, #tpu.memory_space<vmem>>)
    %mul3A_627 = arith.constant 5000 : i32
    %mul3A_628 = arith.muli %add3A, %mul3A_627 : i32
    %add3A_629 = arith.constant 640000 : i32
    %add3A_630 = arith.addi %add3A_629, %mul3A_628 : i32
    %dma_start3A_631 = arith.constant 1 : i32
    %dma_start3A_632 = arith.constant 0 : i32
    %dma_start3A_633 = tpu.memref_slice %arg5[%dma_start3A_631, %dma_start3A_632] : memref<2x5016xi32, #tpu.memory_space<vmem>> -> memref<1x5000xi32, #tpu.memory_space<vmem>>
    %dma_start3A_634 = tpu.memref_squeeze %dma_start3A_633 : memref<1x5000xi32, #tpu.memory_space<vmem>> -> memref<5000xi32, #tpu.memory_space<vmem>>
    %dma_start3A_635 = tpu.memref_slice %arg3[%add3A_630] : memref<800000xi32, #tpu.memory_space<hbm>> -> memref<5000xi32, #tpu.memory_space<hbm>>
    %dma_start3A_636 = arith.constant 0 : i32
    %dma_start3A_637 = tpu.memref_slice %arg5[%dma_start3A_631, %dma_start3A_636] : memref<2x5016xi32, #tpu.memory_space<vmem>> -> memref<1x5000xi32, #tpu.memory_space<vmem>>
    %dma_start3A_638 = tpu.memref_squeeze %dma_start3A_637 : memref<1x5000xi32, #tpu.memory_space<vmem>> -> memref<5000xi32, #tpu.memory_space<vmem>>
    %dma_start3A_639 = tpu.memref_slice %arg3[%add3A_630] : memref<800000xi32, #tpu.memory_space<hbm>> -> memref<5000xi32, #tpu.memory_space<hbm>>
    tpu.enqueue_dma source(%dma_start3A_639 : memref<5000xi32, #tpu.memory_space<hbm>>) target(%dma_start3A_638 : memref<5000xi32, #tpu.memory_space<vmem>>) target_semaphore(%arg8 : memref<!tpu.dma_semaphore, #tpu.memory_space<semaphore_mem>>)
    %broadcast_in_dim3A_640 = arith.constant 8 : i32
    %broadcast_in_dim3A_641 = vector.broadcast %broadcast_in_dim3A_640 : i32 to vector<16xi32>
    %scan3A_642 = arith.constant 0 : i32
    %scan3A_643 = arith.constant 0 : i32
    %scan3A_644 = arith.constant 78 : i32
    %scan3A_645 = arith.addi %scan3A_643, %scan3A_644 : i32
    %scan3A_646 = arith.constant 1 : i32
    scf.for %scan3A_923 = %scan3A_643 to %scan3A_645 step %scan3A_646  : i32 {
      %mul3A_924 = arith.constant 4 : i32
      %mul3A_925 = arith.muli %scan3A_923, %mul3A_924 : i32
      %add3A_926 = arith.constant 0 : i32
      %add3A_927 = arith.addi %mul3A_925, %add3A_926 : i32
      %mul3A_928 = arith.constant 16 : i32
      %mul3A_929 = arith.muli %add3A_927, %mul3A_928 : i32
      %get3A_930 = arith.constant 0 : i32
      %get3A_931 = arith.index_cast %get3A_930 : i32 to index
      %get3A_932 = arith.index_cast %mul3A_929 : i32 to index
      %get3A_933 = tpu.vector_load %arg5[%get3A_931, %get3A_932] {strides = array<i32>} : memref<2x5016xi32, #tpu.memory_space<vmem>>, vector<16xi32>,
      %shift_right_arithmetic3A_934 = arith.constant 7 : i32
      %shift_right_arithmetic3A_935 = vector.broadcast %shift_right_arithmetic3A_934 : i32 to vector<16xi32>
      %shift_right_arithmetic3A_936 = arith.shrsi %get3A_933, %shift_right_arithmetic3A_935 : vector<16xi32>
      %and3A_937 = arith.constant 127 : i32
      %and3A_938 = vector.broadcast %and3A_937 : i32 to vector<16xi32>
      %and3A_939 = arith.andi %get3A_933, %and3A_938 : vector<16xi32>
      tpu.vector_store_idx %arg6[%broadcast_in_dim3A_641, %shift_right_arithmetic3A_936, %and3A_939], %broadcast_in_dim3A_1 {add = true} : memref<10x80x128xf32, #tpu.memory_space<vmem>>[vector<16xi32>, vector<16xi32>, vector<16xi32>], vector<16xf32>,
      %mul3A_940 = arith.constant 4 : i32
      %mul3A_941 = arith.muli %scan3A_923, %mul3A_940 : i32
      %add3A_942 = arith.constant 1 : i32
      %add3A_943 = arith.addi %mul3A_941, %add3A_942 : i32
      %mul3A_944 = arith.constant 16 : i32
      %mul3A_945 = arith.muli %add3A_943, %mul3A_944 : i32
      %get3A_946 = arith.constant 0 : i32
      %get3A_947 = arith.index_cast %get3A_946 : i32 to index
      %get3A_948 = arith.index_cast %mul3A_945 : i32 to index
      %get3A_949 = tpu.vector_load %arg5[%get3A_947, %get3A_948] {strides = array<i32>} : memref<2x5016xi32, #tpu.memory_space<vmem>>, vector<16xi32>,
      %shift_right_arithmetic3A_950 = arith.constant 7 : i32
      %shift_right_arithmetic3A_951 = vector.broadcast %shift_right_arithmetic3A_950 : i32 to vector<16xi32>
      %shift_right_arithmetic3A_952 = arith.shrsi %get3A_949, %shift_right_arithmetic3A_951 : vector<16xi32>
      %and3A_953 = arith.constant 127 : i32
      %and3A_954 = vector.broadcast %and3A_953 : i32 to vector<16xi32>
      %and3A_955 = arith.andi %get3A_949, %and3A_954 : vector<16xi32>
      tpu.vector_store_idx %arg6[%broadcast_in_dim3A_641, %shift_right_arithmetic3A_952, %and3A_955], %broadcast_in_dim3A_1 {add = true} : memref<10x80x128xf32, #tpu.memory_space<vmem>>[vector<16xi32>, vector<16xi32>, vector<16xi32>], vector<16xf32>,
      %mul3A_956 = arith.constant 4 : i32
      %mul3A_957 = arith.muli %scan3A_923, %mul3A_956 : i32
      %add3A_958 = arith.constant 2 : i32
      %add3A_959 = arith.addi %mul3A_957, %add3A_958 : i32
      %mul3A_960 = arith.constant 16 : i32
      %mul3A_961 = arith.muli %add3A_959, %mul3A_960 : i32
      %get3A_962 = arith.constant 0 : i32
      %get3A_963 = arith.index_cast %get3A_962 : i32 to index
      %get3A_964 = arith.index_cast %mul3A_961 : i32 to index
      %get3A_965 = tpu.vector_load %arg5[%get3A_963, %get3A_964] {strides = array<i32>} : memref<2x5016xi32, #tpu.memory_space<vmem>>, vector<16xi32>,
      %shift_right_arithmetic3A_966 = arith.constant 7 : i32
      %shift_right_arithmetic3A_967 = vector.broadcast %shift_right_arithmetic3A_966 : i32 to vector<16xi32>
      %shift_right_arithmetic3A_968 = arith.shrsi %get3A_965, %shift_right_arithmetic3A_967 : vector<16xi32>
      %and3A_969 = arith.constant 127 : i32
      %and3A_970 = vector.broadcast %and3A_969 : i32 to vector<16xi32>
      %and3A_971 = arith.andi %get3A_965, %and3A_970 : vector<16xi32>
      tpu.vector_store_idx %arg6[%broadcast_in_dim3A_641, %shift_right_arithmetic3A_968, %and3A_971], %broadcast_in_dim3A_1 {add = true} : memref<10x80x128xf32, #tpu.memory_space<vmem>>[vector<16xi32>, vector<16xi32>, vector<16xi32>], vector<16xf32>,
      %mul3A_972 = arith.constant 4 : i32
      %mul3A_973 = arith.muli %scan3A_923, %mul3A_972 : i32
      %add3A_974 = arith.constant 3 : i32
      %add3A_975 = arith.addi %mul3A_973, %add3A_974 : i32
      %mul3A_976 = arith.constant 16 : i32
      %mul3A_977 = arith.muli %add3A_975, %mul3A_976 : i32
      %get3A_978 = arith.constant 0 : i32
      %get3A_979 = arith.index_cast %get3A_978 : i32 to index
      %get3A_980 = arith.index_cast %mul3A_977 : i32 to index
      %get3A_981 = tpu.vector_load %arg5[%get3A_979, %get3A_980] {strides = array<i32>} : memref<2x5016xi32, #tpu.memory_space<vmem>>, vector<16xi32>,
      %shift_right_arithmetic3A_982 = arith.constant 7 : i32
      %shift_right_arithmetic3A_983 = vector.broadcast %shift_right_arithmetic3A_982 : i32 to vector<16xi32>
      %shift_right_arithmetic3A_984 = arith.shrsi %get3A_981, %shift_right_arithmetic3A_983 : vector<16xi32>
      %and3A_985 = arith.constant 127 : i32
      %and3A_986 = vector.broadcast %and3A_985 : i32 to vector<16xi32>
      %and3A_987 = arith.andi %get3A_981, %and3A_986 : vector<16xi32>
      tpu.vector_store_idx %arg6[%broadcast_in_dim3A_641, %shift_right_arithmetic3A_984, %and3A_987], %broadcast_in_dim3A_1 {add = true} : memref<10x80x128xf32, #tpu.memory_space<vmem>>[vector<16xi32>, vector<16xi32>, vector<16xi32>], vector<16xf32>,
    }
    %scan3A_647 = arith.constant 78 : i32
    %lt3A_648 = arith.constant 8 : i32
    %lt3A_649 = vector.broadcast %lt3A_648 : i32 to vector<16xi32>
    %lt3A_650 = arith.cmpi slt, %iota3A, %lt3A_649 : vector<16xi32>
    %get3A_651 = arith.constant 0 : i32
    %get3A_652 = arith.index_cast %get3A_651 : i32 to index
    %get3A_653 = arith.constant 4992 : index
    %get3A_654 = tpu.vector_load %arg5[%get3A_652, %get3A_653] {strides = array<i32>} : memref<2x5016xi32, #tpu.memory_space<vmem>>, vector<16xi32>,
    %jit3A_655 = arith.constant 0 : i32
    %broadcast_in_dim3A_656 = vector.broadcast %jit3A_655 : i32 to vector<16xi32>
    %select_n3A_657 = arith.select %lt3A_650, %get3A_654, %broadcast_in_dim3A_656 : vector<16xi1>, vector<16xi32>
    %shift_right_arithmetic3A_658 = arith.constant 7 : i32
    %shift_right_arithmetic3A_659 = vector.broadcast %shift_right_arithmetic3A_658 : i32 to vector<16xi32>
    %shift_right_arithmetic3A_660 = arith.shrsi %select_n3A_657, %shift_right_arithmetic3A_659 : vector<16xi32>
    %and3A_661 = arith.constant 127 : i32
    %and3A_662 = vector.broadcast %and3A_661 : i32 to vector<16xi32>
    %and3A_663 = arith.andi %select_n3A_657, %and3A_662 : vector<16xi32>
    %jit3A_664 = arith.constant 1.000000e+00 : f32
    %jit3A_665 = arith.constant 0.000000e+00 : f32
    %broadcast_in_dim3A_666 = vector.broadcast %jit3A_664 : f32 to vector<16xf32>
    %broadcast_in_dim3A_667 = vector.broadcast %jit3A_665 : f32 to vector<16xf32>
    %select_n3A_668 = arith.select %lt3A_650, %broadcast_in_dim3A_666, %broadcast_in_dim3A_667 : vector<16xi1>, vector<16xf32>
    tpu.vector_store_idx %arg6[%broadcast_in_dim3A_641, %shift_right_arithmetic3A_660, %and3A_663], %select_n3A_668 {add = true} : memref<10x80x128xf32, #tpu.memory_space<vmem>>[vector<16xi32>, vector<16xi32>, vector<16xi32>], vector<16xf32>,
    %dma_start3A_669 = arith.constant 8 : i32
    %dma_start3A_670 = arith.constant 8 : i32
    %dma_start3A_671 = arith.constant 0 : i32
    %dma_start3A_672 = arith.constant 0 : i32
    %dma_start3A_673 = tpu.memref_slice %arg6[%dma_start3A_669, %dma_start3A_671, %dma_start3A_672] : memref<10x80x128xf32, #tpu.memory_space<vmem>> -> memref<1x80x128xf32, #tpu.memory_space<vmem>>
    %dma_start3A_674 = tpu.memref_squeeze %dma_start3A_673 : memref<1x80x128xf32, #tpu.memory_space<vmem>> -> memref<80x128xf32, #tpu.memory_space<vmem>>
    %dma_start3A_675 = arith.constant 0 : i32
    %dma_start3A_676 = arith.constant 0 : i32
    %dma_start3A_677 = tpu.memref_slice %arg4[%dma_start3A_670, %add3A, %dma_start3A_675, %dma_start3A_676] : memref<10x32x80x128xf32, #tpu.memory_space<hbm>> -> memref<1x1x80x128xf32, #tpu.memory_space<hbm>>
    %dma_start3A_678 = tpu.memref_squeeze %dma_start3A_677 : memref<1x1x80x128xf32, #tpu.memory_space<hbm>> -> memref<80x128xf32, #tpu.memory_space<hbm>>
    %dma_start3A_679 = arith.constant 0 : i32
    %dma_start3A_680 = arith.constant 0 : i32
    %dma_start3A_681 = tpu.memref_slice %arg4[%dma_start3A_670, %add3A, %dma_start3A_679, %dma_start3A_680] : memref<10x32x80x128xf32, #tpu.memory_space<hbm>> -> memref<1x1x80x128xf32, #tpu.memory_space<hbm>>
    %dma_start3A_682 = tpu.memref_squeeze %dma_start3A_681 : memref<1x1x80x128xf32, #tpu.memory_space<hbm>> -> memref<80x128xf32, #tpu.memory_space<hbm>>
    %dma_start3A_683 = arith.constant 0 : i32
    %dma_start3A_684 = arith.constant 0 : i32
    %dma_start3A_685 = tpu.memref_slice %arg6[%dma_start3A_669, %dma_start3A_683, %dma_start3A_684] : memref<10x80x128xf32, #tpu.memory_space<vmem>> -> memref<1x80x128xf32, #tpu.memory_space<vmem>>
    %dma_start3A_686 = tpu.memref_squeeze %dma_start3A_685 : memref<1x80x128xf32, #tpu.memory_space<vmem>> -> memref<80x128xf32, #tpu.memory_space<vmem>>
    tpu.enqueue_dma source(%dma_start3A_686 : memref<80x128xf32, #tpu.memory_space<vmem>>) target(%dma_start3A_682 : memref<80x128xf32, #tpu.memory_space<hbm>>) target_semaphore(%arg9 : memref<!tpu.dma_semaphore, #tpu.memory_space<semaphore_mem>>)
    %dma_wait3A_687 = arith.constant 1 : i32
    %dma_wait3A_688 = arith.constant 0 : i32
    %dma_wait3A_689 = tpu.memref_slice %arg5[%dma_wait3A_687, %dma_wait3A_688] : memref<2x5016xi32, #tpu.memory_space<vmem>> -> memref<1x5000xi32, #tpu.memory_space<vmem>>
    %dma_wait3A_690 = tpu.memref_squeeze %dma_wait3A_689 : memref<1x5000xi32, #tpu.memory_space<vmem>> -> memref<5000xi32, #tpu.memory_space<vmem>>
    %dma_wait3A_691 = tpu.memref_slice %arg3[%add3A_630] : memref<800000xi32, #tpu.memory_space<hbm>> -> memref<5000xi32, #tpu.memory_space<hbm>>
    %dma_wait3A_692 = arith.constant 0 : i32
    %dma_wait3A_693 = tpu.memref_slice %arg5[%dma_wait3A_687, %dma_wait3A_692] : memref<2x5016xi32, #tpu.memory_space<vmem>> -> memref<1x5000xi32, #tpu.memory_space<vmem>>
    %dma_wait3A_694 = tpu.memref_squeeze %dma_wait3A_693 : memref<1x5000xi32, #tpu.memory_space<vmem>> -> memref<5000xi32, #tpu.memory_space<vmem>>
    %dma_wait3A_695 = tpu.memref_slice %arg3[%add3A_630] : memref<800000xi32, #tpu.memory_space<hbm>> -> memref<5000xi32, #tpu.memory_space<hbm>>
    tpu.wait_dma2 semaphore(%arg8 : memref<!tpu.dma_semaphore, #tpu.memory_space<semaphore_mem>>) src(%dma_wait3A_695 : memref<5000xi32, #tpu.memory_space<hbm>>) dst(%dma_wait3A_694 : memref<5000xi32, #tpu.memory_space<vmem>>)
    %broadcast_in_dim3A_696 = arith.constant 9 : i32
    %broadcast_in_dim3A_697 = vector.broadcast %broadcast_in_dim3A_696 : i32 to vector<16xi32>
    %scan3A_698 = arith.constant 0 : i32
    %scan3A_699 = arith.constant 0 : i32
    %scan3A_700 = arith.constant 78 : i32
    %scan3A_701 = arith.addi %scan3A_699, %scan3A_700 : i32
    %scan3A_702 = arith.constant 1 : i32
    scf.for %scan3A_923 = %scan3A_699 to %scan3A_701 step %scan3A_702  : i32 {
      %mul3A_924 = arith.constant 4 : i32
      %mul3A_925 = arith.muli %scan3A_923, %mul3A_924 : i32
      %add3A_926 = arith.constant 0 : i32
      %add3A_927 = arith.addi %mul3A_925, %add3A_926 : i32
      %mul3A_928 = arith.constant 16 : i32
      %mul3A_929 = arith.muli %add3A_927, %mul3A_928 : i32
      %get3A_930 = arith.constant 1 : i32
      %get3A_931 = arith.index_cast %get3A_930 : i32 to index
      %get3A_932 = arith.index_cast %mul3A_929 : i32 to index
      %get3A_933 = tpu.vector_load %arg5[%get3A_931, %get3A_932] {strides = array<i32>} : memref<2x5016xi32, #tpu.memory_space<vmem>>, vector<16xi32>,
      %shift_right_arithmetic3A_934 = arith.constant 7 : i32
      %shift_right_arithmetic3A_935 = vector.broadcast %shift_right_arithmetic3A_934 : i32 to vector<16xi32>
      %shift_right_arithmetic3A_936 = arith.shrsi %get3A_933, %shift_right_arithmetic3A_935 : vector<16xi32>
      %and3A_937 = arith.constant 127 : i32
      %and3A_938 = vector.broadcast %and3A_937 : i32 to vector<16xi32>
      %and3A_939 = arith.andi %get3A_933, %and3A_938 : vector<16xi32>
      tpu.vector_store_idx %arg6[%broadcast_in_dim3A_697, %shift_right_arithmetic3A_936, %and3A_939], %broadcast_in_dim3A_1 {add = true} : memref<10x80x128xf32, #tpu.memory_space<vmem>>[vector<16xi32>, vector<16xi32>, vector<16xi32>], vector<16xf32>,
      %mul3A_940 = arith.constant 4 : i32
      %mul3A_941 = arith.muli %scan3A_923, %mul3A_940 : i32
      %add3A_942 = arith.constant 1 : i32
      %add3A_943 = arith.addi %mul3A_941, %add3A_942 : i32
      %mul3A_944 = arith.constant 16 : i32
      %mul3A_945 = arith.muli %add3A_943, %mul3A_944 : i32
      %get3A_946 = arith.constant 1 : i32
      %get3A_947 = arith.index_cast %get3A_946 : i32 to index
      %get3A_948 = arith.index_cast %mul3A_945 : i32 to index
      %get3A_949 = tpu.vector_load %arg5[%get3A_947, %get3A_948] {strides = array<i32>} : memref<2x5016xi32, #tpu.memory_space<vmem>>, vector<16xi32>,
      %shift_right_arithmetic3A_950 = arith.constant 7 : i32
      %shift_right_arithmetic3A_951 = vector.broadcast %shift_right_arithmetic3A_950 : i32 to vector<16xi32>
      %shift_right_arithmetic3A_952 = arith.shrsi %get3A_949, %shift_right_arithmetic3A_951 : vector<16xi32>
      %and3A_953 = arith.constant 127 : i32
      %and3A_954 = vector.broadcast %and3A_953 : i32 to vector<16xi32>
      %and3A_955 = arith.andi %get3A_949, %and3A_954 : vector<16xi32>
      tpu.vector_store_idx %arg6[%broadcast_in_dim3A_697, %shift_right_arithmetic3A_952, %and3A_955], %broadcast_in_dim3A_1 {add = true} : memref<10x80x128xf32, #tpu.memory_space<vmem>>[vector<16xi32>, vector<16xi32>, vector<16xi32>], vector<16xf32>,
      %mul3A_956 = arith.constant 4 : i32
      %mul3A_957 = arith.muli %scan3A_923, %mul3A_956 : i32
      %add3A_958 = arith.constant 2 : i32
      %add3A_959 = arith.addi %mul3A_957, %add3A_958 : i32
      %mul3A_960 = arith.constant 16 : i32
      %mul3A_961 = arith.muli %add3A_959, %mul3A_960 : i32
      %get3A_962 = arith.constant 1 : i32
      %get3A_963 = arith.index_cast %get3A_962 : i32 to index
      %get3A_964 = arith.index_cast %mul3A_961 : i32 to index
      %get3A_965 = tpu.vector_load %arg5[%get3A_963, %get3A_964] {strides = array<i32>} : memref<2x5016xi32, #tpu.memory_space<vmem>>, vector<16xi32>,
      %shift_right_arithmetic3A_966 = arith.constant 7 : i32
      %shift_right_arithmetic3A_967 = vector.broadcast %shift_right_arithmetic3A_966 : i32 to vector<16xi32>
      %shift_right_arithmetic3A_968 = arith.shrsi %get3A_965, %shift_right_arithmetic3A_967 : vector<16xi32>
      %and3A_969 = arith.constant 127 : i32
      %and3A_970 = vector.broadcast %and3A_969 : i32 to vector<16xi32>
      %and3A_971 = arith.andi %get3A_965, %and3A_970 : vector<16xi32>
      tpu.vector_store_idx %arg6[%broadcast_in_dim3A_697, %shift_right_arithmetic3A_968, %and3A_971], %broadcast_in_dim3A_1 {add = true} : memref<10x80x128xf32, #tpu.memory_space<vmem>>[vector<16xi32>, vector<16xi32>, vector<16xi32>], vector<16xf32>,
      %mul3A_972 = arith.constant 4 : i32
      %mul3A_973 = arith.muli %scan3A_923, %mul3A_972 : i32
      %add3A_974 = arith.constant 3 : i32
      %add3A_975 = arith.addi %mul3A_973, %add3A_974 : i32
      %mul3A_976 = arith.constant 16 : i32
      %mul3A_977 = arith.muli %add3A_975, %mul3A_976 : i32
      %get3A_978 = arith.constant 1 : i32
      %get3A_979 = arith.index_cast %get3A_978 : i32 to index
      %get3A_980 = arith.index_cast %mul3A_977 : i32 to index
      %get3A_981 = tpu.vector_load %arg5[%get3A_979, %get3A_980] {strides = array<i32>} : memref<2x5016xi32, #tpu.memory_space<vmem>>, vector<16xi32>,
      %shift_right_arithmetic3A_982 = arith.constant 7 : i32
      %shift_right_arithmetic3A_983 = vector.broadcast %shift_right_arithmetic3A_982 : i32 to vector<16xi32>
      %shift_right_arithmetic3A_984 = arith.shrsi %get3A_981, %shift_right_arithmetic3A_983 : vector<16xi32>
      %and3A_985 = arith.constant 127 : i32
      %and3A_986 = vector.broadcast %and3A_985 : i32 to vector<16xi32>
      %and3A_987 = arith.andi %get3A_981, %and3A_986 : vector<16xi32>
      tpu.vector_store_idx %arg6[%broadcast_in_dim3A_697, %shift_right_arithmetic3A_984, %and3A_987], %broadcast_in_dim3A_1 {add = true} : memref<10x80x128xf32, #tpu.memory_space<vmem>>[vector<16xi32>, vector<16xi32>, vector<16xi32>], vector<16xf32>,
    }
    %scan3A_703 = arith.constant 78 : i32
    %lt3A_704 = arith.constant 8 : i32
    %lt3A_705 = vector.broadcast %lt3A_704 : i32 to vector<16xi32>
    %lt3A_706 = arith.cmpi slt, %iota3A, %lt3A_705 : vector<16xi32>
    %get3A_707 = arith.constant 1 : i32
    %get3A_708 = arith.index_cast %get3A_707 : i32 to index
    %get3A_709 = arith.constant 4992 : index
    %get3A_710 = tpu.vector_load %arg5[%get3A_708, %get3A_709] {strides = array<i32>} : memref<2x5016xi32, #tpu.memory_space<vmem>>, vector<16xi32>,
    %jit3A_711 = arith.constant 0 : i32
    %broadcast_in_dim3A_712 = vector.broadcast %jit3A_711 : i32 to vector<16xi32>
    %select_n3A_713 = arith.select %lt3A_706, %get3A_710, %broadcast_in_dim3A_712 : vector<16xi1>, vector<16xi32>
    %shift_right_arithmetic3A_714 = arith.constant 7 : i32
    %shift_right_arithmetic3A_715 = vector.broadcast %shift_right_arithmetic3A_714 : i32 to vector<16xi32>
    %shift_right_arithmetic3A_716 = arith.shrsi %select_n3A_713, %shift_right_arithmetic3A_715 : vector<16xi32>
    %and3A_717 = arith.constant 127 : i32
    %and3A_718 = vector.broadcast %and3A_717 : i32 to vector<16xi32>
    %and3A_719 = arith.andi %select_n3A_713, %and3A_718 : vector<16xi32>
    %jit3A_720 = arith.constant 1.000000e+00 : f32
    %jit3A_721 = arith.constant 0.000000e+00 : f32
    %broadcast_in_dim3A_722 = vector.broadcast %jit3A_720 : f32 to vector<16xf32>
    %broadcast_in_dim3A_723 = vector.broadcast %jit3A_721 : f32 to vector<16xf32>
    %select_n3A_724 = arith.select %lt3A_706, %broadcast_in_dim3A_722, %broadcast_in_dim3A_723 : vector<16xi1>, vector<16xf32>
    tpu.vector_store_idx %arg6[%broadcast_in_dim3A_697, %shift_right_arithmetic3A_716, %and3A_719], %select_n3A_724 {add = true} : memref<10x80x128xf32, #tpu.memory_space<vmem>>[vector<16xi32>, vector<16xi32>, vector<16xi32>], vector<16xf32>,
    %dma_start3A_725 = arith.constant 9 : i32
    %dma_start3A_726 = arith.constant 9 : i32
    %dma_start3A_727 = arith.constant 0 : i32
    %dma_start3A_728 = arith.constant 0 : i32
    %dma_start3A_729 = tpu.memref_slice %arg6[%dma_start3A_725, %dma_start3A_727, %dma_start3A_728] : memref<10x80x128xf32, #tpu.memory_space<vmem>> -> memref<1x80x128xf32, #tpu.memory_space<vmem>>
    %dma_start3A_730 = tpu.memref_squeeze %dma_start3A_729 : memref<1x80x128xf32, #tpu.memory_space<vmem>> -> memref<80x128xf32, #tpu.memory_space<vmem>>
    %dma_start3A_731 = arith.constant 0 : i32
    %dma_start3A_732 = arith.constant 0 : i32
    %dma_start3A_733 = tpu.memref_slice %arg4[%dma_start3A_726, %add3A, %dma_start3A_731, %dma_start3A_732] : memref<10x32x80x128xf32, #tpu.memory_space<hbm>> -> memref<1x1x80x128xf32, #tpu.memory_space<hbm>>
    %dma_start3A_734 = tpu.memref_squeeze %dma_start3A_733 : memref<1x1x80x128xf32, #tpu.memory_space<hbm>> -> memref<80x128xf32, #tpu.memory_space<hbm>>
    %dma_start3A_735 = arith.constant 0 : i32
    %dma_start3A_736 = arith.constant 0 : i32
    %dma_start3A_737 = tpu.memref_slice %arg4[%dma_start3A_726, %add3A, %dma_start3A_735, %dma_start3A_736] : memref<10x32x80x128xf32, #tpu.memory_space<hbm>> -> memref<1x1x80x128xf32, #tpu.memory_space<hbm>>
    %dma_start3A_738 = tpu.memref_squeeze %dma_start3A_737 : memref<1x1x80x128xf32, #tpu.memory_space<hbm>> -> memref<80x128xf32, #tpu.memory_space<hbm>>
    %dma_start3A_739 = arith.constant 0 : i32
    %dma_start3A_740 = arith.constant 0 : i32
    %dma_start3A_741 = tpu.memref_slice %arg6[%dma_start3A_725, %dma_start3A_739, %dma_start3A_740] : memref<10x80x128xf32, #tpu.memory_space<vmem>> -> memref<1x80x128xf32, #tpu.memory_space<vmem>>
    %dma_start3A_742 = tpu.memref_squeeze %dma_start3A_741 : memref<1x80x128xf32, #tpu.memory_space<vmem>> -> memref<80x128xf32, #tpu.memory_space<vmem>>
    tpu.enqueue_dma source(%dma_start3A_742 : memref<80x128xf32, #tpu.memory_space<vmem>>) target(%dma_start3A_738 : memref<80x128xf32, #tpu.memory_space<hbm>>) target_semaphore(%arg9 : memref<!tpu.dma_semaphore, #tpu.memory_space<semaphore_mem>>)
    %dma_wait3A_743 = arith.constant 0 : i32
    %dma_wait3A_744 = arith.constant 0 : i32
    %dma_wait3A_745 = arith.constant 0 : i32
    %dma_wait3A_746 = arith.constant 0 : i32
    %dma_wait3A_747 = tpu.memref_slice %arg6[%dma_wait3A_743, %dma_wait3A_745, %dma_wait3A_746] : memref<10x80x128xf32, #tpu.memory_space<vmem>> -> memref<1x80x128xf32, #tpu.memory_space<vmem>>
    %dma_wait3A_748 = tpu.memref_squeeze %dma_wait3A_747 : memref<1x80x128xf32, #tpu.memory_space<vmem>> -> memref<80x128xf32, #tpu.memory_space<vmem>>
    %dma_wait3A_749 = arith.constant 0 : i32
    %dma_wait3A_750 = arith.constant 0 : i32
    %dma_wait3A_751 = tpu.memref_slice %arg4[%dma_wait3A_744, %add3A, %dma_wait3A_749, %dma_wait3A_750] : memref<10x32x80x128xf32, #tpu.memory_space<hbm>> -> memref<1x1x80x128xf32, #tpu.memory_space<hbm>>
    %dma_wait3A_752 = tpu.memref_squeeze %dma_wait3A_751 : memref<1x1x80x128xf32, #tpu.memory_space<hbm>> -> memref<80x128xf32, #tpu.memory_space<hbm>>
    %dma_wait3A_753 = arith.constant 0 : i32
    %dma_wait3A_754 = arith.constant 0 : i32
    %dma_wait3A_755 = tpu.memref_slice %arg4[%dma_wait3A_744, %add3A, %dma_wait3A_753, %dma_wait3A_754] : memref<10x32x80x128xf32, #tpu.memory_space<hbm>> -> memref<1x1x80x128xf32, #tpu.memory_space<hbm>>
    %dma_wait3A_756 = tpu.memref_squeeze %dma_wait3A_755 : memref<1x1x80x128xf32, #tpu.memory_space<hbm>> -> memref<80x128xf32, #tpu.memory_space<hbm>>
    %dma_wait3A_757 = arith.constant 0 : i32
    %dma_wait3A_758 = arith.constant 0 : i32
    %dma_wait3A_759 = tpu.memref_slice %arg6[%dma_wait3A_743, %dma_wait3A_757, %dma_wait3A_758] : memref<10x80x128xf32, #tpu.memory_space<vmem>> -> memref<1x80x128xf32, #tpu.memory_space<vmem>>
    %dma_wait3A_760 = tpu.memref_squeeze %dma_wait3A_759 : memref<1x80x128xf32, #tpu.memory_space<vmem>> -> memref<80x128xf32, #tpu.memory_space<vmem>>
    tpu.wait_dma2 semaphore(%arg9 : memref<!tpu.dma_semaphore, #tpu.memory_space<semaphore_mem>>) src(%dma_wait3A_760 : memref<80x128xf32, #tpu.memory_space<vmem>>) dst(%dma_wait3A_756 : memref<80x128xf32, #tpu.memory_space<hbm>>)
    %dma_wait3A_761 = arith.constant 1 : i32
    %dma_wait3A_762 = arith.constant 1 : i32
    %dma_wait3A_763 = arith.constant 0 : i32
    %dma_wait3A_764 = arith.constant 0 : i32
    %dma_wait3A_765 = tpu.memref_slice %arg6[%dma_wait3A_761, %dma_wait3A_763, %dma_wait3A_764] : memref<10x80x128xf32, #tpu.memory_space<vmem>> -> memref<1x80x128xf32, #tpu.memory_space<vmem>>
    %dma_wait3A_766 = tpu.memref_squeeze %dma_wait3A_765 : memref<1x80x128xf32, #tpu.memory_space<vmem>> -> memref<80x128xf32, #tpu.memory_space<vmem>>
    %dma_wait3A_767 = arith.constant 0 : i32
    %dma_wait3A_768 = arith.constant 0 : i32
    %dma_wait3A_769 = tpu.memref_slice %arg4[%dma_wait3A_762, %add3A, %dma_wait3A_767, %dma_wait3A_768] : memref<10x32x80x128xf32, #tpu.memory_space<hbm>> -> memref<1x1x80x128xf32, #tpu.memory_space<hbm>>
    %dma_wait3A_770 = tpu.memref_squeeze %dma_wait3A_769 : memref<1x1x80x128xf32, #tpu.memory_space<hbm>> -> memref<80x128xf32, #tpu.memory_space<hbm>>
    %dma_wait3A_771 = arith.constant 0 : i32
    %dma_wait3A_772 = arith.constant 0 : i32
    %dma_wait3A_773 = tpu.memref_slice %arg4[%dma_wait3A_762, %add3A, %dma_wait3A_771, %dma_wait3A_772] : memref<10x32x80x128xf32, #tpu.memory_space<hbm>> -> memref<1x1x80x128xf32, #tpu.memory_space<hbm>>
    %dma_wait3A_774 = tpu.memref_squeeze %dma_wait3A_773 : memref<1x1x80x128xf32, #tpu.memory_space<hbm>> -> memref<80x128xf32, #tpu.memory_space<hbm>>
    %dma_wait3A_775 = arith.constant 0 : i32
    %dma_wait3A_776 = arith.constant 0 : i32
    %dma_wait3A_777 = tpu.memref_slice %arg6[%dma_wait3A_761, %dma_wait3A_775, %dma_wait3A_776] : memref<10x80x128xf32, #tpu.memory_space<vmem>> -> memref<1x80x128xf32, #tpu.memory_space<vmem>>
    %dma_wait3A_778 = tpu.memref_squeeze %dma_wait3A_777 : memref<1x80x128xf32, #tpu.memory_space<vmem>> -> memref<80x128xf32, #tpu.memory_space<vmem>>
    tpu.wait_dma2 semaphore(%arg9 : memref<!tpu.dma_semaphore, #tpu.memory_space<semaphore_mem>>) src(%dma_wait3A_778 : memref<80x128xf32, #tpu.memory_space<vmem>>) dst(%dma_wait3A_774 : memref<80x128xf32, #tpu.memory_space<hbm>>)
    %dma_wait3A_779 = arith.constant 2 : i32
    %dma_wait3A_780 = arith.constant 2 : i32
    %dma_wait3A_781 = arith.constant 0 : i32
    %dma_wait3A_782 = arith.constant 0 : i32
    %dma_wait3A_783 = tpu.memref_slice %arg6[%dma_wait3A_779, %dma_wait3A_781, %dma_wait3A_782] : memref<10x80x128xf32, #tpu.memory_space<vmem>> -> memref<1x80x128xf32, #tpu.memory_space<vmem>>
    %dma_wait3A_784 = tpu.memref_squeeze %dma_wait3A_783 : memref<1x80x128xf32, #tpu.memory_space<vmem>> -> memref<80x128xf32, #tpu.memory_space<vmem>>
    %dma_wait3A_785 = arith.constant 0 : i32
    %dma_wait3A_786 = arith.constant 0 : i32
    %dma_wait3A_787 = tpu.memref_slice %arg4[%dma_wait3A_780, %add3A, %dma_wait3A_785, %dma_wait3A_786] : memref<10x32x80x128xf32, #tpu.memory_space<hbm>> -> memref<1x1x80x128xf32, #tpu.memory_space<hbm>>
    %dma_wait3A_788 = tpu.memref_squeeze %dma_wait3A_787 : memref<1x1x80x128xf32, #tpu.memory_space<hbm>> -> memref<80x128xf32, #tpu.memory_space<hbm>>
    %dma_wait3A_789 = arith.constant 0 : i32
    %dma_wait3A_790 = arith.constant 0 : i32
    %dma_wait3A_791 = tpu.memref_slice %arg4[%dma_wait3A_780, %add3A, %dma_wait3A_789, %dma_wait3A_790] : memref<10x32x80x128xf32, #tpu.memory_space<hbm>> -> memref<1x1x80x128xf32, #tpu.memory_space<hbm>>
    %dma_wait3A_792 = tpu.memref_squeeze %dma_wait3A_791 : memref<1x1x80x128xf32, #tpu.memory_space<hbm>> -> memref<80x128xf32, #tpu.memory_space<hbm>>
    %dma_wait3A_793 = arith.constant 0 : i32
    %dma_wait3A_794 = arith.constant 0 : i32
    %dma_wait3A_795 = tpu.memref_slice %arg6[%dma_wait3A_779, %dma_wait3A_793, %dma_wait3A_794] : memref<10x80x128xf32, #tpu.memory_space<vmem>> -> memref<1x80x128xf32, #tpu.memory_space<vmem>>
    %dma_wait3A_796 = tpu.memref_squeeze %dma_wait3A_795 : memref<1x80x128xf32, #tpu.memory_space<vmem>> -> memref<80x128xf32, #tpu.memory_space<vmem>>
    tpu.wait_dma2 semaphore(%arg9 : memref<!tpu.dma_semaphore, #tpu.memory_space<semaphore_mem>>) src(%dma_wait3A_796 : memref<80x128xf32, #tpu.memory_space<vmem>>) dst(%dma_wait3A_792 : memref<80x128xf32, #tpu.memory_space<hbm>>)
    %dma_wait3A_797 = arith.constant 3 : i32
    %dma_wait3A_798 = arith.constant 3 : i32
    %dma_wait3A_799 = arith.constant 0 : i32
    %dma_wait3A_800 = arith.constant 0 : i32
    %dma_wait3A_801 = tpu.memref_slice %arg6[%dma_wait3A_797, %dma_wait3A_799, %dma_wait3A_800] : memref<10x80x128xf32, #tpu.memory_space<vmem>> -> memref<1x80x128xf32, #tpu.memory_space<vmem>>
    %dma_wait3A_802 = tpu.memref_squeeze %dma_wait3A_801 : memref<1x80x128xf32, #tpu.memory_space<vmem>> -> memref<80x128xf32, #tpu.memory_space<vmem>>
    %dma_wait3A_803 = arith.constant 0 : i32
    %dma_wait3A_804 = arith.constant 0 : i32
    %dma_wait3A_805 = tpu.memref_slice %arg4[%dma_wait3A_798, %add3A, %dma_wait3A_803, %dma_wait3A_804] : memref<10x32x80x128xf32, #tpu.memory_space<hbm>> -> memref<1x1x80x128xf32, #tpu.memory_space<hbm>>
    %dma_wait3A_806 = tpu.memref_squeeze %dma_wait3A_805 : memref<1x1x80x128xf32, #tpu.memory_space<hbm>> -> memref<80x128xf32, #tpu.memory_space<hbm>>
    %dma_wait3A_807 = arith.constant 0 : i32
    %dma_wait3A_808 = arith.constant 0 : i32
    %dma_wait3A_809 = tpu.memref_slice %arg4[%dma_wait3A_798, %add3A, %dma_wait3A_807, %dma_wait3A_808] : memref<10x32x80x128xf32, #tpu.memory_space<hbm>> -> memref<1x1x80x128xf32, #tpu.memory_space<hbm>>
    %dma_wait3A_810 = tpu.memref_squeeze %dma_wait3A_809 : memref<1x1x80x128xf32, #tpu.memory_space<hbm>> -> memref<80x128xf32, #tpu.memory_space<hbm>>
    %dma_wait3A_811 = arith.constant 0 : i32
    %dma_wait3A_812 = arith.constant 0 : i32
    %dma_wait3A_813 = tpu.memref_slice %arg6[%dma_wait3A_797, %dma_wait3A_811, %dma_wait3A_812] : memref<10x80x128xf32, #tpu.memory_space<vmem>> -> memref<1x80x128xf32, #tpu.memory_space<vmem>>
    %dma_wait3A_814 = tpu.memref_squeeze %dma_wait3A_813 : memref<1x80x128xf32, #tpu.memory_space<vmem>> -> memref<80x128xf32, #tpu.memory_space<vmem>>
    tpu.wait_dma2 semaphore(%arg9 : memref<!tpu.dma_semaphore, #tpu.memory_space<semaphore_mem>>) src(%dma_wait3A_814 : memref<80x128xf32, #tpu.memory_space<vmem>>) dst(%dma_wait3A_810 : memref<80x128xf32, #tpu.memory_space<hbm>>)
    %dma_wait3A_815 = arith.constant 4 : i32
    %dma_wait3A_816 = arith.constant 4 : i32
    %dma_wait3A_817 = arith.constant 0 : i32
    %dma_wait3A_818 = arith.constant 0 : i32
    %dma_wait3A_819 = tpu.memref_slice %arg6[%dma_wait3A_815, %dma_wait3A_817, %dma_wait3A_818] : memref<10x80x128xf32, #tpu.memory_space<vmem>> -> memref<1x80x128xf32, #tpu.memory_space<vmem>>
    %dma_wait3A_820 = tpu.memref_squeeze %dma_wait3A_819 : memref<1x80x128xf32, #tpu.memory_space<vmem>> -> memref<80x128xf32, #tpu.memory_space<vmem>>
    %dma_wait3A_821 = arith.constant 0 : i32
    %dma_wait3A_822 = arith.constant 0 : i32
    %dma_wait3A_823 = tpu.memref_slice %arg4[%dma_wait3A_816, %add3A, %dma_wait3A_821, %dma_wait3A_822] : memref<10x32x80x128xf32, #tpu.memory_space<hbm>> -> memref<1x1x80x128xf32, #tpu.memory_space<hbm>>
    %dma_wait3A_824 = tpu.memref_squeeze %dma_wait3A_823 : memref<1x1x80x128xf32, #tpu.memory_space<hbm>> -> memref<80x128xf32, #tpu.memory_space<hbm>>
    %dma_wait3A_825 = arith.constant 0 : i32
    %dma_wait3A_826 = arith.constant 0 : i32
    %dma_wait3A_827 = tpu.memref_slice %arg4[%dma_wait3A_816, %add3A, %dma_wait3A_825, %dma_wait3A_826] : memref<10x32x80x128xf32, #tpu.memory_space<hbm>> -> memref<1x1x80x128xf32, #tpu.memory_space<hbm>>
    %dma_wait3A_828 = tpu.memref_squeeze %dma_wait3A_827 : memref<1x1x80x128xf32, #tpu.memory_space<hbm>> -> memref<80x128xf32, #tpu.memory_space<hbm>>
    %dma_wait3A_829 = arith.constant 0 : i32
    %dma_wait3A_830 = arith.constant 0 : i32
    %dma_wait3A_831 = tpu.memref_slice %arg6[%dma_wait3A_815, %dma_wait3A_829, %dma_wait3A_830] : memref<10x80x128xf32, #tpu.memory_space<vmem>> -> memref<1x80x128xf32, #tpu.memory_space<vmem>>
    %dma_wait3A_832 = tpu.memref_squeeze %dma_wait3A_831 : memref<1x80x128xf32, #tpu.memory_space<vmem>> -> memref<80x128xf32, #tpu.memory_space<vmem>>
    tpu.wait_dma2 semaphore(%arg9 : memref<!tpu.dma_semaphore, #tpu.memory_space<semaphore_mem>>) src(%dma_wait3A_832 : memref<80x128xf32, #tpu.memory_space<vmem>>) dst(%dma_wait3A_828 : memref<80x128xf32, #tpu.memory_space<hbm>>)
    %dma_wait3A_833 = arith.constant 5 : i32
    %dma_wait3A_834 = arith.constant 5 : i32
    %dma_wait3A_835 = arith.constant 0 : i32
    %dma_wait3A_836 = arith.constant 0 : i32
    %dma_wait3A_837 = tpu.memref_slice %arg6[%dma_wait3A_833, %dma_wait3A_835, %dma_wait3A_836] : memref<10x80x128xf32, #tpu.memory_space<vmem>> -> memref<1x80x128xf32, #tpu.memory_space<vmem>>
    %dma_wait3A_838 = tpu.memref_squeeze %dma_wait3A_837 : memref<1x80x128xf32, #tpu.memory_space<vmem>> -> memref<80x128xf32, #tpu.memory_space<vmem>>
    %dma_wait3A_839 = arith.constant 0 : i32
    %dma_wait3A_840 = arith.constant 0 : i32
    %dma_wait3A_841 = tpu.memref_slice %arg4[%dma_wait3A_834, %add3A, %dma_wait3A_839, %dma_wait3A_840] : memref<10x32x80x128xf32, #tpu.memory_space<hbm>> -> memref<1x1x80x128xf32, #tpu.memory_space<hbm>>
    %dma_wait3A_842 = tpu.memref_squeeze %dma_wait3A_841 : memref<1x1x80x128xf32, #tpu.memory_space<hbm>> -> memref<80x128xf32, #tpu.memory_space<hbm>>
    %dma_wait3A_843 = arith.constant 0 : i32
    %dma_wait3A_844 = arith.constant 0 : i32
    %dma_wait3A_845 = tpu.memref_slice %arg4[%dma_wait3A_834, %add3A, %dma_wait3A_843, %dma_wait3A_844] : memref<10x32x80x128xf32, #tpu.memory_space<hbm>> -> memref<1x1x80x128xf32, #tpu.memory_space<hbm>>
    %dma_wait3A_846 = tpu.memref_squeeze %dma_wait3A_845 : memref<1x1x80x128xf32, #tpu.memory_space<hbm>> -> memref<80x128xf32, #tpu.memory_space<hbm>>
    %dma_wait3A_847 = arith.constant 0 : i32
    %dma_wait3A_848 = arith.constant 0 : i32
    %dma_wait3A_849 = tpu.memref_slice %arg6[%dma_wait3A_833, %dma_wait3A_847, %dma_wait3A_848] : memref<10x80x128xf32, #tpu.memory_space<vmem>> -> memref<1x80x128xf32, #tpu.memory_space<vmem>>
    %dma_wait3A_850 = tpu.memref_squeeze %dma_wait3A_849 : memref<1x80x128xf32, #tpu.memory_space<vmem>> -> memref<80x128xf32, #tpu.memory_space<vmem>>
    tpu.wait_dma2 semaphore(%arg9 : memref<!tpu.dma_semaphore, #tpu.memory_space<semaphore_mem>>) src(%dma_wait3A_850 : memref<80x128xf32, #tpu.memory_space<vmem>>) dst(%dma_wait3A_846 : memref<80x128xf32, #tpu.memory_space<hbm>>)
    %dma_wait3A_851 = arith.constant 6 : i32
    %dma_wait3A_852 = arith.constant 6 : i32
    %dma_wait3A_853 = arith.constant 0 : i32
    %dma_wait3A_854 = arith.constant 0 : i32
    %dma_wait3A_855 = tpu.memref_slice %arg6[%dma_wait3A_851, %dma_wait3A_853, %dma_wait3A_854] : memref<10x80x128xf32, #tpu.memory_space<vmem>> -> memref<1x80x128xf32, #tpu.memory_space<vmem>>
    %dma_wait3A_856 = tpu.memref_squeeze %dma_wait3A_855 : memref<1x80x128xf32, #tpu.memory_space<vmem>> -> memref<80x128xf32, #tpu.memory_space<vmem>>
    %dma_wait3A_857 = arith.constant 0 : i32
    %dma_wait3A_858 = arith.constant 0 : i32
    %dma_wait3A_859 = tpu.memref_slice %arg4[%dma_wait3A_852, %add3A, %dma_wait3A_857, %dma_wait3A_858] : memref<10x32x80x128xf32, #tpu.memory_space<hbm>> -> memref<1x1x80x128xf32, #tpu.memory_space<hbm>>
    %dma_wait3A_860 = tpu.memref_squeeze %dma_wait3A_859 : memref<1x1x80x128xf32, #tpu.memory_space<hbm>> -> memref<80x128xf32, #tpu.memory_space<hbm>>
    %dma_wait3A_861 = arith.constant 0 : i32
    %dma_wait3A_862 = arith.constant 0 : i32
    %dma_wait3A_863 = tpu.memref_slice %arg4[%dma_wait3A_852, %add3A, %dma_wait3A_861, %dma_wait3A_862] : memref<10x32x80x128xf32, #tpu.memory_space<hbm>> -> memref<1x1x80x128xf32, #tpu.memory_space<hbm>>
    %dma_wait3A_864 = tpu.memref_squeeze %dma_wait3A_863 : memref<1x1x80x128xf32, #tpu.memory_space<hbm>> -> memref<80x128xf32, #tpu.memory_space<hbm>>
    %dma_wait3A_865 = arith.constant 0 : i32
    %dma_wait3A_866 = arith.constant 0 : i32
    %dma_wait3A_867 = tpu.memref_slice %arg6[%dma_wait3A_851, %dma_wait3A_865, %dma_wait3A_866] : memref<10x80x128xf32, #tpu.memory_space<vmem>> -> memref<1x80x128xf32, #tpu.memory_space<vmem>>
    %dma_wait3A_868 = tpu.memref_squeeze %dma_wait3A_867 : memref<1x80x128xf32, #tpu.memory_space<vmem>> -> memref<80x128xf32, #tpu.memory_space<vmem>>
    tpu.wait_dma2 semaphore(%arg9 : memref<!tpu.dma_semaphore, #tpu.memory_space<semaphore_mem>>) src(%dma_wait3A_868 : memref<80x128xf32, #tpu.memory_space<vmem>>) dst(%dma_wait3A_864 : memref<80x128xf32, #tpu.memory_space<hbm>>)
    %dma_wait3A_869 = arith.constant 7 : i32
    %dma_wait3A_870 = arith.constant 7 : i32
    %dma_wait3A_871 = arith.constant 0 : i32
    %dma_wait3A_872 = arith.constant 0 : i32
    %dma_wait3A_873 = tpu.memref_slice %arg6[%dma_wait3A_869, %dma_wait3A_871, %dma_wait3A_872] : memref<10x80x128xf32, #tpu.memory_space<vmem>> -> memref<1x80x128xf32, #tpu.memory_space<vmem>>
    %dma_wait3A_874 = tpu.memref_squeeze %dma_wait3A_873 : memref<1x80x128xf32, #tpu.memory_space<vmem>> -> memref<80x128xf32, #tpu.memory_space<vmem>>
    %dma_wait3A_875 = arith.constant 0 : i32
    %dma_wait3A_876 = arith.constant 0 : i32
    %dma_wait3A_877 = tpu.memref_slice %arg4[%dma_wait3A_870, %add3A, %dma_wait3A_875, %dma_wait3A_876] : memref<10x32x80x128xf32, #tpu.memory_space<hbm>> -> memref<1x1x80x128xf32, #tpu.memory_space<hbm>>
    %dma_wait3A_878 = tpu.memref_squeeze %dma_wait3A_877 : memref<1x1x80x128xf32, #tpu.memory_space<hbm>> -> memref<80x128xf32, #tpu.memory_space<hbm>>
    %dma_wait3A_879 = arith.constant 0 : i32
    %dma_wait3A_880 = arith.constant 0 : i32
    %dma_wait3A_881 = tpu.memref_slice %arg4[%dma_wait3A_870, %add3A, %dma_wait3A_879, %dma_wait3A_880] : memref<10x32x80x128xf32, #tpu.memory_space<hbm>> -> memref<1x1x80x128xf32, #tpu.memory_space<hbm>>
    %dma_wait3A_882 = tpu.memref_squeeze %dma_wait3A_881 : memref<1x1x80x128xf32, #tpu.memory_space<hbm>> -> memref<80x128xf32, #tpu.memory_space<hbm>>
    %dma_wait3A_883 = arith.constant 0 : i32
    %dma_wait3A_884 = arith.constant 0 : i32
    %dma_wait3A_885 = tpu.memref_slice %arg6[%dma_wait3A_869, %dma_wait3A_883, %dma_wait3A_884] : memref<10x80x128xf32, #tpu.memory_space<vmem>> -> memref<1x80x128xf32, #tpu.memory_space<vmem>>
    %dma_wait3A_886 = tpu.memref_squeeze %dma_wait3A_885 : memref<1x80x128xf32, #tpu.memory_space<vmem>> -> memref<80x128xf32, #tpu.memory_space<vmem>>
    tpu.wait_dma2 semaphore(%arg9 : memref<!tpu.dma_semaphore, #tpu.memory_space<semaphore_mem>>) src(%dma_wait3A_886 : memref<80x128xf32, #tpu.memory_space<vmem>>) dst(%dma_wait3A_882 : memref<80x128xf32, #tpu.memory_space<hbm>>)
    %dma_wait3A_887 = arith.constant 8 : i32
    %dma_wait3A_888 = arith.constant 8 : i32
    %dma_wait3A_889 = arith.constant 0 : i32
    %dma_wait3A_890 = arith.constant 0 : i32
    %dma_wait3A_891 = tpu.memref_slice %arg6[%dma_wait3A_887, %dma_wait3A_889, %dma_wait3A_890] : memref<10x80x128xf32, #tpu.memory_space<vmem>> -> memref<1x80x128xf32, #tpu.memory_space<vmem>>
    %dma_wait3A_892 = tpu.memref_squeeze %dma_wait3A_891 : memref<1x80x128xf32, #tpu.memory_space<vmem>> -> memref<80x128xf32, #tpu.memory_space<vmem>>
    %dma_wait3A_893 = arith.constant 0 : i32
    %dma_wait3A_894 = arith.constant 0 : i32
    %dma_wait3A_895 = tpu.memref_slice %arg4[%dma_wait3A_888, %add3A, %dma_wait3A_893, %dma_wait3A_894] : memref<10x32x80x128xf32, #tpu.memory_space<hbm>> -> memref<1x1x80x128xf32, #tpu.memory_space<hbm>>
    %dma_wait3A_896 = tpu.memref_squeeze %dma_wait3A_895 : memref<1x1x80x128xf32, #tpu.memory_space<hbm>> -> memref<80x128xf32, #tpu.memory_space<hbm>>
    %dma_wait3A_897 = arith.constant 0 : i32
    %dma_wait3A_898 = arith.constant 0 : i32
    %dma_wait3A_899 = tpu.memref_slice %arg4[%dma_wait3A_888, %add3A, %dma_wait3A_897, %dma_wait3A_898] : memref<10x32x80x128xf32, #tpu.memory_space<hbm>> -> memref<1x1x80x128xf32, #tpu.memory_space<hbm>>
    %dma_wait3A_900 = tpu.memref_squeeze %dma_wait3A_899 : memref<1x1x80x128xf32, #tpu.memory_space<hbm>> -> memref<80x128xf32, #tpu.memory_space<hbm>>
    %dma_wait3A_901 = arith.constant 0 : i32
    %dma_wait3A_902 = arith.constant 0 : i32
    %dma_wait3A_903 = tpu.memref_slice %arg6[%dma_wait3A_887, %dma_wait3A_901, %dma_wait3A_902] : memref<10x80x128xf32, #tpu.memory_space<vmem>> -> memref<1x80x128xf32, #tpu.memory_space<vmem>>
    %dma_wait3A_904 = tpu.memref_squeeze %dma_wait3A_903 : memref<1x80x128xf32, #tpu.memory_space<vmem>> -> memref<80x128xf32, #tpu.memory_space<vmem>>
    tpu.wait_dma2 semaphore(%arg9 : memref<!tpu.dma_semaphore, #tpu.memory_space<semaphore_mem>>) src(%dma_wait3A_904 : memref<80x128xf32, #tpu.memory_space<vmem>>) dst(%dma_wait3A_900 : memref<80x128xf32, #tpu.memory_space<hbm>>)
    %dma_wait3A_905 = arith.constant 9 : i32
    %dma_wait3A_906 = arith.constant 9 : i32
    %dma_wait3A_907 = arith.constant 0 : i32
    %dma_wait3A_908 = arith.constant 0 : i32
    %dma_wait3A_909 = tpu.memref_slice %arg6[%dma_wait3A_905, %dma_wait3A_907, %dma_wait3A_908] : memref<10x80x128xf32, #tpu.memory_space<vmem>> -> memref<1x80x128xf32, #tpu.memory_space<vmem>>
    %dma_wait3A_910 = tpu.memref_squeeze %dma_wait3A_909 : memref<1x80x128xf32, #tpu.memory_space<vmem>> -> memref<80x128xf32, #tpu.memory_space<vmem>>
    %dma_wait3A_911 = arith.constant 0 : i32
    %dma_wait3A_912 = arith.constant 0 : i32
    %dma_wait3A_913 = tpu.memref_slice %arg4[%dma_wait3A_906, %add3A, %dma_wait3A_911, %dma_wait3A_912] : memref<10x32x80x128xf32, #tpu.memory_space<hbm>> -> memref<1x1x80x128xf32, #tpu.memory_space<hbm>>
    %dma_wait3A_914 = tpu.memref_squeeze %dma_wait3A_913 : memref<1x1x80x128xf32, #tpu.memory_space<hbm>> -> memref<80x128xf32, #tpu.memory_space<hbm>>
    %dma_wait3A_915 = arith.constant 0 : i32
    %dma_wait3A_916 = arith.constant 0 : i32
    %dma_wait3A_917 = tpu.memref_slice %arg4[%dma_wait3A_906, %add3A, %dma_wait3A_915, %dma_wait3A_916] : memref<10x32x80x128xf32, #tpu.memory_space<hbm>> -> memref<1x1x80x128xf32, #tpu.memory_space<hbm>>
    %dma_wait3A_918 = tpu.memref_squeeze %dma_wait3A_917 : memref<1x1x80x128xf32, #tpu.memory_space<hbm>> -> memref<80x128xf32, #tpu.memory_space<hbm>>
    %dma_wait3A_919 = arith.constant 0 : i32
    %dma_wait3A_920 = arith.constant 0 : i32
    %dma_wait3A_921 = tpu.memref_slice %arg6[%dma_wait3A_905, %dma_wait3A_919, %dma_wait3A_920] : memref<10x80x128xf32, #tpu.memory_space<vmem>> -> memref<1x80x128xf32, #tpu.memory_space<vmem>>
    %dma_wait3A_922 = tpu.memref_squeeze %dma_wait3A_921 : memref<1x80x128xf32, #tpu.memory_space<vmem>> -> memref<80x128xf32, #tpu.memory_space<vmem>>
    tpu.wait_dma2 semaphore(%arg9 : memref<!tpu.dma_semaphore, #tpu.memory_space<semaphore_mem>>) src(%dma_wait3A_922 : memref<80x128xf32, #tpu.memory_space<vmem>>) dst(%dma_wait3A_918 : memref<80x128xf32, #tpu.memory_space<hbm>>)
    return
  }
}

module attributes {stable_mosaic.version = 14 : i64} {
  func.func @_recurrence_body(%arg0: i32, %arg1: i32, %arg2: memref<1x1x128xf32, #tpu.memory_space<vmem>>, %arg3: memref<1x2048x128xf32, #tpu.memory_space<vmem>>, %arg4: memref<1x1x2048xf32, #tpu.memory_space<vmem>>, %arg5: memref<1x1x2048xf32, #tpu.memory_space<vmem>>, %arg6: memref<128x128xbf16, #tpu.memory_space<vmem>>, %arg7: memref<128x128xf32, #tpu.memory_space<vmem>>, %arg8: memref<128x128xbf16, #tpu.memory_space<vmem>>, %arg9: memref<128x128xf32, #tpu.memory_space<vmem>>, %arg10: memref<128x128xf32, #tpu.memory_space<vmem>>, %arg11: memref<128x128xf32, #tpu.memory_space<vmem>>, %arg12: memref<1x128xf32, #tpu.memory_space<vmem>>, %arg13: memref<1x128xf32, #tpu.memory_space<vmem>>, %arg14: memref<1x128xf32, #tpu.memory_space<vmem>>, %arg15: memref<1x128xf32, #tpu.memory_space<vmem>>, %arg16: memref<128x128xbf16, #tpu.memory_space<vmem>>, %arg17: memref<128x128xf32, #tpu.memory_space<vmem>>, %arg18: memref<128x128xbf16, #tpu.memory_space<vmem>>, %arg19: memref<128x128xf32, #tpu.memory_space<vmem>>, %arg20: memref<128x128xf32, #tpu.memory_space<vmem>>, %arg21: memref<128x128xf32, #tpu.memory_space<vmem>>, %arg22: memref<1x128xf32, #tpu.memory_space<vmem>>, %arg23: memref<1x128xf32, #tpu.memory_space<vmem>>, %arg24: memref<1x128xf32, #tpu.memory_space<vmem>>, %arg25: memref<1x128xf32, #tpu.memory_space<vmem>>, %arg26: memref<128x128xbf16, #tpu.memory_space<vmem>>, %arg27: memref<128x128xf32, #tpu.memory_space<vmem>>, %arg28: memref<128x128xbf16, #tpu.memory_space<vmem>>, %arg29: memref<128x128xf32, #tpu.memory_space<vmem>>, %arg30: memref<128x128xf32, #tpu.memory_space<vmem>>, %arg31: memref<128x128xf32, #tpu.memory_space<vmem>>, %arg32: memref<1x128xf32, #tpu.memory_space<vmem>>, %arg33: memref<1x128xf32, #tpu.memory_space<vmem>>, %arg34: memref<1x128xf32, #tpu.memory_space<vmem>>, %arg35: memref<1x128xf32, #tpu.memory_space<vmem>>, %arg36: memref<128x128xbf16, #tpu.memory_space<vmem>>, %arg37: memref<128x128xf32, #tpu.memory_space<vmem>>, %arg38: memref<128x128xbf16, #tpu.memory_space<vmem>>, %arg39: memref<128x128xf32, #tpu.memory_space<vmem>>, %arg40: memref<128x128xf32, #tpu.memory_space<vmem>>, %arg41: memref<128x128xf32, #tpu.memory_space<vmem>>, %arg42: memref<1x128xf32, #tpu.memory_space<vmem>>, %arg43: memref<1x128xf32, #tpu.memory_space<vmem>>, %arg44: memref<1x128xf32, #tpu.memory_space<vmem>>, %arg45: memref<1x128xf32, #tpu.memory_space<vmem>>, %arg46: memref<128x2xf32, #tpu.memory_space<vmem>>, %arg47: memref<1x2xf32, #tpu.memory_space<vmem>>, %arg48: memref<1x2xf32, #tpu.memory_space<vmem>>, %arg49: memref<10240x128xbf16, #tpu.memory_space<vmem>>, %arg50: memref<10240x128xf32, #tpu.memory_space<vmem>>, %arg51: memref<1x128xf32, #tpu.memory_space<vmem>>, %arg52: memref<1x128xf32, #tpu.memory_space<vmem>>, %arg53: memref<1x128xf32, #tpu.memory_space<vmem>>, %arg54: memref<8x128xf32, #tpu.memory_space<vmem>>) attributes {dimension_semantics = [#tpu.dimension_semantics<arbitrary>, #tpu.dimension_semantics<arbitrary>], iteration_bounds = array<i64: 5, 5>, scalar_prefetch = 0 : i64, scratch_operands = 6 : i64, tpu.core_type = #tpu.core_type<tc>, window_params = [{transform_indices = @transform_0, window_bounds = array<i64: 1, 1, 128>}, {transform_indices = @transform_1, window_bounds = array<i64: 1, 2048, 128>}, {transform_indices = @transform_2, window_bounds = array<i64: 1, 1, 2048>}, {transform_indices = @transform_3, window_bounds = array<i64: 1, 1, 2048>}, {pipeline_mode = #tpu.pipeline_mode<synchronous>, transform_indices = @transform_4, window_bounds = array<i64: 128, 128>}, {pipeline_mode = #tpu.pipeline_mode<synchronous>, transform_indices = @transform_5, window_bounds = array<i64: 128, 128>}, {pipeline_mode = #tpu.pipeline_mode<synchronous>, transform_indices = @transform_6, window_bounds = array<i64: 128, 128>}, {pipeline_mode = #tpu.pipeline_mode<synchronous>, transform_indices = @transform_7, window_bounds = array<i64: 128, 128>}, {pipeline_mode = #tpu.pipeline_mode<synchronous>, transform_indices = @transform_8, window_bounds = array<i64: 128, 128>}, {pipeline_mode = #tpu.pipeline_mode<synchronous>, transform_indices = @transform_9, window_bounds = array<i64: 128, 128>}, {pipeline_mode = #tpu.pipeline_mode<synchronous>, transform_indices = @transform_10, window_bounds = array<i64: 1, 128>}, {pipeline_mode = #tpu.pipeline_mode<synchronous>, transform_indices = @transform_11, window_bounds = array<i64: 1, 128>}, {pipeline_mode = #tpu.pipeline_mode<synchronous>, transform_indices = @transform_12, window_bounds = array<i64: 1, 128>}, {pipeline_mode = #tpu.pipeline_mode<synchronous>, transform_indices = @transform_13, window_bounds = array<i64: 1, 128>}, {pipeline_mode = #tpu.pipeline_mode<synchronous>, transform_indices = @transform_14, window_bounds = array<i64: 128, 128>}, {pipeline_mode = #tpu.pipeline_mode<synchronous>, transform_indices = @transform_15, window_bounds = array<i64: 128, 128>}, {pipeline_mode = #tpu.pipeline_mode<synchronous>, transform_indices = @transform_16, window_bounds = array<i64: 128, 128>}, {pipeline_mode = #tpu.pipeline_mode<synchronous>, transform_indices = @transform_17, window_bounds = array<i64: 128, 128>}, {pipeline_mode = #tpu.pipeline_mode<synchronous>, transform_indices = @transform_18, window_bounds = array<i64: 128, 128>}, {pipeline_mode = #tpu.pipeline_mode<synchronous>, transform_indices = @transform_19, window_bounds = array<i64: 128, 128>}, {pipeline_mode = #tpu.pipeline_mode<synchronous>, transform_indices = @transform_20, window_bounds = array<i64: 1, 128>}, {pipeline_mode = #tpu.pipeline_mode<synchronous>, transform_indices = @transform_21, window_bounds = array<i64: 1, 128>}, {pipeline_mode = #tpu.pipeline_mode<synchronous>, transform_indices = @transform_22, window_bounds = array<i64: 1, 128>}, {pipeline_mode = #tpu.pipeline_mode<synchronous>, transform_indices = @transform_23, window_bounds = array<i64: 1, 128>}, {pipeline_mode = #tpu.pipeline_mode<synchronous>, transform_indices = @transform_24, window_bounds = array<i64: 128, 128>}, {pipeline_mode = #tpu.pipeline_mode<synchronous>, transform_indices = @transform_25, window_bounds = array<i64: 128, 128>}, {pipeline_mode = #tpu.pipeline_mode<synchronous>, transform_indices = @transform_26, window_bounds = array<i64: 128, 128>}, {pipeline_mode = #tpu.pipeline_mode<synchronous>, transform_indices = @transform_27, window_bounds = array<i64: 128, 128>}, {pipeline_mode = #tpu.pipeline_mode<synchronous>, transform_indices = @transform_28, window_bounds = array<i64: 128, 128>}, {pipeline_mode = #tpu.pipeline_mode<synchronous>, transform_indices = @transform_29, window_bounds = array<i64: 128, 128>}, {pipeline_mode = #tpu.pipeline_mode<synchronous>, transform_indices = @transform_30, window_bounds = array<i64: 1, 128>}, {pipeline_mode = #tpu.pipeline_mode<synchronous>, transform_indices = @transform_31, window_bounds = array<i64: 1, 128>}, {pipeline_mode = #tpu.pipeline_mode<synchronous>, transform_indices = @transform_32, window_bounds = array<i64: 1, 128>}, {pipeline_mode = #tpu.pipeline_mode<synchronous>, transform_indices = @transform_33, window_bounds = array<i64: 1, 128>}, {pipeline_mode = #tpu.pipeline_mode<synchronous>, transform_indices = @transform_34, window_bounds = array<i64: 128, 128>}, {pipeline_mode = #tpu.pipeline_mode<synchronous>, transform_indices = @transform_35, window_bounds = array<i64: 128, 128>}, {pipeline_mode = #tpu.pipeline_mode<synchronous>, transform_indices = @transform_36, window_bounds = array<i64: 128, 128>}, {pipeline_mode = #tpu.pipeline_mode<synchronous>, transform_indices = @transform_37, window_bounds = array<i64: 128, 128>}, {pipeline_mode = #tpu.pipeline_mode<synchronous>, transform_indices = @transform_38, window_bounds = array<i64: 128, 128>}, {pipeline_mode = #tpu.pipeline_mode<synchronous>, transform_indices = @transform_39, window_bounds = array<i64: 128, 128>}, {pipeline_mode = #tpu.pipeline_mode<synchronous>, transform_indices = @transform_40, window_bounds = array<i64: 1, 128>}, {pipeline_mode = #tpu.pipeline_mode<synchronous>, transform_indices = @transform_41, window_bounds = array<i64: 1, 128>}, {pipeline_mode = #tpu.pipeline_mode<synchronous>, transform_indices = @transform_42, window_bounds = array<i64: 1, 128>}, {pipeline_mode = #tpu.pipeline_mode<synchronous>, transform_indices = @transform_43, window_bounds = array<i64: 1, 128>}, {pipeline_mode = #tpu.pipeline_mode<synchronous>, transform_indices = @transform_44, window_bounds = array<i64: 128, 2>}, {pipeline_mode = #tpu.pipeline_mode<synchronous>, transform_indices = @transform_45, window_bounds = array<i64: 1, 2>}, {pipeline_mode = #tpu.pipeline_mode<synchronous>, transform_indices = @transform_46, window_bounds = array<i64: 1, 2>}]} {
    %mul3A = arith.constant 2048 : i32
    %mul3A_0 = arith.muli %arg1, %mul3A : i32
    %eq3A = arith.constant 0 : i32
    %eq3A_1 = arith.cmpi eq, %arg1, %eq3A : i32
    %convert_element_type3A = arith.extui %eq3A_1 : i1 to i32
    %cond3A = arith.constant 0 : i32
    %cond3A_2 = arith.cmpi ne, %convert_element_type3A, %cond3A : i32
    scf.if %cond3A_2 {
      %eq3A_182 = arith.constant 0 : i32
      %eq3A_183 = arith.cmpi eq, %arg0, %eq3A_182 : i32
      %get3A_184 = arith.constant 0 : index
      %get3A_185 = arith.constant 0 : index
      %get3A_186 = vector.load %arg51[%get3A_184, %get3A_185] : memref<1x128xf32, #tpu.memory_space<vmem>>, vector<1x128xf32>
      %jit3A_187 = arith.constant 0.000000e+00 : f32
      %broadcast_in_dim3A_188 = vector.broadcast %jit3A_187 : f32 to vector<1x128xf32>
      %select_n3A_189 = arith.select %eq3A_183, %broadcast_in_dim3A_188, %get3A_186 : vector<1x128xf32>
      %eq3A_190 = arith.constant 0 : i32
      %eq3A_191 = arith.cmpi eq, %arg0, %eq3A_190 : i32
      %get3A_192 = arith.constant 0 : index
      %get3A_193 = arith.constant 0 : index
      %get3A_194 = vector.load %arg52[%get3A_192, %get3A_193] : memref<1x128xf32, #tpu.memory_space<vmem>>, vector<1x128xf32>
      %jit3A_195 = arith.constant 0.000000e+00 : f32
      %broadcast_in_dim3A_196 = vector.broadcast %jit3A_195 : f32 to vector<1x128xf32>
      %select_n3A_197 = arith.select %eq3A_191, %broadcast_in_dim3A_196, %get3A_194 : vector<1x128xf32>
      %eq3A_198 = arith.constant 0 : i32
      %eq3A_199 = arith.cmpi eq, %arg0, %eq3A_198 : i32
      %get3A_200 = arith.constant 0 : index
      %get3A_201 = arith.constant 0 : index
      %get3A_202 = vector.load %arg53[%get3A_200, %get3A_201] : memref<1x128xf32, #tpu.memory_space<vmem>>, vector<1x128xf32>
      %jit3A_203 = arith.constant 0.000000e+00 : f32
      %broadcast_in_dim3A_204 = vector.broadcast %jit3A_203 : f32 to vector<1x128xf32>
      %select_n3A_205 = arith.select %eq3A_199, %broadcast_in_dim3A_204, %get3A_202 : vector<1x128xf32>
      %mul3A_206 = arith.constant 6.250000e-06 : f32
      %mul3A_207 = vector.broadcast %mul3A_206 : f32 to vector<1x128xf32>
      %mul3A_208 = arith.mulf %select_n3A_205, %mul3A_207 : vector<1x128xf32>
      %get3A_209 = arith.constant 0 : index
      %get3A_210 = arith.constant 0 : index
      %get3A_211 = arith.constant 0 : index
      %get3A_212 = vector.load %arg2[%get3A_209, %get3A_210, %get3A_211] : memref<1x1x128xf32, #tpu.memory_space<vmem>>, vector<1x1x128xf32>
      %get3A_213 = vector.shape_cast %get3A_212 : vector<1x1x128xf32> to vector<1x128xf32>
      %get3A_214 = arith.constant 0 : index
      %get3A_215 = arith.constant 0 : index
      %get3A_216 = vector.load %arg7[%get3A_214, %get3A_215] : memref<128x128xf32, #tpu.memory_space<vmem>>, vector<128x128xf32>
      %dot_general3A_217 = arith.constant dense<0.000000e+00> : vector<1x128xf32>
      %dot_general3A_218 = tpu.matmul %get3A_213, %get3A_216, %dot_general3A_217 {dimension_numbers = #tpu.dot_dimension_numbers<[1], [0], [0], [1], [0, 0, 1, 1], [], []>, transpose_lhs_hint = false} : vector<1x128xf32>, vector<128x128xf32>, vector<1x128xf32> -> vector<1x128xf32>
      %get3A_219 = arith.constant 0 : index
      %get3A_220 = arith.constant 0 : index
      %get3A_221 = vector.load %arg10[%get3A_219, %get3A_220] : memref<128x128xf32, #tpu.memory_space<vmem>>, vector<128x128xf32>
      %dot_general3A_222 = arith.constant dense<0.000000e+00> : vector<1x128xf32>
      %dot_general3A_223 = tpu.matmul %mul3A_208, %get3A_221, %dot_general3A_222 {dimension_numbers = #tpu.dot_dimension_numbers<[1], [0], [0], [1], [0, 0, 1, 1], [], []>, transpose_lhs_hint = false} : vector<1x128xf32>, vector<128x128xf32>, vector<1x128xf32> -> vector<1x128xf32>
      %add3A_224 = arith.addf %dot_general3A_218, %dot_general3A_223 : vector<1x128xf32>
      %get3A_225 = arith.constant 0 : index
      %get3A_226 = arith.constant 0 : index
      %get3A_227 = vector.load %arg11[%get3A_225, %get3A_226] : memref<128x128xf32, #tpu.memory_space<vmem>>, vector<128x128xf32>
      %dot_general3A_228 = arith.constant dense<0.000000e+00> : vector<1x128xf32>
      %dot_general3A_229 = tpu.matmul %select_n3A_189, %get3A_227, %dot_general3A_228 {dimension_numbers = #tpu.dot_dimension_numbers<[1], [0], [0], [1], [0, 0, 1, 1], [], []>, transpose_lhs_hint = false} : vector<1x128xf32>, vector<128x128xf32>, vector<1x128xf32> -> vector<1x128xf32>
      %add3A_230 = arith.addf %add3A_224, %dot_general3A_229 : vector<1x128xf32>
      %get3A_231 = arith.constant 0 : index
      %get3A_232 = arith.constant 0 : index
      %get3A_233 = vector.load %arg13[%get3A_231, %get3A_232] : memref<1x128xf32, #tpu.memory_space<vmem>>, vector<1x128xf32>
      %add3A_234 = arith.addf %add3A_230, %get3A_233 : vector<1x128xf32>
      %get3A_235 = arith.constant 0 : index
      %get3A_236 = arith.constant 0 : index
      %get3A_237 = vector.load %arg15[%get3A_235, %get3A_236] : memref<1x128xf32, #tpu.memory_space<vmem>>, vector<1x128xf32>
      %add3A_238 = arith.addf %add3A_234, %get3A_237 : vector<1x128xf32>
      %mul3A_239 = arith.constant 5.000000e-01 : f32
      %mul3A_240 = vector.broadcast %mul3A_239 : f32 to vector<1x128xf32>
      %mul3A_241 = arith.mulf %mul3A_240, %add3A_238 : vector<1x128xf32>
      %tanh3A_242 = math.tanh %mul3A_241 : vector<1x128xf32>
      %mul3A_243 = arith.constant 5.000000e-01 : f32
      %mul3A_244 = vector.broadcast %mul3A_243 : f32 to vector<1x128xf32>
      %mul3A_245 = arith.mulf %mul3A_244, %tanh3A_242 : vector<1x128xf32>
      %add3A_246 = arith.constant 5.000000e-01 : f32
      %add3A_247 = vector.broadcast %add3A_246 : f32 to vector<1x128xf32>
      %add3A_248 = arith.addf %mul3A_245, %add3A_247 : vector<1x128xf32>
      %get3A_249 = arith.constant 0 : index
      %get3A_250 = arith.constant 0 : index
      %get3A_251 = vector.load %arg9[%get3A_249, %get3A_250] : memref<128x128xf32, #tpu.memory_space<vmem>>, vector<128x128xf32>
      %dot_general3A_252 = arith.constant dense<0.000000e+00> : vector<1x128xf32>
      %dot_general3A_253 = tpu.matmul %select_n3A_189, %get3A_251, %dot_general3A_252 {dimension_numbers = #tpu.dot_dimension_numbers<[1], [0], [0], [1], [0, 0, 1, 1], [], []>, transpose_lhs_hint = false} : vector<1x128xf32>, vector<128x128xf32>, vector<1x128xf32> -> vector<1x128xf32>
      %swap3A = arith.constant 0 : index
      %swap3A_254 = arith.constant 0 : index
      %swap3A_255 = vector.load %arg54[%swap3A, %swap3A_254] : memref<8x128xf32, #tpu.memory_space<vmem>>, vector<1x128xf32>
      tpu.vector_store %arg54[%swap3A, %swap3A_254], %dot_general3A_253 {strides = array<i32>} : memref<8x128xf32, #tpu.memory_space<vmem>>, vector<1x128xf32>,
      %get3A_256 = arith.constant 0 : index
      %get3A_257 = arith.constant 0 : index
      %get3A_258 = arith.constant 0 : index
      %get3A_259 = vector.load %arg2[%get3A_256, %get3A_257, %get3A_258] : memref<1x1x128xf32, #tpu.memory_space<vmem>>, vector<1x1x128xf32>
      %get3A_260 = vector.shape_cast %get3A_259 : vector<1x1x128xf32> to vector<1x128xf32>
      %get3A_261 = arith.constant 0 : index
      %get3A_262 = arith.constant 0 : index
      %get3A_263 = vector.load %arg17[%get3A_261, %get3A_262] : memref<128x128xf32, #tpu.memory_space<vmem>>, vector<128x128xf32>
      %dot_general3A_264 = arith.constant dense<0.000000e+00> : vector<1x128xf32>
      %dot_general3A_265 = tpu.matmul %get3A_260, %get3A_263, %dot_general3A_264 {dimension_numbers = #tpu.dot_dimension_numbers<[1], [0], [0], [1], [0, 0, 1, 1], [], []>, transpose_lhs_hint = false} : vector<1x128xf32>, vector<128x128xf32>, vector<1x128xf32> -> vector<1x128xf32>
      %get3A_266 = arith.constant 0 : index
      %get3A_267 = arith.constant 0 : index
      %get3A_268 = vector.load %arg20[%get3A_266, %get3A_267] : memref<128x128xf32, #tpu.memory_space<vmem>>, vector<128x128xf32>
      %dot_general3A_269 = arith.constant dense<0.000000e+00> : vector<1x128xf32>
      %dot_general3A_270 = tpu.matmul %mul3A_208, %get3A_268, %dot_general3A_269 {dimension_numbers = #tpu.dot_dimension_numbers<[1], [0], [0], [1], [0, 0, 1, 1], [], []>, transpose_lhs_hint = false} : vector<1x128xf32>, vector<128x128xf32>, vector<1x128xf32> -> vector<1x128xf32>
      %add3A_271 = arith.addf %dot_general3A_265, %dot_general3A_270 : vector<1x128xf32>
      %get3A_272 = arith.constant 0 : index
      %get3A_273 = arith.constant 0 : index
      %get3A_274 = vector.load %arg21[%get3A_272, %get3A_273] : memref<128x128xf32, #tpu.memory_space<vmem>>, vector<128x128xf32>
      %dot_general3A_275 = arith.constant dense<0.000000e+00> : vector<1x128xf32>
      %dot_general3A_276 = tpu.matmul %select_n3A_189, %get3A_274, %dot_general3A_275 {dimension_numbers = #tpu.dot_dimension_numbers<[1], [0], [0], [1], [0, 0, 1, 1], [], []>, transpose_lhs_hint = false} : vector<1x128xf32>, vector<128x128xf32>, vector<1x128xf32> -> vector<1x128xf32>
      %add3A_277 = arith.addf %add3A_271, %dot_general3A_276 : vector<1x128xf32>
      %get3A_278 = arith.constant 0 : index
      %get3A_279 = arith.constant 0 : index
      %get3A_280 = vector.load %arg23[%get3A_278, %get3A_279] : memref<1x128xf32, #tpu.memory_space<vmem>>, vector<1x128xf32>
      %add3A_281 = arith.addf %add3A_277, %get3A_280 : vector<1x128xf32>
      %get3A_282 = arith.constant 0 : index
      %get3A_283 = arith.constant 0 : index
      %get3A_284 = vector.load %arg25[%get3A_282, %get3A_283] : memref<1x128xf32, #tpu.memory_space<vmem>>, vector<1x128xf32>
      %add3A_285 = arith.addf %add3A_281, %get3A_284 : vector<1x128xf32>
      %mul3A_286 = arith.constant 5.000000e-01 : f32
      %mul3A_287 = vector.broadcast %mul3A_286 : f32 to vector<1x128xf32>
      %mul3A_288 = arith.mulf %mul3A_287, %add3A_285 : vector<1x128xf32>
      %tanh3A_289 = math.tanh %mul3A_288 : vector<1x128xf32>
      %mul3A_290 = arith.constant 5.000000e-01 : f32
      %mul3A_291 = vector.broadcast %mul3A_290 : f32 to vector<1x128xf32>
      %mul3A_292 = arith.mulf %mul3A_291, %tanh3A_289 : vector<1x128xf32>
      %add3A_293 = arith.constant 5.000000e-01 : f32
      %add3A_294 = vector.broadcast %add3A_293 : f32 to vector<1x128xf32>
      %add3A_295 = arith.addf %mul3A_292, %add3A_294 : vector<1x128xf32>
      %get3A_296 = arith.constant 0 : index
      %get3A_297 = arith.constant 0 : index
      %get3A_298 = vector.load %arg19[%get3A_296, %get3A_297] : memref<128x128xf32, #tpu.memory_space<vmem>>, vector<128x128xf32>
      %dot_general3A_299 = arith.constant dense<0.000000e+00> : vector<1x128xf32>
      %dot_general3A_300 = tpu.matmul %select_n3A_189, %get3A_298, %dot_general3A_299 {dimension_numbers = #tpu.dot_dimension_numbers<[1], [0], [0], [1], [0, 0, 1, 1], [], []>, transpose_lhs_hint = false} : vector<1x128xf32>, vector<128x128xf32>, vector<1x128xf32> -> vector<1x128xf32>
      %swap3A_301 = arith.constant 1 : index
      %swap3A_302 = arith.constant 0 : index
      %swap3A_303 = vector.load %arg54[%swap3A_301, %swap3A_302] : memref<8x128xf32, #tpu.memory_space<vmem>>, vector<1x128xf32>
      tpu.vector_store %arg54[%swap3A_301, %swap3A_302], %dot_general3A_300 {strides = array<i32>} : memref<8x128xf32, #tpu.memory_space<vmem>>, vector<1x128xf32>,
      %get3A_304 = arith.constant 0 : index
      %get3A_305 = arith.constant 0 : index
      %get3A_306 = arith.constant 0 : index
      %get3A_307 = vector.load %arg2[%get3A_304, %get3A_305, %get3A_306] : memref<1x1x128xf32, #tpu.memory_space<vmem>>, vector<1x1x128xf32>
      %get3A_308 = vector.shape_cast %get3A_307 : vector<1x1x128xf32> to vector<1x128xf32>
      %get3A_309 = arith.constant 0 : index
      %get3A_310 = arith.constant 0 : index
      %get3A_311 = vector.load %arg27[%get3A_309, %get3A_310] : memref<128x128xf32, #tpu.memory_space<vmem>>, vector<128x128xf32>
      %dot_general3A_312 = arith.constant dense<0.000000e+00> : vector<1x128xf32>
      %dot_general3A_313 = tpu.matmul %get3A_308, %get3A_311, %dot_general3A_312 {dimension_numbers = #tpu.dot_dimension_numbers<[1], [0], [0], [1], [0, 0, 1, 1], [], []>, transpose_lhs_hint = false} : vector<1x128xf32>, vector<128x128xf32>, vector<1x128xf32> -> vector<1x128xf32>
      %get3A_314 = arith.constant 0 : index
      %get3A_315 = arith.constant 0 : index
      %get3A_316 = vector.load %arg30[%get3A_314, %get3A_315] : memref<128x128xf32, #tpu.memory_space<vmem>>, vector<128x128xf32>
      %dot_general3A_317 = arith.constant dense<0.000000e+00> : vector<1x128xf32>
      %dot_general3A_318 = tpu.matmul %mul3A_208, %get3A_316, %dot_general3A_317 {dimension_numbers = #tpu.dot_dimension_numbers<[1], [0], [0], [1], [0, 0, 1, 1], [], []>, transpose_lhs_hint = false} : vector<1x128xf32>, vector<128x128xf32>, vector<1x128xf32> -> vector<1x128xf32>
      %add3A_319 = arith.addf %dot_general3A_313, %dot_general3A_318 : vector<1x128xf32>
      %get3A_320 = arith.constant 0 : index
      %get3A_321 = arith.constant 0 : index
      %get3A_322 = vector.load %arg31[%get3A_320, %get3A_321] : memref<128x128xf32, #tpu.memory_space<vmem>>, vector<128x128xf32>
      %dot_general3A_323 = arith.constant dense<0.000000e+00> : vector<1x128xf32>
      %dot_general3A_324 = tpu.matmul %select_n3A_189, %get3A_322, %dot_general3A_323 {dimension_numbers = #tpu.dot_dimension_numbers<[1], [0], [0], [1], [0, 0, 1, 1], [], []>, transpose_lhs_hint = false} : vector<1x128xf32>, vector<128x128xf32>, vector<1x128xf32> -> vector<1x128xf32>
      %add3A_325 = arith.addf %add3A_319, %dot_general3A_324 : vector<1x128xf32>
      %get3A_326 = arith.constant 0 : index
      %get3A_327 = arith.constant 0 : index
      %get3A_328 = vector.load %arg33[%get3A_326, %get3A_327] : memref<1x128xf32, #tpu.memory_space<vmem>>, vector<1x128xf32>
      %add3A_329 = arith.addf %add3A_325, %get3A_328 : vector<1x128xf32>
      %get3A_330 = arith.constant 0 : index
      %get3A_331 = arith.constant 0 : index
      %get3A_332 = vector.load %arg35[%get3A_330, %get3A_331] : memref<1x128xf32, #tpu.memory_space<vmem>>, vector<1x128xf32>
      %add3A_333 = arith.addf %add3A_329, %get3A_332 : vector<1x128xf32>
      %tanh3A_334 = math.tanh %add3A_333 : vector<1x128xf32>
      %get3A_335 = arith.constant 0 : index
      %get3A_336 = arith.constant 0 : index
      %get3A_337 = vector.load %arg29[%get3A_335, %get3A_336] : memref<128x128xf32, #tpu.memory_space<vmem>>, vector<128x128xf32>
      %dot_general3A_338 = arith.constant dense<0.000000e+00> : vector<1x128xf32>
      %dot_general3A_339 = tpu.matmul %select_n3A_189, %get3A_337, %dot_general3A_338 {dimension_numbers = #tpu.dot_dimension_numbers<[1], [0], [0], [1], [0, 0, 1, 1], [], []>, transpose_lhs_hint = false} : vector<1x128xf32>, vector<128x128xf32>, vector<1x128xf32> -> vector<1x128xf32>
      %swap3A_340 = arith.constant 2 : index
      %swap3A_341 = arith.constant 0 : index
      %swap3A_342 = vector.load %arg54[%swap3A_340, %swap3A_341] : memref<8x128xf32, #tpu.memory_space<vmem>>, vector<1x128xf32>
      tpu.vector_store %arg54[%swap3A_340, %swap3A_341], %dot_general3A_339 {strides = array<i32>} : memref<8x128xf32, #tpu.memory_space<vmem>>, vector<1x128xf32>,
      %get3A_343 = arith.constant 0 : index
      %get3A_344 = arith.constant 0 : index
      %get3A_345 = arith.constant 0 : index
      %get3A_346 = vector.load %arg2[%get3A_343, %get3A_344, %get3A_345] : memref<1x1x128xf32, #tpu.memory_space<vmem>>, vector<1x1x128xf32>
      %get3A_347 = vector.shape_cast %get3A_346 : vector<1x1x128xf32> to vector<1x128xf32>
      %get3A_348 = arith.constant 0 : index
      %get3A_349 = arith.constant 0 : index
      %get3A_350 = vector.load %arg37[%get3A_348, %get3A_349] : memref<128x128xf32, #tpu.memory_space<vmem>>, vector<128x128xf32>
      %dot_general3A_351 = arith.constant dense<0.000000e+00> : vector<1x128xf32>
      %dot_general3A_352 = tpu.matmul %get3A_347, %get3A_350, %dot_general3A_351 {dimension_numbers = #tpu.dot_dimension_numbers<[1], [0], [0], [1], [0, 0, 1, 1], [], []>, transpose_lhs_hint = false} : vector<1x128xf32>, vector<128x128xf32>, vector<1x128xf32> -> vector<1x128xf32>
      %get3A_353 = arith.constant 0 : index
      %get3A_354 = arith.constant 0 : index
      %get3A_355 = vector.load %arg40[%get3A_353, %get3A_354] : memref<128x128xf32, #tpu.memory_space<vmem>>, vector<128x128xf32>
      %dot_general3A_356 = arith.constant dense<0.000000e+00> : vector<1x128xf32>
      %dot_general3A_357 = tpu.matmul %mul3A_208, %get3A_355, %dot_general3A_356 {dimension_numbers = #tpu.dot_dimension_numbers<[1], [0], [0], [1], [0, 0, 1, 1], [], []>, transpose_lhs_hint = false} : vector<1x128xf32>, vector<128x128xf32>, vector<1x128xf32> -> vector<1x128xf32>
      %add3A_358 = arith.addf %dot_general3A_352, %dot_general3A_357 : vector<1x128xf32>
      %get3A_359 = arith.constant 0 : index
      %get3A_360 = arith.constant 0 : index
      %get3A_361 = vector.load %arg41[%get3A_359, %get3A_360] : memref<128x128xf32, #tpu.memory_space<vmem>>, vector<128x128xf32>
      %dot_general3A_362 = arith.constant dense<0.000000e+00> : vector<1x128xf32>
      %dot_general3A_363 = tpu.matmul %select_n3A_189, %get3A_361, %dot_general3A_362 {dimension_numbers = #tpu.dot_dimension_numbers<[1], [0], [0], [1], [0, 0, 1, 1], [], []>, transpose_lhs_hint = false} : vector<1x128xf32>, vector<128x128xf32>, vector<1x128xf32> -> vector<1x128xf32>
      %add3A_364 = arith.addf %add3A_358, %dot_general3A_363 : vector<1x128xf32>
      %get3A_365 = arith.constant 0 : index
      %get3A_366 = arith.constant 0 : index
      %get3A_367 = vector.load %arg43[%get3A_365, %get3A_366] : memref<1x128xf32, #tpu.memory_space<vmem>>, vector<1x128xf32>
      %add3A_368 = arith.addf %add3A_364, %get3A_367 : vector<1x128xf32>
      %get3A_369 = arith.constant 0 : index
      %get3A_370 = arith.constant 0 : index
      %get3A_371 = vector.load %arg45[%get3A_369, %get3A_370] : memref<1x128xf32, #tpu.memory_space<vmem>>, vector<1x128xf32>
      %add3A_372 = arith.addf %add3A_368, %get3A_371 : vector<1x128xf32>
      %mul3A_373 = arith.constant 5.000000e-01 : f32
      %mul3A_374 = vector.broadcast %mul3A_373 : f32 to vector<1x128xf32>
      %mul3A_375 = arith.mulf %mul3A_374, %add3A_372 : vector<1x128xf32>
      %tanh3A_376 = math.tanh %mul3A_375 : vector<1x128xf32>
      %mul3A_377 = arith.constant 5.000000e-01 : f32
      %mul3A_378 = vector.broadcast %mul3A_377 : f32 to vector<1x128xf32>
      %mul3A_379 = arith.mulf %mul3A_378, %tanh3A_376 : vector<1x128xf32>
      %add3A_380 = arith.constant 5.000000e-01 : f32
      %add3A_381 = vector.broadcast %add3A_380 : f32 to vector<1x128xf32>
      %add3A_382 = arith.addf %mul3A_379, %add3A_381 : vector<1x128xf32>
      %get3A_383 = arith.constant 0 : index
      %get3A_384 = arith.constant 0 : index
      %get3A_385 = vector.load %arg39[%get3A_383, %get3A_384] : memref<128x128xf32, #tpu.memory_space<vmem>>, vector<128x128xf32>
      %dot_general3A_386 = arith.constant dense<0.000000e+00> : vector<1x128xf32>
      %dot_general3A_387 = tpu.matmul %select_n3A_189, %get3A_385, %dot_general3A_386 {dimension_numbers = #tpu.dot_dimension_numbers<[1], [0], [0], [1], [0, 0, 1, 1], [], []>, transpose_lhs_hint = false} : vector<1x128xf32>, vector<128x128xf32>, vector<1x128xf32> -> vector<1x128xf32>
      %swap3A_388 = arith.constant 3 : index
      %swap3A_389 = arith.constant 0 : index
      %swap3A_390 = vector.load %arg54[%swap3A_388, %swap3A_389] : memref<8x128xf32, #tpu.memory_space<vmem>>, vector<1x128xf32>
      tpu.vector_store %arg54[%swap3A_388, %swap3A_389], %dot_general3A_387 {strides = array<i32>} : memref<8x128xf32, #tpu.memory_space<vmem>>, vector<1x128xf32>,
      %mul3A_391 = arith.mulf %add3A_295, %select_n3A_197 : vector<1x128xf32>
      %mul3A_392 = arith.mulf %add3A_248, %tanh3A_334 : vector<1x128xf32>
      %add3A_393 = arith.addf %mul3A_391, %mul3A_392 : vector<1x128xf32>
      %tanh3A_394 = math.tanh %add3A_393 : vector<1x128xf32>
      %mul3A_395 = arith.mulf %add3A_382, %tanh3A_394 : vector<1x128xf32>
      %swap3A_396 = arith.constant 0 : index
      %swap3A_397 = arith.constant 0 : index
      %swap3A_398 = vector.load %arg51[%swap3A_396, %swap3A_397] : memref<1x128xf32, #tpu.memory_space<vmem>>, vector<1x128xf32>
      tpu.vector_store %arg51[%swap3A_396, %swap3A_397], %mul3A_395 {strides = array<i32>} : memref<1x128xf32, #tpu.memory_space<vmem>>, vector<1x128xf32>,
      %swap3A_399 = arith.constant 0 : index
      %swap3A_400 = arith.constant 0 : index
      %swap3A_401 = vector.load %arg52[%swap3A_399, %swap3A_400] : memref<1x128xf32, #tpu.memory_space<vmem>>, vector<1x128xf32>
      tpu.vector_store %arg52[%swap3A_399, %swap3A_400], %add3A_393 {strides = array<i32>} : memref<1x128xf32, #tpu.memory_space<vmem>>, vector<1x128xf32>,
      %broadcast_in_dim3A_402 = arith.constant 0.000000e+00 : f32
      %broadcast_in_dim3A_403 = vector.broadcast %broadcast_in_dim3A_402 : f32 to vector<1x128xf32>
      %swap3A_404 = arith.constant 0 : index
      %swap3A_405 = arith.constant 0 : index
      %swap3A_406 = vector.load %arg53[%swap3A_404, %swap3A_405] : memref<1x128xf32, #tpu.memory_space<vmem>>, vector<1x128xf32>
      tpu.vector_store %arg53[%swap3A_404, %swap3A_405], %broadcast_in_dim3A_403 {strides = array<i32>} : memref<1x128xf32, #tpu.memory_space<vmem>>, vector<1x128xf32>,
      %eq3A_407 = arith.constant 4 : i32
      %eq3A_408 = arith.cmpi eq, %arg0, %eq3A_407 : i32
      %convert_element_type3A_409 = arith.extui %eq3A_408 : i1 to i32
      %cond3A_410 = arith.constant 0 : i32
      %cond3A_411 = arith.cmpi ne, %convert_element_type3A_409, %cond3A_410 : i32
      scf.if %cond3A_411 {
        %get3A_412 = arith.constant 0 : index
        %get3A_413 = arith.constant 0 : index
        %get3A_414 = vector.load %arg46[%get3A_412, %get3A_413] : memref<128x2xf32, #tpu.memory_space<vmem>>, vector<128x2xf32>
        %dot_general3A_415 = arith.constant dense<0.000000e+00> : vector<1x2xf32>
        %dot_general3A_416 = tpu.matmul %mul3A_395, %get3A_414, %dot_general3A_415 {dimension_numbers = #tpu.dot_dimension_numbers<[1], [0], [0], [1], [0, 0, 1, 1], [], []>, transpose_lhs_hint = false} : vector<1x128xf32>, vector<128x2xf32>, vector<1x2xf32> -> vector<1x2xf32>
        %get3A_417 = arith.constant 0 : index
        %get3A_418 = arith.constant 0 : index
        %get3A_419 = vector.load %arg47[%get3A_417, %get3A_418] : memref<1x2xf32, #tpu.memory_space<vmem>>, vector<1x2xf32>
        %add3A_420 = arith.addf %dot_general3A_416, %get3A_419 : vector<1x2xf32>
        %swap3A_421 = arith.constant 0 : index
        %swap3A_422 = arith.constant 0 : index
        %swap3A_423 = vector.load %arg48[%swap3A_421, %swap3A_422] : memref<1x2xf32, #tpu.memory_space<vmem>>, vector<1x2xf32>
        tpu.vector_store %arg48[%swap3A_421, %swap3A_422], %add3A_420 {strides = array<i32>} : memref<1x2xf32, #tpu.memory_space<vmem>>, vector<1x2xf32>,
      } else {
      }
    } else {
    }
    %get3A = arith.constant 0 : index
    %get3A_3 = arith.constant 0 : index
    %get3A_4 = arith.constant 0 : index
    %get3A_5 = vector.load %arg3[%get3A, %get3A_3, %get3A_4] : memref<1x2048x128xf32, #tpu.memory_space<vmem>>, vector<1x2048x128xf32>
    %get3A_6 = vector.shape_cast %get3A_5 : vector<1x2048x128xf32> to vector<2048x128xf32>
    %convert_element_type3A_7 = arith.truncf %get3A_6 : vector<2048x128xf32> to vector<2048x128xbf16>
    %eq3A_8 = arith.constant 0 : i32
    %eq3A_9 = arith.cmpi eq, %arg0, %eq3A_8 : i32
    %get3A_10 = arith.index_cast %mul3A_0 : i32 to index
    %get3A_11 = arith.constant 0 : index
    %get3A_12 = vector.load %arg49[%get3A_10, %get3A_11] : memref<10240x128xbf16, #tpu.memory_space<vmem>>, vector<2048x128xbf16>
    %jit3A = arith.constant 0.000000e+00 : f32
    %convert_element_type3A_13 = arith.truncf %jit3A : f32 to bf16
    %broadcast_in_dim3A = vector.broadcast %convert_element_type3A_13 : bf16 to vector<2048x128xbf16>
    %select_n3A = arith.select %eq3A_9, %broadcast_in_dim3A, %get3A_12 : vector<2048x128xbf16>
    %eq3A_14 = arith.constant 0 : i32
    %eq3A_15 = arith.cmpi eq, %arg0, %eq3A_14 : i32
    %get3A_16 = arith.index_cast %mul3A_0 : i32 to index
    %get3A_17 = arith.constant 0 : index
    %get3A_18 = vector.load %arg50[%get3A_16, %get3A_17] : memref<10240x128xf32, #tpu.memory_space<vmem>>, vector<2048x128xf32>
    %jit3A_19 = arith.constant 0.000000e+00 : f32
    %broadcast_in_dim3A_20 = vector.broadcast %jit3A_19 : f32 to vector<2048x128xf32>
    %select_n3A_21 = arith.select %eq3A_15, %broadcast_in_dim3A_20, %get3A_18 : vector<2048x128xf32>
    %get3A_22 = arith.constant 0 : index
    %get3A_23 = arith.constant 0 : index
    %get3A_24 = arith.constant 0 : index
    %get3A_25 = vector.load %arg5[%get3A_22, %get3A_23, %get3A_24] : memref<1x1x2048xf32, #tpu.memory_space<vmem>>, vector<1x1x2048xf32>
    %get3A_26 = vector.shape_cast %get3A_25 : vector<1x1x2048xf32> to vector<2048xf32>
    %gt3A = arith.constant 0.000000e+00 : f32
    %gt3A_27 = vector.broadcast %gt3A : f32 to vector<2048xf32>
    %gt3A_28 = arith.cmpf ogt, %get3A_26, %gt3A_27 : vector<2048xf32>
    %convert_element_type3A_29 = arith.extui %gt3A_28 : vector<2048xi1> to vector<2048xi32>
    %convert_element_type3A_30 = arith.sitofp %convert_element_type3A_29 : vector<2048xi32> to vector<2048xf32>
    %broadcast_in_dim3A_31 = vector.shape_cast %convert_element_type3A_30 : vector<2048xf32> to vector<2048x1xf32>
    %get3A_32 = arith.constant 0 : index
    %get3A_33 = arith.constant 0 : index
    %get3A_34 = vector.load %arg6[%get3A_32, %get3A_33] : memref<128x128xbf16, #tpu.memory_space<vmem>>, vector<128x128xbf16>
    %dot_general3A = arith.constant dense<0.000000e+00> : vector<2048x128xf32>
    %dot_general3A_35 = tpu.matmul %convert_element_type3A_7, %get3A_34, %dot_general3A {dimension_numbers = #tpu.dot_dimension_numbers<[1], [0], [0], [1], [0, 0, 1, 1], [], []>, transpose_lhs_hint = false} : vector<2048x128xbf16>, vector<128x128xbf16>, vector<2048x128xf32> -> vector<2048x128xf32>
    %get3A_36 = arith.constant 0 : index
    %get3A_37 = arith.constant 0 : index
    %get3A_38 = vector.load %arg8[%get3A_36, %get3A_37] : memref<128x128xbf16, #tpu.memory_space<vmem>>, vector<128x128xbf16>
    %dot_general3A_39 = arith.constant dense<0.000000e+00> : vector<2048x128xf32>
    %dot_general3A_40 = tpu.matmul %select_n3A, %get3A_38, %dot_general3A_39 {dimension_numbers = #tpu.dot_dimension_numbers<[1], [0], [0], [1], [0, 0, 1, 1], [], []>, transpose_lhs_hint = false} : vector<2048x128xbf16>, vector<128x128xbf16>, vector<2048x128xf32> -> vector<2048x128xf32>
    %add3A = arith.addf %dot_general3A_35, %dot_general3A_40 : vector<2048x128xf32>
    %get3A_41 = arith.constant 0 : index
    %get3A_42 = arith.constant 0 : index
    %get3A_43 = vector.load %arg12[%get3A_41, %get3A_42] : memref<1x128xf32, #tpu.memory_space<vmem>>, vector<1x128xf32>
    %get3A_44 = arith.constant 0 : index
    %get3A_45 = arith.constant 0 : index
    %get3A_46 = vector.load %arg14[%get3A_44, %get3A_45] : memref<1x128xf32, #tpu.memory_space<vmem>>, vector<1x128xf32>
    %add3A_47 = arith.addf %get3A_43, %get3A_46 : vector<1x128xf32>
    %add3A_48 = vector.broadcast %add3A_47 : vector<1x128xf32> to vector<2048x128xf32>
    %add3A_49 = arith.addf %add3A, %add3A_48 : vector<2048x128xf32>
    %get3A_50 = arith.constant 0 : index
    %get3A_51 = arith.constant 0 : index
    %get3A_52 = vector.load %arg54[%get3A_50, %get3A_51] : memref<8x128xf32, #tpu.memory_space<vmem>>, vector<1x128xf32>
    %mul3A_53 = vector.broadcast %broadcast_in_dim3A_31 : vector<2048x1xf32> to vector<2048x128xf32>
    %mul3A_54 = vector.broadcast %get3A_52 : vector<1x128xf32> to vector<2048x128xf32>
    %mul3A_55 = arith.mulf %mul3A_53, %mul3A_54 : vector<2048x128xf32>
    %add3A_56 = arith.addf %add3A_49, %mul3A_55 : vector<2048x128xf32>
    %mul3A_57 = arith.constant 5.000000e-01 : f32
    %mul3A_58 = vector.broadcast %mul3A_57 : f32 to vector<2048x128xf32>
    %mul3A_59 = arith.mulf %mul3A_58, %add3A_56 : vector<2048x128xf32>
    %tanh3A = math.tanh %mul3A_59 : vector<2048x128xf32>
    %mul3A_60 = arith.constant 5.000000e-01 : f32
    %mul3A_61 = vector.broadcast %mul3A_60 : f32 to vector<2048x128xf32>
    %mul3A_62 = arith.mulf %mul3A_61, %tanh3A : vector<2048x128xf32>
    %add3A_63 = arith.constant 5.000000e-01 : f32
    %add3A_64 = vector.broadcast %add3A_63 : f32 to vector<2048x128xf32>
    %add3A_65 = arith.addf %mul3A_62, %add3A_64 : vector<2048x128xf32>
    %get3A_66 = arith.constant 0 : index
    %get3A_67 = arith.constant 0 : index
    %get3A_68 = vector.load %arg16[%get3A_66, %get3A_67] : memref<128x128xbf16, #tpu.memory_space<vmem>>, vector<128x128xbf16>
    %dot_general3A_69 = arith.constant dense<0.000000e+00> : vector<2048x128xf32>
    %dot_general3A_70 = tpu.matmul %convert_element_type3A_7, %get3A_68, %dot_general3A_69 {dimension_numbers = #tpu.dot_dimension_numbers<[1], [0], [0], [1], [0, 0, 1, 1], [], []>, transpose_lhs_hint = false} : vector<2048x128xbf16>, vector<128x128xbf16>, vector<2048x128xf32> -> vector<2048x128xf32>
    %get3A_71 = arith.constant 0 : index
    %get3A_72 = arith.constant 0 : index
    %get3A_73 = vector.load %arg18[%get3A_71, %get3A_72] : memref<128x128xbf16, #tpu.memory_space<vmem>>, vector<128x128xbf16>
    %dot_general3A_74 = arith.constant dense<0.000000e+00> : vector<2048x128xf32>
    %dot_general3A_75 = tpu.matmul %select_n3A, %get3A_73, %dot_general3A_74 {dimension_numbers = #tpu.dot_dimension_numbers<[1], [0], [0], [1], [0, 0, 1, 1], [], []>, transpose_lhs_hint = false} : vector<2048x128xbf16>, vector<128x128xbf16>, vector<2048x128xf32> -> vector<2048x128xf32>
    %add3A_76 = arith.addf %dot_general3A_70, %dot_general3A_75 : vector<2048x128xf32>
    %get3A_77 = arith.constant 0 : index
    %get3A_78 = arith.constant 0 : index
    %get3A_79 = vector.load %arg22[%get3A_77, %get3A_78] : memref<1x128xf32, #tpu.memory_space<vmem>>, vector<1x128xf32>
    %get3A_80 = arith.constant 0 : index
    %get3A_81 = arith.constant 0 : index
    %get3A_82 = vector.load %arg24[%get3A_80, %get3A_81] : memref<1x128xf32, #tpu.memory_space<vmem>>, vector<1x128xf32>
    %add3A_83 = arith.addf %get3A_79, %get3A_82 : vector<1x128xf32>
    %add3A_84 = vector.broadcast %add3A_83 : vector<1x128xf32> to vector<2048x128xf32>
    %add3A_85 = arith.addf %add3A_76, %add3A_84 : vector<2048x128xf32>
    %get3A_86 = arith.constant 1 : index
    %get3A_87 = arith.constant 0 : index
    %get3A_88 = vector.load %arg54[%get3A_86, %get3A_87] : memref<8x128xf32, #tpu.memory_space<vmem>>, vector<1x128xf32>
    %mul3A_89 = vector.broadcast %broadcast_in_dim3A_31 : vector<2048x1xf32> to vector<2048x128xf32>
    %mul3A_90 = vector.broadcast %get3A_88 : vector<1x128xf32> to vector<2048x128xf32>
    %mul3A_91 = arith.mulf %mul3A_89, %mul3A_90 : vector<2048x128xf32>
    %add3A_92 = arith.addf %add3A_85, %mul3A_91 : vector<2048x128xf32>
    %mul3A_93 = arith.constant 5.000000e-01 : f32
    %mul3A_94 = vector.broadcast %mul3A_93 : f32 to vector<2048x128xf32>
    %mul3A_95 = arith.mulf %mul3A_94, %add3A_92 : vector<2048x128xf32>
    %tanh3A_96 = math.tanh %mul3A_95 : vector<2048x128xf32>
    %mul3A_97 = arith.constant 5.000000e-01 : f32
    %mul3A_98 = vector.broadcast %mul3A_97 : f32 to vector<2048x128xf32>
    %mul3A_99 = arith.mulf %mul3A_98, %tanh3A_96 : vector<2048x128xf32>
    %add3A_100 = arith.constant 5.000000e-01 : f32
    %add3A_101 = vector.broadcast %add3A_100 : f32 to vector<2048x128xf32>
    %add3A_102 = arith.addf %mul3A_99, %add3A_101 : vector<2048x128xf32>
    %get3A_103 = arith.constant 0 : index
    %get3A_104 = arith.constant 0 : index
    %get3A_105 = vector.load %arg26[%get3A_103, %get3A_104] : memref<128x128xbf16, #tpu.memory_space<vmem>>, vector<128x128xbf16>
    %dot_general3A_106 = arith.constant dense<0.000000e+00> : vector<2048x128xf32>
    %dot_general3A_107 = tpu.matmul %convert_element_type3A_7, %get3A_105, %dot_general3A_106 {dimension_numbers = #tpu.dot_dimension_numbers<[1], [0], [0], [1], [0, 0, 1, 1], [], []>, transpose_lhs_hint = false} : vector<2048x128xbf16>, vector<128x128xbf16>, vector<2048x128xf32> -> vector<2048x128xf32>
    %get3A_108 = arith.constant 0 : index
    %get3A_109 = arith.constant 0 : index
    %get3A_110 = vector.load %arg28[%get3A_108, %get3A_109] : memref<128x128xbf16, #tpu.memory_space<vmem>>, vector<128x128xbf16>
    %dot_general3A_111 = arith.constant dense<0.000000e+00> : vector<2048x128xf32>
    %dot_general3A_112 = tpu.matmul %select_n3A, %get3A_110, %dot_general3A_111 {dimension_numbers = #tpu.dot_dimension_numbers<[1], [0], [0], [1], [0, 0, 1, 1], [], []>, transpose_lhs_hint = false} : vector<2048x128xbf16>, vector<128x128xbf16>, vector<2048x128xf32> -> vector<2048x128xf32>
    %add3A_113 = arith.addf %dot_general3A_107, %dot_general3A_112 : vector<2048x128xf32>
    %get3A_114 = arith.constant 0 : index
    %get3A_115 = arith.constant 0 : index
    %get3A_116 = vector.load %arg32[%get3A_114, %get3A_115] : memref<1x128xf32, #tpu.memory_space<vmem>>, vector<1x128xf32>
    %get3A_117 = arith.constant 0 : index
    %get3A_118 = arith.constant 0 : index
    %get3A_119 = vector.load %arg34[%get3A_117, %get3A_118] : memref<1x128xf32, #tpu.memory_space<vmem>>, vector<1x128xf32>
    %add3A_120 = arith.addf %get3A_116, %get3A_119 : vector<1x128xf32>
    %add3A_121 = vector.broadcast %add3A_120 : vector<1x128xf32> to vector<2048x128xf32>
    %add3A_122 = arith.addf %add3A_113, %add3A_121 : vector<2048x128xf32>
    %get3A_123 = arith.constant 2 : index
    %get3A_124 = arith.constant 0 : index
    %get3A_125 = vector.load %arg54[%get3A_123, %get3A_124] : memref<8x128xf32, #tpu.memory_space<vmem>>, vector<1x128xf32>
    %mul3A_126 = vector.broadcast %broadcast_in_dim3A_31 : vector<2048x1xf32> to vector<2048x128xf32>
    %mul3A_127 = vector.broadcast %get3A_125 : vector<1x128xf32> to vector<2048x128xf32>
    %mul3A_128 = arith.mulf %mul3A_126, %mul3A_127 : vector<2048x128xf32>
    %add3A_129 = arith.addf %add3A_122, %mul3A_128 : vector<2048x128xf32>
    %tanh3A_130 = math.tanh %add3A_129 : vector<2048x128xf32>
    %get3A_131 = arith.constant 0 : index
    %get3A_132 = arith.constant 0 : index
    %get3A_133 = vector.load %arg36[%get3A_131, %get3A_132] : memref<128x128xbf16, #tpu.memory_space<vmem>>, vector<128x128xbf16>
    %dot_general3A_134 = arith.constant dense<0.000000e+00> : vector<2048x128xf32>
    %dot_general3A_135 = tpu.matmul %convert_element_type3A_7, %get3A_133, %dot_general3A_134 {dimension_numbers = #tpu.dot_dimension_numbers<[1], [0], [0], [1], [0, 0, 1, 1], [], []>, transpose_lhs_hint = false} : vector<2048x128xbf16>, vector<128x128xbf16>, vector<2048x128xf32> -> vector<2048x128xf32>
    %get3A_136 = arith.constant 0 : index
    %get3A_137 = arith.constant 0 : index
    %get3A_138 = vector.load %arg38[%get3A_136, %get3A_137] : memref<128x128xbf16, #tpu.memory_space<vmem>>, vector<128x128xbf16>
    %dot_general3A_139 = arith.constant dense<0.000000e+00> : vector<2048x128xf32>
    %dot_general3A_140 = tpu.matmul %select_n3A, %get3A_138, %dot_general3A_139 {dimension_numbers = #tpu.dot_dimension_numbers<[1], [0], [0], [1], [0, 0, 1, 1], [], []>, transpose_lhs_hint = false} : vector<2048x128xbf16>, vector<128x128xbf16>, vector<2048x128xf32> -> vector<2048x128xf32>
    %add3A_141 = arith.addf %dot_general3A_135, %dot_general3A_140 : vector<2048x128xf32>
    %get3A_142 = arith.constant 0 : index
    %get3A_143 = arith.constant 0 : index
    %get3A_144 = vector.load %arg42[%get3A_142, %get3A_143] : memref<1x128xf32, #tpu.memory_space<vmem>>, vector<1x128xf32>
    %get3A_145 = arith.constant 0 : index
    %get3A_146 = arith.constant 0 : index
    %get3A_147 = vector.load %arg44[%get3A_145, %get3A_146] : memref<1x128xf32, #tpu.memory_space<vmem>>, vector<1x128xf32>
    %add3A_148 = arith.addf %get3A_144, %get3A_147 : vector<1x128xf32>
    %add3A_149 = vector.broadcast %add3A_148 : vector<1x128xf32> to vector<2048x128xf32>
    %add3A_150 = arith.addf %add3A_141, %add3A_149 : vector<2048x128xf32>
    %get3A_151 = arith.constant 3 : index
    %get3A_152 = arith.constant 0 : index
    %get3A_153 = vector.load %arg54[%get3A_151, %get3A_152] : memref<8x128xf32, #tpu.memory_space<vmem>>, vector<1x128xf32>
    %mul3A_154 = vector.broadcast %broadcast_in_dim3A_31 : vector<2048x1xf32> to vector<2048x128xf32>
    %mul3A_155 = vector.broadcast %get3A_153 : vector<1x128xf32> to vector<2048x128xf32>
    %mul3A_156 = arith.mulf %mul3A_154, %mul3A_155 : vector<2048x128xf32>
    %add3A_157 = arith.addf %add3A_150, %mul3A_156 : vector<2048x128xf32>
    %mul3A_158 = arith.constant 5.000000e-01 : f32
    %mul3A_159 = vector.broadcast %mul3A_158 : f32 to vector<2048x128xf32>
    %mul3A_160 = arith.mulf %mul3A_159, %add3A_157 : vector<2048x128xf32>
    %tanh3A_161 = math.tanh %mul3A_160 : vector<2048x128xf32>
    %mul3A_162 = arith.constant 5.000000e-01 : f32
    %mul3A_163 = vector.broadcast %mul3A_162 : f32 to vector<2048x128xf32>
    %mul3A_164 = arith.mulf %mul3A_163, %tanh3A_161 : vector<2048x128xf32>
    %add3A_165 = arith.constant 5.000000e-01 : f32
    %add3A_166 = vector.broadcast %add3A_165 : f32 to vector<2048x128xf32>
    %add3A_167 = arith.addf %mul3A_164, %add3A_166 : vector<2048x128xf32>
    %mul3A_168 = arith.mulf %add3A_102, %select_n3A_21 : vector<2048x128xf32>
    %mul3A_169 = arith.mulf %add3A_65, %tanh3A_130 : vector<2048x128xf32>
    %add3A_170 = arith.addf %mul3A_168, %mul3A_169 : vector<2048x128xf32>
    %tanh3A_171 = math.tanh %add3A_170 : vector<2048x128xf32>
    %mul3A_172 = arith.mulf %add3A_167, %tanh3A_171 : vector<2048x128xf32>
    %eq3A_173 = arith.constant 4 : i32
    %eq3A_174 = arith.cmpi eq, %arg1, %eq3A_173 : i32
    %convert_element_type3A_175 = arith.extui %eq3A_174 : i1 to i32
    %cond3A_176 = arith.constant 0 : i32
    %cond3A_177 = arith.cmpi ne, %convert_element_type3A_175, %cond3A_176 : i32
    scf.if %cond3A_177 {
      %iota3A = tpu.iota {dimensions = array<i32: 0>} : vector<2048x1xi32>
      %add3A_182 = vector.broadcast %mul3A_0 : i32 to vector<2048x1xi32>
      %add3A_183 = arith.addi %add3A_182, %iota3A : vector<2048x1xi32>
      %lt3A_184 = arith.constant 10000 : i32
      %lt3A_185 = vector.broadcast %lt3A_184 : i32 to vector<2048x1xi32>
      %lt3A_186 = arith.cmpi slt, %add3A_183, %lt3A_185 : vector<2048x1xi32>
      %jit3A_187 = arith.constant 0.000000e+00 : f32
      %broadcast_in_dim3A_188 = vector.shape_cast %lt3A_186 : vector<2048x1xi1> to vector<2048x1xi1>
      %broadcast_in_dim3A_189 = vector.broadcast %broadcast_in_dim3A_188 : vector<2048x1xi1> to vector<2048x128xi1>
      %broadcast_in_dim3A_190 = vector.broadcast %jit3A_187 : f32 to vector<2048x128xf32>
      %select_n3A_191 = arith.select %broadcast_in_dim3A_189, %mul3A_172, %broadcast_in_dim3A_190 : vector<2048x128xi1>, vector<2048x128xf32>
      %jit3A_192 = arith.constant 0.000000e+00 : f32
      %broadcast_in_dim3A_193 = vector.shape_cast %lt3A_186 : vector<2048x1xi1> to vector<2048x1xi1>
      %broadcast_in_dim3A_194 = vector.broadcast %broadcast_in_dim3A_193 : vector<2048x1xi1> to vector<2048x128xi1>
      %broadcast_in_dim3A_195 = vector.broadcast %jit3A_192 : f32 to vector<2048x128xf32>
      %select_n3A_196 = arith.select %broadcast_in_dim3A_194, %add3A_170, %broadcast_in_dim3A_195 : vector<2048x128xi1>, vector<2048x128xf32>
      %convert_element_type3A_197 = arith.truncf %select_n3A_191 : vector<2048x128xf32> to vector<2048x128xbf16>
      %swap3A = arith.index_cast %mul3A_0 : i32 to index
      %swap3A_198 = arith.constant 0 : index
      %swap3A_199 = vector.load %arg49[%swap3A, %swap3A_198] : memref<10240x128xbf16, #tpu.memory_space<vmem>>, vector<2048x128xbf16>
      tpu.vector_store %arg49[%swap3A, %swap3A_198], %convert_element_type3A_197 {strides = array<i32>} : memref<10240x128xbf16, #tpu.memory_space<vmem>>, vector<2048x128xbf16>,
      %swap3A_200 = arith.index_cast %mul3A_0 : i32 to index
      %swap3A_201 = arith.constant 0 : index
      %swap3A_202 = vector.load %arg50[%swap3A_200, %swap3A_201] : memref<10240x128xf32, #tpu.memory_space<vmem>>, vector<2048x128xf32>
      tpu.vector_store %arg50[%swap3A_200, %swap3A_201], %select_n3A_196 {strides = array<i32>} : memref<10240x128xf32, #tpu.memory_space<vmem>>, vector<2048x128xf32>,
      %get3A_203 = arith.constant 0 : index
      %get3A_204 = arith.constant 0 : index
      %get3A_205 = vector.load %arg53[%get3A_203, %get3A_204] : memref<1x128xf32, #tpu.memory_space<vmem>>, vector<1x128xf32>
      %get3A_206 = arith.constant 0 : index
      %get3A_207 = arith.constant 0 : index
      %get3A_208 = arith.constant 0 : index
      %get3A_209 = vector.load %arg4[%get3A_206, %get3A_207, %get3A_208] : memref<1x1x2048xf32, #tpu.memory_space<vmem>>, vector<1x1x2048xf32>
      %get3A_210 = vector.shape_cast %get3A_209 : vector<1x1x2048xf32> to vector<2048xf32>
      %broadcast_in_dim3A_211 = vector.shape_cast %get3A_210 : vector<2048xf32> to vector<1x2048xf32>
      %dot_general3A_212 = arith.constant dense<0.000000e+00> : vector<1x128xf32>
      %dot_general3A_213 = tpu.matmul %broadcast_in_dim3A_211, %select_n3A_191, %dot_general3A_212 {dimension_numbers = #tpu.dot_dimension_numbers<[1], [0], [0], [1], [0, 0, 1, 1], [], []>, transpose_lhs_hint = false} : vector<1x2048xf32>, vector<2048x128xf32>, vector<1x128xf32> -> vector<1x128xf32>
      %add3A_214 = arith.addf %get3A_205, %dot_general3A_213 : vector<1x128xf32>
      %swap3A_215 = arith.constant 0 : index
      %swap3A_216 = arith.constant 0 : index
      %swap3A_217 = vector.load %arg53[%swap3A_215, %swap3A_216] : memref<1x128xf32, #tpu.memory_space<vmem>>, vector<1x128xf32>
      tpu.vector_store %arg53[%swap3A_215, %swap3A_216], %add3A_214 {strides = array<i32>} : memref<1x128xf32, #tpu.memory_space<vmem>>, vector<1x128xf32>,
    } else {
    }
    %lt3A = arith.constant 4 : i32
    %lt3A_178 = arith.cmpi slt, %arg1, %lt3A : i32
    %convert_element_type3A_179 = arith.extui %lt3A_178 : i1 to i32
    %cond3A_180 = arith.constant 0 : i32
    %cond3A_181 = arith.cmpi ne, %convert_element_type3A_179, %cond3A_180 : i32
    scf.if %cond3A_181 {
      %convert_element_type3A_182 = arith.truncf %mul3A_172 : vector<2048x128xf32> to vector<2048x128xbf16>
      %swap3A = arith.index_cast %mul3A_0 : i32 to index
      %swap3A_183 = arith.constant 0 : index
      %swap3A_184 = vector.load %arg49[%swap3A, %swap3A_183] : memref<10240x128xbf16, #tpu.memory_space<vmem>>, vector<2048x128xbf16>
      tpu.vector_store %arg49[%swap3A, %swap3A_183], %convert_element_type3A_182 {strides = array<i32>} : memref<10240x128xbf16, #tpu.memory_space<vmem>>, vector<2048x128xbf16>,
      %swap3A_185 = arith.index_cast %mul3A_0 : i32 to index
      %swap3A_186 = arith.constant 0 : index
      %swap3A_187 = vector.load %arg50[%swap3A_185, %swap3A_186] : memref<10240x128xf32, #tpu.memory_space<vmem>>, vector<2048x128xf32>
      tpu.vector_store %arg50[%swap3A_185, %swap3A_186], %add3A_170 {strides = array<i32>} : memref<10240x128xf32, #tpu.memory_space<vmem>>, vector<2048x128xf32>,
      %get3A_188 = arith.constant 0 : index
      %get3A_189 = arith.constant 0 : index
      %get3A_190 = vector.load %arg53[%get3A_188, %get3A_189] : memref<1x128xf32, #tpu.memory_space<vmem>>, vector<1x128xf32>
      %get3A_191 = arith.constant 0 : index
      %get3A_192 = arith.constant 0 : index
      %get3A_193 = arith.constant 0 : index
      %get3A_194 = vector.load %arg4[%get3A_191, %get3A_192, %get3A_193] : memref<1x1x2048xf32, #tpu.memory_space<vmem>>, vector<1x1x2048xf32>
      %get3A_195 = vector.shape_cast %get3A_194 : vector<1x1x2048xf32> to vector<2048xf32>
      %broadcast_in_dim3A_196 = vector.shape_cast %get3A_195 : vector<2048xf32> to vector<1x2048xf32>
      %dot_general3A_197 = arith.constant dense<0.000000e+00> : vector<1x128xf32>
      %dot_general3A_198 = tpu.matmul %broadcast_in_dim3A_196, %mul3A_172, %dot_general3A_197 {dimension_numbers = #tpu.dot_dimension_numbers<[1], [0], [0], [1], [0, 0, 1, 1], [], []>, transpose_lhs_hint = false} : vector<1x2048xf32>, vector<2048x128xf32>, vector<1x128xf32> -> vector<1x128xf32>
      %add3A_199 = arith.addf %get3A_190, %dot_general3A_198 : vector<1x128xf32>
      %swap3A_200 = arith.constant 0 : index
      %swap3A_201 = arith.constant 0 : index
      %swap3A_202 = vector.load %arg53[%swap3A_200, %swap3A_201] : memref<1x128xf32, #tpu.memory_space<vmem>>, vector<1x128xf32>
      tpu.vector_store %arg53[%swap3A_200, %swap3A_201], %add3A_199 {strides = array<i32>} : memref<1x128xf32, #tpu.memory_space<vmem>>, vector<1x128xf32>,
    } else {
    }
    return
  }
  func.func @transform_0(%arg0: i32, %arg1: i32) -> (i32, i32, i32) {
    %c0_i32 = arith.constant 0 : i32
    %c0_i32_0 = arith.constant 0 : i32
    %c0_i32_1 = arith.constant 0 : i32
    return %arg0, %c0_i32, %c0_i32_0 : i32, i32, i32
  }
  func.func @transform_1(%arg0: i32, %arg1: i32) -> (i32, i32, i32) {
    %c0_i32 = arith.constant 0 : i32
    %c0_i32_0 = arith.constant 0 : i32
    return %arg0, %arg1, %c0_i32 : i32, i32, i32
  }
  func.func @transform_2(%arg0: i32, %arg1: i32) -> (i32, i32, i32) {
    %add3A = arith.constant 1 : i32
    %add3A_0 = arith.addi %arg0, %add3A : i32
    %min3A = arith.constant 4 : i32
    %min3A_1 = arith.minsi %add3A_0, %min3A : i32
    %c0_i32 = arith.constant 0 : i32
    %c0_i32_2 = arith.constant 0 : i32
    return %min3A_1, %c0_i32, %arg1 : i32, i32, i32
  }
  func.func @transform_3(%arg0: i32, %arg1: i32) -> (i32, i32, i32) {
    %add3A = arith.constant 5 : i32
    %add3A_0 = arith.addi %add3A, %arg0 : i32
    %c0_i32 = arith.constant 0 : i32
    %c0_i32_1 = arith.constant 0 : i32
    return %add3A_0, %c0_i32, %arg1 : i32, i32, i32
  }
  func.func @transform_4(%arg0: i32, %arg1: i32) -> (i32, i32) {
    %c0_i32 = arith.constant 0 : i32
    %c0_i32_0 = arith.constant 0 : i32
    %c0_i32_1 = arith.constant 0 : i32
    return %c0_i32, %c0_i32_0 : i32, i32
  }
  func.func @transform_5(%arg0: i32, %arg1: i32) -> (i32, i32) {
    %c0_i32 = arith.constant 0 : i32
    %c0_i32_0 = arith.constant 0 : i32
    %c0_i32_1 = arith.constant 0 : i32
    return %c0_i32, %c0_i32_0 : i32, i32
  }
  func.func @transform_6(%arg0: i32, %arg1: i32) -> (i32, i32) {
    %c0_i32 = arith.constant 0 : i32
    %c0_i32_0 = arith.constant 0 : i32
    %c0_i32_1 = arith.constant 0 : i32
    return %c0_i32, %c0_i32_0 : i32, i32
  }
  func.func @transform_7(%arg0: i32, %arg1: i32) -> (i32, i32) {
    %c0_i32 = arith.constant 0 : i32
    %c0_i32_0 = arith.constant 0 : i32
    %c0_i32_1 = arith.constant 0 : i32
    return %c0_i32, %c0_i32_0 : i32, i32
  }
  func.func @transform_8(%arg0: i32, %arg1: i32) -> (i32, i32) {
    %c0_i32 = arith.constant 0 : i32
    %c0_i32_0 = arith.constant 0 : i32
    %c0_i32_1 = arith.constant 0 : i32
    return %c0_i32, %c0_i32_0 : i32, i32
  }
  func.func @transform_9(%arg0: i32, %arg1: i32) -> (i32, i32) {
    %c0_i32 = arith.constant 0 : i32
    %c0_i32_0 = arith.constant 0 : i32
    %c0_i32_1 = arith.constant 0 : i32
    return %c0_i32, %c0_i32_0 : i32, i32
  }
  func.func @transform_10(%arg0: i32, %arg1: i32) -> (i32, i32) {
    %c0_i32 = arith.constant 0 : i32
    %c0_i32_0 = arith.constant 0 : i32
    %c0_i32_1 = arith.constant 0 : i32
    return %c0_i32, %c0_i32_0 : i32, i32
  }
  func.func @transform_11(%arg0: i32, %arg1: i32) -> (i32, i32) {
    %c0_i32 = arith.constant 0 : i32
    %c0_i32_0 = arith.constant 0 : i32
    %c0_i32_1 = arith.constant 0 : i32
    return %c0_i32, %c0_i32_0 : i32, i32
  }
  func.func @transform_12(%arg0: i32, %arg1: i32) -> (i32, i32) {
    %c0_i32 = arith.constant 0 : i32
    %c0_i32_0 = arith.constant 0 : i32
    %c0_i32_1 = arith.constant 0 : i32
    return %c0_i32, %c0_i32_0 : i32, i32
  }
  func.func @transform_13(%arg0: i32, %arg1: i32) -> (i32, i32) {
    %c0_i32 = arith.constant 0 : i32
    %c0_i32_0 = arith.constant 0 : i32
    %c0_i32_1 = arith.constant 0 : i32
    return %c0_i32, %c0_i32_0 : i32, i32
  }
  func.func @transform_14(%arg0: i32, %arg1: i32) -> (i32, i32) {
    %c0_i32 = arith.constant 0 : i32
    %c0_i32_0 = arith.constant 0 : i32
    %c0_i32_1 = arith.constant 0 : i32
    return %c0_i32, %c0_i32_0 : i32, i32
  }
  func.func @transform_15(%arg0: i32, %arg1: i32) -> (i32, i32) {
    %c0_i32 = arith.constant 0 : i32
    %c0_i32_0 = arith.constant 0 : i32
    %c0_i32_1 = arith.constant 0 : i32
    return %c0_i32, %c0_i32_0 : i32, i32
  }
  func.func @transform_16(%arg0: i32, %arg1: i32) -> (i32, i32) {
    %c0_i32 = arith.constant 0 : i32
    %c0_i32_0 = arith.constant 0 : i32
    %c0_i32_1 = arith.constant 0 : i32
    return %c0_i32, %c0_i32_0 : i32, i32
  }
  func.func @transform_17(%arg0: i32, %arg1: i32) -> (i32, i32) {
    %c0_i32 = arith.constant 0 : i32
    %c0_i32_0 = arith.constant 0 : i32
    %c0_i32_1 = arith.constant 0 : i32
    return %c0_i32, %c0_i32_0 : i32, i32
  }
  func.func @transform_18(%arg0: i32, %arg1: i32) -> (i32, i32) {
    %c0_i32 = arith.constant 0 : i32
    %c0_i32_0 = arith.constant 0 : i32
    %c0_i32_1 = arith.constant 0 : i32
    return %c0_i32, %c0_i32_0 : i32, i32
  }
  func.func @transform_19(%arg0: i32, %arg1: i32) -> (i32, i32) {
    %c0_i32 = arith.constant 0 : i32
    %c0_i32_0 = arith.constant 0 : i32
    %c0_i32_1 = arith.constant 0 : i32
    return %c0_i32, %c0_i32_0 : i32, i32
  }
  func.func @transform_20(%arg0: i32, %arg1: i32) -> (i32, i32) {
    %c0_i32 = arith.constant 0 : i32
    %c0_i32_0 = arith.constant 0 : i32
    %c0_i32_1 = arith.constant 0 : i32
    return %c0_i32, %c0_i32_0 : i32, i32
  }
  func.func @transform_21(%arg0: i32, %arg1: i32) -> (i32, i32) {
    %c0_i32 = arith.constant 0 : i32
    %c0_i32_0 = arith.constant 0 : i32
    %c0_i32_1 = arith.constant 0 : i32
    return %c0_i32, %c0_i32_0 : i32, i32
  }
  func.func @transform_22(%arg0: i32, %arg1: i32) -> (i32, i32) {
    %c0_i32 = arith.constant 0 : i32
    %c0_i32_0 = arith.constant 0 : i32
    %c0_i32_1 = arith.constant 0 : i32
    return %c0_i32, %c0_i32_0 : i32, i32
  }
  func.func @transform_23(%arg0: i32, %arg1: i32) -> (i32, i32) {
    %c0_i32 = arith.constant 0 : i32
    %c0_i32_0 = arith.constant 0 : i32
    %c0_i32_1 = arith.constant 0 : i32
    return %c0_i32, %c0_i32_0 : i32, i32
  }
  func.func @transform_24(%arg0: i32, %arg1: i32) -> (i32, i32) {
    %c0_i32 = arith.constant 0 : i32
    %c0_i32_0 = arith.constant 0 : i32
    %c0_i32_1 = arith.constant 0 : i32
    return %c0_i32, %c0_i32_0 : i32, i32
  }
  func.func @transform_25(%arg0: i32, %arg1: i32) -> (i32, i32) {
    %c0_i32 = arith.constant 0 : i32
    %c0_i32_0 = arith.constant 0 : i32
    %c0_i32_1 = arith.constant 0 : i32
    return %c0_i32, %c0_i32_0 : i32, i32
  }
  func.func @transform_26(%arg0: i32, %arg1: i32) -> (i32, i32) {
    %c0_i32 = arith.constant 0 : i32
    %c0_i32_0 = arith.constant 0 : i32
    %c0_i32_1 = arith.constant 0 : i32
    return %c0_i32, %c0_i32_0 : i32, i32
  }
  func.func @transform_27(%arg0: i32, %arg1: i32) -> (i32, i32) {
    %c0_i32 = arith.constant 0 : i32
    %c0_i32_0 = arith.constant 0 : i32
    %c0_i32_1 = arith.constant 0 : i32
    return %c0_i32, %c0_i32_0 : i32, i32
  }
  func.func @transform_28(%arg0: i32, %arg1: i32) -> (i32, i32) {
    %c0_i32 = arith.constant 0 : i32
    %c0_i32_0 = arith.constant 0 : i32
    %c0_i32_1 = arith.constant 0 : i32
    return %c0_i32, %c0_i32_0 : i32, i32
  }
  func.func @transform_29(%arg0: i32, %arg1: i32) -> (i32, i32) {
    %c0_i32 = arith.constant 0 : i32
    %c0_i32_0 = arith.constant 0 : i32
    %c0_i32_1 = arith.constant 0 : i32
    return %c0_i32, %c0_i32_0 : i32, i32
  }
  func.func @transform_30(%arg0: i32, %arg1: i32) -> (i32, i32) {
    %c0_i32 = arith.constant 0 : i32
    %c0_i32_0 = arith.constant 0 : i32
    %c0_i32_1 = arith.constant 0 : i32
    return %c0_i32, %c0_i32_0 : i32, i32
  }
  func.func @transform_31(%arg0: i32, %arg1: i32) -> (i32, i32) {
    %c0_i32 = arith.constant 0 : i32
    %c0_i32_0 = arith.constant 0 : i32
    %c0_i32_1 = arith.constant 0 : i32
    return %c0_i32, %c0_i32_0 : i32, i32
  }
  func.func @transform_32(%arg0: i32, %arg1: i32) -> (i32, i32) {
    %c0_i32 = arith.constant 0 : i32
    %c0_i32_0 = arith.constant 0 : i32
    %c0_i32_1 = arith.constant 0 : i32
    return %c0_i32, %c0_i32_0 : i32, i32
  }
  func.func @transform_33(%arg0: i32, %arg1: i32) -> (i32, i32) {
    %c0_i32 = arith.constant 0 : i32
    %c0_i32_0 = arith.constant 0 : i32
    %c0_i32_1 = arith.constant 0 : i32
    return %c0_i32, %c0_i32_0 : i32, i32
  }
  func.func @transform_34(%arg0: i32, %arg1: i32) -> (i32, i32) {
    %c0_i32 = arith.constant 0 : i32
    %c0_i32_0 = arith.constant 0 : i32
    %c0_i32_1 = arith.constant 0 : i32
    return %c0_i32, %c0_i32_0 : i32, i32
  }
  func.func @transform_35(%arg0: i32, %arg1: i32) -> (i32, i32) {
    %c0_i32 = arith.constant 0 : i32
    %c0_i32_0 = arith.constant 0 : i32
    %c0_i32_1 = arith.constant 0 : i32
    return %c0_i32, %c0_i32_0 : i32, i32
  }
  func.func @transform_36(%arg0: i32, %arg1: i32) -> (i32, i32) {
    %c0_i32 = arith.constant 0 : i32
    %c0_i32_0 = arith.constant 0 : i32
    %c0_i32_1 = arith.constant 0 : i32
    return %c0_i32, %c0_i32_0 : i32, i32
  }
  func.func @transform_37(%arg0: i32, %arg1: i32) -> (i32, i32) {
    %c0_i32 = arith.constant 0 : i32
    %c0_i32_0 = arith.constant 0 : i32
    %c0_i32_1 = arith.constant 0 : i32
    return %c0_i32, %c0_i32_0 : i32, i32
  }
  func.func @transform_38(%arg0: i32, %arg1: i32) -> (i32, i32) {
    %c0_i32 = arith.constant 0 : i32
    %c0_i32_0 = arith.constant 0 : i32
    %c0_i32_1 = arith.constant 0 : i32
    return %c0_i32, %c0_i32_0 : i32, i32
  }
  func.func @transform_39(%arg0: i32, %arg1: i32) -> (i32, i32) {
    %c0_i32 = arith.constant 0 : i32
    %c0_i32_0 = arith.constant 0 : i32
    %c0_i32_1 = arith.constant 0 : i32
    return %c0_i32, %c0_i32_0 : i32, i32
  }
  func.func @transform_40(%arg0: i32, %arg1: i32) -> (i32, i32) {
    %c0_i32 = arith.constant 0 : i32
    %c0_i32_0 = arith.constant 0 : i32
    %c0_i32_1 = arith.constant 0 : i32
    return %c0_i32, %c0_i32_0 : i32, i32
  }
  func.func @transform_41(%arg0: i32, %arg1: i32) -> (i32, i32) {
    %c0_i32 = arith.constant 0 : i32
    %c0_i32_0 = arith.constant 0 : i32
    %c0_i32_1 = arith.constant 0 : i32
    return %c0_i32, %c0_i32_0 : i32, i32
  }
  func.func @transform_42(%arg0: i32, %arg1: i32) -> (i32, i32) {
    %c0_i32 = arith.constant 0 : i32
    %c0_i32_0 = arith.constant 0 : i32
    %c0_i32_1 = arith.constant 0 : i32
    return %c0_i32, %c0_i32_0 : i32, i32
  }
  func.func @transform_43(%arg0: i32, %arg1: i32) -> (i32, i32) {
    %c0_i32 = arith.constant 0 : i32
    %c0_i32_0 = arith.constant 0 : i32
    %c0_i32_1 = arith.constant 0 : i32
    return %c0_i32, %c0_i32_0 : i32, i32
  }
  func.func @transform_44(%arg0: i32, %arg1: i32) -> (i32, i32) {
    %c0_i32 = arith.constant 0 : i32
    %c0_i32_0 = arith.constant 0 : i32
    %c0_i32_1 = arith.constant 0 : i32
    return %c0_i32, %c0_i32_0 : i32, i32
  }
  func.func @transform_45(%arg0: i32, %arg1: i32) -> (i32, i32) {
    %c0_i32 = arith.constant 0 : i32
    %c0_i32_0 = arith.constant 0 : i32
    %c0_i32_1 = arith.constant 0 : i32
    return %c0_i32, %c0_i32_0 : i32, i32
  }
  func.func @transform_46(%arg0: i32, %arg1: i32) -> (i32, i32) {
    %c0_i32 = arith.constant 0 : i32
    %c0_i32_0 = arith.constant 0 : i32
    %c0_i32_1 = arith.constant 0 : i32
    return %c0_i32, %c0_i32_0 : i32, i32
  }
}

</mosaic_0001>

<sc_bundles>
// kernel: kernel.4.cloned.1.call-start
scs
__scs_entry_jumppad:
0x0: {  	(pc) =	sbr.rel $0x88, $3  }
0x1: {  	(tag) =	ssettag $0x0;
	lr =	simm.s32 $0x1  }
0x2: {  	[smem:$0x3F72] =	sst lr;
	_ =	strace $0xD0000000  }
0x3: {  	_ = 	snop  }
0x4: {  	_ = 	snop  }
0x5: {  	_ = 	snop  }
0x6: {  	_ = 	snop  }
0x7: {  	_ = 	snop  }
__scs_overlays_trampoline_lowered:
0x8: {  	[smem:$0x3F81] =	sst s0  }
0x9: {  	[smem:$0x3F82] =	sst s1  }
0xa: {  	[smem:$0x3F83] =	sst s2  }
0xb: {  	[smem:$0x3F84] =	sst s3  }
0xc: {  	[smem:$0x3F85] =	sst s4  }
0xd: {  	[smem:$0x3F86] =	sst s5  }
0xe: {  	[smem:$0x3F87] =	sst s6  }
0xf: {  	[smem:$0x3F88] =	sst s7  }
0x10: {  	[smem:$0x3F89] =	sst s8  }
0x11: {  	[smem:$0x3F8A] =	sst s9;
	s0 =	simm.s32 @!p0 $0x0  }
0x12: {  	s1 =	sld [smem:$0x3F70];
	s0 =	simm.s32 @p0 $0x1  }
0x13: {  	[smem:$0x3F8B] =	sst s0;
	s0 =	simm.s32 @!p1 $0x0  }
0x14: {  	s2 =	sld [smem:$0x3F6F];
	s0 =	simm.s32 @p1 $0x1  }
0x15: {  	[smem:$0x3F8C] =	sst s0;
	s0 =	simm.s32 @!p2 $0x0  }
0x16: {  	s3 =	sld [smem:$0x3FDB];
	s0 =	simm.s32 @p2 $0x1  }
0x17: {  	s4 =	simm.s32 $0x1BF5;
	[smem:$0x3F8E] =	sst s0  }
0x18: {  	s0 =	sld [smem:$0x3F71];
	_ =	swait.ge [sflag:s4], $0x0  }
0x19: {  	s7 =	sld [smem:$0x3F72]  }
0x1a: {  	s8 =	sadd.s32 $0xFFFFE003, lr  }
0x1b: {  	s9 =	sadd.s32 $0xFFFFFEF7, lr;
	s5 =	simm.s32 $0xFFFFFFFF;
	p2 =	slt.u32 s8, $0xFFFFF086  }
0x1c: {  	p1 =	slt.u32 s9, $0xF7A;
	s5 =	simm.s32 @!p2 $0x0  }
0x1d: {  	s5 =	simm.s32 @p1 $0x1;
	p0 =	seq.s32 s7, s2  }
0x1e: {  	s7 =	smul.u32 @!p0 $0xF7A, s2;
	p2 =	seq.s32 @!p0 s5, $0x0  }
0x1f: {  	s9 =	smul.u32 $0xF7A, s1;
	s8 =	simm.s32 @!p0 $0x1BF5;
	p2 =	por !p2, p0  }
0x20: {  	[sflag:s8] =	ssyncset.s32 @!p0 $0xFFFFF086;
	s6 =	sadd.s32 @!p0 s3, s7;
	s7 =	simm.s32 @!p0 $0x108  }
0x21: {  	s3 =	sadd.s32 s3, s9;
	s6 =	sadd.s32 @!p0 $0x88, s6;
	s7 =	simm.s32 @p2 $0x1082  }
0x22: {  	[simem:s7], [sflag:s8] =	dma.local @!p0 [hbm:s6], $0xF7A  }
0x23: {  	s9 =	sor.u32 $0xD0000000, s2;
	s6 =	simm.s32 $0x108;
	_ =	swait.ge @!p0 [sflag:s8], $0x0  }
0x24: {  	s3 =	sadd.s32 $0x88, s3;
	s6 =	simm.s32 @!p1 $0x1082;
	[sflag:s4] =	ssyncset.s32 $0xFFFFF086  }
0x25: {  	[simem:s6], [sflag:s4] =	dma.local [hbm:s3], $0xF7A  }
0x26: {  	[smem:$0x3F72] =	sst s1;
	(tag) =	ssettag s2;
	_ =	strace s9  }
0x27: {  	s1 =	sld [smem:$0x3F82]  }
0x28: {  	s2 =	sld [smem:$0x3F83]  }
0x29: {  	s4 =	sld [smem:$0x3F85]  }
0x2a: {  	p0 =	seq.s32 s5, $0x0;
	s5 =	sld [smem:$0x3F86]  }
0x2b: {  	s6 =	sld [smem:$0x3F87]  }
0x2c: {  	s7 =	sld [smem:$0x3F88]  }
0x2d: {  	s3 =	simm.s32 $0x108;
	s8 =	sld [smem:$0x3F89]  }
0x2e: {  	s3 =	simm.s32 @!p0 $0x1082;
	s9 =	sld [smem:$0x3F8A]  }
0x2f: {  	lr =	sadd.s32 s0, s3;
	s0 =	sld [smem:$0x3F81]  }
0x30: {  	s3 =	sld [smem:$0x3F84]  }
0x31: {  	[smem:$0x3F8D] =	sst s10  }
0x32: {  	s10 =	sld [smem:$0x3F8B];
	_ =	sdelay $0x3  }
0x33: {  	p0 =	seq.s32 s10, $0x1;
	s10 =	sld [smem:$0x3F8D];
	_ =	sdelay $0x3  }
0x34: {  	[smem:$0x3F8D] =	sst s10  }
0x35: {  	s10 =	sld [smem:$0x3F8C];
	_ =	sdelay $0x3  }
0x36: {  	p1 =	seq.s32 s10, $0x1;
	s10 =	sld [smem:$0x3F8D];
	_ =	sdelay $0x3  }
0x37: {  	[smem:$0x3F8D] =	sst s10  }
0x38: {  	s10 =	sld [smem:$0x3F8E]  }
0x39: {  	_ = 	snop;
	(pc) =	sbr.ind lr, $3  }
0x3a: {  	_ = 	snop  }
0x3b: {  	_ = 	snop  }
0x3c: {  	p2 =	seq.s32 s10, $0x1;
	s10 =	sld [smem:$0x3F8D]  }
0x3d: {  	_ =	shalt  }
0x3e: {  	_ =	shalt  }
0x3f: {  	_ =	shalt  }
0x40: {  	_ =	shalt  }
0x41: {  	_ =	shalt  }
0x42: {  	_ =	shalt  }
0x43: {  	_ =	shalt  }
0x44: {  	_ =	shalt  }
0x45: {  	_ =	shalt  }
0x46: {  	_ =	shalt  }
0x47: {  	_ =	shalt  }
0x48: {  	_ =	shalt  }
0x49: {  	_ =	shalt  }
0x4a: {  	_ =	shalt  }
0x4b: {  	_ =	shalt  }
0x4c: {  	_ =	shalt  }
0x4d: {  	_ =	shalt  }
0x4e: {  	_ =	shalt  }
0x4f: {  	_ =	shalt  }
0x50: {  	_ =	shalt  }
0x51: {  	_ =	shalt  }
0x52: {  	_ =	shalt  }
0x53: {  	_ =	shalt  }
0x54: {  	_ =	shalt  }
0x55: {  	_ =	shalt  }
0x56: {  	_ =	shalt  }
0x57: {  	_ =	shalt  }
0x58: {  	_ =	shalt  }
0x59: {  	_ =	shalt  }
0x5a: {  	_ =	shalt  }
0x5b: {  	_ =	shalt  }
0x5c: {  	_ =	shalt  }
0x5d: {  	_ =	shalt  }
0x5e: {  	_ =	shalt  }
0x5f: {  	_ =	shalt  }
0x60: {  	_ =	shalt  }
0x61: {  	_ =	shalt  }
0x62: {  	_ =	shalt  }
0x63: {  	_ =	shalt  }
0x64: {  	_ =	shalt  }
0x65: {  	_ =	shalt  }
0x66: {  	_ =	shalt  }
0x67: {  	_ =	shalt  }
0x68: {  	_ =	shalt  }
0x69: {  	_ =	shalt  }
0x6a: {  	_ =	shalt  }
0x6b: {  	_ =	shalt  }
0x6c: {  	_ =	shalt  }
0x6d: {  	_ =	shalt  }
0x6e: {  	_ =	shalt  }
0x6f: {  	_ =	shalt  }
0x70: {  	_ =	shalt  }
0x71: {  	_ =	shalt  }
0x72: {  	_ =	shalt  }
0x73: {  	_ =	shalt  }
0x74: {  	_ =	shalt  }
0x75: {  	_ =	shalt  }
0x76: {  	_ =	shalt  }
0x77: {  	_ =	shalt  }
0x78: {  	_ =	shalt  }
0x79: {  	_ =	shalt  }
0x7a: {  	_ =	shalt  }
0x7b: {  	_ =	shalt  }
0x7c: {  	_ =	shalt  }
0x7d: {  	_ =	shalt  }
0x7e: {  	_ =	shalt  }
0x7f: {  	_ =	shalt  }
0x80: {  	_ =	shalt  }
0x81: {  	_ =	shalt  }
0x82: {  	_ =	shalt  }
0x83: {  	_ =	shalt  }
0x84: {  	_ =	shalt  }
0x85: {  	_ =	shalt  }
0x86: {  	_ =	shalt  }
0x87: {  	_ =	shalt  }
.Lfunc_end0:
.L_simem_size_0:
called_computation_lowered:
.L_overlay_start_0:
0x88: {  	s2 =	sld [smem:$0x3FD9]  }
0x89: {  	s3 =	sld [smem:$0x3FFE];
	_ =	sdelay $0x1  }
0x8a: {  	s1 =	srdreg.scid  }
0x8b: {  	s0 =	sand.u32 $0x1, s1  }
0x8c: {  	s16 =	sshll.u32 s0, $0xA;
	s2 =	sadd.s32 s3, s2  }
0x8d: {  	s2 =	sadd.s32 s2, s16  }
0x8e: {  	[smem:$0x3F99] =	sst s2  }
0x8f: {  	_ = 	snop  }
0x90: {  	(tm) =	ssettm $0x1  }
0x91: {  	s17 =	sld [smem:$0x3FFB];
	_ =	sdelay $0x3  }
0x92: {  	_ =	strace s17  }
0x93: {  	s2 =	sld [smem:$0x3FFC];
	_ =	sdelay $0x3  }
0x94: {  	_ =	strace s2  }
0x95: {  	s2 =	sld [smem:$0x3FFD];
	_ =	sdelay $0x3  }
0x96: {  	_ =	strace s2  }
0x97: {  	_ =	strace $0x8FFFFFFF  }
0x98: {  	s18 =	sld [smem:$0x3FDB];
	_ =	sdelay $0x1  }
0x99: {  	s19 =	simm.s32 $_scs_section_size  }
0x9a: {  	s4 =	simm.s32 $_size__tile_overlayer_lowered;
	s5 =	simm.s32 $_tile_overlayer_lowered  }
0x9b: {  	s22 =	simm.s32 $0x1BFF;
	s21 =	sshll.u32 s5, $0x1;
	s2 =	sadd.s32 s19, s18  }
0x9c: {  	s6 =	simm.s32 $0x0;
	s20 =	sshll.u32 s4, $0x1;
	s4 =	sadd.s32 s21, s2  }
0x9d: {  	[timem:s6], [sflag:s22] =	dma.local [hbm:s4], s20  }
0x9e: {  	_ =	swait.ge [sflag:s22], s20  }
0x9f: {  	s3 =	ssub.s32 $0x0, s20;
	[sflag:s22] =	ssyncset.done $0x0  }
0xa0: {  	[sflag:s22] =	ssyncadd.s32 s3;
	_ =	sdelay $0x1  }
0xa1: {  	s23 =	simm.s32 $0x1B8B  }
0xa2: {  	_ =	swait.ge [sflag:s23], $0x1  }
0xa3: {  	[sflag:s23] =	ssyncset.done $0x0  }
0xa4: {  	s25 =	simm.s32 $0x1B8E;
	s24 =	sld [smem:$0x3FFE];
	[sflag:s23] =	ssyncadd.s32 $0xFFFFFFFF  }
0xa5: {  	s26 =	simm.s32 $execute0_lowered;
	[smem:$0x3FD2] =	sst s25  }
0xa6: {  	s4 =	sshll.u32 s26, $0x1;
	_ =	strace $0x80000046;
	[dreg:$0x1] =	wrdreg $0xFFFFFFFF  }
0xa7: {  	s28 =	simm.s32 $_size_execute0_lowered;
	s2 =	sadd.s32 s2, s4;
	[dreg:$0x0] =	wrdreg $0x0  }
0xa8: {  	s4 =	sshll.u32 s28, $0x1;
	[dreg:$0x2] =	wrdreg s2  }
0xa9: {  	[dreg:$0x3] =	wrdreg s4  }
0xaa: {  	[dreg:$0x4] =	wrdreg $0xC0  }
0xab: {  	_ =	task [dreg:s6], $0x5FFFF  }
0xac: {  	[dreg:$0x1] =	wrdreg $0xFFFFFFFF  }
0xad: {  	[dreg:$0x0] =	wrdreg $0x60  }
0xae: {  	[dreg:$0x2] =	wrdreg s24  }
0xaf: {  	[dreg:$0x3] =	wrdreg $0x9  }
0xb0: {  	_ =	task.clear_ibuf [dreg:s6], $0x4FFFF;
	_ =	strace $0x90000046  }
0xb1: {  	s29 =	simm.s32 $0x9;
	_ =	strace $0x80000048  }
0xb2: {  	_ =	swait.ge [sflag:s29], $0x1  }
0xb3: {  	[sflag:s29] =	ssyncadd.s32 $0xFFFFFFFF  }
0xb4: {  	_ =	strace $0x90000048  }
0xb5: {  	_ =	sfence  }
0xb6: {  	s30 =	sld [smem:$0x0];
	_ =	sdelay $0x2  }
0xb7: {  	s31 =	sshll.u32 s1, $0xD;
	s1 =	sshrl.u32 s1, $0x2  }
0xb8: {  	s3 =	sand.u32 $0x4000, s31;
	s1 =	sadd.s32 s1, s30  }
0xb9: {  	s0 =	sor.u32 s3, s0;
	s1 =	sshll.u32 s1, $0x11  }
0xba: {  	s0 =	sor.u32 s1, s0  }
0xbb: {  	s0 =	sadd.s32 $0x8F2B, s0  }
0xbc: {  	[sflag:s0] =	ssyncadd.remote.s32 $0x1  }
0xbd: {  	_ =	sfence.sel $0xFFFF  }
0xbe: {  	[dreg:$0x0] =	wrdreg $0xFFFFFFFF;
	(pc) =	sbr.abs _section_cstart, $3  }
0xbf: {  	[dreg:$0x1] =	wrdreg $0xFFFFFFFF  }
0xc0: {  	_ =	task.clear_ibuf [dreg:s6], $0x2FFFF;
	_ =	strace $0x9FFFFFFF  }
0xc1: {  	(tm) =	ssettm $0x7FFFFFFF  }
tec
execute0_lowered:
.L_overlay_start_1:
0x0: {  	(tag) =	ssettag $0x1  }
0x1: {  	s0 =	srdreg.scid  }
0x2: {  	s1 =	rddreg [dreg:$0x0];
	s3 =	stileid.u32;
	s4 =	simm.s32 $0x0  }
0x3: {  	s24 =	simm.s32 $0x1;
	s25 =	simm.s32 $0x1398;
	s0 =	sand.u32 $0x1, s0  }
0x4: {  	s26 =	simm.s32 $0x2730;
	s28 =	simm.s32 $0x2;
	s2 =	sshll.u32 s0, $0x4  }
0x5: {  	s30 =	simm.s32 $0x16730;
	s31 =	simm.s32 $0x18F30;
	s2 =	sor.u32 s3, s2  }
0x6: {  	[smem:$0x7FF] =	sst s4;
	s0 =	ssub.s32 $0x2, s0;
	s3 =	smul.u32 $0x2800, s2  }
0x7: {  	s10 =	sadd.s32 $0x1E200, s1;
	s29 =	sshrl.u32 s0, $0x1;
	s2 =	smul.u32 $0x1388, s2  }
0x8: {  	s20 =	sadd.s32 $0x5A00, s1;
	_ =	strace $0x80000047;
	s0 =	ssub.s32 s0, s29  }
0x9: {  	s23 =	smax.u32 s0, $0x1;
	s3 =	sshrl.u32 s3, $0x3;
	s2 =	sshrl.u32 s2, $0x3  }
0xa: {  	s0 =	simm.s32 $0x3;
	s1 =	sadd.s32 s3, s1;
	s14 =	sadd.s32 $0x4E20, s2  }
0xb: {  	s3 =	sadd.s32 s10, s2;
	s16 =	sadd.s32 $0x9C40, s2;
	s18 =	sadd.s32 $0xEA60, s2  }
0xc: {  	s21 =	sadd.s32 $0x13880, s2;
	s12 =	sadd.s32 s20, s2;
	s4 =	sadd.s32 s10, s14  }
0xd: {  	s5 =	sadd.s32 $0x36A00, s1;
	s6 =	sadd.s32 s10, s16;
	s7 =	sadd.s32 $0x40A00, s1  }
0xe: {  	s8 =	sadd.s32 s10, s18;
	s9 =	sadd.s32 $0x4AA00, s1;
	s10 =	sadd.s32 s10, s21  }
0xf: {  	s11 =	sadd.s32 $0x54A00, s1;
	s13 =	sadd.s32 $0x5EA00, s1;
	s14 =	sadd.s32 s20, s14  }
0x10: {  	s15 =	sadd.s32 $0x68A00, s1;
	s16 =	sadd.s32 s20, s16;
	s17 =	sadd.s32 $0x72A00, s1  }
0x11: {  	v0 =	vimm.f32 $0.0e+00;
	vm1 =	vcmask $0x1F00;
	s18 =	sadd.s32 s20, s18;
	s19 =	sadd.s32 $0x7CA00, s1;
	s20 =	sadd.s32 s20, s21  }
0x12: {  	v1 =	vimm.f32 $1.000000000e+00;
	vm0 =	vmmov $0xff;
	v2 =	vsel vm1, $0x3F800000, v0;
	s21 =	sadd.s32 $0x86A00, s1;
	s22 =	sadd.s32 $0x90A00, s1;
	s1 =	simm.s32 $0x0  }
.LBB2_1:
0x13: {  	s2 =	simm.s32 $0x0;
	s29 =	simm.s32 $0x200  }
.LBB2_2:
0x14: {  	p0 =	sne.s32 s29, $0x9E00;
	[tilespmem:s2+$0x27A0] =	vst v0  }
0x15: {  	[tilespmem:s2+$0x2730] =	vst v0  }
0x16: {  	[tilespmem:s2+$0x2740] =	vst v0  }
.Ltmp0:
0x17: {  	[tilespmem:s2+$0x2750] =	vst v0;
	(pc) =	sbr.rel @p0 .LBB2_2-.Ltmp0, $4  }
0x18: {  	[tilespmem:s2+$0x2760] =	vst v0  }
0x19: {  	[tilespmem:s2+$0x2770] =	vst v0  }
0x1a: {  	[tilespmem:s2+$0x2780] =	vst v0  }
0x1b: {  	[tilespmem:s2+$0x2790] =	vst v0;
	s2 =	sshra.s32 s29, $0x2;
	s29 =	sadd.s32 $0x200, s29  }
0x1c: {  	[tilespmem:s2+$0x27A0] =	vst v0  }
0x1d: {  	[tilespmem:s2+$0x2730] =	vst v0  }
0x1e: {  	[tilespmem:s2+$0x2740] =	vst v0  }
0x1f: {  	[tilespmem:s2+$0x2750] =	vst v0  }
0x20: {  	[tilespmem:s2+$0x2760] =	vst v0  }
0x21: {  	[tilespmem:s2+$0x2770] =	vst v0  }
0x22: {  	[tilespmem:s2+$0x2780] =	vst v0  }
0x23: {  	[tilespmem:s2+$0x2790] =	vst v0;
	s2 =	simm.s32 $0x0;
	s29 =	simm.s32 $0x200  }
.LBB2_4:
0x24: {  	p0 =	sne.s32 s29, $0x9E00;
	[tilespmem:s2+$0x4FA0] =	vst v0  }
0x25: {  	[tilespmem:s2+$0x4F30] =	vst v0  }
0x26: {  	[tilespmem:s2+$0x4F40] =	vst v0  }
.Ltmp1:
0x27: {  	[tilespmem:s2+$0x4F50] =	vst v0;
	(pc) =	sbr.rel @p0 .LBB2_4-.Ltmp1, $4  }
0x28: {  	[tilespmem:s2+$0x4F60] =	vst v0  }
0x29: {  	[tilespmem:s2+$0x4F70] =	vst v0  }
0x2a: {  	[tilespmem:s2+$0x4F80] =	vst v0  }
0x2b: {  	[tilespmem:s2+$0x4F90] =	vst v0;
	s2 =	sshra.s32 s29, $0x2;
	s29 =	sadd.s32 $0x200, s29  }
0x2c: {  	[tilespmem:s2+$0x4FA0] =	vst v0  }
0x2d: {  	[tilespmem:s2+$0x4F30] =	vst v0  }
0x2e: {  	[tilespmem:s2+$0x4F40] =	vst v0  }
0x2f: {  	[tilespmem:s2+$0x4F50] =	vst v0  }
0x30: {  	[tilespmem:s2+$0x4F60] =	vst v0  }
0x31: {  	[tilespmem:s2+$0x4F70] =	vst v0  }
0x32: {  	[tilespmem:s2+$0x4F80] =	vst v0  }
0x33: {  	[tilespmem:s2+$0x4F90] =	vst v0;
	s2 =	simm.s32 $0x0;
	s29 =	simm.s32 $0x200  }
.LBB2_6:
0x34: {  	p0 =	sne.s32 s29, $0x9E00;
	[tilespmem:s2+$0x77A0] =	vst v0  }
0x35: {  	[tilespmem:s2+$0x7730] =	vst v0  }
0x36: {  	[tilespmem:s2+$0x7740] =	vst v0  }
.Ltmp2:
0x37: {  	[tilespmem:s2+$0x7750] =	vst v0;
	(pc) =	sbr.rel @p0 .LBB2_6-.Ltmp2, $4  }
0x38: {  	[tilespmem:s2+$0x7760] =	vst v0  }
0x39: {  	[tilespmem:s2+$0x7770] =	vst v0  }
0x3a: {  	[tilespmem:s2+$0x7780] =	vst v0  }
0x3b: {  	[tilespmem:s2+$0x7790] =	vst v0;
	s2 =	sshra.s32 s29, $0x2;
	s29 =	sadd.s32 $0x200, s29  }
0x3c: {  	[tilespmem:s2+$0x77A0] =	vst v0  }
0x3d: {  	[tilespmem:s2+$0x7730] =	vst v0  }
0x3e: {  	[tilespmem:s2+$0x7740] =	vst v0  }
0x3f: {  	[tilespmem:s2+$0x7750] =	vst v0  }
0x40: {  	[tilespmem:s2+$0x7760] =	vst v0  }
0x41: {  	[tilespmem:s2+$0x7770] =	vst v0  }
0x42: {  	[tilespmem:s2+$0x7780] =	vst v0  }
0x43: {  	[tilespmem:s2+$0x7790] =	vst v0;
	s2 =	simm.s32 $0x0;
	s29 =	simm.s32 $0x200  }
.LBB2_8:
0x44: {  	p0 =	sne.s32 s29, $0x9E00;
	[tilespmem:s2+$0x9FA0] =	vst v0  }
0x45: {  	[tilespmem:s2+$0x9F30] =	vst v0  }
0x46: {  	[tilespmem:s2+$0x9F40] =	vst v0  }
.Ltmp3:
0x47: {  	[tilespmem:s2+$0x9F50] =	vst v0;
	(pc) =	sbr.rel @p0 .LBB2_8-.Ltmp3, $4  }
0x48: {  	[tilespmem:s2+$0x9F60] =	vst v0  }
0x49: {  	[tilespmem:s2+$0x9F70] =	vst v0  }
0x4a: {  	[tilespmem:s2+$0x9F80] =	vst v0  }
0x4b: {  	[tilespmem:s2+$0x9F90] =	vst v0;
	s2 =	sshra.s32 s29, $0x2;
	s29 =	sadd.s32 $0x200, s29  }
0x4c: {  	[tilespmem:s2+$0x9FA0] =	vst v0  }
0x4d: {  	[tilespmem:s2+$0x9F30] =	vst v0  }
0x4e: {  	[tilespmem:s2+$0x9F40] =	vst v0  }
0x4f: {  	[tilespmem:s2+$0x9F50] =	vst v0  }
0x50: {  	[tilespmem:s2+$0x9F60] =	vst v0  }
0x51: {  	[tilespmem:s2+$0x9F70] =	vst v0  }
0x52: {  	[tilespmem:s2+$0x9F80] =	vst v0  }
0x53: {  	[tilespmem:s2+$0x9F90] =	vst v0;
	s2 =	simm.s32 $0x0;
	s29 =	simm.s32 $0x200  }
.LBB2_10:
0x54: {  	p0 =	sne.s32 s29, $0x9E00;
	[tilespmem:s2+$0xC7A0] =	vst v0  }
0x55: {  	[tilespmem:s2+$0xC730] =	vst v0  }
0x56: {  	[tilespmem:s2+$0xC740] =	vst v0  }
.Ltmp4:
0x57: {  	[tilespmem:s2+$0xC750] =	vst v0;
	(pc) =	sbr.rel @p0 .LBB2_10-.Ltmp4, $4  }
0x58: {  	[tilespmem:s2+$0xC760] =	vst v0  }
0x59: {  	[tilespmem:s2+$0xC770] =	vst v0  }
0x5a: {  	[tilespmem:s2+$0xC780] =	vst v0  }
0x5b: {  	[tilespmem:s2+$0xC790] =	vst v0;
	s2 =	sshra.s32 s29, $0x2;
	s29 =	sadd.s32 $0x200, s29  }
0x5c: {  	[tilespmem:s2+$0xC7A0] =	vst v0  }
0x5d: {  	[tilespmem:s2+$0xC730] =	vst v0  }
0x5e: {  	[tilespmem:s2+$0xC740] =	vst v0  }
0x5f: {  	[tilespmem:s2+$0xC750] =	vst v0  }
0x60: {  	[tilespmem:s2+$0xC760] =	vst v0  }
0x61: {  	[tilespmem:s2+$0xC770] =	vst v0  }
0x62: {  	[tilespmem:s2+$0xC780] =	vst v0  }
0x63: {  	[tilespmem:s2+$0xC790] =	vst v0;
	s2 =	simm.s32 $0x0;
	s29 =	simm.s32 $0x200  }
.LBB2_12:
0x64: {  	p0 =	sne.s32 s29, $0x9E00;
	[tilespmem:s2+$0xEFA0] =	vst v0  }
0x65: {  	[tilespmem:s2+$0xEF30] =	vst v0  }
0x66: {  	[tilespmem:s2+$0xEF40] =	vst v0  }
.Ltmp5:
0x67: {  	[tilespmem:s2+$0xEF50] =	vst v0;
	(pc) =	sbr.rel @p0 .LBB2_12-.Ltmp5, $4  }
0x68: {  	[tilespmem:s2+$0xEF60] =	vst v0  }
0x69: {  	[tilespmem:s2+$0xEF70] =	vst v0  }
0x6a: {  	[tilespmem:s2+$0xEF80] =	vst v0  }
0x6b: {  	[tilespmem:s2+$0xEF90] =	vst v0;
	s2 =	sshra.s32 s29, $0x2;
	s29 =	sadd.s32 $0x200, s29  }
0x6c: {  	[tilespmem:s2+$0xEFA0] =	vst v0  }
0x6d: {  	[tilespmem:s2+$0xEF30] =	vst v0  }
0x6e: {  	[tilespmem:s2+$0xEF40] =	vst v0  }
0x6f: {  	[tilespmem:s2+$0xEF50] =	vst v0  }
0x70: {  	[tilespmem:s2+$0xEF60] =	vst v0  }
0x71: {  	[tilespmem:s2+$0xEF70] =	vst v0  }
0x72: {  	[tilespmem:s2+$0xEF80] =	vst v0  }
0x73: {  	[tilespmem:s2+$0xEF90] =	vst v0;
	s2 =	simm.s32 $0x0;
	s29 =	simm.s32 $0x200  }
.LBB2_14:
0x74: {  	p0 =	sne.s32 s29, $0x9E00;
	[tilespmem:s2+$0x117A0] =	vst v0  }
0x75: {  	[tilespmem:s2+$0x11730] =	vst v0  }
0x76: {  	[tilespmem:s2+$0x11740] =	vst v0  }
.Ltmp6:
0x77: {  	[tilespmem:s2+$0x11750] =	vst v0;
	(pc) =	sbr.rel @p0 .LBB2_14-.Ltmp6, $4  }
0x78: {  	[tilespmem:s2+$0x11760] =	vst v0  }
0x79: {  	[tilespmem:s2+$0x11770] =	vst v0  }
0x7a: {  	[tilespmem:s2+$0x11780] =	vst v0  }
0x7b: {  	[tilespmem:s2+$0x11790] =	vst v0;
	s2 =	sshra.s32 s29, $0x2;
	s29 =	sadd.s32 $0x200, s29  }
0x7c: {  	[tilespmem:s2+$0x117A0] =	vst v0  }
0x7d: {  	[tilespmem:s2+$0x11730] =	vst v0  }
0x7e: {  	[tilespmem:s2+$0x11740] =	vst v0  }
0x7f: {  	[tilespmem:s2+$0x11750] =	vst v0  }
0x80: {  	[tilespmem:s2+$0x11760] =	vst v0  }
0x81: {  	[tilespmem:s2+$0x11770] =	vst v0  }
0x82: {  	[tilespmem:s2+$0x11780] =	vst v0  }
0x83: {  	[tilespmem:s2+$0x11790] =	vst v0;
	s2 =	simm.s32 $0x0;
	s29 =	simm.s32 $0x200  }
.LBB2_16:
0x84: {  	p0 =	sne.s32 s29, $0x9E00;
	[tilespmem:s2+$0x13FA0] =	vst v0  }
0x85: {  	[tilespmem:s2+$0x13F30] =	vst v0  }
0x86: {  	[tilespmem:s2+$0x13F40] =	vst v0  }
.Ltmp7:
0x87: {  	[tilespmem:s2+$0x13F50] =	vst v0;
	(pc) =	sbr.rel @p0 .LBB2_16-.Ltmp7, $4  }
0x88: {  	[tilespmem:s2+$0x13F60] =	vst v0  }
0x89: {  	[tilespmem:s2+$0x13F70] =	vst v0  }
0x8a: {  	[tilespmem:s2+$0x13F80] =	vst v0  }
0x8b: {  	[tilespmem:s2+$0x13F90] =	vst v0;
	s2 =	sshra.s32 s29, $0x2;
	s29 =	sadd.s32 $0x200, s29  }
0x8c: {  	[tilespmem:s2+$0x13FA0] =	vst v0  }
0x8d: {  	[tilespmem:s2+$0x13F30] =	vst v0  }
0x8e: {  	[tilespmem:s2+$0x13F40] =	vst v0  }
0x8f: {  	[tilespmem:s2+$0x13F50] =	vst v0  }
0x90: {  	[tilespmem:s2+$0x13F60] =	vst v0  }
0x91: {  	[tilespmem:s2+$0x13F70] =	vst v0  }
0x92: {  	[tilespmem:s2+$0x13F80] =	vst v0  }
0x93: {  	[tilespmem:s2+$0x13F90] =	vst v0;
	s2 =	simm.s32 $0x0;
	s29 =	simm.s32 $0x200  }
.LBB2_18:
0x94: {  	p0 =	sne.s32 s29, $0x9E00;
	[tilespmem:s2+$0x167A0] =	vst v0  }
0x95: {  	[tilespmem:s2+$0x16730] =	vst v0  }
0x96: {  	[tilespmem:s2+$0x16740] =	vst v0  }
.Ltmp8:
0x97: {  	[tilespmem:s2+$0x16750] =	vst v0;
	(pc) =	sbr.rel @p0 .LBB2_18-.Ltmp8, $4  }
0x98: {  	[tilespmem:s2+$0x16760] =	vst v0  }
0x99: {  	[tilespmem:s2+$0x16770] =	vst v0  }
0x9a: {  	[tilespmem:s2+$0x16780] =	vst v0  }
0x9b: {  	[tilespmem:s2+$0x16790] =	vst v0;
	s2 =	sshra.s32 s29, $0x2;
	s29 =	sadd.s32 $0x200, s29  }
0x9c: {  	[tilespmem:s2+$0x167A0] =	vst v0  }
0x9d: {  	[tilespmem:s2+$0x16730] =	vst v0  }
0x9e: {  	[tilespmem:s2+$0x16740] =	vst v0  }
0x9f: {  	[tilespmem:s2+$0x16750] =	vst v0  }
0xa0: {  	[tilespmem:s2+$0x16760] =	vst v0  }
0xa1: {  	[tilespmem:s2+$0x16770] =	vst v0  }
0xa2: {  	[tilespmem:s2+$0x16780] =	vst v0  }
0xa3: {  	[tilespmem:s2+$0x16790] =	vst v0;
	s2 =	simm.s32 $0x0;
	s29 =	simm.s32 $0x200  }
.LBB2_20:
0xa4: {  	p0 =	sne.s32 s29, $0x9E00;
	[tilespmem:s2+$0x18FA0] =	vst v0  }
0xa5: {  	[tilespmem:s2+$0x18F30] =	vst v0  }
0xa6: {  	[tilespmem:s2+$0x18F40] =	vst v0  }
.Ltmp9:
0xa7: {  	[tilespmem:s2+$0x18F50] =	vst v0;
	(pc) =	sbr.rel @p0 .LBB2_20-.Ltmp9, $4  }
0xa8: {  	[tilespmem:s2+$0x18F60] =	vst v0  }
0xa9: {  	[tilespmem:s2+$0x18F70] =	vst v0  }
0xaa: {  	[tilespmem:s2+$0x18F80] =	vst v0  }
0xab: {  	[tilespmem:s2+$0x18F90] =	vst v0;
	s2 =	sshra.s32 s29, $0x2;
	s29 =	sadd.s32 $0x200, s29  }
0xac: {  	[tilespmem:s2+$0x18FA0] =	vst v0  }
0xad: {  	[tilespmem:s2+$0x18F30] =	vst v0  }
0xae: {  	[tilespmem:s2+$0x18F40] =	vst v0  }
0xaf: {  	[tilespmem:s2+$0x18F50] =	vst v0  }
0xb0: {  	[tilespmem:s2+$0x18F60] =	vst v0  }
0xb1: {  	[tilespmem:s2+$0x18F70] =	vst v0  }
0xb2: {  	[tilespmem:s2+$0x18F80] =	vst v0  }
0xb3: {  	[tilespmem:s2+$0x18F90] =	vst v0;
	s2 =	simm.s32 $0x0  }
0xb4: {  	[tilespmem:s2], [sflag:$0x1] =	stream.linear.gather [hbm4b:s3+s2], $0x1388, $0x38;
	[tilespmem:$0x1B730] =	vst v63  }
0xb5: {  	_ =	swait.ge [sflag:s24], $0x1388  }
0xb6: {  	[sflag:s24] =	ssyncset.done $0x0  }
0xb7: {  	[sflag:s24] =	ssyncadd.s32 $0xFFFFEC78  }
0xb8: {  	[tilespmem:s25], [sflag:$0x2] =	stream.linear.gather [hbm4b:s4+s2], $0x1388, $0x38;
	[tilespmem:$0x1B730] =	vst v63  }
.LBB2_22:
0xb9: {  	s29 =	sshra.s32 s2, $0x2  }
0xba: {  	v3 =	vld [tilespmem:s29+$0x0];
	_ =	sdelay $0x7  }
0xbb: {  	[tilespmem:v3+s26+$0x0] =	vst.idx.add.f32.msk $0xffff, v1  }
0xbc: {  	v3 =	vld [tilespmem:s29+$0x10];
	_ =	sdelay $0x7  }
0xbd: {  	[tilespmem:v3+s26+$0x0] =	vst.idx.add.f32.msk $0xffff, v1  }
0xbe: {  	v3 =	vld [tilespmem:s29+$0x20];
	_ =	sdelay $0x7  }
0xbf: {  	[tilespmem:v3+s26+$0x0] =	vst.idx.add.f32.msk $0xffff, v1  }
0xc0: {  	v3 =	vld [tilespmem:s29+$0x30];
	_ =	sdelay $0x2  }
0xc1: {  	p0 =	sne.s32 s2, $0x4D00  }
.Ltmp10:
0xc2: {  	_ = 	snop;
	(pc) =	sbr.rel @p0 .LBB2_22-.Ltmp10, $2  }
0xc3: {  	_ =	sdelay $0x2  }
0xc4: {  	s2 =	sadd.s32 $0x100, s2;
	[tilespmem:v3+s26+$0x0] =	vst.idx.add.f32.msk $0xffff, v1  }
0xc5: {  	v3 =	vld [tilespmem:$0x1380];
	_ =	sdelay $0x4  }
0xc6: {  	v3 =	vnsel vm0, $0x0, v3;
	_ =	sdelay $0x4  }
0xc7: {  	s2 =	simm.s32 $0x0;
	[tilespmem:v3+s26+$0x0] =	vst.idx.add.f32.msk $0xffff, v2  }
0xc8: {  	[hbm4b:s5+s2] =	stream.linear.scatter [tilespmem:s26], [sflag:$0x3], $0x2800, $0x38;
	[tilespmem:$0x1B730] =	vst v63  }
0xc9: {  	_ =	swait.ge [sflag:s28], $0x1388  }
0xca: {  	[sflag:s28] =	ssyncset.done $0x0  }
0xcb: {  	[sflag:s28] =	ssyncadd.s32 $0xFFFFEC78  }
0xcc: {  	[tilespmem:s2], [sflag:$0x1] =	stream.linear.gather [hbm4b:s6+s2], $0x1388, $0x38;
	[tilespmem:$0x1B730] =	vst v63  }
.LBB2_24:
0xcd: {  	s29 =	sshra.s32 s2, $0x2  }
0xce: {  	v3 =	vld [tilespmem:s29+$0x1398];
	_ =	sdelay $0x4  }
0xcf: {  	v3 =	vadd.s32 $0x2800, v3;
	_ =	sdelay $0x4  }
0xd0: {  	[tilespmem:v3+s26+$0x0] =	vst.idx.add.f32.msk $0xffff, v1  }
0xd1: {  	v3 =	vld [tilespmem:s29+$0x13A8];
	_ =	sdelay $0x4  }
0xd2: {  	v3 =	vadd.s32 $0x2800, v3;
	_ =	sdelay $0x4  }
0xd3: {  	[tilespmem:v3+s26+$0x0] =	vst.idx.add.f32.msk $0xffff, v1  }
0xd4: {  	v3 =	vld [tilespmem:s29+$0x13B8];
	_ =	sdelay $0x4  }
0xd5: {  	v3 =	vadd.s32 $0x2800, v3;
	_ =	sdelay $0x4  }
0xd6: {  	[tilespmem:v3+s26+$0x0] =	vst.idx.add.f32.msk $0xffff, v1  }
0xd7: {  	v3 =	vld [tilespmem:s29+$0x13C8];
	_ =	sdelay $0x4  }
0xd8: {  	p0 =	sne.s32 s2, $0x4D00;
	v3 =	vadd.s32 $0x2800, v3  }
.Ltmp11:
0xd9: {  	_ = 	snop;
	(pc) =	sbr.rel @p0 .LBB2_24-.Ltmp11, $2  }
0xda: {  	_ =	sdelay $0x2  }
0xdb: {  	s2 =	sadd.s32 $0x100, s2;
	[tilespmem:v3+s26+$0x0] =	vst.idx.add.f32.msk $0xffff, v1  }
0xdc: {  	v3 =	vld [tilespmem:$0x2718];
	_ =	sdelay $0x4  }
0xdd: {  	v3 =	vnsel vm0, $0x0, v3  }
0xde: {  	v3 =	vadd.s32 $0x2800, v3;
	_ =	sdelay $0x4  }
0xdf: {  	s2 =	simm.s32 $0x0;
	s29 =	simm.s32 $0x4F30;
	[tilespmem:v3+s26+$0x0] =	vst.idx.add.f32.msk $0xffff, v2  }
0xe0: {  	[hbm4b:s7+s2] =	stream.linear.scatter [tilespmem:s29], [sflag:$0x3], $0x2800, $0x38;
	[tilespmem:$0x1B730] =	vst v63  }
0xe1: {  	_ =	swait.ge [sflag:s24], $0x1388  }
0xe2: {  	[sflag:s24] =	ssyncset.done $0x0  }
0xe3: {  	[sflag:s24] =	ssyncadd.s32 $0xFFFFEC78  }
0xe4: {  	[tilespmem:s25], [sflag:$0x2] =	stream.linear.gather [hbm4b:s8+s2], $0x1388, $0x38;
	[tilespmem:$0x1B730] =	vst v63  }
.LBB2_26:
0xe5: {  	s29 =	sshra.s32 s2, $0x2  }
0xe6: {  	v3 =	vld [tilespmem:s29+$0x0];
	_ =	sdelay $0x4  }
0xe7: {  	v3 =	vadd.s32 $0x5000, v3;
	_ =	sdelay $0x4  }
0xe8: {  	[tilespmem:v3+s26+$0x0] =	vst.idx.add.f32.msk $0xffff, v1  }
0xe9: {  	v3 =	vld [tilespmem:s29+$0x10];
	_ =	sdelay $0x4  }
0xea: {  	v3 =	vadd.s32 $0x5000, v3;
	_ =	sdelay $0x4  }
0xeb: {  	[tilespmem:v3+s26+$0x0] =	vst.idx.add.f32.msk $0xffff, v1  }
0xec: {  	v3 =	vld [tilespmem:s29+$0x20];
	_ =	sdelay $0x4  }
0xed: {  	v3 =	vadd.s32 $0x5000, v3;
	_ =	sdelay $0x4  }
0xee: {  	[tilespmem:v3+s26+$0x0] =	vst.idx.add.f32.msk $0xffff, v1  }
0xef: {  	v3 =	vld [tilespmem:s29+$0x30];
	_ =	sdelay $0x4  }
0xf0: {  	p0 =	sne.s32 s2, $0x4D00;
	v3 =	vadd.s32 $0x5000, v3  }
.Ltmp12:
0xf1: {  	_ = 	snop;
	(pc) =	sbr.rel @p0 .LBB2_26-.Ltmp12, $2  }
0xf2: {  	_ =	sdelay $0x2  }
0xf3: {  	s2 =	sadd.s32 $0x100, s2;
	[tilespmem:v3+s26+$0x0] =	vst.idx.add.f32.msk $0xffff, v1  }
0xf4: {  	v3 =	vld [tilespmem:$0x1380];
	_ =	sdelay $0x4  }
0xf5: {  	v3 =	vnsel vm0, $0x0, v3  }
0xf6: {  	v3 =	vadd.s32 $0x5000, v3;
	_ =	sdelay $0x4  }
0xf7: {  	s2 =	simm.s32 $0x0;
	s29 =	simm.s32 $0x7730;
	[tilespmem:v3+s26+$0x0] =	vst.idx.add.f32.msk $0xffff, v2  }
0xf8: {  	[hbm4b:s9+s2] =	stream.linear.scatter [tilespmem:s29], [sflag:$0x3], $0x2800, $0x38;
	[tilespmem:$0x1B730] =	vst v63  }
0xf9: {  	_ =	swait.ge [sflag:s28], $0x1388  }
0xfa: {  	[sflag:s28] =	ssyncset.done $0x0  }
0xfb: {  	[sflag:s28] =	ssyncadd.s32 $0xFFFFEC78  }
0xfc: {  	[tilespmem:s2], [sflag:$0x1] =	stream.linear.gather [hbm4b:s10+s2], $0x1388, $0x38;
	[tilespmem:$0x1B730] =	vst v63  }
.LBB2_28:
0xfd: {  	s29 =	sshra.s32 s2, $0x2  }
0xfe: {  	v3 =	vld [tilespmem:s29+$0x1398];
	_ =	sdelay $0x4  }
0xff: {  	v3 =	vadd.s32 $0x7800, v3;
	_ =	sdelay $0x4  }
0x100: {  	[tilespmem:v3+s26+$0x0] =	vst.idx.add.f32.msk $0xffff, v1  }
0x101: {  	v3 =	vld [tilespmem:s29+$0x13A8];
	_ =	sdelay $0x4  }
0x102: {  	v3 =	vadd.s32 $0x7800, v3;
	_ =	sdelay $0x4  }
0x103: {  	[tilespmem:v3+s26+$0x0] =	vst.idx.add.f32.msk $0xffff, v1  }
0x104: {  	v3 =	vld [tilespmem:s29+$0x13B8];
	_ =	sdelay $0x4  }
0x105: {  	v3 =	vadd.s32 $0x7800, v3;
	_ =	sdelay $0x4  }
0x106: {  	[tilespmem:v3+s26+$0x0] =	vst.idx.add.f32.msk $0xffff, v1  }
0x107: {  	v3 =	vld [tilespmem:s29+$0x13C8];
	_ =	sdelay $0x4  }
0x108: {  	p0 =	sne.s32 s2, $0x4D00;
	v3 =	vadd.s32 $0x7800, v3  }
.Ltmp13:
0x109: {  	_ = 	snop;
	(pc) =	sbr.rel @p0 .LBB2_28-.Ltmp13, $2  }
0x10a: {  	_ =	sdelay $0x2  }
0x10b: {  	s2 =	sadd.s32 $0x100, s2;
	[tilespmem:v3+s26+$0x0] =	vst.idx.add.f32.msk $0xffff, v1  }
0x10c: {  	v3 =	vld [tilespmem:$0x2718];
	_ =	sdelay $0x4  }
0x10d: {  	v3 =	vnsel vm0, $0x0, v3  }
0x10e: {  	v3 =	vadd.s32 $0x7800, v3;
	_ =	sdelay $0x4  }
0x10f: {  	s2 =	simm.s32 $0x0;
	s29 =	simm.s32 $0x9F30;
	[tilespmem:v3+s26+$0x0] =	vst.idx.add.f32.msk $0xffff, v2  }
0x110: {  	[hbm4b:s11+s2] =	stream.linear.scatter [tilespmem:s29], [sflag:$0x3], $0x2800, $0x38;
	[tilespmem:$0x1B730] =	vst v63  }
0x111: {  	_ =	swait.ge [sflag:s24], $0x1388  }
0x112: {  	[sflag:s24] =	ssyncset.done $0x0  }
0x113: {  	[sflag:s24] =	ssyncadd.s32 $0xFFFFEC78  }
0x114: {  	[tilespmem:s25], [sflag:$0x2] =	stream.linear.gather [hbm4b:s12+s2], $0x1388, $0x38;
	[tilespmem:$0x1B730] =	vst v63  }
.LBB2_30:
0x115: {  	s29 =	sshra.s32 s2, $0x2  }
0x116: {  	v3 =	vld [tilespmem:s29+$0x0];
	_ =	sdelay $0x4  }
0x117: {  	v3 =	vadd.s32 $0xA000, v3;
	_ =	sdelay $0x4  }
0x118: {  	[tilespmem:v3+s26+$0x0] =	vst.idx.add.f32.msk $0xffff, v1  }
0x119: {  	v3 =	vld [tilespmem:s29+$0x10];
	_ =	sdelay $0x4  }
0x11a: {  	v3 =	vadd.s32 $0xA000, v3;
	_ =	sdelay $0x4  }
0x11b: {  	[tilespmem:v3+s26+$0x0] =	vst.idx.add.f32.msk $0xffff, v1  }
0x11c: {  	v3 =	vld [tilespmem:s29+$0x20];
	_ =	sdelay $0x4  }
0x11d: {  	v3 =	vadd.s32 $0xA000, v3;
	_ =	sdelay $0x4  }
0x11e: {  	[tilespmem:v3+s26+$0x0] =	vst.idx.add.f32.msk $0xffff, v1  }
0x11f: {  	v3 =	vld [tilespmem:s29+$0x30];
	_ =	sdelay $0x4  }
0x120: {  	p0 =	sne.s32 s2, $0x4D00;
	v3 =	vadd.s32 $0xA000, v3  }
.Ltmp14:
0x121: {  	_ = 	snop;
	(pc) =	sbr.rel @p0 .LBB2_30-.Ltmp14, $2  }
0x122: {  	_ =	sdelay $0x2  }
0x123: {  	s2 =	sadd.s32 $0x100, s2;
	[tilespmem:v3+s26+$0x0] =	vst.idx.add.f32.msk $0xffff, v1  }
0x124: {  	v3 =	vld [tilespmem:$0x1380];
	_ =	sdelay $0x4  }
0x125: {  	v3 =	vnsel vm0, $0x0, v3  }
0x126: {  	v3 =	vadd.s32 $0xA000, v3;
	_ =	sdelay $0x4  }
0x127: {  	s2 =	simm.s32 $0x0;
	s29 =	simm.s32 $0xC730;
	[tilespmem:v3+s26+$0x0] =	vst.idx.add.f32.msk $0xffff, v2  }
0x128: {  	[hbm4b:s13+s2] =	stream.linear.scatter [tilespmem:s29], [sflag:$0x3], $0x2800, $0x38;
	[tilespmem:$0x1B730] =	vst v63  }
0x129: {  	_ =	swait.ge [sflag:s28], $0x1388  }
0x12a: {  	[sflag:s28] =	ssyncset.done $0x0  }
0x12b: {  	[sflag:s28] =	ssyncadd.s32 $0xFFFFEC78  }
0x12c: {  	[tilespmem:s2], [sflag:$0x1] =	stream.linear.gather [hbm4b:s14+s2], $0x1388, $0x38;
	[tilespmem:$0x1B730] =	vst v63  }
.LBB2_32:
0x12d: {  	s29 =	sshra.s32 s2, $0x2  }
0x12e: {  	v3 =	vld [tilespmem:s29+$0x1398];
	_ =	sdelay $0x4  }
0x12f: {  	v3 =	vadd.s32 $0xC800, v3;
	_ =	sdelay $0x4  }
0x130: {  	[tilespmem:v3+s26+$0x0] =	vst.idx.add.f32.msk $0xffff, v1  }
0x131: {  	v3 =	vld [tilespmem:s29+$0x13A8];
	_ =	sdelay $0x4  }
0x132: {  	v3 =	vadd.s32 $0xC800, v3;
	_ =	sdelay $0x4  }
0x133: {  	[tilespmem:v3+s26+$0x0] =	vst.idx.add.f32.msk $0xffff, v1  }
0x134: {  	v3 =	vld [tilespmem:s29+$0x13B8];
	_ =	sdelay $0x4  }
0x135: {  	v3 =	vadd.s32 $0xC800, v3;
	_ =	sdelay $0x4  }
0x136: {  	[tilespmem:v3+s26+$0x0] =	vst.idx.add.f32.msk $0xffff, v1  }
0x137: {  	v3 =	vld [tilespmem:s29+$0x13C8];
	_ =	sdelay $0x4  }
0x138: {  	p0 =	sne.s32 s2, $0x4D00;
	v3 =	vadd.s32 $0xC800, v3  }
.Ltmp15:
0x139: {  	_ = 	snop;
	(pc) =	sbr.rel @p0 .LBB2_32-.Ltmp15, $2  }
0x13a: {  	_ =	sdelay $0x2  }
0x13b: {  	s2 =	sadd.s32 $0x100, s2;
	[tilespmem:v3+s26+$0x0] =	vst.idx.add.f32.msk $0xffff, v1  }
0x13c: {  	v3 =	vld [tilespmem:$0x2718];
	_ =	sdelay $0x4  }
0x13d: {  	v3 =	vnsel vm0, $0x0, v3  }
0x13e: {  	v3 =	vadd.s32 $0xC800, v3;
	_ =	sdelay $0x4  }
0x13f: {  	s2 =	simm.s32 $0x0;
	s29 =	simm.s32 $0xEF30;
	[tilespmem:v3+s26+$0x0] =	vst.idx.add.f32.msk $0xffff, v2  }
0x140: {  	[hbm4b:s15+s2] =	stream.linear.scatter [tilespmem:s29], [sflag:$0x3], $0x2800, $0x38;
	[tilespmem:$0x1B730] =	vst v63  }
0x141: {  	_ =	swait.ge [sflag:s24], $0x1388  }
0x142: {  	[sflag:s24] =	ssyncset.done $0x0  }
0x143: {  	[sflag:s24] =	ssyncadd.s32 $0xFFFFEC78  }
0x144: {  	[tilespmem:s25], [sflag:$0x2] =	stream.linear.gather [hbm4b:s16+s2], $0x1388, $0x38;
	[tilespmem:$0x1B730] =	vst v63  }
.LBB2_34:
0x145: {  	s29 =	sshra.s32 s2, $0x2  }
0x146: {  	v3 =	vld [tilespmem:s29+$0x0];
	_ =	sdelay $0x4  }
0x147: {  	v3 =	vadd.s32 $0xF000, v3;
	_ =	sdelay $0x4  }
0x148: {  	[tilespmem:v3+s26+$0x0] =	vst.idx.add.f32.msk $0xffff, v1  }
0x149: {  	v3 =	vld [tilespmem:s29+$0x10];
	_ =	sdelay $0x4  }
0x14a: {  	v3 =	vadd.s32 $0xF000, v3;
	_ =	sdelay $0x4  }
0x14b: {  	[tilespmem:v3+s26+$0x0] =	vst.idx.add.f32.msk $0xffff, v1  }
0x14c: {  	v3 =	vld [tilespmem:s29+$0x20];
	_ =	sdelay $0x4  }
0x14d: {  	v3 =	vadd.s32 $0xF000, v3;
	_ =	sdelay $0x4  }
0x14e: {  	[tilespmem:v3+s26+$0x0] =	vst.idx.add.f32.msk $0xffff, v1  }
0x14f: {  	v3 =	vld [tilespmem:s29+$0x30];
	_ =	sdelay $0x4  }
0x150: {  	p0 =	sne.s32 s2, $0x4D00;
	v3 =	vadd.s32 $0xF000, v3  }
.Ltmp16:
0x151: {  	_ = 	snop;
	(pc) =	sbr.rel @p0 .LBB2_34-.Ltmp16, $2  }
0x152: {  	_ =	sdelay $0x2  }
0x153: {  	s2 =	sadd.s32 $0x100, s2;
	[tilespmem:v3+s26+$0x0] =	vst.idx.add.f32.msk $0xffff, v1  }
0x154: {  	v3 =	vld [tilespmem:$0x1380];
	_ =	sdelay $0x4  }
0x155: {  	v3 =	vnsel vm0, $0x0, v3  }
0x156: {  	v3 =	vadd.s32 $0xF000, v3;
	_ =	sdelay $0x4  }
0x157: {  	s2 =	simm.s32 $0x0;
	s29 =	simm.s32 $0x11730;
	[tilespmem:v3+s26+$0x0] =	vst.idx.add.f32.msk $0xffff, v2  }
0x158: {  	[hbm4b:s17+s2] =	stream.linear.scatter [tilespmem:s29], [sflag:$0x3], $0x2800, $0x38;
	[tilespmem:$0x1B730] =	vst v63  }
0x159: {  	_ =	swait.ge [sflag:s28], $0x1388  }
0x15a: {  	[sflag:s28] =	ssyncset.done $0x0  }
0x15b: {  	[sflag:s28] =	ssyncadd.s32 $0xFFFFEC78  }
0x15c: {  	[tilespmem:s2], [sflag:$0x1] =	stream.linear.gather [hbm4b:s18+s2], $0x1388, $0x38;
	[tilespmem:$0x1B730] =	vst v63  }
.LBB2_36:
0x15d: {  	s29 =	sshra.s32 s2, $0x2  }
0x15e: {  	v3 =	vld [tilespmem:s29+$0x1398];
	_ =	sdelay $0x4  }
0x15f: {  	v3 =	vadd.s32 $0x11800, v3;
	_ =	sdelay $0x4  }
0x160: {  	[tilespmem:v3+s26+$0x0] =	vst.idx.add.f32.msk $0xffff, v1  }
0x161: {  	v3 =	vld [tilespmem:s29+$0x13A8];
	_ =	sdelay $0x4  }
0x162: {  	v3 =	vadd.s32 $0x11800, v3;
	_ =	sdelay $0x4  }
0x163: {  	[tilespmem:v3+s26+$0x0] =	vst.idx.add.f32.msk $0xffff, v1  }
0x164: {  	v3 =	vld [tilespmem:s29+$0x13B8];
	_ =	sdelay $0x4  }
0x165: {  	v3 =	vadd.s32 $0x11800, v3;
	_ =	sdelay $0x4  }
0x166: {  	[tilespmem:v3+s26+$0x0] =	vst.idx.add.f32.msk $0xffff, v1  }
0x167: {  	v3 =	vld [tilespmem:s29+$0x13C8];
	_ =	sdelay $0x4  }
0x168: {  	p0 =	sne.s32 s2, $0x4D00;
	v3 =	vadd.s32 $0x11800, v3  }
.Ltmp17:
0x169: {  	_ = 	snop;
	(pc) =	sbr.rel @p0 .LBB2_36-.Ltmp17, $2  }
0x16a: {  	_ =	sdelay $0x2  }
0x16b: {  	s2 =	sadd.s32 $0x100, s2;
	[tilespmem:v3+s26+$0x0] =	vst.idx.add.f32.msk $0xffff, v1  }
0x16c: {  	v3 =	vld [tilespmem:$0x2718];
	_ =	sdelay $0x4  }
0x16d: {  	v3 =	vnsel vm0, $0x0, v3  }
0x16e: {  	v3 =	vadd.s32 $0x11800, v3;
	_ =	sdelay $0x4  }
0x16f: {  	s2 =	simm.s32 $0x0;
	s29 =	simm.s32 $0x13F30;
	[tilespmem:v3+s26+$0x0] =	vst.idx.add.f32.msk $0xffff, v2  }
0x170: {  	[hbm4b:s19+s2] =	stream.linear.scatter [tilespmem:s29], [sflag:$0x3], $0x2800, $0x38;
	[tilespmem:$0x1B730] =	vst v63  }
0x171: {  	_ =	swait.ge [sflag:s24], $0x1388  }
0x172: {  	[sflag:s24] =	ssyncset.done $0x0  }
0x173: {  	[sflag:s24] =	ssyncadd.s32 $0xFFFFEC78  }
0x174: {  	[tilespmem:s25], [sflag:$0x2] =	stream.linear.gather [hbm4b:s20+s2], $0x1388, $0x38;
	[tilespmem:$0x1B730] =	vst v63  }
.LBB2_38:
0x175: {  	s29 =	sshra.s32 s2, $0x2  }
0x176: {  	v3 =	vld [tilespmem:s29+$0x0];
	_ =	sdelay $0x4  }
0x177: {  	v3 =	vadd.s32 $0x14000, v3;
	_ =	sdelay $0x4  }
0x178: {  	[tilespmem:v3+s26+$0x0] =	vst.idx.add.f32.msk $0xffff, v1  }
0x179: {  	v3 =	vld [tilespmem:s29+$0x10];
	_ =	sdelay $0x4  }
0x17a: {  	v3 =	vadd.s32 $0x14000, v3;
	_ =	sdelay $0x4  }
0x17b: {  	[tilespmem:v3+s26+$0x0] =	vst.idx.add.f32.msk $0xffff, v1  }
0x17c: {  	v3 =	vld [tilespmem:s29+$0x20];
	_ =	sdelay $0x4  }
0x17d: {  	v3 =	vadd.s32 $0x14000, v3;
	_ =	sdelay $0x4  }
0x17e: {  	[tilespmem:v3+s26+$0x0] =	vst.idx.add.f32.msk $0xffff, v1  }
0x17f: {  	v3 =	vld [tilespmem:s29+$0x30];
	_ =	sdelay $0x4  }
0x180: {  	p0 =	sne.s32 s2, $0x4D00;
	v3 =	vadd.s32 $0x14000, v3  }
.Ltmp18:
0x181: {  	_ = 	snop;
	(pc) =	sbr.rel @p0 .LBB2_38-.Ltmp18, $2  }
0x182: {  	_ =	sdelay $0x2  }
0x183: {  	s2 =	sadd.s32 $0x100, s2;
	[tilespmem:v3+s26+$0x0] =	vst.idx.add.f32.msk $0xffff, v1  }
0x184: {  	v3 =	vld [tilespmem:$0x1380];
	_ =	sdelay $0x4  }
0x185: {  	v3 =	vnsel vm0, $0x0, v3  }
0x186: {  	v3 =	vadd.s32 $0x14000, v3;
	_ =	sdelay $0x4  }
0x187: {  	s2 =	simm.s32 $0x0;
	[tilespmem:v3+s26+$0x0] =	vst.idx.add.f32.msk $0xffff, v2  }
0x188: {  	[hbm4b:s21+s2] =	stream.linear.scatter [tilespmem:s30], [sflag:$0x3], $0x2800, $0x38;
	[tilespmem:$0x1B730] =	vst v63  }
0x189: {  	_ =	swait.ge [sflag:s28], $0x1388  }
0x18a: {  	[sflag:s28] =	ssyncset.done $0x0  }
0x18b: {  	[sflag:s28] =	ssyncadd.s32 $0xFFFFEC78  }
.LBB2_40:
0x18c: {  	s29 =	sshra.s32 s2, $0x2  }
0x18d: {  	v3 =	vld [tilespmem:s29+$0x1398];
	_ =	sdelay $0x4  }
0x18e: {  	v3 =	vadd.s32 $0x16800, v3;
	_ =	sdelay $0x4  }
0x18f: {  	[tilespmem:v3+s26+$0x0] =	vst.idx.add.f32.msk $0xffff, v1  }
0x190: {  	v3 =	vld [tilespmem:s29+$0x13A8];
	_ =	sdelay $0x4  }
0x191: {  	v3 =	vadd.s32 $0x16800, v3;
	_ =	sdelay $0x4  }
0x192: {  	[tilespmem:v3+s26+$0x0] =	vst.idx.add.f32.msk $0xffff, v1  }
0x193: {  	v3 =	vld [tilespmem:s29+$0x13B8];
	_ =	sdelay $0x4  }
0x194: {  	v3 =	vadd.s32 $0x16800, v3;
	_ =	sdelay $0x4  }
0x195: {  	[tilespmem:v3+s26+$0x0] =	vst.idx.add.f32.msk $0xffff, v1  }
0x196: {  	v3 =	vld [tilespmem:s29+$0x13C8];
	_ =	sdelay $0x4  }
0x197: {  	p0 =	sne.s32 s2, $0x4D00;
	v3 =	vadd.s32 $0x16800, v3  }
.Ltmp19:
0x198: {  	_ = 	snop;
	(pc) =	sbr.rel @p0 .LBB2_40-.Ltmp19, $2  }
0x199: {  	_ =	sdelay $0x2  }
0x19a: {  	s2 =	sadd.s32 $0x100, s2;
	[tilespmem:v3+s26+$0x0] =	vst.idx.add.f32.msk $0xffff, v1  }
0x19b: {  	v3 =	vld [tilespmem:$0x2718];
	_ =	sdelay $0x4  }
0x19c: {  	v3 =	vnsel vm0, $0x0, v3  }
0x19d: {  	v3 =	vadd.s32 $0x16800, v3;
	_ =	sdelay $0x4  }
0x19e: {  	s2 =	simm.s32 $0x0;
	[tilespmem:v3+s26+$0x0] =	vst.idx.add.f32.msk $0xffff, v2  }
0x19f: {  	[hbm4b:s22+s2] =	stream.linear.scatter [tilespmem:s31], [sflag:$0x3], $0x2800, $0x38;
	[tilespmem:$0x1B730] =	vst v63  }
0x1a0: {  	_ =	swait.ge [sflag:s0], $0x2800  }
0x1a1: {  	[sflag:s0] =	ssyncset.done $0x0  }
0x1a2: {  	[sflag:s0] =	ssyncadd.s32 $0xFFFFD800  }
0x1a3: {  	_ =	swait.ge [sflag:s0], $0x2800  }
0x1a4: {  	[sflag:s0] =	ssyncset.done $0x0  }
0x1a5: {  	[sflag:s0] =	ssyncadd.s32 $0xFFFFD800  }
0x1a6: {  	_ =	swait.ge [sflag:s0], $0x2800  }
0x1a7: {  	[sflag:s0] =	ssyncset.done $0x0  }
0x1a8: {  	[sflag:s0] =	ssyncadd.s32 $0xFFFFD800  }
0x1a9: {  	_ =	swait.ge [sflag:s0], $0x2800  }
0x1aa: {  	[sflag:s0] =	ssyncset.done $0x0  }
0x1ab: {  	[sflag:s0] =	ssyncadd.s32 $0xFFFFD800  }
0x1ac: {  	_ =	swait.ge [sflag:s0], $0x2800  }
0x1ad: {  	[sflag:s0] =	ssyncset.done $0x0  }
0x1ae: {  	[sflag:s0] =	ssyncadd.s32 $0xFFFFD800  }
0x1af: {  	_ =	swait.ge [sflag:s0], $0x2800  }
0x1b0: {  	[sflag:s0] =	ssyncset.done $0x0  }
0x1b1: {  	[sflag:s0] =	ssyncadd.s32 $0xFFFFD800  }
0x1b2: {  	_ =	swait.ge [sflag:s0], $0x2800  }
0x1b3: {  	[sflag:s0] =	ssyncset.done $0x0  }
0x1b4: {  	[sflag:s0] =	ssyncadd.s32 $0xFFFFD800  }
0x1b5: {  	_ =	swait.ge [sflag:s0], $0x2800  }
0x1b6: {  	[sflag:s0] =	ssyncset.done $0x0  }
0x1b7: {  	s1 =	sadd.s32 $0x1, s1;
	[sflag:s0] =	ssyncadd.s32 $0xFFFFD800  }
0x1b8: {  	p0 =	sne.s32 s1, s23;
	_ =	swait.ge [sflag:s0], $0x2800  }
.Ltmp20:
0x1b9: {  	[sflag:s0] =	ssyncset.done $0x0;
	(pc) =	sbr.rel @p0 .LBB2_1-.Ltmp20, $4  }
0x1ba: {  	[sflag:s0] =	ssyncadd.s32 $0xFFFFD800  }
0x1bb: {  	_ =	swait.ge [sflag:s0], $0x2800  }
0x1bc: {  	[sflag:s0] =	ssyncset.done $0x0  }
0x1bd: {  	[sflag:s0] =	ssyncadd.s32 $0xFFFFD800  }
0x1be: {  	_ =	sfence.sel $0x180000  }
0x1bf: {  	[bflag:$0x0] =	sbarrier.arrive $0xFFFF  }
0x1c0: {  	_ =	strace $0x90000047  }
0x1c1: {  	s0 =	stileid.u32;
	[bflag:$0x2] =	sbarrier.arrive $0xFFFF  }
0x1c2: {  	p0 =	sne.s32 s0, $0x0;
	s0 =	rddreg [dreg:$0x1]  }
0x1c3: {  	s0 =	sadd.s32 @!p0 $0x100000, s0  }
0x1c4: {  	[sflag:s0] =	ssyncadd.tile.s32 @!p0 $0x1;
	_ =	shalt  }
.Lfunc_end2:
_tile_overlayer_lowered:
.L_overlay_start_2:
0x1c5: {  	(tag) =	ssettag $0x2  }
0x1c6: {  	s0 =	rddreg [dreg:$0x0];
	s2 =	stileid.u32  }
0x1c7: {  	s1 =	rddreg [dreg:$0x1];
	p0 =	sne.s32 s2, $0x0  }
0x1c8: {  	s3 =	rddreg [dreg:$0x2];
	[bflag:$0x3] =	sbarrier.arrive $0xFFFF;
	s2 =	simm.s32 @!p0 $0x1C04  }
0x1c9: {  	[timem:s3], [sflag:s2] =	dma.local @!p0 [hbm:s0], s1  }
0x1ca: {  	s0 =	simm.s32 @!p0 $0x4  }
0x1cb: {  	_ =	swait.ge @!p0 [sflag:s0], s1  }
0x1cc: {  	s1 =	ssub.s32 @!p0 $0x0, s1;
	[sflag:s0] =	ssyncset.done @!p0 $0x0  }
0x1cd: {  	[sflag:s0] =	ssyncadd.s32 @!p0 s1  }
0x1ce: {  	[bflag:$0x3] =	sbarrier.arrive $0xFFFF  }
0x1cf: {  	_ =	shalt  }

</sc_bundles>
